<compile_context>
chip_gen: v7x
topology: tpu7x:2x2x1
jax: 0.10.2.dev20260603
libtpu: 0.0.44.dev20260713+nightly
codegen_flags: <defaults>
</compile_context>

<pallas_src>
import jax
import jax.numpy as jnp
from jax import lax
from jax.experimental import pallas as pl
from jax.experimental.pallas import tpu as pltpu
from jax.experimental.pallas import tpu_sc as plsc

N_NODES = 10000
N_EDGES = 320000
D_IN = 128
D_HID = 256
D_OUT = 12
N_GRAPHS = 64

NC = 2
NS = 16
LANES = 16

EROWS = 5120
E_PAD = EROWS * 64
RPT = EROWS // NS
NACC = 10112
ZROWS = NACC // NS


IBC = 10
HRPT = EROWS // (NC * NS)


def _edge_loop(gfire, gwait, nrow, idx2, idx_base, acc, accc_ones,
               ibufs, rbs, gsem, isem, ssems):
    npair = nrow // (2 * IBC)

    pltpu.sync_copy(idx2.at[pl.ds(idx_base, IBC)], ibufs[0])
    gfire(ibufs[0].at[0, 0], rbs[0], gsem)
    gfire(ibufs[0].at[1, 0], rbs[1], gsem)

    def pair(p, _):
        for half in range(2):
            c = 2 * p + half
            nxt = 1 - half
            for i in range(IBC):
                b = i % 5
                nb = (i + 2) % 5
                oh = half if i > 2 else 1 - half
                oi = (i - 3) % IBC

                gwait(rbs[b], gsem)

                def wait_prev():
                    pltpu.make_async_copy(
                        rbs[nb], acc.at[ibufs[oh].at[oi, 1]],
                        ssems[nb]).wait()
                    if accc_ones is not None:
                        accc, onesv = accc_ones
                        pltpu.make_async_copy(
                            onesv, accc.at[ibufs[oh].at[oi, 1]],
                            ssems[nb]).wait()

                if half == 0 and i < 3:
                    @pl.when(p > 0)
                    def _():
                        wait_prev()
                else:
                    wait_prev()

                if i == 2:
                    def prefetch():
                        base = idx_base + (c + 1) * IBC
                        pltpu.async_copy(idx2.at[pl.ds(base, IBC)],
                                         ibufs[nxt], isem)
                    if half == 0:
                        prefetch()
                    else:
                        @pl.when(p < npair - 1)
                        def _():
                            prefetch()

                if i < IBC - 2:
                    gfire(ibufs[half].at[i + 2, 0], rbs[nb], gsem)
                else:
                    def next_fire():
                        if i == IBC - 2:
                            base = idx_base + (c + 1) * IBC
                            pltpu.make_async_copy(
                                idx2.at[pl.ds(base, IBC)], ibufs[nxt],
                                isem).wait()
                        gfire(ibufs[nxt].at[i - (IBC - 2), 0], rbs[nb], gsem)
                    if half == 0:
                        next_fire()
                    else:
                        @pl.when(p < npair - 1)
                        def _():
                            next_fire()

                pltpu.async_copy(rbs[b], acc.at[ibufs[half].at[i, 1]],
                                 ssems[b], add=True)
                if accc_ones is not None:
                    accc, onesv = accc_ones
                    pltpu.async_copy(onesv, accc.at[ibufs[half].at[i, 1]],
                                     ssems[b], add=True)
        return 0

    lax.fori_loop(0, npair, pair, 0)
    for i in (IBC - 3, IBC - 2, IBC - 1):
        lb = i % 5
        pltpu.make_async_copy(rbs[lb], acc.at[ibufs[1].at[i, 1]],
                              ssems[lb]).wait()
        if accc_ones is not None:
            accc, onesv = accc_ones
            pltpu.make_async_copy(onesv, accc.at[ibufs[1].at[i, 1]],
                                  ssems[lb]).wait()


def _agg_body(t0, t1, idx2, z2, sums_out,
              ibufA, ibufB, rb0, rb1, rb2, rb3, rb4,
              acc, gsem, isem, ssem0, ssem1, ssem2, ssem3, ssem4):
    cid = lax.axis_index("c")
    sid = lax.axis_index("s")

    pltpu.sync_copy(z2.at[pl.ds(sid * ZROWS, ZROWS)],
                    acc.at[pl.ds(sid * ZROWS, ZROWS)])
    plsc.subcore_barrier()

    def gfire(idx_row, rb, sem):
        @pl.when(cid == 0)
        def _():
            pltpu.async_copy(t0.at[idx_row], rb, sem)

        @pl.when(cid == 1)
        def _():
            pltpu.async_copy(t1.at[idx_row], rb, sem)

    def gwait(rb, sem):
        pltpu.make_async_copy(t0.at[ibufA.at[0, 0]], rb, sem).wait()

    _edge_loop(gfire, gwait, RPT, idx2, sid * RPT, acc, None,
               (ibufA, ibufB), (rb0, rb1, rb2, rb3, rb4),
               gsem, isem, (ssem0, ssem1, ssem2, ssem3, ssem4))
    plsc.subcore_barrier()

    pltpu.sync_copy(acc.at[pl.ds(sid * ZROWS, ZROWS)],
                    sums_out.at[cid, pl.ds(sid * ZROWS, ZROWS)])


def _agg_counts_body(t, idx2, z2, z1, sums_out, cnt_out,
                     ibufA, ibufB, rb0, rb1, rb2, rb3, rb4, onesv,
                     acc, accc, gsem, isem, ssem0, ssem1, ssem2, ssem3, ssem4):
    cid = lax.axis_index("c")
    sid = lax.axis_index("s")

    pltpu.sync_copy(z2.at[pl.ds(sid * ZROWS, ZROWS)],
                    acc.at[pl.ds(sid * ZROWS, ZROWS)])

    @pl.when(sid == 0)
    def _():
        pltpu.sync_copy(z1, accc)

    for i in range(64 // LANES):
        onesv[pl.ds(i * LANES, LANES)] = jnp.ones((LANES,), jnp.float32)

    plsc.subcore_barrier()

    def gfire(idx_row, rb, sem):
        pltpu.async_copy(t.at[idx_row], rb, sem)

    def gwait(rb, sem):
        pltpu.make_async_copy(t.at[ibufA.at[0, 0]], rb, sem).wait()

    _edge_loop(gfire, gwait, HRPT, idx2, (cid * NS + sid) * HRPT,
               acc, (accc, onesv),
               (ibufA, ibufB), (rb0, rb1, rb2, rb3, rb4),
               gsem, isem, (ssem0, ssem1, ssem2, ssem3, ssem4))
    plsc.subcore_barrier()

    pltpu.sync_copy(acc.at[pl.ds(sid * ZROWS, ZROWS)],
                    sums_out.at[cid, pl.ds(sid * ZROWS, ZROWS)])

    @pl.when(sid == 0)
    def _():
        pltpu.sync_copy(accc, cnt_out.at[pl.ds(cid * NACC, NACC)])


def _make_agg(C, with_counts):
    mesh = plsc.VectorSubcoreMesh(core_axis_name="c", subcore_axis_name="s")
    idx = [pltpu.VMEM((IBC, 2, 64), jnp.int32)] * 2
    rbs = [pltpu.VMEM((64, C), jnp.float32)] * 5
    sems = [pltpu.SemaphoreType.DMA] * 7
    if with_counts:
        out_type = (jax.ShapeDtypeStruct((NC, NACC, C), jnp.float32),
                    jax.ShapeDtypeStruct((NC * NACC,), jnp.float32))
        scratch = idx + rbs + [
            pltpu.VMEM((64,), jnp.float32),
            pltpu.VMEM_SHARED((NACC, C), jnp.float32),
            pltpu.VMEM_SHARED((NACC,), jnp.float32),
        ] + sems
        return pl.kernel(_agg_counts_body, out_type=out_type, mesh=mesh,
                         scratch_types=scratch)
    out_type = jax.ShapeDtypeStruct((NC, NACC, C), jnp.float32)
    scratch = idx + rbs + [
        pltpu.VMEM_SHARED((NACC, C), jnp.float32),
    ] + sems
    return pl.kernel(_agg_body, out_type=out_type, mesh=mesh,
                     scratch_types=scratch)


ROWS_TC = 1000
GRID_TC = N_NODES // ROWS_TC


def _dense1_body(ss, cc, x, wl, wr, b, oa, ob):
    inv = 1.0 / jnp.maximum(cc[0] + cc[1], 1.0)
    mean = (ss[0] + ss[1]) * inv
    h = jnp.dot(mean, wl[...], preferred_element_type=jnp.float32)
    h += jnp.dot(x[...], wr[...], preferred_element_type=jnp.float32)
    h = jnp.maximum(h + b[...], 0.0)
    oa[...] = h[:, :D_IN]
    ob[...] = h[:, D_IN:]


def _dense2_body(ss, cc, h1a, h1b, bat, wl, wr, b, wlin, blin,
                 out, pooled):
    i = pl.program_id(0)

    @pl.when(i == 0)
    def _():
        pooled[...] = jnp.zeros_like(pooled)

    inv = 1.0 / jnp.maximum(cc[0] + cc[1], 1.0)
    mean = jnp.concatenate([ss[0], ss[1]], axis=1) * inv
    h1 = jnp.concatenate([h1a[...], h1b[...]], axis=1)
    h = jnp.dot(mean, wl[...], preferred_element_type=jnp.float32)
    h += jnp.dot(h1, wr[...], preferred_element_type=jnp.float32)
    h = jnp.maximum(h + b[...], 0.0)
    oh = jnp.equal(
        bat[...],
        lax.broadcasted_iota(jnp.int32, (ROWS_TC, N_GRAPHS), 1),
    ).astype(jnp.float32)
    pooled[...] += lax.dot_general(oh, h, (((0,), (0,)), ((), ())),
                                   preferred_element_type=jnp.float32)

    @pl.when(i == GRID_TC - 1)
    def _():
        out[...] = (jnp.dot(pooled[...], wlin[...],
                            preferred_element_type=jnp.float32) + blin[...])


def _row_spec(cols):
    return pl.BlockSpec((ROWS_TC, cols), lambda i: (i, 0))


def _pair_spec(cols):
    return pl.BlockSpec((NC, ROWS_TC, cols), lambda i: (0, i, 0))


def _full_spec(r, c):
    return pl.BlockSpec((r, c), lambda i: (0, 0))


_dense1 = pl.pallas_call(
    _dense1_body,
    grid=(GRID_TC,),
    in_specs=[
        _pair_spec(D_IN), _pair_spec(1), _row_spec(D_IN),
        _full_spec(D_IN, D_HID), _full_spec(D_IN, D_HID), _full_spec(1, D_HID),
    ],
    out_specs=[_row_spec(D_IN), _row_spec(D_IN)],
    out_shape=[jax.ShapeDtypeStruct((N_NODES, D_IN), jnp.float32),
               jax.ShapeDtypeStruct((N_NODES, D_IN), jnp.float32)],
)

_dense2 = pl.pallas_call(
    _dense2_body,
    grid=(GRID_TC,),
    in_specs=[
        _pair_spec(D_IN), _pair_spec(1),
        _row_spec(D_IN), _row_spec(D_IN), _row_spec(1),
        _full_spec(D_HID, D_HID), _full_spec(D_HID, D_HID),
        _full_spec(1, D_HID), _full_spec(D_HID, 128), _full_spec(1, 128),
    ],
    out_specs=_full_spec(N_GRAPHS, 128),
    out_shape=jax.ShapeDtypeStruct((N_GRAPHS, 128), jnp.float32),
    scratch_shapes=[pltpu.VMEM((N_GRAPHS, D_HID), jnp.float32)],
)

_agg1 = _make_agg(128, with_counts=True)
_agg128 = _make_agg(128, with_counts=False)


@jax.jit
def kernel(x, edge_index, batch, W1l, b1, W1r, W2l, b2, W2r, Wlin, blin):
    src = edge_index[0]
    dst = edge_index[1]
    pad = E_PAD - N_EDGES
    pad_src = jnp.arange(pad, dtype=jnp.int32) % N_NODES
    src2 = jnp.concatenate([src, pad_src]).reshape(EROWS, 64)
    pad_dst = N_NODES + (jnp.arange(pad, dtype=jnp.int32) % (NACC - N_NODES))
    dst2 = jnp.concatenate([dst, pad_dst]).reshape(EROWS, 64)
    idx2 = jnp.stack([src2, dst2], axis=1)

    z128 = jnp.zeros((NACC, 128), jnp.float32)
    z1 = jnp.zeros((NACC,), jnp.float32)

    sums1, cnt = _agg1(x, idx2, z128, z1)
    cnt3 = cnt.reshape(NC, NACC, 1)

    h1a, h1b = _dense1(sums1, cnt3, x, W1l, W1r, b1.reshape(1, D_HID))

    sums2 = _agg128(h1a, h1b, idx2, z128)

    outp = _dense2(sums2, cnt3, h1a, h1b,
                   batch.reshape(N_NODES, 1).astype(jnp.int32),
                   W2l, W2r, b2.reshape(1, D_HID),
                   jnp.pad(Wlin, ((0, 0), (0, 128 - D_OUT))),
                   jnp.pad(blin, (0, 128 - D_OUT)).reshape(1, 128))
    return outp[:, :D_OUT]

# --- scband reference (transcript-rebuilt; emitter-appended) ---
"""Pipeline reference for scband-net-37598143709627 (READ-ONLY COPY).

The authoritative reference and input builder live on the scoring server;
editing this copy changes nothing except your own understanding.
"""

import jax, jax.numpy as jnp
import numpy as np

N = 10000
E = 320000
D = 128
H = 256
O = 12
G = 64


def setup_inputs(seed: int = 0) -> dict:
    key = jax.random.key(seed)
    ks = jax.random.split(key, 12)
    x = jax.random.normal(ks[0], (N, D), dtype=jnp.float32)
    edge_index = jax.random.randint(ks[1], (2, E), 0, N, dtype=jnp.int32)
    batch = jnp.sort(jax.random.randint(ks[2], (N,), 0, G, dtype=jnp.int32))
    # SAGEConv params: lin_l (neighbors, with bias) and lin_r (root, no bias)
    W1l = jax.random.normal(ks[3], (D, H), dtype=jnp.float32) * (1.0 / np.sqrt(D))
    b1 = jnp.zeros((H,), dtype=jnp.float32)
    W1r = jax.random.normal(ks[4], (D, H), dtype=jnp.float32) * (1.0 / np.sqrt(D))
    W2l = jax.random.normal(ks[5], (H, H), dtype=jnp.float32) * (1.0 / np.sqrt(H))
    b2 = jnp.zeros((H,), dtype=jnp.float32)
    W2r = jax.random.normal(ks[6], (H, H), dtype=jnp.float32) * (1.0 / np.sqrt(H))
    Wlin = jax.random.normal(ks[7], (H, O), dtype=jnp.float32) * (1.0 / np.sqrt(H))
    blin = jnp.zeros((O,), dtype=jnp.float32)
    return {"x": x, "edge_index": edge_index, "batch": batch,
            "W1l": W1l, "b1": b1, "W1r": W1r,
            "W2l": W2l, "b2": b2, "W2r": W2r,
            "Wlin": Wlin, "blin": blin}


def _sage_conv(x, edge_index, Wl, bl, Wr):
    # SAGEConv with mean aggregation: out = mean_{j in N(i)} x_j @ Wl + b + x_i @ Wr
    src = edge_index[0]
    dst = edge_index[1]
    n = x.shape[0]
    msg = jnp.take(x, src, axis=0)                      # gather
    sums = jax.ops.segment_sum(msg, dst, num_segments=n)  # scatter-add
    cnt = jax.ops.segment_sum(jnp.ones((src.shape[0],), x.dtype), dst, num_segments=n)
    mean = sums / jnp.clip(cnt, 1.0)[:, None]
    return mean @ Wl + bl + x @ Wr


def reference(x, edge_index, batch, W1l, b1, W1r, W2l, b2, W2r, Wlin, blin):
    h = jax.nn.relu(_sage_conv(x, edge_index, W1l, b1, W1r))
    h = jax.nn.relu(_sage_conv(h, edge_index, W2l, b2, W2r))
    pooled = jax.ops.segment_sum(h, batch, num_segments=G)  # global_add_pool
    return pooled @ Wlin + blin

if __name__ == "__main__":
    import jax
    _d = setup_inputs()
    print(jax.jit(kernel)(*tuple(_d.values())))

</pallas_src>

<mosaic_0001>
#map = affine_map<(d0, d1) -> (0, 0)>
#map1 = affine_map<(d0, d1) -> (0, 0, 0)>
module attributes {stable_mosaic.version = 14 : i64} {
  func.func @_agg_body(%arg0: i32, %arg1: i32, %arg2: memref<10000x128xf32, #tpu.memory_space<hbm>>, %arg3: memref<10000x128xf32, #tpu.memory_space<hbm>>, %arg4: memref<5120x2x64xi32, #tpu.memory_space<hbm>>, %arg5: memref<10112x128xf32, #tpu.memory_space<hbm>>, %arg6: memref<2x10112x128xf32, #tpu.memory_space<hbm>>, %arg7: memref<10x2x64xi32, #tpu.memory_space<vmem>>, %arg8: memref<10x2x64xi32, #tpu.memory_space<vmem>>, %arg9: memref<64x128xf32, #tpu.memory_space<vmem>>, %arg10: memref<64x128xf32, #tpu.memory_space<vmem>>, %arg11: memref<64x128xf32, #tpu.memory_space<vmem>>, %arg12: memref<64x128xf32, #tpu.memory_space<vmem>>, %arg13: memref<64x128xf32, #tpu.memory_space<vmem>>, %arg14: memref<10112x128xf32, #tpu.memory_space<vmem_shared>>, %arg15: memref<!tpu.dma_semaphore, #tpu.memory_space<semaphore_mem>>, %arg16: memref<!tpu.dma_semaphore, #tpu.memory_space<semaphore_mem>>, %arg17: memref<!tpu.dma_semaphore, #tpu.memory_space<semaphore_mem>>, %arg18: memref<!tpu.dma_semaphore, #tpu.memory_space<semaphore_mem>>, %arg19: memref<!tpu.dma_semaphore, #tpu.memory_space<semaphore_mem>>, %arg20: memref<!tpu.dma_semaphore, #tpu.memory_space<semaphore_mem>>, %arg21: memref<!tpu.dma_semaphore, #tpu.memory_space<semaphore_mem>>) attributes {dimension_semantics = [#tpu.dimension_semantics<core_parallel>, #tpu.dimension_semantics<subcore_parallel>], iteration_bounds = array<i64: 2, 16>, scalar_prefetch = 0 : i64, scratch_operands = 15 : i64, tpu.core_type = #tpu.core_type<sc_vector_subcore>, window_params = [{transform_indices = #map}, {transform_indices = #map}, {transform_indices = #map1}, {transform_indices = #map}, {transform_indices = #map1}]} {
    %mul3A = arith.constant 632 : i32
    %mul3A_0 = arith.muli %arg1, %mul3A : i32
    %mul3A_1 = arith.constant 632 : i32
    %mul3A_2 = arith.muli %arg1, %mul3A_1 : i32
    "tpu.region"() ({
      %run_scoped3A = tpu.sem_alloc : memref<!tpu.dma_semaphore, #tpu.memory_space<semaphore_mem>>
      %dma_start3A = arith.constant 0 : i32
      %dma_start3A_64 = tpu.memref_slice %arg14[%mul3A_2, %dma_start3A] : memref<10112x128xf32, #tpu.memory_space<vmem_shared>> -> memref<632x128xf32, #tpu.memory_space<vmem_shared>>
      %dma_start3A_65 = arith.constant 0 : i32
      %dma_start3A_66 = tpu.memref_slice %arg5[%mul3A_0, %dma_start3A_65] : memref<10112x128xf32, #tpu.memory_space<hbm>> -> memref<632x128xf32, #tpu.memory_space<hbm>>
      tpu.enqueue_dma source(%dma_start3A_66 : memref<632x128xf32, #tpu.memory_space<hbm>>) target(%dma_start3A_64 : memref<632x128xf32, #tpu.memory_space<vmem_shared>>) target_semaphore(%run_scoped3A : memref<!tpu.dma_semaphore, #tpu.memory_space<semaphore_mem>>)
      %dma_wait3A_67 = arith.constant 0 : i32
      %dma_wait3A_68 = tpu.memref_slice %arg14[%mul3A_2, %dma_wait3A_67] : memref<10112x128xf32, #tpu.memory_space<vmem_shared>> -> memref<632x128xf32, #tpu.memory_space<vmem_shared>>
      %dma_wait3A_69 = arith.constant 0 : i32
      %dma_wait3A_70 = tpu.memref_slice %arg5[%mul3A_0, %dma_wait3A_69] : memref<10112x128xf32, #tpu.memory_space<hbm>> -> memref<632x128xf32, #tpu.memory_space<hbm>>
      tpu.wait_dma2 semaphore(%run_scoped3A : memref<!tpu.dma_semaphore, #tpu.memory_space<semaphore_mem>>) src(%dma_wait3A_70 : memref<632x128xf32, #tpu.memory_space<hbm>>) dst(%dma_wait3A_68 : memref<632x128xf32, #tpu.memory_space<vmem_shared>>)
      tpu.yield
    }) : () -> ()
    %barrier3A = arith.constant 0 : index
    tpu.barrier barrier_id(%barrier3A)
    %mul3A_3 = arith.constant 320 : i32
    %mul3A_4 = arith.muli %arg1, %mul3A_3 : i32
    "tpu.region"() ({
      %run_scoped3A = tpu.sem_alloc : memref<!tpu.dma_semaphore, #tpu.memory_space<semaphore_mem>>
      %dma_start3A = arith.constant 0 : i32
      %dma_start3A_64 = arith.constant 0 : i32
      %dma_start3A_65 = tpu.memref_slice %arg4[%mul3A_4, %dma_start3A, %dma_start3A_64] : memref<5120x2x64xi32, #tpu.memory_space<hbm>> -> memref<10x2x64xi32, #tpu.memory_space<hbm>>
      %dma_start3A_66 = arith.constant 0 : i32
      %dma_start3A_67 = arith.constant 0 : i32
      %dma_start3A_68 = tpu.memref_slice %arg4[%mul3A_4, %dma_start3A_66, %dma_start3A_67] : memref<5120x2x64xi32, #tpu.memory_space<hbm>> -> memref<10x2x64xi32, #tpu.memory_space<hbm>>
      tpu.enqueue_dma source(%dma_start3A_68 : memref<10x2x64xi32, #tpu.memory_space<hbm>>) target(%arg7 : memref<10x2x64xi32, #tpu.memory_space<vmem>>) target_semaphore(%run_scoped3A : memref<!tpu.dma_semaphore, #tpu.memory_space<semaphore_mem>>)
      %dma_wait3A_69 = arith.constant 0 : i32
      %dma_wait3A_70 = arith.constant 0 : i32
      %dma_wait3A_71 = tpu.memref_slice %arg4[%mul3A_4, %dma_wait3A_69, %dma_wait3A_70] : memref<5120x2x64xi32, #tpu.memory_space<hbm>> -> memref<10x2x64xi32, #tpu.memory_space<hbm>>
      %dma_wait3A_72 = arith.constant 0 : i32
      %dma_wait3A_73 = arith.constant 0 : i32
      %dma_wait3A_74 = tpu.memref_slice %arg4[%mul3A_4, %dma_wait3A_72, %dma_wait3A_73] : memref<5120x2x64xi32, #tpu.memory_space<hbm>> -> memref<10x2x64xi32, #tpu.memory_space<hbm>>
      tpu.wait_dma2 semaphore(%run_scoped3A : memref<!tpu.dma_semaphore, #tpu.memory_space<semaphore_mem>>) src(%dma_wait3A_74 : memref<10x2x64xi32, #tpu.memory_space<hbm>>) dst(%arg7 : memref<10x2x64xi32, #tpu.memory_space<vmem>>)
      tpu.yield
    }) : () -> ()
    %eq3A = arith.constant 0 : i32
    %eq3A_5 = arith.cmpi eq, %arg0, %eq3A : i32
    %convert_element_type3A = arith.extui %eq3A_5 : i1 to i32
    %cond3A = arith.constant 0 : i32
    %cond3A_6 = arith.constant 0 : i32
    %cond3A_7 = arith.constant 0 : i32
    %cond3A_8 = arith.cmpi ne, %convert_element_type3A, %cond3A_7 : i32
    scf.if %cond3A_8 {
      %dma_start3A = arith.constant 0 : i32
      %dma_start3A_64 = tpu.memref_slice %arg7[%cond3A, %cond3A_6, %dma_start3A] : memref<10x2x64xi32, #tpu.memory_space<vmem>> -> memref<1x1x64xi32, #tpu.memory_space<vmem>>
      %dma_start3A_65 = tpu.memref_squeeze %dma_start3A_64 : memref<1x1x64xi32, #tpu.memory_space<vmem>> -> memref<64xi32, #tpu.memory_space<vmem>>
      %dma_start3A_66 = arith.constant 0 : i32
      %dma_start3A_67 = arith.constant 0 : i32
      %dma_start3A_68 = tpu.memref_slice %arg2[%dma_start3A_66, %dma_start3A_67] : memref<10000x128xf32, #tpu.memory_space<hbm>> -> memref<10000x128xf32, #tpu.memory_space<hbm>>
      tpu.enqueue_indirect_dma source(%dma_start3A_68 : memref<10000x128xf32, #tpu.memory_space<hbm>>) target(%arg9 : memref<64x128xf32, #tpu.memory_space<vmem>>) offsets(%dma_start3A_65 : memref<64xi32, #tpu.memory_space<vmem>>) semaphore(%arg15 : memref<!tpu.dma_semaphore, #tpu.memory_space<semaphore_mem>>)
    } else {
    }
    %eq3A_9 = arith.constant 1 : i32
    %eq3A_10 = arith.cmpi eq, %arg0, %eq3A_9 : i32
    %convert_element_type3A_11 = arith.extui %eq3A_10 : i1 to i32
    %cond3A_12 = arith.constant 0 : i32
    %cond3A_13 = arith.constant 0 : i32
    %cond3A_14 = arith.constant 0 : i32
    %cond3A_15 = arith.cmpi ne, %convert_element_type3A_11, %cond3A_14 : i32
    scf.if %cond3A_15 {
      %dma_start3A = arith.constant 0 : i32
      %dma_start3A_64 = tpu.memref_slice %arg7[%cond3A_12, %cond3A_13, %dma_start3A] : memref<10x2x64xi32, #tpu.memory_space<vmem>> -> memref<1x1x64xi32, #tpu.memory_space<vmem>>
      %dma_start3A_65 = tpu.memref_squeeze %dma_start3A_64 : memref<1x1x64xi32, #tpu.memory_space<vmem>> -> memref<64xi32, #tpu.memory_space<vmem>>
      %dma_start3A_66 = arith.constant 0 : i32
      %dma_start3A_67 = arith.constant 0 : i32
      %dma_start3A_68 = tpu.memref_slice %arg3[%dma_start3A_66, %dma_start3A_67] : memref<10000x128xf32, #tpu.memory_space<hbm>> -> memref<10000x128xf32, #tpu.memory_space<hbm>>
      tpu.enqueue_indirect_dma source(%dma_start3A_68 : memref<10000x128xf32, #tpu.memory_space<hbm>>) target(%arg9 : memref<64x128xf32, #tpu.memory_space<vmem>>) offsets(%dma_start3A_65 : memref<64xi32, #tpu.memory_space<vmem>>) semaphore(%arg15 : memref<!tpu.dma_semaphore, #tpu.memory_space<semaphore_mem>>)
    } else {
    }
    %eq3A_16 = arith.constant 0 : i32
    %eq3A_17 = arith.cmpi eq, %arg0, %eq3A_16 : i32
    %convert_element_type3A_18 = arith.extui %eq3A_17 : i1 to i32
    %cond3A_19 = arith.constant 1 : i32
    %cond3A_20 = arith.constant 0 : i32
    %cond3A_21 = arith.constant 0 : i32
    %cond3A_22 = arith.cmpi ne, %convert_element_type3A_18, %cond3A_21 : i32
    scf.if %cond3A_22 {
      %dma_start3A = arith.constant 0 : i32
      %dma_start3A_64 = tpu.memref_slice %arg7[%cond3A_19, %cond3A_20, %dma_start3A] : memref<10x2x64xi32, #tpu.memory_space<vmem>> -> memref<1x1x64xi32, #tpu.memory_space<vmem>>
      %dma_start3A_65 = tpu.memref_squeeze %dma_start3A_64 : memref<1x1x64xi32, #tpu.memory_space<vmem>> -> memref<64xi32, #tpu.memory_space<vmem>>
      %dma_start3A_66 = arith.constant 0 : i32
      %dma_start3A_67 = arith.constant 0 : i32
      %dma_start3A_68 = tpu.memref_slice %arg2[%dma_start3A_66, %dma_start3A_67] : memref<10000x128xf32, #tpu.memory_space<hbm>> -> memref<10000x128xf32, #tpu.memory_space<hbm>>
      tpu.enqueue_indirect_dma source(%dma_start3A_68 : memref<10000x128xf32, #tpu.memory_space<hbm>>) target(%arg10 : memref<64x128xf32, #tpu.memory_space<vmem>>) offsets(%dma_start3A_65 : memref<64xi32, #tpu.memory_space<vmem>>) semaphore(%arg15 : memref<!tpu.dma_semaphore, #tpu.memory_space<semaphore_mem>>)
    } else {
    }
    %eq3A_23 = arith.constant 1 : i32
    %eq3A_24 = arith.cmpi eq, %arg0, %eq3A_23 : i32
    %convert_element_type3A_25 = arith.extui %eq3A_24 : i1 to i32
    %cond3A_26 = arith.constant 1 : i32
    %cond3A_27 = arith.constant 0 : i32
    %cond3A_28 = arith.constant 0 : i32
    %cond3A_29 = arith.cmpi ne, %convert_element_type3A_25, %cond3A_28 : i32
    scf.if %cond3A_29 {
      %dma_start3A = arith.constant 0 : i32
      %dma_start3A_64 = tpu.memref_slice %arg7[%cond3A_26, %cond3A_27, %dma_start3A] : memref<10x2x64xi32, #tpu.memory_space<vmem>> -> memref<1x1x64xi32, #tpu.memory_space<vmem>>
      %dma_start3A_65 = tpu.memref_squeeze %dma_start3A_64 : memref<1x1x64xi32, #tpu.memory_space<vmem>> -> memref<64xi32, #tpu.memory_space<vmem>>
      %dma_start3A_66 = arith.constant 0 : i32
      %dma_start3A_67 = arith.constant 0 : i32
      %dma_start3A_68 = tpu.memref_slice %arg3[%dma_start3A_66, %dma_start3A_67] : memref<10000x128xf32, #tpu.memory_space<hbm>> -> memref<10000x128xf32, #tpu.memory_space<hbm>>
      tpu.enqueue_indirect_dma source(%dma_start3A_68 : memref<10000x128xf32, #tpu.memory_space<hbm>>) target(%arg10 : memref<64x128xf32, #tpu.memory_space<vmem>>) offsets(%dma_start3A_65 : memref<64xi32, #tpu.memory_space<vmem>>) semaphore(%arg15 : memref<!tpu.dma_semaphore, #tpu.memory_space<semaphore_mem>>)
    } else {
    }
    %scan3A = arith.constant 0 : i32
    %scan3A_30 = arith.constant 0 : i32
    %scan3A_31 = arith.constant 16 : i32
    %scan3A_32 = arith.addi %scan3A_30, %scan3A_31 : i32
    %scan3A_33 = arith.constant 1 : i32
    %scan3A_34 = scf.for %scan3A_64 = %scan3A_30 to %scan3A_32 step %scan3A_33 iter_args(%scan3A_65 = %scan3A) -> (i32)  : i32 {
      %mul3A_66 = arith.constant 2 : i32
      %mul3A_67 = arith.muli %mul3A_66, %scan3A_64 : i32
      %add3A = arith.constant 0 : i32
      %add3A_68 = arith.addi %mul3A_67, %add3A : i32
      %dma_wait3A_69 = arith.constant 0 : i32
      %dma_wait3A_70 = arith.constant 0 : i32
      %dma_wait3A_71 = arith.constant 0 : i32
      %dma_wait3A_72 = tpu.memref_slice %arg7[%dma_wait3A_69, %dma_wait3A_70, %dma_wait3A_71] : memref<10x2x64xi32, #tpu.memory_space<vmem>> -> memref<1x1x64xi32, #tpu.memory_space<vmem>>
      %dma_wait3A_73 = tpu.memref_squeeze %dma_wait3A_72 : memref<1x1x64xi32, #tpu.memory_space<vmem>> -> memref<64xi32, #tpu.memory_space<vmem>>
      %dma_wait3A_74 = arith.constant 0 : i32
      %dma_wait3A_75 = arith.constant 0 : i32
      %dma_wait3A_76 = tpu.memref_slice %arg2[%dma_wait3A_74, %dma_wait3A_75] : memref<10000x128xf32, #tpu.memory_space<hbm>> -> memref<10000x128xf32, #tpu.memory_space<hbm>>
      tpu.wait_indirect_dma semaphore(%arg15 : memref<!tpu.dma_semaphore, #tpu.memory_space<semaphore_mem>>) src(%dma_wait3A_76 : memref<10000x128xf32, #tpu.memory_space<hbm>>) dst(%arg9 : memref<64x128xf32, #tpu.memory_space<vmem>>)
      %gt3A = arith.constant 0 : i32
      %gt3A_77 = arith.cmpi sgt, %scan3A_64, %gt3A : i32
      %convert_element_type3A_78 = arith.extui %gt3A_77 : i1 to i32
      %cond3A_79 = arith.constant 0 : i32
      %cond3A_80 = arith.cmpi ne, %convert_element_type3A_78, %cond3A_79 : i32
      scf.if %cond3A_80 {
        %dma_wait3A_831 = arith.constant 7 : i32
        %dma_wait3A_832 = arith.constant 1 : i32
        %dma_wait3A_833 = arith.constant 0 : i32
        %dma_wait3A_834 = tpu.memref_slice %arg8[%dma_wait3A_831, %dma_wait3A_832, %dma_wait3A_833] : memref<10x2x64xi32, #tpu.memory_space<vmem>> -> memref<1x1x64xi32, #tpu.memory_space<vmem>>
        %dma_wait3A_835 = tpu.memref_squeeze %dma_wait3A_834 : memref<1x1x64xi32, #tpu.memory_space<vmem>> -> memref<64xi32, #tpu.memory_space<vmem>>
        %dma_wait3A_836 = arith.constant 0 : i32
        %dma_wait3A_837 = arith.constant 0 : i32
        %dma_wait3A_838 = tpu.memref_slice %arg14[%dma_wait3A_836, %dma_wait3A_837] : memref<10112x128xf32, #tpu.memory_space<vmem_shared>> -> memref<10112x128xf32, #tpu.memory_space<vmem_shared>>
        tpu.wait_indirect_dma semaphore(%arg19 : memref<!tpu.dma_semaphore, #tpu.memory_space<semaphore_mem>>) src(%arg11 : memref<64x128xf32, #tpu.memory_space<vmem>>) dst(%dma_wait3A_838 : memref<10112x128xf32, #tpu.memory_space<vmem_shared>>)
      } else {
      }
      %eq3A_81 = arith.constant 0 : i32
      %eq3A_82 = arith.cmpi eq, %arg0, %eq3A_81 : i32
      %convert_element_type3A_83 = arith.extui %eq3A_82 : i1 to i32
      %cond3A_84 = arith.constant 2 : i32
      %cond3A_85 = arith.constant 0 : i32
      %cond3A_86 = arith.constant 0 : i32
      %cond3A_87 = arith.cmpi ne, %convert_element_type3A_83, %cond3A_86 : i32
      scf.if %cond3A_87 {
        %dma_start3A_831 = arith.constant 0 : i32
        %dma_start3A_832 = tpu.memref_slice %arg7[%cond3A_84, %cond3A_85, %dma_start3A_831] : memref<10x2x64xi32, #tpu.memory_space<vmem>> -> memref<1x1x64xi32, #tpu.memory_space<vmem>>
        %dma_start3A_833 = tpu.memref_squeeze %dma_start3A_832 : memref<1x1x64xi32, #tpu.memory_space<vmem>> -> memref<64xi32, #tpu.memory_space<vmem>>
        %dma_start3A_834 = arith.constant 0 : i32
        %dma_start3A_835 = arith.constant 0 : i32
        %dma_start3A_836 = tpu.memref_slice %arg2[%dma_start3A_834, %dma_start3A_835] : memref<10000x128xf32, #tpu.memory_space<hbm>> -> memref<10000x128xf32, #tpu.memory_space<hbm>>
        tpu.enqueue_indirect_dma source(%dma_start3A_836 : memref<10000x128xf32, #tpu.memory_space<hbm>>) target(%arg11 : memref<64x128xf32, #tpu.memory_space<vmem>>) offsets(%dma_start3A_833 : memref<64xi32, #tpu.memory_space<vmem>>) semaphore(%arg15 : memref<!tpu.dma_semaphore, #tpu.memory_space<semaphore_mem>>)
      } else {
      }
      %eq3A_88 = arith.constant 1 : i32
      %eq3A_89 = arith.cmpi eq, %arg0, %eq3A_88 : i32
      %convert_element_type3A_90 = arith.extui %eq3A_89 : i1 to i32
      %cond3A_91 = arith.constant 2 : i32
      %cond3A_92 = arith.constant 0 : i32
      %cond3A_93 = arith.constant 0 : i32
      %cond3A_94 = arith.cmpi ne, %convert_element_type3A_90, %cond3A_93 : i32
      scf.if %cond3A_94 {
        %dma_start3A_831 = arith.constant 0 : i32
        %dma_start3A_832 = tpu.memref_slice %arg7[%cond3A_91, %cond3A_92, %dma_start3A_831] : memref<10x2x64xi32, #tpu.memory_space<vmem>> -> memref<1x1x64xi32, #tpu.memory_space<vmem>>
        %dma_start3A_833 = tpu.memref_squeeze %dma_start3A_832 : memref<1x1x64xi32, #tpu.memory_space<vmem>> -> memref<64xi32, #tpu.memory_space<vmem>>
        %dma_start3A_834 = arith.constant 0 : i32
        %dma_start3A_835 = arith.constant 0 : i32
        %dma_start3A_836 = tpu.memref_slice %arg3[%dma_start3A_834, %dma_start3A_835] : memref<10000x128xf32, #tpu.memory_space<hbm>> -> memref<10000x128xf32, #tpu.memory_space<hbm>>
        tpu.enqueue_indirect_dma source(%dma_start3A_836 : memref<10000x128xf32, #tpu.memory_space<hbm>>) target(%arg11 : memref<64x128xf32, #tpu.memory_space<vmem>>) offsets(%dma_start3A_833 : memref<64xi32, #tpu.memory_space<vmem>>) semaphore(%arg15 : memref<!tpu.dma_semaphore, #tpu.memory_space<semaphore_mem>>)
      } else {
      }
      %dma_start3A = arith.constant 0 : i32
      %dma_start3A_95 = arith.constant 1 : i32
      %dma_start3A_96 = arith.constant 0 : i32
      %dma_start3A_97 = tpu.memref_slice %arg7[%dma_start3A, %dma_start3A_95, %dma_start3A_96] : memref<10x2x64xi32, #tpu.memory_space<vmem>> -> memref<1x1x64xi32, #tpu.memory_space<vmem>>
      %dma_start3A_98 = tpu.memref_squeeze %dma_start3A_97 : memref<1x1x64xi32, #tpu.memory_space<vmem>> -> memref<64xi32, #tpu.memory_space<vmem>>
      %dma_start3A_99 = arith.constant 0 : i32
      %dma_start3A_100 = arith.constant 0 : i32
      %dma_start3A_101 = tpu.memref_slice %arg14[%dma_start3A_99, %dma_start3A_100] : memref<10112x128xf32, #tpu.memory_space<vmem_shared>> -> memref<10112x128xf32, #tpu.memory_space<vmem_shared>>
      tpu.enqueue_indirect_dma source(%arg9 : memref<64x128xf32, #tpu.memory_space<vmem>>) target(%dma_start3A_101 : memref<10112x128xf32, #tpu.memory_space<vmem_shared>>) offsets(%dma_start3A_98 : memref<64xi32, #tpu.memory_space<vmem>>) semaphore(%arg17 : memref<!tpu.dma_semaphore, #tpu.memory_space<semaphore_mem>>) {add = true}
      %dma_wait3A_102 = arith.constant 0 : i32
      %dma_wait3A_103 = arith.constant 0 : i32
      %dma_wait3A_104 = arith.constant 0 : i32
      %dma_wait3A_105 = tpu.memref_slice %arg7[%dma_wait3A_102, %dma_wait3A_103, %dma_wait3A_104] : memref<10x2x64xi32, #tpu.memory_space<vmem>> -> memref<1x1x64xi32, #tpu.memory_space<vmem>>
      %dma_wait3A_106 = tpu.memref_squeeze %dma_wait3A_105 : memref<1x1x64xi32, #tpu.memory_space<vmem>> -> memref<64xi32, #tpu.memory_space<vmem>>
      %dma_wait3A_107 = arith.constant 0 : i32
      %dma_wait3A_108 = arith.constant 0 : i32
      %dma_wait3A_109 = tpu.memref_slice %arg2[%dma_wait3A_107, %dma_wait3A_108] : memref<10000x128xf32, #tpu.memory_space<hbm>> -> memref<10000x128xf32, #tpu.memory_space<hbm>>
      tpu.wait_indirect_dma semaphore(%arg15 : memref<!tpu.dma_semaphore, #tpu.memory_space<semaphore_mem>>) src(%dma_wait3A_109 : memref<10000x128xf32, #tpu.memory_space<hbm>>) dst(%arg10 : memref<64x128xf32, #tpu.memory_space<vmem>>)
      %gt3A_110 = arith.constant 0 : i32
      %gt3A_111 = arith.cmpi sgt, %scan3A_64, %gt3A_110 : i32
      %convert_element_type3A_112 = arith.extui %gt3A_111 : i1 to i32
      %cond3A_113 = arith.constant 0 : i32
      %cond3A_114 = arith.cmpi ne, %convert_element_type3A_112, %cond3A_113 : i32
      scf.if %cond3A_114 {
        %dma_wait3A_831 = arith.constant 8 : i32
        %dma_wait3A_832 = arith.constant 1 : i32
        %dma_wait3A_833 = arith.constant 0 : i32
        %dma_wait3A_834 = tpu.memref_slice %arg8[%dma_wait3A_831, %dma_wait3A_832, %dma_wait3A_833] : memref<10x2x64xi32, #tpu.memory_space<vmem>> -> memref<1x1x64xi32, #tpu.memory_space<vmem>>
        %dma_wait3A_835 = tpu.memref_squeeze %dma_wait3A_834 : memref<1x1x64xi32, #tpu.memory_space<vmem>> -> memref<64xi32, #tpu.memory_space<vmem>>
        %dma_wait3A_836 = arith.constant 0 : i32
        %dma_wait3A_837 = arith.constant 0 : i32
        %dma_wait3A_838 = tpu.memref_slice %arg14[%dma_wait3A_836, %dma_wait3A_837] : memref<10112x128xf32, #tpu.memory_space<vmem_shared>> -> memref<10112x128xf32, #tpu.memory_space<vmem_shared>>
        tpu.wait_indirect_dma semaphore(%arg20 : memref<!tpu.dma_semaphore, #tpu.memory_space<semaphore_mem>>) src(%arg12 : memref<64x128xf32, #tpu.memory_space<vmem>>) dst(%dma_wait3A_838 : memref<10112x128xf32, #tpu.memory_space<vmem_shared>>)
      } else {
      }
      %eq3A_115 = arith.constant 0 : i32
      %eq3A_116 = arith.cmpi eq, %arg0, %eq3A_115 : i32
      %convert_element_type3A_117 = arith.extui %eq3A_116 : i1 to i32
      %cond3A_118 = arith.constant 3 : i32
      %cond3A_119 = arith.constant 0 : i32
      %cond3A_120 = arith.constant 0 : i32
      %cond3A_121 = arith.cmpi ne, %convert_element_type3A_117, %cond3A_120 : i32
      scf.if %cond3A_121 {
        %dma_start3A_831 = arith.constant 0 : i32
        %dma_start3A_832 = tpu.memref_slice %arg7[%cond3A_118, %cond3A_119, %dma_start3A_831] : memref<10x2x64xi32, #tpu.memory_space<vmem>> -> memref<1x1x64xi32, #tpu.memory_space<vmem>>
        %dma_start3A_833 = tpu.memref_squeeze %dma_start3A_832 : memref<1x1x64xi32, #tpu.memory_space<vmem>> -> memref<64xi32, #tpu.memory_space<vmem>>
        %dma_start3A_834 = arith.constant 0 : i32
        %dma_start3A_835 = arith.constant 0 : i32
        %dma_start3A_836 = tpu.memref_slice %arg2[%dma_start3A_834, %dma_start3A_835] : memref<10000x128xf32, #tpu.memory_space<hbm>> -> memref<10000x128xf32, #tpu.memory_space<hbm>>
        tpu.enqueue_indirect_dma source(%dma_start3A_836 : memref<10000x128xf32, #tpu.memory_space<hbm>>) target(%arg12 : memref<64x128xf32, #tpu.memory_space<vmem>>) offsets(%dma_start3A_833 : memref<64xi32, #tpu.memory_space<vmem>>) semaphore(%arg15 : memref<!tpu.dma_semaphore, #tpu.memory_space<semaphore_mem>>)
      } else {
      }
      %eq3A_122 = arith.constant 1 : i32
      %eq3A_123 = arith.cmpi eq, %arg0, %eq3A_122 : i32
      %convert_element_type3A_124 = arith.extui %eq3A_123 : i1 to i32
      %cond3A_125 = arith.constant 3 : i32
      %cond3A_126 = arith.constant 0 : i32
      %cond3A_127 = arith.constant 0 : i32
      %cond3A_128 = arith.cmpi ne, %convert_element_type3A_124, %cond3A_127 : i32
      scf.if %cond3A_128 {
        %dma_start3A_831 = arith.constant 0 : i32
        %dma_start3A_832 = tpu.memref_slice %arg7[%cond3A_125, %cond3A_126, %dma_start3A_831] : memref<10x2x64xi32, #tpu.memory_space<vmem>> -> memref<1x1x64xi32, #tpu.memory_space<vmem>>
        %dma_start3A_833 = tpu.memref_squeeze %dma_start3A_832 : memref<1x1x64xi32, #tpu.memory_space<vmem>> -> memref<64xi32, #tpu.memory_space<vmem>>
        %dma_start3A_834 = arith.constant 0 : i32
        %dma_start3A_835 = arith.constant 0 : i32
        %dma_start3A_836 = tpu.memref_slice %arg3[%dma_start3A_834, %dma_start3A_835] : memref<10000x128xf32, #tpu.memory_space<hbm>> -> memref<10000x128xf32, #tpu.memory_space<hbm>>
        tpu.enqueue_indirect_dma source(%dma_start3A_836 : memref<10000x128xf32, #tpu.memory_space<hbm>>) target(%arg12 : memref<64x128xf32, #tpu.memory_space<vmem>>) offsets(%dma_start3A_833 : memref<64xi32, #tpu.memory_space<vmem>>) semaphore(%arg15 : memref<!tpu.dma_semaphore, #tpu.memory_space<semaphore_mem>>)
      } else {
      }
      %dma_start3A_129 = arith.constant 1 : i32
      %dma_start3A_130 = arith.constant 1 : i32
      %dma_start3A_131 = arith.constant 0 : i32
      %dma_start3A_132 = tpu.memref_slice %arg7[%dma_start3A_129, %dma_start3A_130, %dma_start3A_131] : memref<10x2x64xi32, #tpu.memory_space<vmem>> -> memref<1x1x64xi32, #tpu.memory_space<vmem>>
      %dma_start3A_133 = tpu.memref_squeeze %dma_start3A_132 : memref<1x1x64xi32, #tpu.memory_space<vmem>> -> memref<64xi32, #tpu.memory_space<vmem>>
      %dma_start3A_134 = arith.constant 0 : i32
      %dma_start3A_135 = arith.constant 0 : i32
      %dma_start3A_136 = tpu.memref_slice %arg14[%dma_start3A_134, %dma_start3A_135] : memref<10112x128xf32, #tpu.memory_space<vmem_shared>> -> memref<10112x128xf32, #tpu.memory_space<vmem_shared>>
      tpu.enqueue_indirect_dma source(%arg10 : memref<64x128xf32, #tpu.memory_space<vmem>>) target(%dma_start3A_136 : memref<10112x128xf32, #tpu.memory_space<vmem_shared>>) offsets(%dma_start3A_133 : memref<64xi32, #tpu.memory_space<vmem>>) semaphore(%arg18 : memref<!tpu.dma_semaphore, #tpu.memory_space<semaphore_mem>>) {add = true}
      %dma_wait3A_137 = arith.constant 0 : i32
      %dma_wait3A_138 = arith.constant 0 : i32
      %dma_wait3A_139 = arith.constant 0 : i32
      %dma_wait3A_140 = tpu.memref_slice %arg7[%dma_wait3A_137, %dma_wait3A_138, %dma_wait3A_139] : memref<10x2x64xi32, #tpu.memory_space<vmem>> -> memref<1x1x64xi32, #tpu.memory_space<vmem>>
      %dma_wait3A_141 = tpu.memref_squeeze %dma_wait3A_140 : memref<1x1x64xi32, #tpu.memory_space<vmem>> -> memref<64xi32, #tpu.memory_space<vmem>>
      %dma_wait3A_142 = arith.constant 0 : i32
      %dma_wait3A_143 = arith.constant 0 : i32
      %dma_wait3A_144 = tpu.memref_slice %arg2[%dma_wait3A_142, %dma_wait3A_143] : memref<10000x128xf32, #tpu.memory_space<hbm>> -> memref<10000x128xf32, #tpu.memory_space<hbm>>
      tpu.wait_indirect_dma semaphore(%arg15 : memref<!tpu.dma_semaphore, #tpu.memory_space<semaphore_mem>>) src(%dma_wait3A_144 : memref<10000x128xf32, #tpu.memory_space<hbm>>) dst(%arg11 : memref<64x128xf32, #tpu.memory_space<vmem>>)
      %gt3A_145 = arith.constant 0 : i32
      %gt3A_146 = arith.cmpi sgt, %scan3A_64, %gt3A_145 : i32
      %convert_element_type3A_147 = arith.extui %gt3A_146 : i1 to i32
      %cond3A_148 = arith.constant 0 : i32
      %cond3A_149 = arith.cmpi ne, %convert_element_type3A_147, %cond3A_148 : i32
      scf.if %cond3A_149 {
        %dma_wait3A_831 = arith.constant 9 : i32
        %dma_wait3A_832 = arith.constant 1 : i32
        %dma_wait3A_833 = arith.constant 0 : i32
        %dma_wait3A_834 = tpu.memref_slice %arg8[%dma_wait3A_831, %dma_wait3A_832, %dma_wait3A_833] : memref<10x2x64xi32, #tpu.memory_space<vmem>> -> memref<1x1x64xi32, #tpu.memory_space<vmem>>
        %dma_wait3A_835 = tpu.memref_squeeze %dma_wait3A_834 : memref<1x1x64xi32, #tpu.memory_space<vmem>> -> memref<64xi32, #tpu.memory_space<vmem>>
        %dma_wait3A_836 = arith.constant 0 : i32
        %dma_wait3A_837 = arith.constant 0 : i32
        %dma_wait3A_838 = tpu.memref_slice %arg14[%dma_wait3A_836, %dma_wait3A_837] : memref<10112x128xf32, #tpu.memory_space<vmem_shared>> -> memref<10112x128xf32, #tpu.memory_space<vmem_shared>>
        tpu.wait_indirect_dma semaphore(%arg21 : memref<!tpu.dma_semaphore, #tpu.memory_space<semaphore_mem>>) src(%arg13 : memref<64x128xf32, #tpu.memory_space<vmem>>) dst(%dma_wait3A_838 : memref<10112x128xf32, #tpu.memory_space<vmem_shared>>)
      } else {
      }
      %add3A_150 = arith.constant 1 : i32
      %add3A_151 = arith.addi %add3A_68, %add3A_150 : i32
      %mul3A_152 = arith.constant 10 : i32
      %mul3A_153 = arith.muli %add3A_151, %mul3A_152 : i32
      %add3A_154 = arith.addi %mul3A_4, %mul3A_153 : i32
      %dma_start3A_155 = arith.constant 0 : i32
      %dma_start3A_156 = arith.constant 0 : i32
      %dma_start3A_157 = tpu.memref_slice %arg4[%add3A_154, %dma_start3A_155, %dma_start3A_156] : memref<5120x2x64xi32, #tpu.memory_space<hbm>> -> memref<10x2x64xi32, #tpu.memory_space<hbm>>
      %dma_start3A_158 = arith.constant 0 : i32
      %dma_start3A_159 = arith.constant 0 : i32
      %dma_start3A_160 = tpu.memref_slice %arg4[%add3A_154, %dma_start3A_158, %dma_start3A_159] : memref<5120x2x64xi32, #tpu.memory_space<hbm>> -> memref<10x2x64xi32, #tpu.memory_space<hbm>>
      tpu.enqueue_dma source(%dma_start3A_160 : memref<10x2x64xi32, #tpu.memory_space<hbm>>) target(%arg8 : memref<10x2x64xi32, #tpu.memory_space<vmem>>) target_semaphore(%arg16 : memref<!tpu.dma_semaphore, #tpu.memory_space<semaphore_mem>>)
      %eq3A_161 = arith.constant 0 : i32
      %eq3A_162 = arith.cmpi eq, %arg0, %eq3A_161 : i32
      %convert_element_type3A_163 = arith.extui %eq3A_162 : i1 to i32
      %cond3A_164 = arith.constant 4 : i32
      %cond3A_165 = arith.constant 0 : i32
      %cond3A_166 = arith.constant 0 : i32
      %cond3A_167 = arith.cmpi ne, %convert_element_type3A_163, %cond3A_166 : i32
      scf.if %cond3A_167 {
        %dma_start3A_831 = arith.constant 0 : i32
        %dma_start3A_832 = tpu.memref_slice %arg7[%cond3A_164, %cond3A_165, %dma_start3A_831] : memref<10x2x64xi32, #tpu.memory_space<vmem>> -> memref<1x1x64xi32, #tpu.memory_space<vmem>>
        %dma_start3A_833 = tpu.memref_squeeze %dma_start3A_832 : memref<1x1x64xi32, #tpu.memory_space<vmem>> -> memref<64xi32, #tpu.memory_space<vmem>>
        %dma_start3A_834 = arith.constant 0 : i32
        %dma_start3A_835 = arith.constant 0 : i32
        %dma_start3A_836 = tpu.memref_slice %arg2[%dma_start3A_834, %dma_start3A_835] : memref<10000x128xf32, #tpu.memory_space<hbm>> -> memref<10000x128xf32, #tpu.memory_space<hbm>>
        tpu.enqueue_indirect_dma source(%dma_start3A_836 : memref<10000x128xf32, #tpu.memory_space<hbm>>) target(%arg13 : memref<64x128xf32, #tpu.memory_space<vmem>>) offsets(%dma_start3A_833 : memref<64xi32, #tpu.memory_space<vmem>>) semaphore(%arg15 : memref<!tpu.dma_semaphore, #tpu.memory_space<semaphore_mem>>)
      } else {
      }
      %eq3A_168 = arith.constant 1 : i32
      %eq3A_169 = arith.cmpi eq, %arg0, %eq3A_168 : i32
      %convert_element_type3A_170 = arith.extui %eq3A_169 : i1 to i32
      %cond3A_171 = arith.constant 4 : i32
      %cond3A_172 = arith.constant 0 : i32
      %cond3A_173 = arith.constant 0 : i32
      %cond3A_174 = arith.cmpi ne, %convert_element_type3A_170, %cond3A_173 : i32
      scf.if %cond3A_174 {
        %dma_start3A_831 = arith.constant 0 : i32
        %dma_start3A_832 = tpu.memref_slice %arg7[%cond3A_171, %cond3A_172, %dma_start3A_831] : memref<10x2x64xi32, #tpu.memory_space<vmem>> -> memref<1x1x64xi32, #tpu.memory_space<vmem>>
        %dma_start3A_833 = tpu.memref_squeeze %dma_start3A_832 : memref<1x1x64xi32, #tpu.memory_space<vmem>> -> memref<64xi32, #tpu.memory_space<vmem>>
        %dma_start3A_834 = arith.constant 0 : i32
        %dma_start3A_835 = arith.constant 0 : i32
        %dma_start3A_836 = tpu.memref_slice %arg3[%dma_start3A_834, %dma_start3A_835] : memref<10000x128xf32, #tpu.memory_space<hbm>> -> memref<10000x128xf32, #tpu.memory_space<hbm>>
        tpu.enqueue_indirect_dma source(%dma_start3A_836 : memref<10000x128xf32, #tpu.memory_space<hbm>>) target(%arg13 : memref<64x128xf32, #tpu.memory_space<vmem>>) offsets(%dma_start3A_833 : memref<64xi32, #tpu.memory_space<vmem>>) semaphore(%arg15 : memref<!tpu.dma_semaphore, #tpu.memory_space<semaphore_mem>>)
      } else {
      }
      %dma_start3A_175 = arith.constant 2 : i32
      %dma_start3A_176 = arith.constant 1 : i32
      %dma_start3A_177 = arith.constant 0 : i32
      %dma_start3A_178 = tpu.memref_slice %arg7[%dma_start3A_175, %dma_start3A_176, %dma_start3A_177] : memref<10x2x64xi32, #tpu.memory_space<vmem>> -> memref<1x1x64xi32, #tpu.memory_space<vmem>>
      %dma_start3A_179 = tpu.memref_squeeze %dma_start3A_178 : memref<1x1x64xi32, #tpu.memory_space<vmem>> -> memref<64xi32, #tpu.memory_space<vmem>>
      %dma_start3A_180 = arith.constant 0 : i32
      %dma_start3A_181 = arith.constant 0 : i32
      %dma_start3A_182 = tpu.memref_slice %arg14[%dma_start3A_180, %dma_start3A_181] : memref<10112x128xf32, #tpu.memory_space<vmem_shared>> -> memref<10112x128xf32, #tpu.memory_space<vmem_shared>>
      tpu.enqueue_indirect_dma source(%arg11 : memref<64x128xf32, #tpu.memory_space<vmem>>) target(%dma_start3A_182 : memref<10112x128xf32, #tpu.memory_space<vmem_shared>>) offsets(%dma_start3A_179 : memref<64xi32, #tpu.memory_space<vmem>>) semaphore(%arg19 : memref<!tpu.dma_semaphore, #tpu.memory_space<semaphore_mem>>) {add = true}
      %dma_wait3A_183 = arith.constant 0 : i32
      %dma_wait3A_184 = arith.constant 0 : i32
      %dma_wait3A_185 = arith.constant 0 : i32
      %dma_wait3A_186 = tpu.memref_slice %arg7[%dma_wait3A_183, %dma_wait3A_184, %dma_wait3A_185] : memref<10x2x64xi32, #tpu.memory_space<vmem>> -> memref<1x1x64xi32, #tpu.memory_space<vmem>>
      %dma_wait3A_187 = tpu.memref_squeeze %dma_wait3A_186 : memref<1x1x64xi32, #tpu.memory_space<vmem>> -> memref<64xi32, #tpu.memory_space<vmem>>
      %dma_wait3A_188 = arith.constant 0 : i32
      %dma_wait3A_189 = arith.constant 0 : i32
      %dma_wait3A_190 = tpu.memref_slice %arg2[%dma_wait3A_188, %dma_wait3A_189] : memref<10000x128xf32, #tpu.memory_space<hbm>> -> memref<10000x128xf32, #tpu.memory_space<hbm>>
      tpu.wait_indirect_dma semaphore(%arg15 : memref<!tpu.dma_semaphore, #tpu.memory_space<semaphore_mem>>) src(%dma_wait3A_190 : memref<10000x128xf32, #tpu.memory_space<hbm>>) dst(%arg12 : memref<64x128xf32, #tpu.memory_space<vmem>>)
      %dma_wait3A_191 = arith.constant 0 : i32
      %dma_wait3A_192 = arith.constant 1 : i32
      %dma_wait3A_193 = arith.constant 0 : i32
      %dma_wait3A_194 = tpu.memref_slice %arg7[%dma_wait3A_191, %dma_wait3A_192, %dma_wait3A_193] : memref<10x2x64xi32, #tpu.memory_space<vmem>> -> memref<1x1x64xi32, #tpu.memory_space<vmem>>
      %dma_wait3A_195 = tpu.memref_squeeze %dma_wait3A_194 : memref<1x1x64xi32, #tpu.memory_space<vmem>> -> memref<64xi32, #tpu.memory_space<vmem>>
      %dma_wait3A_196 = arith.constant 0 : i32
      %dma_wait3A_197 = arith.constant 0 : i32
      %dma_wait3A_198 = tpu.memref_slice %arg14[%dma_wait3A_196, %dma_wait3A_197] : memref<10112x128xf32, #tpu.memory_space<vmem_shared>> -> memref<10112x128xf32, #tpu.memory_space<vmem_shared>>
      tpu.wait_indirect_dma semaphore(%arg17 : memref<!tpu.dma_semaphore, #tpu.memory_space<semaphore_mem>>) src(%arg9 : memref<64x128xf32, #tpu.memory_space<vmem>>) dst(%dma_wait3A_198 : memref<10112x128xf32, #tpu.memory_space<vmem_shared>>)
      %eq3A_199 = arith.constant 0 : i32
      %eq3A_200 = arith.cmpi eq, %arg0, %eq3A_199 : i32
      %convert_element_type3A_201 = arith.extui %eq3A_200 : i1 to i32
      %cond3A_202 = arith.constant 5 : i32
      %cond3A_203 = arith.constant 0 : i32
      %cond3A_204 = arith.constant 0 : i32
      %cond3A_205 = arith.cmpi ne, %convert_element_type3A_201, %cond3A_204 : i32
      scf.if %cond3A_205 {
        %dma_start3A_831 = arith.constant 0 : i32
        %dma_start3A_832 = tpu.memref_slice %arg7[%cond3A_202, %cond3A_203, %dma_start3A_831] : memref<10x2x64xi32, #tpu.memory_space<vmem>> -> memref<1x1x64xi32, #tpu.memory_space<vmem>>
        %dma_start3A_833 = tpu.memref_squeeze %dma_start3A_832 : memref<1x1x64xi32, #tpu.memory_space<vmem>> -> memref<64xi32, #tpu.memory_space<vmem>>
        %dma_start3A_834 = arith.constant 0 : i32
        %dma_start3A_835 = arith.constant 0 : i32
        %dma_start3A_836 = tpu.memref_slice %arg2[%dma_start3A_834, %dma_start3A_835] : memref<10000x128xf32, #tpu.memory_space<hbm>> -> memref<10000x128xf32, #tpu.memory_space<hbm>>
        tpu.enqueue_indirect_dma source(%dma_start3A_836 : memref<10000x128xf32, #tpu.memory_space<hbm>>) target(%arg9 : memref<64x128xf32, #tpu.memory_space<vmem>>) offsets(%dma_start3A_833 : memref<64xi32, #tpu.memory_space<vmem>>) semaphore(%arg15 : memref<!tpu.dma_semaphore, #tpu.memory_space<semaphore_mem>>)
      } else {
      }
      %eq3A_206 = arith.constant 1 : i32
      %eq3A_207 = arith.cmpi eq, %arg0, %eq3A_206 : i32
      %convert_element_type3A_208 = arith.extui %eq3A_207 : i1 to i32
      %cond3A_209 = arith.constant 5 : i32
      %cond3A_210 = arith.constant 0 : i32
      %cond3A_211 = arith.constant 0 : i32
      %cond3A_212 = arith.cmpi ne, %convert_element_type3A_208, %cond3A_211 : i32
      scf.if %cond3A_212 {
        %dma_start3A_831 = arith.constant 0 : i32
        %dma_start3A_832 = tpu.memref_slice %arg7[%cond3A_209, %cond3A_210, %dma_start3A_831] : memref<10x2x64xi32, #tpu.memory_space<vmem>> -> memref<1x1x64xi32, #tpu.memory_space<vmem>>
        %dma_start3A_833 = tpu.memref_squeeze %dma_start3A_832 : memref<1x1x64xi32, #tpu.memory_space<vmem>> -> memref<64xi32, #tpu.memory_space<vmem>>
        %dma_start3A_834 = arith.constant 0 : i32
        %dma_start3A_835 = arith.constant 0 : i32
        %dma_start3A_836 = tpu.memref_slice %arg3[%dma_start3A_834, %dma_start3A_835] : memref<10000x128xf32, #tpu.memory_space<hbm>> -> memref<10000x128xf32, #tpu.memory_space<hbm>>
        tpu.enqueue_indirect_dma source(%dma_start3A_836 : memref<10000x128xf32, #tpu.memory_space<hbm>>) target(%arg9 : memref<64x128xf32, #tpu.memory_space<vmem>>) offsets(%dma_start3A_833 : memref<64xi32, #tpu.memory_space<vmem>>) semaphore(%arg15 : memref<!tpu.dma_semaphore, #tpu.memory_space<semaphore_mem>>)
      } else {
      }
      %dma_start3A_213 = arith.constant 3 : i32
      %dma_start3A_214 = arith.constant 1 : i32
      %dma_start3A_215 = arith.constant 0 : i32
      %dma_start3A_216 = tpu.memref_slice %arg7[%dma_start3A_213, %dma_start3A_214, %dma_start3A_215] : memref<10x2x64xi32, #tpu.memory_space<vmem>> -> memref<1x1x64xi32, #tpu.memory_space<vmem>>
      %dma_start3A_217 = tpu.memref_squeeze %dma_start3A_216 : memref<1x1x64xi32, #tpu.memory_space<vmem>> -> memref<64xi32, #tpu.memory_space<vmem>>
      %dma_start3A_218 = arith.constant 0 : i32
      %dma_start3A_219 = arith.constant 0 : i32
      %dma_start3A_220 = tpu.memref_slice %arg14[%dma_start3A_218, %dma_start3A_219] : memref<10112x128xf32, #tpu.memory_space<vmem_shared>> -> memref<10112x128xf32, #tpu.memory_space<vmem_shared>>
      tpu.enqueue_indirect_dma source(%arg12 : memref<64x128xf32, #tpu.memory_space<vmem>>) target(%dma_start3A_220 : memref<10112x128xf32, #tpu.memory_space<vmem_shared>>) offsets(%dma_start3A_217 : memref<64xi32, #tpu.memory_space<vmem>>) semaphore(%arg20 : memref<!tpu.dma_semaphore, #tpu.memory_space<semaphore_mem>>) {add = true}
      %dma_wait3A_221 = arith.constant 0 : i32
      %dma_wait3A_222 = arith.constant 0 : i32
      %dma_wait3A_223 = arith.constant 0 : i32
      %dma_wait3A_224 = tpu.memref_slice %arg7[%dma_wait3A_221, %dma_wait3A_222, %dma_wait3A_223] : memref<10x2x64xi32, #tpu.memory_space<vmem>> -> memref<1x1x64xi32, #tpu.memory_space<vmem>>
      %dma_wait3A_225 = tpu.memref_squeeze %dma_wait3A_224 : memref<1x1x64xi32, #tpu.memory_space<vmem>> -> memref<64xi32, #tpu.memory_space<vmem>>
      %dma_wait3A_226 = arith.constant 0 : i32
      %dma_wait3A_227 = arith.constant 0 : i32
      %dma_wait3A_228 = tpu.memref_slice %arg2[%dma_wait3A_226, %dma_wait3A_227] : memref<10000x128xf32, #tpu.memory_space<hbm>> -> memref<10000x128xf32, #tpu.memory_space<hbm>>
      tpu.wait_indirect_dma semaphore(%arg15 : memref<!tpu.dma_semaphore, #tpu.memory_space<semaphore_mem>>) src(%dma_wait3A_228 : memref<10000x128xf32, #tpu.memory_space<hbm>>) dst(%arg13 : memref<64x128xf32, #tpu.memory_space<vmem>>)
      %dma_wait3A_229 = arith.constant 1 : i32
      %dma_wait3A_230 = arith.constant 1 : i32
      %dma_wait3A_231 = arith.constant 0 : i32
      %dma_wait3A_232 = tpu.memref_slice %arg7[%dma_wait3A_229, %dma_wait3A_230, %dma_wait3A_231] : memref<10x2x64xi32, #tpu.memory_space<vmem>> -> memref<1x1x64xi32, #tpu.memory_space<vmem>>
      %dma_wait3A_233 = tpu.memref_squeeze %dma_wait3A_232 : memref<1x1x64xi32, #tpu.memory_space<vmem>> -> memref<64xi32, #tpu.memory_space<vmem>>
      %dma_wait3A_234 = arith.constant 0 : i32
      %dma_wait3A_235 = arith.constant 0 : i32
      %dma_wait3A_236 = tpu.memref_slice %arg14[%dma_wait3A_234, %dma_wait3A_235] : memref<10112x128xf32, #tpu.memory_space<vmem_shared>> -> memref<10112x128xf32, #tpu.memory_space<vmem_shared>>
      tpu.wait_indirect_dma semaphore(%arg18 : memref<!tpu.dma_semaphore, #tpu.memory_space<semaphore_mem>>) src(%arg10 : memref<64x128xf32, #tpu.memory_space<vmem>>) dst(%dma_wait3A_236 : memref<10112x128xf32, #tpu.memory_space<vmem_shared>>)
      %eq3A_237 = arith.constant 0 : i32
      %eq3A_238 = arith.cmpi eq, %arg0, %eq3A_237 : i32
      %convert_element_type3A_239 = arith.extui %eq3A_238 : i1 to i32
      %cond3A_240 = arith.constant 6 : i32
      %cond3A_241 = arith.constant 0 : i32
      %cond3A_242 = arith.constant 0 : i32
      %cond3A_243 = arith.cmpi ne, %convert_element_type3A_239, %cond3A_242 : i32
      scf.if %cond3A_243 {
        %dma_start3A_831 = arith.constant 0 : i32
        %dma_start3A_832 = tpu.memref_slice %arg7[%cond3A_240, %cond3A_241, %dma_start3A_831] : memref<10x2x64xi32, #tpu.memory_space<vmem>> -> memref<1x1x64xi32, #tpu.memory_space<vmem>>
        %dma_start3A_833 = tpu.memref_squeeze %dma_start3A_832 : memref<1x1x64xi32, #tpu.memory_space<vmem>> -> memref<64xi32, #tpu.memory_space<vmem>>
        %dma_start3A_834 = arith.constant 0 : i32
        %dma_start3A_835 = arith.constant 0 : i32
        %dma_start3A_836 = tpu.memref_slice %arg2[%dma_start3A_834, %dma_start3A_835] : memref<10000x128xf32, #tpu.memory_space<hbm>> -> memref<10000x128xf32, #tpu.memory_space<hbm>>
        tpu.enqueue_indirect_dma source(%dma_start3A_836 : memref<10000x128xf32, #tpu.memory_space<hbm>>) target(%arg10 : memref<64x128xf32, #tpu.memory_space<vmem>>) offsets(%dma_start3A_833 : memref<64xi32, #tpu.memory_space<vmem>>) semaphore(%arg15 : memref<!tpu.dma_semaphore, #tpu.memory_space<semaphore_mem>>)
      } else {
      }
      %eq3A_244 = arith.constant 1 : i32
      %eq3A_245 = arith.cmpi eq, %arg0, %eq3A_244 : i32
      %convert_element_type3A_246 = arith.extui %eq3A_245 : i1 to i32
      %cond3A_247 = arith.constant 6 : i32
      %cond3A_248 = arith.constant 0 : i32
      %cond3A_249 = arith.constant 0 : i32
      %cond3A_250 = arith.cmpi ne, %convert_element_type3A_246, %cond3A_249 : i32
      scf.if %cond3A_250 {
        %dma_start3A_831 = arith.constant 0 : i32
        %dma_start3A_832 = tpu.memref_slice %arg7[%cond3A_247, %cond3A_248, %dma_start3A_831] : memref<10x2x64xi32, #tpu.memory_space<vmem>> -> memref<1x1x64xi32, #tpu.memory_space<vmem>>
        %dma_start3A_833 = tpu.memref_squeeze %dma_start3A_832 : memref<1x1x64xi32, #tpu.memory_space<vmem>> -> memref<64xi32, #tpu.memory_space<vmem>>
        %dma_start3A_834 = arith.constant 0 : i32
        %dma_start3A_835 = arith.constant 0 : i32
        %dma_start3A_836 = tpu.memref_slice %arg3[%dma_start3A_834, %dma_start3A_835] : memref<10000x128xf32, #tpu.memory_space<hbm>> -> memref<10000x128xf32, #tpu.memory_space<hbm>>
        tpu.enqueue_indirect_dma source(%dma_start3A_836 : memref<10000x128xf32, #tpu.memory_space<hbm>>) target(%arg10 : memref<64x128xf32, #tpu.memory_space<vmem>>) offsets(%dma_start3A_833 : memref<64xi32, #tpu.memory_space<vmem>>) semaphore(%arg15 : memref<!tpu.dma_semaphore, #tpu.memory_space<semaphore_mem>>)
      } else {
      }
      %dma_start3A_251 = arith.constant 4 : i32
      %dma_start3A_252 = arith.constant 1 : i32
      %dma_start3A_253 = arith.constant 0 : i32
      %dma_start3A_254 = tpu.memref_slice %arg7[%dma_start3A_251, %dma_start3A_252, %dma_start3A_253] : memref<10x2x64xi32, #tpu.memory_space<vmem>> -> memref<1x1x64xi32, #tpu.memory_space<vmem>>
      %dma_start3A_255 = tpu.memref_squeeze %dma_start3A_254 : memref<1x1x64xi32, #tpu.memory_space<vmem>> -> memref<64xi32, #tpu.memory_space<vmem>>
      %dma_start3A_256 = arith.constant 0 : i32
      %dma_start3A_257 = arith.constant 0 : i32
      %dma_start3A_258 = tpu.memref_slice %arg14[%dma_start3A_256, %dma_start3A_257] : memref<10112x128xf32, #tpu.memory_space<vmem_shared>> -> memref<10112x128xf32, #tpu.memory_space<vmem_shared>>
      tpu.enqueue_indirect_dma source(%arg13 : memref<64x128xf32, #tpu.memory_space<vmem>>) target(%dma_start3A_258 : memref<10112x128xf32, #tpu.memory_space<vmem_shared>>) offsets(%dma_start3A_255 : memref<64xi32, #tpu.memory_space<vmem>>) semaphore(%arg21 : memref<!tpu.dma_semaphore, #tpu.memory_space<semaphore_mem>>) {add = true}
      %dma_wait3A_259 = arith.constant 0 : i32
      %dma_wait3A_260 = arith.constant 0 : i32
      %dma_wait3A_261 = arith.constant 0 : i32
      %dma_wait3A_262 = tpu.memref_slice %arg7[%dma_wait3A_259, %dma_wait3A_260, %dma_wait3A_261] : memref<10x2x64xi32, #tpu.memory_space<vmem>> -> memref<1x1x64xi32, #tpu.memory_space<vmem>>
      %dma_wait3A_263 = tpu.memref_squeeze %dma_wait3A_262 : memref<1x1x64xi32, #tpu.memory_space<vmem>> -> memref<64xi32, #tpu.memory_space<vmem>>
      %dma_wait3A_264 = arith.constant 0 : i32
      %dma_wait3A_265 = arith.constant 0 : i32
      %dma_wait3A_266 = tpu.memref_slice %arg2[%dma_wait3A_264, %dma_wait3A_265] : memref<10000x128xf32, #tpu.memory_space<hbm>> -> memref<10000x128xf32, #tpu.memory_space<hbm>>
      tpu.wait_indirect_dma semaphore(%arg15 : memref<!tpu.dma_semaphore, #tpu.memory_space<semaphore_mem>>) src(%dma_wait3A_266 : memref<10000x128xf32, #tpu.memory_space<hbm>>) dst(%arg9 : memref<64x128xf32, #tpu.memory_space<vmem>>)
      %dma_wait3A_267 = arith.constant 2 : i32
      %dma_wait3A_268 = arith.constant 1 : i32
      %dma_wait3A_269 = arith.constant 0 : i32
      %dma_wait3A_270 = tpu.memref_slice %arg7[%dma_wait3A_267, %dma_wait3A_268, %dma_wait3A_269] : memref<10x2x64xi32, #tpu.memory_space<vmem>> -> memref<1x1x64xi32, #tpu.memory_space<vmem>>
      %dma_wait3A_271 = tpu.memref_squeeze %dma_wait3A_270 : memref<1x1x64xi32, #tpu.memory_space<vmem>> -> memref<64xi32, #tpu.memory_space<vmem>>
      %dma_wait3A_272 = arith.constant 0 : i32
      %dma_wait3A_273 = arith.constant 0 : i32
      %dma_wait3A_274 = tpu.memref_slice %arg14[%dma_wait3A_272, %dma_wait3A_273] : memref<10112x128xf32, #tpu.memory_space<vmem_shared>> -> memref<10112x128xf32, #tpu.memory_space<vmem_shared>>
      tpu.wait_indirect_dma semaphore(%arg19 : memref<!tpu.dma_semaphore, #tpu.memory_space<semaphore_mem>>) src(%arg11 : memref<64x128xf32, #tpu.memory_space<vmem>>) dst(%dma_wait3A_274 : memref<10112x128xf32, #tpu.memory_space<vmem_shared>>)
      %eq3A_275 = arith.constant 0 : i32
      %eq3A_276 = arith.cmpi eq, %arg0, %eq3A_275 : i32
      %convert_element_type3A_277 = arith.extui %eq3A_276 : i1 to i32
      %cond3A_278 = arith.constant 7 : i32
      %cond3A_279 = arith.constant 0 : i32
      %cond3A_280 = arith.constant 0 : i32
      %cond3A_281 = arith.cmpi ne, %convert_element_type3A_277, %cond3A_280 : i32
      scf.if %cond3A_281 {
        %dma_start3A_831 = arith.constant 0 : i32
        %dma_start3A_832 = tpu.memref_slice %arg7[%cond3A_278, %cond3A_279, %dma_start3A_831] : memref<10x2x64xi32, #tpu.memory_space<vmem>> -> memref<1x1x64xi32, #tpu.memory_space<vmem>>
        %dma_start3A_833 = tpu.memref_squeeze %dma_start3A_832 : memref<1x1x64xi32, #tpu.memory_space<vmem>> -> memref<64xi32, #tpu.memory_space<vmem>>
        %dma_start3A_834 = arith.constant 0 : i32
        %dma_start3A_835 = arith.constant 0 : i32
        %dma_start3A_836 = tpu.memref_slice %arg2[%dma_start3A_834, %dma_start3A_835] : memref<10000x128xf32, #tpu.memory_space<hbm>> -> memref<10000x128xf32, #tpu.memory_space<hbm>>
        tpu.enqueue_indirect_dma source(%dma_start3A_836 : memref<10000x128xf32, #tpu.memory_space<hbm>>) target(%arg11 : memref<64x128xf32, #tpu.memory_space<vmem>>) offsets(%dma_start3A_833 : memref<64xi32, #tpu.memory_space<vmem>>) semaphore(%arg15 : memref<!tpu.dma_semaphore, #tpu.memory_space<semaphore_mem>>)
      } else {
      }
      %eq3A_282 = arith.constant 1 : i32
      %eq3A_283 = arith.cmpi eq, %arg0, %eq3A_282 : i32
      %convert_element_type3A_284 = arith.extui %eq3A_283 : i1 to i32
      %cond3A_285 = arith.constant 7 : i32
      %cond3A_286 = arith.constant 0 : i32
      %cond3A_287 = arith.constant 0 : i32
      %cond3A_288 = arith.cmpi ne, %convert_element_type3A_284, %cond3A_287 : i32
      scf.if %cond3A_288 {
        %dma_start3A_831 = arith.constant 0 : i32
        %dma_start3A_832 = tpu.memref_slice %arg7[%cond3A_285, %cond3A_286, %dma_start3A_831] : memref<10x2x64xi32, #tpu.memory_space<vmem>> -> memref<1x1x64xi32, #tpu.memory_space<vmem>>
        %dma_start3A_833 = tpu.memref_squeeze %dma_start3A_832 : memref<1x1x64xi32, #tpu.memory_space<vmem>> -> memref<64xi32, #tpu.memory_space<vmem>>
        %dma_start3A_834 = arith.constant 0 : i32
        %dma_start3A_835 = arith.constant 0 : i32
        %dma_start3A_836 = tpu.memref_slice %arg3[%dma_start3A_834, %dma_start3A_835] : memref<10000x128xf32, #tpu.memory_space<hbm>> -> memref<10000x128xf32, #tpu.memory_space<hbm>>
        tpu.enqueue_indirect_dma source(%dma_start3A_836 : memref<10000x128xf32, #tpu.memory_space<hbm>>) target(%arg11 : memref<64x128xf32, #tpu.memory_space<vmem>>) offsets(%dma_start3A_833 : memref<64xi32, #tpu.memory_space<vmem>>) semaphore(%arg15 : memref<!tpu.dma_semaphore, #tpu.memory_space<semaphore_mem>>)
      } else {
      }
      %dma_start3A_289 = arith.constant 5 : i32
      %dma_start3A_290 = arith.constant 1 : i32
      %dma_start3A_291 = arith.constant 0 : i32
      %dma_start3A_292 = tpu.memref_slice %arg7[%dma_start3A_289, %dma_start3A_290, %dma_start3A_291] : memref<10x2x64xi32, #tpu.memory_space<vmem>> -> memref<1x1x64xi32, #tpu.memory_space<vmem>>
      %dma_start3A_293 = tpu.memref_squeeze %dma_start3A_292 : memref<1x1x64xi32, #tpu.memory_space<vmem>> -> memref<64xi32, #tpu.memory_space<vmem>>
      %dma_start3A_294 = arith.constant 0 : i32
      %dma_start3A_295 = arith.constant 0 : i32
      %dma_start3A_296 = tpu.memref_slice %arg14[%dma_start3A_294, %dma_start3A_295] : memref<10112x128xf32, #tpu.memory_space<vmem_shared>> -> memref<10112x128xf32, #tpu.memory_space<vmem_shared>>
      tpu.enqueue_indirect_dma source(%arg9 : memref<64x128xf32, #tpu.memory_space<vmem>>) target(%dma_start3A_296 : memref<10112x128xf32, #tpu.memory_space<vmem_shared>>) offsets(%dma_start3A_293 : memref<64xi32, #tpu.memory_space<vmem>>) semaphore(%arg17 : memref<!tpu.dma_semaphore, #tpu.memory_space<semaphore_mem>>) {add = true}
      %dma_wait3A_297 = arith.constant 0 : i32
      %dma_wait3A_298 = arith.constant 0 : i32
      %dma_wait3A_299 = arith.constant 0 : i32
      %dma_wait3A_300 = tpu.memref_slice %arg7[%dma_wait3A_297, %dma_wait3A_298, %dma_wait3A_299] : memref<10x2x64xi32, #tpu.memory_space<vmem>> -> memref<1x1x64xi32, #tpu.memory_space<vmem>>
      %dma_wait3A_301 = tpu.memref_squeeze %dma_wait3A_300 : memref<1x1x64xi32, #tpu.memory_space<vmem>> -> memref<64xi32, #tpu.memory_space<vmem>>
      %dma_wait3A_302 = arith.constant 0 : i32
      %dma_wait3A_303 = arith.constant 0 : i32
      %dma_wait3A_304 = tpu.memref_slice %arg2[%dma_wait3A_302, %dma_wait3A_303] : memref<10000x128xf32, #tpu.memory_space<hbm>> -> memref<10000x128xf32, #tpu.memory_space<hbm>>
      tpu.wait_indirect_dma semaphore(%arg15 : memref<!tpu.dma_semaphore, #tpu.memory_space<semaphore_mem>>) src(%dma_wait3A_304 : memref<10000x128xf32, #tpu.memory_space<hbm>>) dst(%arg10 : memref<64x128xf32, #tpu.memory_space<vmem>>)
      %dma_wait3A_305 = arith.constant 3 : i32
      %dma_wait3A_306 = arith.constant 1 : i32
      %dma_wait3A_307 = arith.constant 0 : i32
      %dma_wait3A_308 = tpu.memref_slice %arg7[%dma_wait3A_305, %dma_wait3A_306, %dma_wait3A_307] : memref<10x2x64xi32, #tpu.memory_space<vmem>> -> memref<1x1x64xi32, #tpu.memory_space<vmem>>
      %dma_wait3A_309 = tpu.memref_squeeze %dma_wait3A_308 : memref<1x1x64xi32, #tpu.memory_space<vmem>> -> memref<64xi32, #tpu.memory_space<vmem>>
      %dma_wait3A_310 = arith.constant 0 : i32
      %dma_wait3A_311 = arith.constant 0 : i32
      %dma_wait3A_312 = tpu.memref_slice %arg14[%dma_wait3A_310, %dma_wait3A_311] : memref<10112x128xf32, #tpu.memory_space<vmem_shared>> -> memref<10112x128xf32, #tpu.memory_space<vmem_shared>>
      tpu.wait_indirect_dma semaphore(%arg20 : memref<!tpu.dma_semaphore, #tpu.memory_space<semaphore_mem>>) src(%arg12 : memref<64x128xf32, #tpu.memory_space<vmem>>) dst(%dma_wait3A_312 : memref<10112x128xf32, #tpu.memory_space<vmem_shared>>)
      %eq3A_313 = arith.constant 0 : i32
      %eq3A_314 = arith.cmpi eq, %arg0, %eq3A_313 : i32
      %convert_element_type3A_315 = arith.extui %eq3A_314 : i1 to i32
      %cond3A_316 = arith.constant 8 : i32
      %cond3A_317 = arith.constant 0 : i32
      %cond3A_318 = arith.constant 0 : i32
      %cond3A_319 = arith.cmpi ne, %convert_element_type3A_315, %cond3A_318 : i32
      scf.if %cond3A_319 {
        %dma_start3A_831 = arith.constant 0 : i32
        %dma_start3A_832 = tpu.memref_slice %arg7[%cond3A_316, %cond3A_317, %dma_start3A_831] : memref<10x2x64xi32, #tpu.memory_space<vmem>> -> memref<1x1x64xi32, #tpu.memory_space<vmem>>
        %dma_start3A_833 = tpu.memref_squeeze %dma_start3A_832 : memref<1x1x64xi32, #tpu.memory_space<vmem>> -> memref<64xi32, #tpu.memory_space<vmem>>
        %dma_start3A_834 = arith.constant 0 : i32
        %dma_start3A_835 = arith.constant 0 : i32
        %dma_start3A_836 = tpu.memref_slice %arg2[%dma_start3A_834, %dma_start3A_835] : memref<10000x128xf32, #tpu.memory_space<hbm>> -> memref<10000x128xf32, #tpu.memory_space<hbm>>
        tpu.enqueue_indirect_dma source(%dma_start3A_836 : memref<10000x128xf32, #tpu.memory_space<hbm>>) target(%arg12 : memref<64x128xf32, #tpu.memory_space<vmem>>) offsets(%dma_start3A_833 : memref<64xi32, #tpu.memory_space<vmem>>) semaphore(%arg15 : memref<!tpu.dma_semaphore, #tpu.memory_space<semaphore_mem>>)
      } else {
      }
      %eq3A_320 = arith.constant 1 : i32
      %eq3A_321 = arith.cmpi eq, %arg0, %eq3A_320 : i32
      %convert_element_type3A_322 = arith.extui %eq3A_321 : i1 to i32
      %cond3A_323 = arith.constant 8 : i32
      %cond3A_324 = arith.constant 0 : i32
      %cond3A_325 = arith.constant 0 : i32
      %cond3A_326 = arith.cmpi ne, %convert_element_type3A_322, %cond3A_325 : i32
      scf.if %cond3A_326 {
        %dma_start3A_831 = arith.constant 0 : i32
        %dma_start3A_832 = tpu.memref_slice %arg7[%cond3A_323, %cond3A_324, %dma_start3A_831] : memref<10x2x64xi32, #tpu.memory_space<vmem>> -> memref<1x1x64xi32, #tpu.memory_space<vmem>>
        %dma_start3A_833 = tpu.memref_squeeze %dma_start3A_832 : memref<1x1x64xi32, #tpu.memory_space<vmem>> -> memref<64xi32, #tpu.memory_space<vmem>>
        %dma_start3A_834 = arith.constant 0 : i32
        %dma_start3A_835 = arith.constant 0 : i32
        %dma_start3A_836 = tpu.memref_slice %arg3[%dma_start3A_834, %dma_start3A_835] : memref<10000x128xf32, #tpu.memory_space<hbm>> -> memref<10000x128xf32, #tpu.memory_space<hbm>>
        tpu.enqueue_indirect_dma source(%dma_start3A_836 : memref<10000x128xf32, #tpu.memory_space<hbm>>) target(%arg12 : memref<64x128xf32, #tpu.memory_space<vmem>>) offsets(%dma_start3A_833 : memref<64xi32, #tpu.memory_space<vmem>>) semaphore(%arg15 : memref<!tpu.dma_semaphore, #tpu.memory_space<semaphore_mem>>)
      } else {
      }
      %dma_start3A_327 = arith.constant 6 : i32
      %dma_start3A_328 = arith.constant 1 : i32
      %dma_start3A_329 = arith.constant 0 : i32
      %dma_start3A_330 = tpu.memref_slice %arg7[%dma_start3A_327, %dma_start3A_328, %dma_start3A_329] : memref<10x2x64xi32, #tpu.memory_space<vmem>> -> memref<1x1x64xi32, #tpu.memory_space<vmem>>
      %dma_start3A_331 = tpu.memref_squeeze %dma_start3A_330 : memref<1x1x64xi32, #tpu.memory_space<vmem>> -> memref<64xi32, #tpu.memory_space<vmem>>
      %dma_start3A_332 = arith.constant 0 : i32
      %dma_start3A_333 = arith.constant 0 : i32
      %dma_start3A_334 = tpu.memref_slice %arg14[%dma_start3A_332, %dma_start3A_333] : memref<10112x128xf32, #tpu.memory_space<vmem_shared>> -> memref<10112x128xf32, #tpu.memory_space<vmem_shared>>
      tpu.enqueue_indirect_dma source(%arg10 : memref<64x128xf32, #tpu.memory_space<vmem>>) target(%dma_start3A_334 : memref<10112x128xf32, #tpu.memory_space<vmem_shared>>) offsets(%dma_start3A_331 : memref<64xi32, #tpu.memory_space<vmem>>) semaphore(%arg18 : memref<!tpu.dma_semaphore, #tpu.memory_space<semaphore_mem>>) {add = true}
      %dma_wait3A_335 = arith.constant 0 : i32
      %dma_wait3A_336 = arith.constant 0 : i32
      %dma_wait3A_337 = arith.constant 0 : i32
      %dma_wait3A_338 = tpu.memref_slice %arg7[%dma_wait3A_335, %dma_wait3A_336, %dma_wait3A_337] : memref<10x2x64xi32, #tpu.memory_space<vmem>> -> memref<1x1x64xi32, #tpu.memory_space<vmem>>
      %dma_wait3A_339 = tpu.memref_squeeze %dma_wait3A_338 : memref<1x1x64xi32, #tpu.memory_space<vmem>> -> memref<64xi32, #tpu.memory_space<vmem>>
      %dma_wait3A_340 = arith.constant 0 : i32
      %dma_wait3A_341 = arith.constant 0 : i32
      %dma_wait3A_342 = tpu.memref_slice %arg2[%dma_wait3A_340, %dma_wait3A_341] : memref<10000x128xf32, #tpu.memory_space<hbm>> -> memref<10000x128xf32, #tpu.memory_space<hbm>>
      tpu.wait_indirect_dma semaphore(%arg15 : memref<!tpu.dma_semaphore, #tpu.memory_space<semaphore_mem>>) src(%dma_wait3A_342 : memref<10000x128xf32, #tpu.memory_space<hbm>>) dst(%arg11 : memref<64x128xf32, #tpu.memory_space<vmem>>)
      %dma_wait3A_343 = arith.constant 4 : i32
      %dma_wait3A_344 = arith.constant 1 : i32
      %dma_wait3A_345 = arith.constant 0 : i32
      %dma_wait3A_346 = tpu.memref_slice %arg7[%dma_wait3A_343, %dma_wait3A_344, %dma_wait3A_345] : memref<10x2x64xi32, #tpu.memory_space<vmem>> -> memref<1x1x64xi32, #tpu.memory_space<vmem>>
      %dma_wait3A_347 = tpu.memref_squeeze %dma_wait3A_346 : memref<1x1x64xi32, #tpu.memory_space<vmem>> -> memref<64xi32, #tpu.memory_space<vmem>>
      %dma_wait3A_348 = arith.constant 0 : i32
      %dma_wait3A_349 = arith.constant 0 : i32
      %dma_wait3A_350 = tpu.memref_slice %arg14[%dma_wait3A_348, %dma_wait3A_349] : memref<10112x128xf32, #tpu.memory_space<vmem_shared>> -> memref<10112x128xf32, #tpu.memory_space<vmem_shared>>
      tpu.wait_indirect_dma semaphore(%arg21 : memref<!tpu.dma_semaphore, #tpu.memory_space<semaphore_mem>>) src(%arg13 : memref<64x128xf32, #tpu.memory_space<vmem>>) dst(%dma_wait3A_350 : memref<10112x128xf32, #tpu.memory_space<vmem_shared>>)
      %eq3A_351 = arith.constant 0 : i32
      %eq3A_352 = arith.cmpi eq, %arg0, %eq3A_351 : i32
      %convert_element_type3A_353 = arith.extui %eq3A_352 : i1 to i32
      %cond3A_354 = arith.constant 9 : i32
      %cond3A_355 = arith.constant 0 : i32
      %cond3A_356 = arith.constant 0 : i32
      %cond3A_357 = arith.cmpi ne, %convert_element_type3A_353, %cond3A_356 : i32
      scf.if %cond3A_357 {
        %dma_start3A_831 = arith.constant 0 : i32
        %dma_start3A_832 = tpu.memref_slice %arg7[%cond3A_354, %cond3A_355, %dma_start3A_831] : memref<10x2x64xi32, #tpu.memory_space<vmem>> -> memref<1x1x64xi32, #tpu.memory_space<vmem>>
        %dma_start3A_833 = tpu.memref_squeeze %dma_start3A_832 : memref<1x1x64xi32, #tpu.memory_space<vmem>> -> memref<64xi32, #tpu.memory_space<vmem>>
        %dma_start3A_834 = arith.constant 0 : i32
        %dma_start3A_835 = arith.constant 0 : i32
        %dma_start3A_836 = tpu.memref_slice %arg2[%dma_start3A_834, %dma_start3A_835] : memref<10000x128xf32, #tpu.memory_space<hbm>> -> memref<10000x128xf32, #tpu.memory_space<hbm>>
        tpu.enqueue_indirect_dma source(%dma_start3A_836 : memref<10000x128xf32, #tpu.memory_space<hbm>>) target(%arg13 : memref<64x128xf32, #tpu.memory_space<vmem>>) offsets(%dma_start3A_833 : memref<64xi32, #tpu.memory_space<vmem>>) semaphore(%arg15 : memref<!tpu.dma_semaphore, #tpu.memory_space<semaphore_mem>>)
      } else {
      }
      %eq3A_358 = arith.constant 1 : i32
      %eq3A_359 = arith.cmpi eq, %arg0, %eq3A_358 : i32
      %convert_element_type3A_360 = arith.extui %eq3A_359 : i1 to i32
      %cond3A_361 = arith.constant 9 : i32
      %cond3A_362 = arith.constant 0 : i32
      %cond3A_363 = arith.constant 0 : i32
      %cond3A_364 = arith.cmpi ne, %convert_element_type3A_360, %cond3A_363 : i32
      scf.if %cond3A_364 {
        %dma_start3A_831 = arith.constant 0 : i32
        %dma_start3A_832 = tpu.memref_slice %arg7[%cond3A_361, %cond3A_362, %dma_start3A_831] : memref<10x2x64xi32, #tpu.memory_space<vmem>> -> memref<1x1x64xi32, #tpu.memory_space<vmem>>
        %dma_start3A_833 = tpu.memref_squeeze %dma_start3A_832 : memref<1x1x64xi32, #tpu.memory_space<vmem>> -> memref<64xi32, #tpu.memory_space<vmem>>
        %dma_start3A_834 = arith.constant 0 : i32
        %dma_start3A_835 = arith.constant 0 : i32
        %dma_start3A_836 = tpu.memref_slice %arg3[%dma_start3A_834, %dma_start3A_835] : memref<10000x128xf32, #tpu.memory_space<hbm>> -> memref<10000x128xf32, #tpu.memory_space<hbm>>
        tpu.enqueue_indirect_dma source(%dma_start3A_836 : memref<10000x128xf32, #tpu.memory_space<hbm>>) target(%arg13 : memref<64x128xf32, #tpu.memory_space<vmem>>) offsets(%dma_start3A_833 : memref<64xi32, #tpu.memory_space<vmem>>) semaphore(%arg15 : memref<!tpu.dma_semaphore, #tpu.memory_space<semaphore_mem>>)
      } else {
      }
      %dma_start3A_365 = arith.constant 7 : i32
      %dma_start3A_366 = arith.constant 1 : i32
      %dma_start3A_367 = arith.constant 0 : i32
      %dma_start3A_368 = tpu.memref_slice %arg7[%dma_start3A_365, %dma_start3A_366, %dma_start3A_367] : memref<10x2x64xi32, #tpu.memory_space<vmem>> -> memref<1x1x64xi32, #tpu.memory_space<vmem>>
      %dma_start3A_369 = tpu.memref_squeeze %dma_start3A_368 : memref<1x1x64xi32, #tpu.memory_space<vmem>> -> memref<64xi32, #tpu.memory_space<vmem>>
      %dma_start3A_370 = arith.constant 0 : i32
      %dma_start3A_371 = arith.constant 0 : i32
      %dma_start3A_372 = tpu.memref_slice %arg14[%dma_start3A_370, %dma_start3A_371] : memref<10112x128xf32, #tpu.memory_space<vmem_shared>> -> memref<10112x128xf32, #tpu.memory_space<vmem_shared>>
      tpu.enqueue_indirect_dma source(%arg11 : memref<64x128xf32, #tpu.memory_space<vmem>>) target(%dma_start3A_372 : memref<10112x128xf32, #tpu.memory_space<vmem_shared>>) offsets(%dma_start3A_369 : memref<64xi32, #tpu.memory_space<vmem>>) semaphore(%arg19 : memref<!tpu.dma_semaphore, #tpu.memory_space<semaphore_mem>>) {add = true}
      %dma_wait3A_373 = arith.constant 0 : i32
      %dma_wait3A_374 = arith.constant 0 : i32
      %dma_wait3A_375 = arith.constant 0 : i32
      %dma_wait3A_376 = tpu.memref_slice %arg7[%dma_wait3A_373, %dma_wait3A_374, %dma_wait3A_375] : memref<10x2x64xi32, #tpu.memory_space<vmem>> -> memref<1x1x64xi32, #tpu.memory_space<vmem>>
      %dma_wait3A_377 = tpu.memref_squeeze %dma_wait3A_376 : memref<1x1x64xi32, #tpu.memory_space<vmem>> -> memref<64xi32, #tpu.memory_space<vmem>>
      %dma_wait3A_378 = arith.constant 0 : i32
      %dma_wait3A_379 = arith.constant 0 : i32
      %dma_wait3A_380 = tpu.memref_slice %arg2[%dma_wait3A_378, %dma_wait3A_379] : memref<10000x128xf32, #tpu.memory_space<hbm>> -> memref<10000x128xf32, #tpu.memory_space<hbm>>
      tpu.wait_indirect_dma semaphore(%arg15 : memref<!tpu.dma_semaphore, #tpu.memory_space<semaphore_mem>>) src(%dma_wait3A_380 : memref<10000x128xf32, #tpu.memory_space<hbm>>) dst(%arg12 : memref<64x128xf32, #tpu.memory_space<vmem>>)
      %dma_wait3A_381 = arith.constant 5 : i32
      %dma_wait3A_382 = arith.constant 1 : i32
      %dma_wait3A_383 = arith.constant 0 : i32
      %dma_wait3A_384 = tpu.memref_slice %arg7[%dma_wait3A_381, %dma_wait3A_382, %dma_wait3A_383] : memref<10x2x64xi32, #tpu.memory_space<vmem>> -> memref<1x1x64xi32, #tpu.memory_space<vmem>>
      %dma_wait3A_385 = tpu.memref_squeeze %dma_wait3A_384 : memref<1x1x64xi32, #tpu.memory_space<vmem>> -> memref<64xi32, #tpu.memory_space<vmem>>
      %dma_wait3A_386 = arith.constant 0 : i32
      %dma_wait3A_387 = arith.constant 0 : i32
      %dma_wait3A_388 = tpu.memref_slice %arg14[%dma_wait3A_386, %dma_wait3A_387] : memref<10112x128xf32, #tpu.memory_space<vmem_shared>> -> memref<10112x128xf32, #tpu.memory_space<vmem_shared>>
      tpu.wait_indirect_dma semaphore(%arg17 : memref<!tpu.dma_semaphore, #tpu.memory_space<semaphore_mem>>) src(%arg9 : memref<64x128xf32, #tpu.memory_space<vmem>>) dst(%dma_wait3A_388 : memref<10112x128xf32, #tpu.memory_space<vmem_shared>>)
      %add3A_389 = arith.constant 1 : i32
      %add3A_390 = arith.addi %add3A_68, %add3A_389 : i32
      %mul3A_391 = arith.constant 10 : i32
      %mul3A_392 = arith.muli %add3A_390, %mul3A_391 : i32
      %add3A_393 = arith.addi %mul3A_4, %mul3A_392 : i32
      %dma_wait3A_394 = arith.constant 0 : i32
      %dma_wait3A_395 = arith.constant 0 : i32
      %dma_wait3A_396 = tpu.memref_slice %arg4[%add3A_393, %dma_wait3A_394, %dma_wait3A_395] : memref<5120x2x64xi32, #tpu.memory_space<hbm>> -> memref<10x2x64xi32, #tpu.memory_space<hbm>>
      %dma_wait3A_397 = arith.constant 0 : i32
      %dma_wait3A_398 = arith.constant 0 : i32
      %dma_wait3A_399 = tpu.memref_slice %arg4[%add3A_393, %dma_wait3A_397, %dma_wait3A_398] : memref<5120x2x64xi32, #tpu.memory_space<hbm>> -> memref<10x2x64xi32, #tpu.memory_space<hbm>>
      tpu.wait_dma2 semaphore(%arg16 : memref<!tpu.dma_semaphore, #tpu.memory_space<semaphore_mem>>) src(%dma_wait3A_399 : memref<10x2x64xi32, #tpu.memory_space<hbm>>) dst(%arg8 : memref<10x2x64xi32, #tpu.memory_space<vmem>>)
      %eq3A_400 = arith.constant 0 : i32
      %eq3A_401 = arith.cmpi eq, %arg0, %eq3A_400 : i32
      %convert_element_type3A_402 = arith.extui %eq3A_401 : i1 to i32
      %cond3A_403 = arith.constant 0 : i32
      %cond3A_404 = arith.constant 0 : i32
      %cond3A_405 = arith.constant 0 : i32
      %cond3A_406 = arith.cmpi ne, %convert_element_type3A_402, %cond3A_405 : i32
      scf.if %cond3A_406 {
        %dma_start3A_831 = arith.constant 0 : i32
        %dma_start3A_832 = tpu.memref_slice %arg8[%cond3A_403, %cond3A_404, %dma_start3A_831] : memref<10x2x64xi32, #tpu.memory_space<vmem>> -> memref<1x1x64xi32, #tpu.memory_space<vmem>>
        %dma_start3A_833 = tpu.memref_squeeze %dma_start3A_832 : memref<1x1x64xi32, #tpu.memory_space<vmem>> -> memref<64xi32, #tpu.memory_space<vmem>>
        %dma_start3A_834 = arith.constant 0 : i32
        %dma_start3A_835 = arith.constant 0 : i32
        %dma_start3A_836 = tpu.memref_slice %arg2[%dma_start3A_834, %dma_start3A_835] : memref<10000x128xf32, #tpu.memory_space<hbm>> -> memref<10000x128xf32, #tpu.memory_space<hbm>>
        tpu.enqueue_indirect_dma source(%dma_start3A_836 : memref<10000x128xf32, #tpu.memory_space<hbm>>) target(%arg9 : memref<64x128xf32, #tpu.memory_space<vmem>>) offsets(%dma_start3A_833 : memref<64xi32, #tpu.memory_space<vmem>>) semaphore(%arg15 : memref<!tpu.dma_semaphore, #tpu.memory_space<semaphore_mem>>)
      } else {
      }
      %eq3A_407 = arith.constant 1 : i32
      %eq3A_408 = arith.cmpi eq, %arg0, %eq3A_407 : i32
      %convert_element_type3A_409 = arith.extui %eq3A_408 : i1 to i32
      %cond3A_410 = arith.constant 0 : i32
      %cond3A_411 = arith.constant 0 : i32
      %cond3A_412 = arith.constant 0 : i32
      %cond3A_413 = arith.cmpi ne, %convert_element_type3A_409, %cond3A_412 : i32
      scf.if %cond3A_413 {
        %dma_start3A_831 = arith.constant 0 : i32
        %dma_start3A_832 = tpu.memref_slice %arg8[%cond3A_410, %cond3A_411, %dma_start3A_831] : memref<10x2x64xi32, #tpu.memory_space<vmem>> -> memref<1x1x64xi32, #tpu.memory_space<vmem>>
        %dma_start3A_833 = tpu.memref_squeeze %dma_start3A_832 : memref<1x1x64xi32, #tpu.memory_space<vmem>> -> memref<64xi32, #tpu.memory_space<vmem>>
        %dma_start3A_834 = arith.constant 0 : i32
        %dma_start3A_835 = arith.constant 0 : i32
        %dma_start3A_836 = tpu.memref_slice %arg3[%dma_start3A_834, %dma_start3A_835] : memref<10000x128xf32, #tpu.memory_space<hbm>> -> memref<10000x128xf32, #tpu.memory_space<hbm>>
        tpu.enqueue_indirect_dma source(%dma_start3A_836 : memref<10000x128xf32, #tpu.memory_space<hbm>>) target(%arg9 : memref<64x128xf32, #tpu.memory_space<vmem>>) offsets(%dma_start3A_833 : memref<64xi32, #tpu.memory_space<vmem>>) semaphore(%arg15 : memref<!tpu.dma_semaphore, #tpu.memory_space<semaphore_mem>>)
      } else {
      }
      %dma_start3A_414 = arith.constant 8 : i32
      %dma_start3A_415 = arith.constant 1 : i32
      %dma_start3A_416 = arith.constant 0 : i32
      %dma_start3A_417 = tpu.memref_slice %arg7[%dma_start3A_414, %dma_start3A_415, %dma_start3A_416] : memref<10x2x64xi32, #tpu.memory_space<vmem>> -> memref<1x1x64xi32, #tpu.memory_space<vmem>>
      %dma_start3A_418 = tpu.memref_squeeze %dma_start3A_417 : memref<1x1x64xi32, #tpu.memory_space<vmem>> -> memref<64xi32, #tpu.memory_space<vmem>>
      %dma_start3A_419 = arith.constant 0 : i32
      %dma_start3A_420 = arith.constant 0 : i32
      %dma_start3A_421 = tpu.memref_slice %arg14[%dma_start3A_419, %dma_start3A_420] : memref<10112x128xf32, #tpu.memory_space<vmem_shared>> -> memref<10112x128xf32, #tpu.memory_space<vmem_shared>>
      tpu.enqueue_indirect_dma source(%arg12 : memref<64x128xf32, #tpu.memory_space<vmem>>) target(%dma_start3A_421 : memref<10112x128xf32, #tpu.memory_space<vmem_shared>>) offsets(%dma_start3A_418 : memref<64xi32, #tpu.memory_space<vmem>>) semaphore(%arg20 : memref<!tpu.dma_semaphore, #tpu.memory_space<semaphore_mem>>) {add = true}
      %dma_wait3A_422 = arith.constant 0 : i32
      %dma_wait3A_423 = arith.constant 0 : i32
      %dma_wait3A_424 = arith.constant 0 : i32
      %dma_wait3A_425 = tpu.memref_slice %arg7[%dma_wait3A_422, %dma_wait3A_423, %dma_wait3A_424] : memref<10x2x64xi32, #tpu.memory_space<vmem>> -> memref<1x1x64xi32, #tpu.memory_space<vmem>>
      %dma_wait3A_426 = tpu.memref_squeeze %dma_wait3A_425 : memref<1x1x64xi32, #tpu.memory_space<vmem>> -> memref<64xi32, #tpu.memory_space<vmem>>
      %dma_wait3A_427 = arith.constant 0 : i32
      %dma_wait3A_428 = arith.constant 0 : i32
      %dma_wait3A_429 = tpu.memref_slice %arg2[%dma_wait3A_427, %dma_wait3A_428] : memref<10000x128xf32, #tpu.memory_space<hbm>> -> memref<10000x128xf32, #tpu.memory_space<hbm>>
      tpu.wait_indirect_dma semaphore(%arg15 : memref<!tpu.dma_semaphore, #tpu.memory_space<semaphore_mem>>) src(%dma_wait3A_429 : memref<10000x128xf32, #tpu.memory_space<hbm>>) dst(%arg13 : memref<64x128xf32, #tpu.memory_space<vmem>>)
      %dma_wait3A_430 = arith.constant 6 : i32
      %dma_wait3A_431 = arith.constant 1 : i32
      %dma_wait3A_432 = arith.constant 0 : i32
      %dma_wait3A_433 = tpu.memref_slice %arg7[%dma_wait3A_430, %dma_wait3A_431, %dma_wait3A_432] : memref<10x2x64xi32, #tpu.memory_space<vmem>> -> memref<1x1x64xi32, #tpu.memory_space<vmem>>
      %dma_wait3A_434 = tpu.memref_squeeze %dma_wait3A_433 : memref<1x1x64xi32, #tpu.memory_space<vmem>> -> memref<64xi32, #tpu.memory_space<vmem>>
      %dma_wait3A_435 = arith.constant 0 : i32
      %dma_wait3A_436 = arith.constant 0 : i32
      %dma_wait3A_437 = tpu.memref_slice %arg14[%dma_wait3A_435, %dma_wait3A_436] : memref<10112x128xf32, #tpu.memory_space<vmem_shared>> -> memref<10112x128xf32, #tpu.memory_space<vmem_shared>>
      tpu.wait_indirect_dma semaphore(%arg18 : memref<!tpu.dma_semaphore, #tpu.memory_space<semaphore_mem>>) src(%arg10 : memref<64x128xf32, #tpu.memory_space<vmem>>) dst(%dma_wait3A_437 : memref<10112x128xf32, #tpu.memory_space<vmem_shared>>)
      %eq3A_438 = arith.constant 0 : i32
      %eq3A_439 = arith.cmpi eq, %arg0, %eq3A_438 : i32
      %convert_element_type3A_440 = arith.extui %eq3A_439 : i1 to i32
      %cond3A_441 = arith.constant 1 : i32
      %cond3A_442 = arith.constant 0 : i32
      %cond3A_443 = arith.constant 0 : i32
      %cond3A_444 = arith.cmpi ne, %convert_element_type3A_440, %cond3A_443 : i32
      scf.if %cond3A_444 {
        %dma_start3A_831 = arith.constant 0 : i32
        %dma_start3A_832 = tpu.memref_slice %arg8[%cond3A_441, %cond3A_442, %dma_start3A_831] : memref<10x2x64xi32, #tpu.memory_space<vmem>> -> memref<1x1x64xi32, #tpu.memory_space<vmem>>
        %dma_start3A_833 = tpu.memref_squeeze %dma_start3A_832 : memref<1x1x64xi32, #tpu.memory_space<vmem>> -> memref<64xi32, #tpu.memory_space<vmem>>
        %dma_start3A_834 = arith.constant 0 : i32
        %dma_start3A_835 = arith.constant 0 : i32
        %dma_start3A_836 = tpu.memref_slice %arg2[%dma_start3A_834, %dma_start3A_835] : memref<10000x128xf32, #tpu.memory_space<hbm>> -> memref<10000x128xf32, #tpu.memory_space<hbm>>
        tpu.enqueue_indirect_dma source(%dma_start3A_836 : memref<10000x128xf32, #tpu.memory_space<hbm>>) target(%arg10 : memref<64x128xf32, #tpu.memory_space<vmem>>) offsets(%dma_start3A_833 : memref<64xi32, #tpu.memory_space<vmem>>) semaphore(%arg15 : memref<!tpu.dma_semaphore, #tpu.memory_space<semaphore_mem>>)
      } else {
      }
      %eq3A_445 = arith.constant 1 : i32
      %eq3A_446 = arith.cmpi eq, %arg0, %eq3A_445 : i32
      %convert_element_type3A_447 = arith.extui %eq3A_446 : i1 to i32
      %cond3A_448 = arith.constant 1 : i32
      %cond3A_449 = arith.constant 0 : i32
      %cond3A_450 = arith.constant 0 : i32
      %cond3A_451 = arith.cmpi ne, %convert_element_type3A_447, %cond3A_450 : i32
      scf.if %cond3A_451 {
        %dma_start3A_831 = arith.constant 0 : i32
        %dma_start3A_832 = tpu.memref_slice %arg8[%cond3A_448, %cond3A_449, %dma_start3A_831] : memref<10x2x64xi32, #tpu.memory_space<vmem>> -> memref<1x1x64xi32, #tpu.memory_space<vmem>>
        %dma_start3A_833 = tpu.memref_squeeze %dma_start3A_832 : memref<1x1x64xi32, #tpu.memory_space<vmem>> -> memref<64xi32, #tpu.memory_space<vmem>>
        %dma_start3A_834 = arith.constant 0 : i32
        %dma_start3A_835 = arith.constant 0 : i32
        %dma_start3A_836 = tpu.memref_slice %arg3[%dma_start3A_834, %dma_start3A_835] : memref<10000x128xf32, #tpu.memory_space<hbm>> -> memref<10000x128xf32, #tpu.memory_space<hbm>>
        tpu.enqueue_indirect_dma source(%dma_start3A_836 : memref<10000x128xf32, #tpu.memory_space<hbm>>) target(%arg10 : memref<64x128xf32, #tpu.memory_space<vmem>>) offsets(%dma_start3A_833 : memref<64xi32, #tpu.memory_space<vmem>>) semaphore(%arg15 : memref<!tpu.dma_semaphore, #tpu.memory_space<semaphore_mem>>)
      } else {
      }
      %dma_start3A_452 = arith.constant 9 : i32
      %dma_start3A_453 = arith.constant 1 : i32
      %dma_start3A_454 = arith.constant 0 : i32
      %dma_start3A_455 = tpu.memref_slice %arg7[%dma_start3A_452, %dma_start3A_453, %dma_start3A_454] : memref<10x2x64xi32, #tpu.memory_space<vmem>> -> memref<1x1x64xi32, #tpu.memory_space<vmem>>
      %dma_start3A_456 = tpu.memref_squeeze %dma_start3A_455 : memref<1x1x64xi32, #tpu.memory_space<vmem>> -> memref<64xi32, #tpu.memory_space<vmem>>
      %dma_start3A_457 = arith.constant 0 : i32
      %dma_start3A_458 = arith.constant 0 : i32
      %dma_start3A_459 = tpu.memref_slice %arg14[%dma_start3A_457, %dma_start3A_458] : memref<10112x128xf32, #tpu.memory_space<vmem_shared>> -> memref<10112x128xf32, #tpu.memory_space<vmem_shared>>
      tpu.enqueue_indirect_dma source(%arg13 : memref<64x128xf32, #tpu.memory_space<vmem>>) target(%dma_start3A_459 : memref<10112x128xf32, #tpu.memory_space<vmem_shared>>) offsets(%dma_start3A_456 : memref<64xi32, #tpu.memory_space<vmem>>) semaphore(%arg21 : memref<!tpu.dma_semaphore, #tpu.memory_space<semaphore_mem>>) {add = true}
      %mul3A_460 = arith.constant 2 : i32
      %mul3A_461 = arith.muli %mul3A_460, %scan3A_64 : i32
      %add3A_462 = arith.constant 1 : i32
      %add3A_463 = arith.addi %mul3A_461, %add3A_462 : i32
      %dma_wait3A_464 = arith.constant 0 : i32
      %dma_wait3A_465 = arith.constant 0 : i32
      %dma_wait3A_466 = arith.constant 0 : i32
      %dma_wait3A_467 = tpu.memref_slice %arg7[%dma_wait3A_464, %dma_wait3A_465, %dma_wait3A_466] : memref<10x2x64xi32, #tpu.memory_space<vmem>> -> memref<1x1x64xi32, #tpu.memory_space<vmem>>
      %dma_wait3A_468 = tpu.memref_squeeze %dma_wait3A_467 : memref<1x1x64xi32, #tpu.memory_space<vmem>> -> memref<64xi32, #tpu.memory_space<vmem>>
      %dma_wait3A_469 = arith.constant 0 : i32
      %dma_wait3A_470 = arith.constant 0 : i32
      %dma_wait3A_471 = tpu.memref_slice %arg2[%dma_wait3A_469, %dma_wait3A_470] : memref<10000x128xf32, #tpu.memory_space<hbm>> -> memref<10000x128xf32, #tpu.memory_space<hbm>>
      tpu.wait_indirect_dma semaphore(%arg15 : memref<!tpu.dma_semaphore, #tpu.memory_space<semaphore_mem>>) src(%dma_wait3A_471 : memref<10000x128xf32, #tpu.memory_space<hbm>>) dst(%arg9 : memref<64x128xf32, #tpu.memory_space<vmem>>)
      %dma_wait3A_472 = arith.constant 7 : i32
      %dma_wait3A_473 = arith.constant 1 : i32
      %dma_wait3A_474 = arith.constant 0 : i32
      %dma_wait3A_475 = tpu.memref_slice %arg7[%dma_wait3A_472, %dma_wait3A_473, %dma_wait3A_474] : memref<10x2x64xi32, #tpu.memory_space<vmem>> -> memref<1x1x64xi32, #tpu.memory_space<vmem>>
      %dma_wait3A_476 = tpu.memref_squeeze %dma_wait3A_475 : memref<1x1x64xi32, #tpu.memory_space<vmem>> -> memref<64xi32, #tpu.memory_space<vmem>>
      %dma_wait3A_477 = arith.constant 0 : i32
      %dma_wait3A_478 = arith.constant 0 : i32
      %dma_wait3A_479 = tpu.memref_slice %arg14[%dma_wait3A_477, %dma_wait3A_478] : memref<10112x128xf32, #tpu.memory_space<vmem_shared>> -> memref<10112x128xf32, #tpu.memory_space<vmem_shared>>
      tpu.wait_indirect_dma semaphore(%arg19 : memref<!tpu.dma_semaphore, #tpu.memory_space<semaphore_mem>>) src(%arg11 : memref<64x128xf32, #tpu.memory_space<vmem>>) dst(%dma_wait3A_479 : memref<10112x128xf32, #tpu.memory_space<vmem_shared>>)
      %eq3A_480 = arith.constant 0 : i32
      %eq3A_481 = arith.cmpi eq, %arg0, %eq3A_480 : i32
      %convert_element_type3A_482 = arith.extui %eq3A_481 : i1 to i32
      %cond3A_483 = arith.constant 2 : i32
      %cond3A_484 = arith.constant 0 : i32
      %cond3A_485 = arith.constant 0 : i32
      %cond3A_486 = arith.cmpi ne, %convert_element_type3A_482, %cond3A_485 : i32
      scf.if %cond3A_486 {
        %dma_start3A_831 = arith.constant 0 : i32
        %dma_start3A_832 = tpu.memref_slice %arg8[%cond3A_483, %cond3A_484, %dma_start3A_831] : memref<10x2x64xi32, #tpu.memory_space<vmem>> -> memref<1x1x64xi32, #tpu.memory_space<vmem>>
        %dma_start3A_833 = tpu.memref_squeeze %dma_start3A_832 : memref<1x1x64xi32, #tpu.memory_space<vmem>> -> memref<64xi32, #tpu.memory_space<vmem>>
        %dma_start3A_834 = arith.constant 0 : i32
        %dma_start3A_835 = arith.constant 0 : i32
        %dma_start3A_836 = tpu.memref_slice %arg2[%dma_start3A_834, %dma_start3A_835] : memref<10000x128xf32, #tpu.memory_space<hbm>> -> memref<10000x128xf32, #tpu.memory_space<hbm>>
        tpu.enqueue_indirect_dma source(%dma_start3A_836 : memref<10000x128xf32, #tpu.memory_space<hbm>>) target(%arg11 : memref<64x128xf32, #tpu.memory_space<vmem>>) offsets(%dma_start3A_833 : memref<64xi32, #tpu.memory_space<vmem>>) semaphore(%arg15 : memref<!tpu.dma_semaphore, #tpu.memory_space<semaphore_mem>>)
      } else {
      }
      %eq3A_487 = arith.constant 1 : i32
      %eq3A_488 = arith.cmpi eq, %arg0, %eq3A_487 : i32
      %convert_element_type3A_489 = arith.extui %eq3A_488 : i1 to i32
      %cond3A_490 = arith.constant 2 : i32
      %cond3A_491 = arith.constant 0 : i32
      %cond3A_492 = arith.constant 0 : i32
      %cond3A_493 = arith.cmpi ne, %convert_element_type3A_489, %cond3A_492 : i32
      scf.if %cond3A_493 {
        %dma_start3A_831 = arith.constant 0 : i32
        %dma_start3A_832 = tpu.memref_slice %arg8[%cond3A_490, %cond3A_491, %dma_start3A_831] : memref<10x2x64xi32, #tpu.memory_space<vmem>> -> memref<1x1x64xi32, #tpu.memory_space<vmem>>
        %dma_start3A_833 = tpu.memref_squeeze %dma_start3A_832 : memref<1x1x64xi32, #tpu.memory_space<vmem>> -> memref<64xi32, #tpu.memory_space<vmem>>
        %dma_start3A_834 = arith.constant 0 : i32
        %dma_start3A_835 = arith.constant 0 : i32
        %dma_start3A_836 = tpu.memref_slice %arg3[%dma_start3A_834, %dma_start3A_835] : memref<10000x128xf32, #tpu.memory_space<hbm>> -> memref<10000x128xf32, #tpu.memory_space<hbm>>
        tpu.enqueue_indirect_dma source(%dma_start3A_836 : memref<10000x128xf32, #tpu.memory_space<hbm>>) target(%arg11 : memref<64x128xf32, #tpu.memory_space<vmem>>) offsets(%dma_start3A_833 : memref<64xi32, #tpu.memory_space<vmem>>) semaphore(%arg15 : memref<!tpu.dma_semaphore, #tpu.memory_space<semaphore_mem>>)
      } else {
      }
      %dma_start3A_494 = arith.constant 0 : i32
      %dma_start3A_495 = arith.constant 1 : i32
      %dma_start3A_496 = arith.constant 0 : i32
      %dma_start3A_497 = tpu.memref_slice %arg8[%dma_start3A_494, %dma_start3A_495, %dma_start3A_496] : memref<10x2x64xi32, #tpu.memory_space<vmem>> -> memref<1x1x64xi32, #tpu.memory_space<vmem>>
      %dma_start3A_498 = tpu.memref_squeeze %dma_start3A_497 : memref<1x1x64xi32, #tpu.memory_space<vmem>> -> memref<64xi32, #tpu.memory_space<vmem>>
      %dma_start3A_499 = arith.constant 0 : i32
      %dma_start3A_500 = arith.constant 0 : i32
      %dma_start3A_501 = tpu.memref_slice %arg14[%dma_start3A_499, %dma_start3A_500] : memref<10112x128xf32, #tpu.memory_space<vmem_shared>> -> memref<10112x128xf32, #tpu.memory_space<vmem_shared>>
      tpu.enqueue_indirect_dma source(%arg9 : memref<64x128xf32, #tpu.memory_space<vmem>>) target(%dma_start3A_501 : memref<10112x128xf32, #tpu.memory_space<vmem_shared>>) offsets(%dma_start3A_498 : memref<64xi32, #tpu.memory_space<vmem>>) semaphore(%arg17 : memref<!tpu.dma_semaphore, #tpu.memory_space<semaphore_mem>>) {add = true}
      %dma_wait3A_502 = arith.constant 0 : i32
      %dma_wait3A_503 = arith.constant 0 : i32
      %dma_wait3A_504 = arith.constant 0 : i32
      %dma_wait3A_505 = tpu.memref_slice %arg7[%dma_wait3A_502, %dma_wait3A_503, %dma_wait3A_504] : memref<10x2x64xi32, #tpu.memory_space<vmem>> -> memref<1x1x64xi32, #tpu.memory_space<vmem>>
      %dma_wait3A_506 = tpu.memref_squeeze %dma_wait3A_505 : memref<1x1x64xi32, #tpu.memory_space<vmem>> -> memref<64xi32, #tpu.memory_space<vmem>>
      %dma_wait3A_507 = arith.constant 0 : i32
      %dma_wait3A_508 = arith.constant 0 : i32
      %dma_wait3A_509 = tpu.memref_slice %arg2[%dma_wait3A_507, %dma_wait3A_508] : memref<10000x128xf32, #tpu.memory_space<hbm>> -> memref<10000x128xf32, #tpu.memory_space<hbm>>
      tpu.wait_indirect_dma semaphore(%arg15 : memref<!tpu.dma_semaphore, #tpu.memory_space<semaphore_mem>>) src(%dma_wait3A_509 : memref<10000x128xf32, #tpu.memory_space<hbm>>) dst(%arg10 : memref<64x128xf32, #tpu.memory_space<vmem>>)
      %dma_wait3A_510 = arith.constant 8 : i32
      %dma_wait3A_511 = arith.constant 1 : i32
      %dma_wait3A_512 = arith.constant 0 : i32
      %dma_wait3A_513 = tpu.memref_slice %arg7[%dma_wait3A_510, %dma_wait3A_511, %dma_wait3A_512] : memref<10x2x64xi32, #tpu.memory_space<vmem>> -> memref<1x1x64xi32, #tpu.memory_space<vmem>>
      %dma_wait3A_514 = tpu.memref_squeeze %dma_wait3A_513 : memref<1x1x64xi32, #tpu.memory_space<vmem>> -> memref<64xi32, #tpu.memory_space<vmem>>
      %dma_wait3A_515 = arith.constant 0 : i32
      %dma_wait3A_516 = arith.constant 0 : i32
      %dma_wait3A_517 = tpu.memref_slice %arg14[%dma_wait3A_515, %dma_wait3A_516] : memref<10112x128xf32, #tpu.memory_space<vmem_shared>> -> memref<10112x128xf32, #tpu.memory_space<vmem_shared>>
      tpu.wait_indirect_dma semaphore(%arg20 : memref<!tpu.dma_semaphore, #tpu.memory_space<semaphore_mem>>) src(%arg12 : memref<64x128xf32, #tpu.memory_space<vmem>>) dst(%dma_wait3A_517 : memref<10112x128xf32, #tpu.memory_space<vmem_shared>>)
      %eq3A_518 = arith.constant 0 : i32
      %eq3A_519 = arith.cmpi eq, %arg0, %eq3A_518 : i32
      %convert_element_type3A_520 = arith.extui %eq3A_519 : i1 to i32
      %cond3A_521 = arith.constant 3 : i32
      %cond3A_522 = arith.constant 0 : i32
      %cond3A_523 = arith.constant 0 : i32
      %cond3A_524 = arith.cmpi ne, %convert_element_type3A_520, %cond3A_523 : i32
      scf.if %cond3A_524 {
        %dma_start3A_831 = arith.constant 0 : i32
        %dma_start3A_832 = tpu.memref_slice %arg8[%cond3A_521, %cond3A_522, %dma_start3A_831] : memref<10x2x64xi32, #tpu.memory_space<vmem>> -> memref<1x1x64xi32, #tpu.memory_space<vmem>>
        %dma_start3A_833 = tpu.memref_squeeze %dma_start3A_832 : memref<1x1x64xi32, #tpu.memory_space<vmem>> -> memref<64xi32, #tpu.memory_space<vmem>>
        %dma_start3A_834 = arith.constant 0 : i32
        %dma_start3A_835 = arith.constant 0 : i32
        %dma_start3A_836 = tpu.memref_slice %arg2[%dma_start3A_834, %dma_start3A_835] : memref<10000x128xf32, #tpu.memory_space<hbm>> -> memref<10000x128xf32, #tpu.memory_space<hbm>>
        tpu.enqueue_indirect_dma source(%dma_start3A_836 : memref<10000x128xf32, #tpu.memory_space<hbm>>) target(%arg12 : memref<64x128xf32, #tpu.memory_space<vmem>>) offsets(%dma_start3A_833 : memref<64xi32, #tpu.memory_space<vmem>>) semaphore(%arg15 : memref<!tpu.dma_semaphore, #tpu.memory_space<semaphore_mem>>)
      } else {
      }
      %eq3A_525 = arith.constant 1 : i32
      %eq3A_526 = arith.cmpi eq, %arg0, %eq3A_525 : i32
      %convert_element_type3A_527 = arith.extui %eq3A_526 : i1 to i32
      %cond3A_528 = arith.constant 3 : i32
      %cond3A_529 = arith.constant 0 : i32
      %cond3A_530 = arith.constant 0 : i32
      %cond3A_531 = arith.cmpi ne, %convert_element_type3A_527, %cond3A_530 : i32
      scf.if %cond3A_531 {
        %dma_start3A_831 = arith.constant 0 : i32
        %dma_start3A_832 = tpu.memref_slice %arg8[%cond3A_528, %cond3A_529, %dma_start3A_831] : memref<10x2x64xi32, #tpu.memory_space<vmem>> -> memref<1x1x64xi32, #tpu.memory_space<vmem>>
        %dma_start3A_833 = tpu.memref_squeeze %dma_start3A_832 : memref<1x1x64xi32, #tpu.memory_space<vmem>> -> memref<64xi32, #tpu.memory_space<vmem>>
        %dma_start3A_834 = arith.constant 0 : i32
        %dma_start3A_835 = arith.constant 0 : i32
        %dma_start3A_836 = tpu.memref_slice %arg3[%dma_start3A_834, %dma_start3A_835] : memref<10000x128xf32, #tpu.memory_space<hbm>> -> memref<10000x128xf32, #tpu.memory_space<hbm>>
        tpu.enqueue_indirect_dma source(%dma_start3A_836 : memref<10000x128xf32, #tpu.memory_space<hbm>>) target(%arg12 : memref<64x128xf32, #tpu.memory_space<vmem>>) offsets(%dma_start3A_833 : memref<64xi32, #tpu.memory_space<vmem>>) semaphore(%arg15 : memref<!tpu.dma_semaphore, #tpu.memory_space<semaphore_mem>>)
      } else {
      }
      %dma_start3A_532 = arith.constant 1 : i32
      %dma_start3A_533 = arith.constant 1 : i32
      %dma_start3A_534 = arith.constant 0 : i32
      %dma_start3A_535 = tpu.memref_slice %arg8[%dma_start3A_532, %dma_start3A_533, %dma_start3A_534] : memref<10x2x64xi32, #tpu.memory_space<vmem>> -> memref<1x1x64xi32, #tpu.memory_space<vmem>>
      %dma_start3A_536 = tpu.memref_squeeze %dma_start3A_535 : memref<1x1x64xi32, #tpu.memory_space<vmem>> -> memref<64xi32, #tpu.memory_space<vmem>>
      %dma_start3A_537 = arith.constant 0 : i32
      %dma_start3A_538 = arith.constant 0 : i32
      %dma_start3A_539 = tpu.memref_slice %arg14[%dma_start3A_537, %dma_start3A_538] : memref<10112x128xf32, #tpu.memory_space<vmem_shared>> -> memref<10112x128xf32, #tpu.memory_space<vmem_shared>>
      tpu.enqueue_indirect_dma source(%arg10 : memref<64x128xf32, #tpu.memory_space<vmem>>) target(%dma_start3A_539 : memref<10112x128xf32, #tpu.memory_space<vmem_shared>>) offsets(%dma_start3A_536 : memref<64xi32, #tpu.memory_space<vmem>>) semaphore(%arg18 : memref<!tpu.dma_semaphore, #tpu.memory_space<semaphore_mem>>) {add = true}
      %dma_wait3A_540 = arith.constant 0 : i32
      %dma_wait3A_541 = arith.constant 0 : i32
      %dma_wait3A_542 = arith.constant 0 : i32
      %dma_wait3A_543 = tpu.memref_slice %arg7[%dma_wait3A_540, %dma_wait3A_541, %dma_wait3A_542] : memref<10x2x64xi32, #tpu.memory_space<vmem>> -> memref<1x1x64xi32, #tpu.memory_space<vmem>>
      %dma_wait3A_544 = tpu.memref_squeeze %dma_wait3A_543 : memref<1x1x64xi32, #tpu.memory_space<vmem>> -> memref<64xi32, #tpu.memory_space<vmem>>
      %dma_wait3A_545 = arith.constant 0 : i32
      %dma_wait3A_546 = arith.constant 0 : i32
      %dma_wait3A_547 = tpu.memref_slice %arg2[%dma_wait3A_545, %dma_wait3A_546] : memref<10000x128xf32, #tpu.memory_space<hbm>> -> memref<10000x128xf32, #tpu.memory_space<hbm>>
      tpu.wait_indirect_dma semaphore(%arg15 : memref<!tpu.dma_semaphore, #tpu.memory_space<semaphore_mem>>) src(%dma_wait3A_547 : memref<10000x128xf32, #tpu.memory_space<hbm>>) dst(%arg11 : memref<64x128xf32, #tpu.memory_space<vmem>>)
      %dma_wait3A_548 = arith.constant 9 : i32
      %dma_wait3A_549 = arith.constant 1 : i32
      %dma_wait3A_550 = arith.constant 0 : i32
      %dma_wait3A_551 = tpu.memref_slice %arg7[%dma_wait3A_548, %dma_wait3A_549, %dma_wait3A_550] : memref<10x2x64xi32, #tpu.memory_space<vmem>> -> memref<1x1x64xi32, #tpu.memory_space<vmem>>
      %dma_wait3A_552 = tpu.memref_squeeze %dma_wait3A_551 : memref<1x1x64xi32, #tpu.memory_space<vmem>> -> memref<64xi32, #tpu.memory_space<vmem>>
      %dma_wait3A_553 = arith.constant 0 : i32
      %dma_wait3A_554 = arith.constant 0 : i32
      %dma_wait3A_555 = tpu.memref_slice %arg14[%dma_wait3A_553, %dma_wait3A_554] : memref<10112x128xf32, #tpu.memory_space<vmem_shared>> -> memref<10112x128xf32, #tpu.memory_space<vmem_shared>>
      tpu.wait_indirect_dma semaphore(%arg21 : memref<!tpu.dma_semaphore, #tpu.memory_space<semaphore_mem>>) src(%arg13 : memref<64x128xf32, #tpu.memory_space<vmem>>) dst(%dma_wait3A_555 : memref<10112x128xf32, #tpu.memory_space<vmem_shared>>)
      %lt3A = arith.constant 15 : i32
      %lt3A_556 = arith.cmpi slt, %scan3A_64, %lt3A : i32
      %convert_element_type3A_557 = arith.extui %lt3A_556 : i1 to i32
      %cond3A_558 = arith.constant 0 : i32
      %cond3A_559 = arith.cmpi ne, %convert_element_type3A_557, %cond3A_558 : i32
      scf.if %cond3A_559 {
        %add3A_831 = arith.constant 1 : i32
        %add3A_832 = arith.addi %add3A_463, %add3A_831 : i32
        %mul3A_833 = arith.constant 10 : i32
        %mul3A_834 = arith.muli %add3A_832, %mul3A_833 : i32
        %add3A_835 = arith.addi %mul3A_4, %mul3A_834 : i32
        %dma_start3A_836 = arith.constant 0 : i32
        %dma_start3A_837 = arith.constant 0 : i32
        %dma_start3A_838 = tpu.memref_slice %arg4[%add3A_835, %dma_start3A_836, %dma_start3A_837] : memref<5120x2x64xi32, #tpu.memory_space<hbm>> -> memref<10x2x64xi32, #tpu.memory_space<hbm>>
        %dma_start3A_839 = arith.constant 0 : i32
        %dma_start3A_840 = arith.constant 0 : i32
        %dma_start3A_841 = tpu.memref_slice %arg4[%add3A_835, %dma_start3A_839, %dma_start3A_840] : memref<5120x2x64xi32, #tpu.memory_space<hbm>> -> memref<10x2x64xi32, #tpu.memory_space<hbm>>
        tpu.enqueue_dma source(%dma_start3A_841 : memref<10x2x64xi32, #tpu.memory_space<hbm>>) target(%arg7 : memref<10x2x64xi32, #tpu.memory_space<vmem>>) target_semaphore(%arg16 : memref<!tpu.dma_semaphore, #tpu.memory_space<semaphore_mem>>)
      } else {
      }
      %eq3A_560 = arith.constant 0 : i32
      %eq3A_561 = arith.cmpi eq, %arg0, %eq3A_560 : i32
      %convert_element_type3A_562 = arith.extui %eq3A_561 : i1 to i32
      %cond3A_563 = arith.constant 4 : i32
      %cond3A_564 = arith.constant 0 : i32
      %cond3A_565 = arith.constant 0 : i32
      %cond3A_566 = arith.cmpi ne, %convert_element_type3A_562, %cond3A_565 : i32
      scf.if %cond3A_566 {
        %dma_start3A_831 = arith.constant 0 : i32
        %dma_start3A_832 = tpu.memref_slice %arg8[%cond3A_563, %cond3A_564, %dma_start3A_831] : memref<10x2x64xi32, #tpu.memory_space<vmem>> -> memref<1x1x64xi32, #tpu.memory_space<vmem>>
        %dma_start3A_833 = tpu.memref_squeeze %dma_start3A_832 : memref<1x1x64xi32, #tpu.memory_space<vmem>> -> memref<64xi32, #tpu.memory_space<vmem>>
        %dma_start3A_834 = arith.constant 0 : i32
        %dma_start3A_835 = arith.constant 0 : i32
        %dma_start3A_836 = tpu.memref_slice %arg2[%dma_start3A_834, %dma_start3A_835] : memref<10000x128xf32, #tpu.memory_space<hbm>> -> memref<10000x128xf32, #tpu.memory_space<hbm>>
        tpu.enqueue_indirect_dma source(%dma_start3A_836 : memref<10000x128xf32, #tpu.memory_space<hbm>>) target(%arg13 : memref<64x128xf32, #tpu.memory_space<vmem>>) offsets(%dma_start3A_833 : memref<64xi32, #tpu.memory_space<vmem>>) semaphore(%arg15 : memref<!tpu.dma_semaphore, #tpu.memory_space<semaphore_mem>>)
      } else {
      }
      %eq3A_567 = arith.constant 1 : i32
      %eq3A_568 = arith.cmpi eq, %arg0, %eq3A_567 : i32
      %convert_element_type3A_569 = arith.extui %eq3A_568 : i1 to i32
      %cond3A_570 = arith.constant 4 : i32
      %cond3A_571 = arith.constant 0 : i32
      %cond3A_572 = arith.constant 0 : i32
      %cond3A_573 = arith.cmpi ne, %convert_element_type3A_569, %cond3A_572 : i32
      scf.if %cond3A_573 {
        %dma_start3A_831 = arith.constant 0 : i32
        %dma_start3A_832 = tpu.memref_slice %arg8[%cond3A_570, %cond3A_571, %dma_start3A_831] : memref<10x2x64xi32, #tpu.memory_space<vmem>> -> memref<1x1x64xi32, #tpu.memory_space<vmem>>
        %dma_start3A_833 = tpu.memref_squeeze %dma_start3A_832 : memref<1x1x64xi32, #tpu.memory_space<vmem>> -> memref<64xi32, #tpu.memory_space<vmem>>
        %dma_start3A_834 = arith.constant 0 : i32
        %dma_start3A_835 = arith.constant 0 : i32
        %dma_start3A_836 = tpu.memref_slice %arg3[%dma_start3A_834, %dma_start3A_835] : memref<10000x128xf32, #tpu.memory_space<hbm>> -> memref<10000x128xf32, #tpu.memory_space<hbm>>
        tpu.enqueue_indirect_dma source(%dma_start3A_836 : memref<10000x128xf32, #tpu.memory_space<hbm>>) target(%arg13 : memref<64x128xf32, #tpu.memory_space<vmem>>) offsets(%dma_start3A_833 : memref<64xi32, #tpu.memory_space<vmem>>) semaphore(%arg15 : memref<!tpu.dma_semaphore, #tpu.memory_space<semaphore_mem>>)
      } else {
      }
      %dma_start3A_574 = arith.constant 2 : i32
      %dma_start3A_575 = arith.constant 1 : i32
      %dma_start3A_576 = arith.constant 0 : i32
      %dma_start3A_577 = tpu.memref_slice %arg8[%dma_start3A_574, %dma_start3A_575, %dma_start3A_576] : memref<10x2x64xi32, #tpu.memory_space<vmem>> -> memref<1x1x64xi32, #tpu.memory_space<vmem>>
      %dma_start3A_578 = tpu.memref_squeeze %dma_start3A_577 : memref<1x1x64xi32, #tpu.memory_space<vmem>> -> memref<64xi32, #tpu.memory_space<vmem>>
      %dma_start3A_579 = arith.constant 0 : i32
      %dma_start3A_580 = arith.constant 0 : i32
      %dma_start3A_581 = tpu.memref_slice %arg14[%dma_start3A_579, %dma_start3A_580] : memref<10112x128xf32, #tpu.memory_space<vmem_shared>> -> memref<10112x128xf32, #tpu.memory_space<vmem_shared>>
      tpu.enqueue_indirect_dma source(%arg11 : memref<64x128xf32, #tpu.memory_space<vmem>>) target(%dma_start3A_581 : memref<10112x128xf32, #tpu.memory_space<vmem_shared>>) offsets(%dma_start3A_578 : memref<64xi32, #tpu.memory_space<vmem>>) semaphore(%arg19 : memref<!tpu.dma_semaphore, #tpu.memory_space<semaphore_mem>>) {add = true}
      %dma_wait3A_582 = arith.constant 0 : i32
      %dma_wait3A_583 = arith.constant 0 : i32
      %dma_wait3A_584 = arith.constant 0 : i32
      %dma_wait3A_585 = tpu.memref_slice %arg7[%dma_wait3A_582, %dma_wait3A_583, %dma_wait3A_584] : memref<10x2x64xi32, #tpu.memory_space<vmem>> -> memref<1x1x64xi32, #tpu.memory_space<vmem>>
      %dma_wait3A_586 = tpu.memref_squeeze %dma_wait3A_585 : memref<1x1x64xi32, #tpu.memory_space<vmem>> -> memref<64xi32, #tpu.memory_space<vmem>>
      %dma_wait3A_587 = arith.constant 0 : i32
      %dma_wait3A_588 = arith.constant 0 : i32
      %dma_wait3A_589 = tpu.memref_slice %arg2[%dma_wait3A_587, %dma_wait3A_588] : memref<10000x128xf32, #tpu.memory_space<hbm>> -> memref<10000x128xf32, #tpu.memory_space<hbm>>
      tpu.wait_indirect_dma semaphore(%arg15 : memref<!tpu.dma_semaphore, #tpu.memory_space<semaphore_mem>>) src(%dma_wait3A_589 : memref<10000x128xf32, #tpu.memory_space<hbm>>) dst(%arg12 : memref<64x128xf32, #tpu.memory_space<vmem>>)
      %dma_wait3A_590 = arith.constant 0 : i32
      %dma_wait3A_591 = arith.constant 1 : i32
      %dma_wait3A_592 = arith.constant 0 : i32
      %dma_wait3A_593 = tpu.memref_slice %arg8[%dma_wait3A_590, %dma_wait3A_591, %dma_wait3A_592] : memref<10x2x64xi32, #tpu.memory_space<vmem>> -> memref<1x1x64xi32, #tpu.memory_space<vmem>>
      %dma_wait3A_594 = tpu.memref_squeeze %dma_wait3A_593 : memref<1x1x64xi32, #tpu.memory_space<vmem>> -> memref<64xi32, #tpu.memory_space<vmem>>
      %dma_wait3A_595 = arith.constant 0 : i32
      %dma_wait3A_596 = arith.constant 0 : i32
      %dma_wait3A_597 = tpu.memref_slice %arg14[%dma_wait3A_595, %dma_wait3A_596] : memref<10112x128xf32, #tpu.memory_space<vmem_shared>> -> memref<10112x128xf32, #tpu.memory_space<vmem_shared>>
      tpu.wait_indirect_dma semaphore(%arg17 : memref<!tpu.dma_semaphore, #tpu.memory_space<semaphore_mem>>) src(%arg9 : memref<64x128xf32, #tpu.memory_space<vmem>>) dst(%dma_wait3A_597 : memref<10112x128xf32, #tpu.memory_space<vmem_shared>>)
      %eq3A_598 = arith.constant 0 : i32
      %eq3A_599 = arith.cmpi eq, %arg0, %eq3A_598 : i32
      %convert_element_type3A_600 = arith.extui %eq3A_599 : i1 to i32
      %cond3A_601 = arith.constant 5 : i32
      %cond3A_602 = arith.constant 0 : i32
      %cond3A_603 = arith.constant 0 : i32
      %cond3A_604 = arith.cmpi ne, %convert_element_type3A_600, %cond3A_603 : i32
      scf.if %cond3A_604 {
        %dma_start3A_831 = arith.constant 0 : i32
        %dma_start3A_832 = tpu.memref_slice %arg8[%cond3A_601, %cond3A_602, %dma_start3A_831] : memref<10x2x64xi32, #tpu.memory_space<vmem>> -> memref<1x1x64xi32, #tpu.memory_space<vmem>>
        %dma_start3A_833 = tpu.memref_squeeze %dma_start3A_832 : memref<1x1x64xi32, #tpu.memory_space<vmem>> -> memref<64xi32, #tpu.memory_space<vmem>>
        %dma_start3A_834 = arith.constant 0 : i32
        %dma_start3A_835 = arith.constant 0 : i32
        %dma_start3A_836 = tpu.memref_slice %arg2[%dma_start3A_834, %dma_start3A_835] : memref<10000x128xf32, #tpu.memory_space<hbm>> -> memref<10000x128xf32, #tpu.memory_space<hbm>>
        tpu.enqueue_indirect_dma source(%dma_start3A_836 : memref<10000x128xf32, #tpu.memory_space<hbm>>) target(%arg9 : memref<64x128xf32, #tpu.memory_space<vmem>>) offsets(%dma_start3A_833 : memref<64xi32, #tpu.memory_space<vmem>>) semaphore(%arg15 : memref<!tpu.dma_semaphore, #tpu.memory_space<semaphore_mem>>)
      } else {
      }
      %eq3A_605 = arith.constant 1 : i32
      %eq3A_606 = arith.cmpi eq, %arg0, %eq3A_605 : i32
      %convert_element_type3A_607 = arith.extui %eq3A_606 : i1 to i32
      %cond3A_608 = arith.constant 5 : i32
      %cond3A_609 = arith.constant 0 : i32
      %cond3A_610 = arith.constant 0 : i32
      %cond3A_611 = arith.cmpi ne, %convert_element_type3A_607, %cond3A_610 : i32
      scf.if %cond3A_611 {
        %dma_start3A_831 = arith.constant 0 : i32
        %dma_start3A_832 = tpu.memref_slice %arg8[%cond3A_608, %cond3A_609, %dma_start3A_831] : memref<10x2x64xi32, #tpu.memory_space<vmem>> -> memref<1x1x64xi32, #tpu.memory_space<vmem>>
        %dma_start3A_833 = tpu.memref_squeeze %dma_start3A_832 : memref<1x1x64xi32, #tpu.memory_space<vmem>> -> memref<64xi32, #tpu.memory_space<vmem>>
        %dma_start3A_834 = arith.constant 0 : i32
        %dma_start3A_835 = arith.constant 0 : i32
        %dma_start3A_836 = tpu.memref_slice %arg3[%dma_start3A_834, %dma_start3A_835] : memref<10000x128xf32, #tpu.memory_space<hbm>> -> memref<10000x128xf32, #tpu.memory_space<hbm>>
        tpu.enqueue_indirect_dma source(%dma_start3A_836 : memref<10000x128xf32, #tpu.memory_space<hbm>>) target(%arg9 : memref<64x128xf32, #tpu.memory_space<vmem>>) offsets(%dma_start3A_833 : memref<64xi32, #tpu.memory_space<vmem>>) semaphore(%arg15 : memref<!tpu.dma_semaphore, #tpu.memory_space<semaphore_mem>>)
      } else {
      }
      %dma_start3A_612 = arith.constant 3 : i32
      %dma_start3A_613 = arith.constant 1 : i32
      %dma_start3A_614 = arith.constant 0 : i32
      %dma_start3A_615 = tpu.memref_slice %arg8[%dma_start3A_612, %dma_start3A_613, %dma_start3A_614] : memref<10x2x64xi32, #tpu.memory_space<vmem>> -> memref<1x1x64xi32, #tpu.memory_space<vmem>>
      %dma_start3A_616 = tpu.memref_squeeze %dma_start3A_615 : memref<1x1x64xi32, #tpu.memory_space<vmem>> -> memref<64xi32, #tpu.memory_space<vmem>>
      %dma_start3A_617 = arith.constant 0 : i32
      %dma_start3A_618 = arith.constant 0 : i32
      %dma_start3A_619 = tpu.memref_slice %arg14[%dma_start3A_617, %dma_start3A_618] : memref<10112x128xf32, #tpu.memory_space<vmem_shared>> -> memref<10112x128xf32, #tpu.memory_space<vmem_shared>>
      tpu.enqueue_indirect_dma source(%arg12 : memref<64x128xf32, #tpu.memory_space<vmem>>) target(%dma_start3A_619 : memref<10112x128xf32, #tpu.memory_space<vmem_shared>>) offsets(%dma_start3A_616 : memref<64xi32, #tpu.memory_space<vmem>>) semaphore(%arg20 : memref<!tpu.dma_semaphore, #tpu.memory_space<semaphore_mem>>) {add = true}
      %dma_wait3A_620 = arith.constant 0 : i32
      %dma_wait3A_621 = arith.constant 0 : i32
      %dma_wait3A_622 = arith.constant 0 : i32
      %dma_wait3A_623 = tpu.memref_slice %arg7[%dma_wait3A_620, %dma_wait3A_621, %dma_wait3A_622] : memref<10x2x64xi32, #tpu.memory_space<vmem>> -> memref<1x1x64xi32, #tpu.memory_space<vmem>>
      %dma_wait3A_624 = tpu.memref_squeeze %dma_wait3A_623 : memref<1x1x64xi32, #tpu.memory_space<vmem>> -> memref<64xi32, #tpu.memory_space<vmem>>
      %dma_wait3A_625 = arith.constant 0 : i32
      %dma_wait3A_626 = arith.constant 0 : i32
      %dma_wait3A_627 = tpu.memref_slice %arg2[%dma_wait3A_625, %dma_wait3A_626] : memref<10000x128xf32, #tpu.memory_space<hbm>> -> memref<10000x128xf32, #tpu.memory_space<hbm>>
      tpu.wait_indirect_dma semaphore(%arg15 : memref<!tpu.dma_semaphore, #tpu.memory_space<semaphore_mem>>) src(%dma_wait3A_627 : memref<10000x128xf32, #tpu.memory_space<hbm>>) dst(%arg13 : memref<64x128xf32, #tpu.memory_space<vmem>>)
      %dma_wait3A_628 = arith.constant 1 : i32
      %dma_wait3A_629 = arith.constant 1 : i32
      %dma_wait3A_630 = arith.constant 0 : i32
      %dma_wait3A_631 = tpu.memref_slice %arg8[%dma_wait3A_628, %dma_wait3A_629, %dma_wait3A_630] : memref<10x2x64xi32, #tpu.memory_space<vmem>> -> memref<1x1x64xi32, #tpu.memory_space<vmem>>
      %dma_wait3A_632 = tpu.memref_squeeze %dma_wait3A_631 : memref<1x1x64xi32, #tpu.memory_space<vmem>> -> memref<64xi32, #tpu.memory_space<vmem>>
      %dma_wait3A_633 = arith.constant 0 : i32
      %dma_wait3A_634 = arith.constant 0 : i32
      %dma_wait3A_635 = tpu.memref_slice %arg14[%dma_wait3A_633, %dma_wait3A_634] : memref<10112x128xf32, #tpu.memory_space<vmem_shared>> -> memref<10112x128xf32, #tpu.memory_space<vmem_shared>>
      tpu.wait_indirect_dma semaphore(%arg18 : memref<!tpu.dma_semaphore, #tpu.memory_space<semaphore_mem>>) src(%arg10 : memref<64x128xf32, #tpu.memory_space<vmem>>) dst(%dma_wait3A_635 : memref<10112x128xf32, #tpu.memory_space<vmem_shared>>)
      %eq3A_636 = arith.constant 0 : i32
      %eq3A_637 = arith.cmpi eq, %arg0, %eq3A_636 : i32
      %convert_element_type3A_638 = arith.extui %eq3A_637 : i1 to i32
      %cond3A_639 = arith.constant 6 : i32
      %cond3A_640 = arith.constant 0 : i32
      %cond3A_641 = arith.constant 0 : i32
      %cond3A_642 = arith.cmpi ne, %convert_element_type3A_638, %cond3A_641 : i32
      scf.if %cond3A_642 {
        %dma_start3A_831 = arith.constant 0 : i32
        %dma_start3A_832 = tpu.memref_slice %arg8[%cond3A_639, %cond3A_640, %dma_start3A_831] : memref<10x2x64xi32, #tpu.memory_space<vmem>> -> memref<1x1x64xi32, #tpu.memory_space<vmem>>
        %dma_start3A_833 = tpu.memref_squeeze %dma_start3A_832 : memref<1x1x64xi32, #tpu.memory_space<vmem>> -> memref<64xi32, #tpu.memory_space<vmem>>
        %dma_start3A_834 = arith.constant 0 : i32
        %dma_start3A_835 = arith.constant 0 : i32
        %dma_start3A_836 = tpu.memref_slice %arg2[%dma_start3A_834, %dma_start3A_835] : memref<10000x128xf32, #tpu.memory_space<hbm>> -> memref<10000x128xf32, #tpu.memory_space<hbm>>
        tpu.enqueue_indirect_dma source(%dma_start3A_836 : memref<10000x128xf32, #tpu.memory_space<hbm>>) target(%arg10 : memref<64x128xf32, #tpu.memory_space<vmem>>) offsets(%dma_start3A_833 : memref<64xi32, #tpu.memory_space<vmem>>) semaphore(%arg15 : memref<!tpu.dma_semaphore, #tpu.memory_space<semaphore_mem>>)
      } else {
      }
      %eq3A_643 = arith.constant 1 : i32
      %eq3A_644 = arith.cmpi eq, %arg0, %eq3A_643 : i32
      %convert_element_type3A_645 = arith.extui %eq3A_644 : i1 to i32
      %cond3A_646 = arith.constant 6 : i32
      %cond3A_647 = arith.constant 0 : i32
      %cond3A_648 = arith.constant 0 : i32
      %cond3A_649 = arith.cmpi ne, %convert_element_type3A_645, %cond3A_648 : i32
      scf.if %cond3A_649 {
        %dma_start3A_831 = arith.constant 0 : i32
        %dma_start3A_832 = tpu.memref_slice %arg8[%cond3A_646, %cond3A_647, %dma_start3A_831] : memref<10x2x64xi32, #tpu.memory_space<vmem>> -> memref<1x1x64xi32, #tpu.memory_space<vmem>>
        %dma_start3A_833 = tpu.memref_squeeze %dma_start3A_832 : memref<1x1x64xi32, #tpu.memory_space<vmem>> -> memref<64xi32, #tpu.memory_space<vmem>>
        %dma_start3A_834 = arith.constant 0 : i32
        %dma_start3A_835 = arith.constant 0 : i32
        %dma_start3A_836 = tpu.memref_slice %arg3[%dma_start3A_834, %dma_start3A_835] : memref<10000x128xf32, #tpu.memory_space<hbm>> -> memref<10000x128xf32, #tpu.memory_space<hbm>>
        tpu.enqueue_indirect_dma source(%dma_start3A_836 : memref<10000x128xf32, #tpu.memory_space<hbm>>) target(%arg10 : memref<64x128xf32, #tpu.memory_space<vmem>>) offsets(%dma_start3A_833 : memref<64xi32, #tpu.memory_space<vmem>>) semaphore(%arg15 : memref<!tpu.dma_semaphore, #tpu.memory_space<semaphore_mem>>)
      } else {
      }
      %dma_start3A_650 = arith.constant 4 : i32
      %dma_start3A_651 = arith.constant 1 : i32
      %dma_start3A_652 = arith.constant 0 : i32
      %dma_start3A_653 = tpu.memref_slice %arg8[%dma_start3A_650, %dma_start3A_651, %dma_start3A_652] : memref<10x2x64xi32, #tpu.memory_space<vmem>> -> memref<1x1x64xi32, #tpu.memory_space<vmem>>
      %dma_start3A_654 = tpu.memref_squeeze %dma_start3A_653 : memref<1x1x64xi32, #tpu.memory_space<vmem>> -> memref<64xi32, #tpu.memory_space<vmem>>
      %dma_start3A_655 = arith.constant 0 : i32
      %dma_start3A_656 = arith.constant 0 : i32
      %dma_start3A_657 = tpu.memref_slice %arg14[%dma_start3A_655, %dma_start3A_656] : memref<10112x128xf32, #tpu.memory_space<vmem_shared>> -> memref<10112x128xf32, #tpu.memory_space<vmem_shared>>
      tpu.enqueue_indirect_dma source(%arg13 : memref<64x128xf32, #tpu.memory_space<vmem>>) target(%dma_start3A_657 : memref<10112x128xf32, #tpu.memory_space<vmem_shared>>) offsets(%dma_start3A_654 : memref<64xi32, #tpu.memory_space<vmem>>) semaphore(%arg21 : memref<!tpu.dma_semaphore, #tpu.memory_space<semaphore_mem>>) {add = true}
      %dma_wait3A_658 = arith.constant 0 : i32
      %dma_wait3A_659 = arith.constant 0 : i32
      %dma_wait3A_660 = arith.constant 0 : i32
      %dma_wait3A_661 = tpu.memref_slice %arg7[%dma_wait3A_658, %dma_wait3A_659, %dma_wait3A_660] : memref<10x2x64xi32, #tpu.memory_space<vmem>> -> memref<1x1x64xi32, #tpu.memory_space<vmem>>
      %dma_wait3A_662 = tpu.memref_squeeze %dma_wait3A_661 : memref<1x1x64xi32, #tpu.memory_space<vmem>> -> memref<64xi32, #tpu.memory_space<vmem>>
      %dma_wait3A_663 = arith.constant 0 : i32
      %dma_wait3A_664 = arith.constant 0 : i32
      %dma_wait3A_665 = tpu.memref_slice %arg2[%dma_wait3A_663, %dma_wait3A_664] : memref<10000x128xf32, #tpu.memory_space<hbm>> -> memref<10000x128xf32, #tpu.memory_space<hbm>>
      tpu.wait_indirect_dma semaphore(%arg15 : memref<!tpu.dma_semaphore, #tpu.memory_space<semaphore_mem>>) src(%dma_wait3A_665 : memref<10000x128xf32, #tpu.memory_space<hbm>>) dst(%arg9 : memref<64x128xf32, #tpu.memory_space<vmem>>)
      %dma_wait3A_666 = arith.constant 2 : i32
      %dma_wait3A_667 = arith.constant 1 : i32
      %dma_wait3A_668 = arith.constant 0 : i32
      %dma_wait3A_669 = tpu.memref_slice %arg8[%dma_wait3A_666, %dma_wait3A_667, %dma_wait3A_668] : memref<10x2x64xi32, #tpu.memory_space<vmem>> -> memref<1x1x64xi32, #tpu.memory_space<vmem>>
      %dma_wait3A_670 = tpu.memref_squeeze %dma_wait3A_669 : memref<1x1x64xi32, #tpu.memory_space<vmem>> -> memref<64xi32, #tpu.memory_space<vmem>>
      %dma_wait3A_671 = arith.constant 0 : i32
      %dma_wait3A_672 = arith.constant 0 : i32
      %dma_wait3A_673 = tpu.memref_slice %arg14[%dma_wait3A_671, %dma_wait3A_672] : memref<10112x128xf32, #tpu.memory_space<vmem_shared>> -> memref<10112x128xf32, #tpu.memory_space<vmem_shared>>
      tpu.wait_indirect_dma semaphore(%arg19 : memref<!tpu.dma_semaphore, #tpu.memory_space<semaphore_mem>>) src(%arg11 : memref<64x128xf32, #tpu.memory_space<vmem>>) dst(%dma_wait3A_673 : memref<10112x128xf32, #tpu.memory_space<vmem_shared>>)
      %eq3A_674 = arith.constant 0 : i32
      %eq3A_675 = arith.cmpi eq, %arg0, %eq3A_674 : i32
      %convert_element_type3A_676 = arith.extui %eq3A_675 : i1 to i32
      %cond3A_677 = arith.constant 7 : i32
      %cond3A_678 = arith.constant 0 : i32
      %cond3A_679 = arith.constant 0 : i32
      %cond3A_680 = arith.cmpi ne, %convert_element_type3A_676, %cond3A_679 : i32
      scf.if %cond3A_680 {
        %dma_start3A_831 = arith.constant 0 : i32
        %dma_start3A_832 = tpu.memref_slice %arg8[%cond3A_677, %cond3A_678, %dma_start3A_831] : memref<10x2x64xi32, #tpu.memory_space<vmem>> -> memref<1x1x64xi32, #tpu.memory_space<vmem>>
        %dma_start3A_833 = tpu.memref_squeeze %dma_start3A_832 : memref<1x1x64xi32, #tpu.memory_space<vmem>> -> memref<64xi32, #tpu.memory_space<vmem>>
        %dma_start3A_834 = arith.constant 0 : i32
        %dma_start3A_835 = arith.constant 0 : i32
        %dma_start3A_836 = tpu.memref_slice %arg2[%dma_start3A_834, %dma_start3A_835] : memref<10000x128xf32, #tpu.memory_space<hbm>> -> memref<10000x128xf32, #tpu.memory_space<hbm>>
        tpu.enqueue_indirect_dma source(%dma_start3A_836 : memref<10000x128xf32, #tpu.memory_space<hbm>>) target(%arg11 : memref<64x128xf32, #tpu.memory_space<vmem>>) offsets(%dma_start3A_833 : memref<64xi32, #tpu.memory_space<vmem>>) semaphore(%arg15 : memref<!tpu.dma_semaphore, #tpu.memory_space<semaphore_mem>>)
      } else {
      }
      %eq3A_681 = arith.constant 1 : i32
      %eq3A_682 = arith.cmpi eq, %arg0, %eq3A_681 : i32
      %convert_element_type3A_683 = arith.extui %eq3A_682 : i1 to i32
      %cond3A_684 = arith.constant 7 : i32
      %cond3A_685 = arith.constant 0 : i32
      %cond3A_686 = arith.constant 0 : i32
      %cond3A_687 = arith.cmpi ne, %convert_element_type3A_683, %cond3A_686 : i32
      scf.if %cond3A_687 {
        %dma_start3A_831 = arith.constant 0 : i32
        %dma_start3A_832 = tpu.memref_slice %arg8[%cond3A_684, %cond3A_685, %dma_start3A_831] : memref<10x2x64xi32, #tpu.memory_space<vmem>> -> memref<1x1x64xi32, #tpu.memory_space<vmem>>
        %dma_start3A_833 = tpu.memref_squeeze %dma_start3A_832 : memref<1x1x64xi32, #tpu.memory_space<vmem>> -> memref<64xi32, #tpu.memory_space<vmem>>
        %dma_start3A_834 = arith.constant 0 : i32
        %dma_start3A_835 = arith.constant 0 : i32
        %dma_start3A_836 = tpu.memref_slice %arg3[%dma_start3A_834, %dma_start3A_835] : memref<10000x128xf32, #tpu.memory_space<hbm>> -> memref<10000x128xf32, #tpu.memory_space<hbm>>
        tpu.enqueue_indirect_dma source(%dma_start3A_836 : memref<10000x128xf32, #tpu.memory_space<hbm>>) target(%arg11 : memref<64x128xf32, #tpu.memory_space<vmem>>) offsets(%dma_start3A_833 : memref<64xi32, #tpu.memory_space<vmem>>) semaphore(%arg15 : memref<!tpu.dma_semaphore, #tpu.memory_space<semaphore_mem>>)
      } else {
      }
      %dma_start3A_688 = arith.constant 5 : i32
      %dma_start3A_689 = arith.constant 1 : i32
      %dma_start3A_690 = arith.constant 0 : i32
      %dma_start3A_691 = tpu.memref_slice %arg8[%dma_start3A_688, %dma_start3A_689, %dma_start3A_690] : memref<10x2x64xi32, #tpu.memory_space<vmem>> -> memref<1x1x64xi32, #tpu.memory_space<vmem>>
      %dma_start3A_692 = tpu.memref_squeeze %dma_start3A_691 : memref<1x1x64xi32, #tpu.memory_space<vmem>> -> memref<64xi32, #tpu.memory_space<vmem>>
      %dma_start3A_693 = arith.constant 0 : i32
      %dma_start3A_694 = arith.constant 0 : i32
      %dma_start3A_695 = tpu.memref_slice %arg14[%dma_start3A_693, %dma_start3A_694] : memref<10112x128xf32, #tpu.memory_space<vmem_shared>> -> memref<10112x128xf32, #tpu.memory_space<vmem_shared>>
      tpu.enqueue_indirect_dma source(%arg9 : memref<64x128xf32, #tpu.memory_space<vmem>>) target(%dma_start3A_695 : memref<10112x128xf32, #tpu.memory_space<vmem_shared>>) offsets(%dma_start3A_692 : memref<64xi32, #tpu.memory_space<vmem>>) semaphore(%arg17 : memref<!tpu.dma_semaphore, #tpu.memory_space<semaphore_mem>>) {add = true}
      %dma_wait3A_696 = arith.constant 0 : i32
      %dma_wait3A_697 = arith.constant 0 : i32
      %dma_wait3A_698 = arith.constant 0 : i32
      %dma_wait3A_699 = tpu.memref_slice %arg7[%dma_wait3A_696, %dma_wait3A_697, %dma_wait3A_698] : memref<10x2x64xi32, #tpu.memory_space<vmem>> -> memref<1x1x64xi32, #tpu.memory_space<vmem>>
      %dma_wait3A_700 = tpu.memref_squeeze %dma_wait3A_699 : memref<1x1x64xi32, #tpu.memory_space<vmem>> -> memref<64xi32, #tpu.memory_space<vmem>>
      %dma_wait3A_701 = arith.constant 0 : i32
      %dma_wait3A_702 = arith.constant 0 : i32
      %dma_wait3A_703 = tpu.memref_slice %arg2[%dma_wait3A_701, %dma_wait3A_702] : memref<10000x128xf32, #tpu.memory_space<hbm>> -> memref<10000x128xf32, #tpu.memory_space<hbm>>
      tpu.wait_indirect_dma semaphore(%arg15 : memref<!tpu.dma_semaphore, #tpu.memory_space<semaphore_mem>>) src(%dma_wait3A_703 : memref<10000x128xf32, #tpu.memory_space<hbm>>) dst(%arg10 : memref<64x128xf32, #tpu.memory_space<vmem>>)
      %dma_wait3A_704 = arith.constant 3 : i32
      %dma_wait3A_705 = arith.constant 1 : i32
      %dma_wait3A_706 = arith.constant 0 : i32
      %dma_wait3A_707 = tpu.memref_slice %arg8[%dma_wait3A_704, %dma_wait3A_705, %dma_wait3A_706] : memref<10x2x64xi32, #tpu.memory_space<vmem>> -> memref<1x1x64xi32, #tpu.memory_space<vmem>>
      %dma_wait3A_708 = tpu.memref_squeeze %dma_wait3A_707 : memref<1x1x64xi32, #tpu.memory_space<vmem>> -> memref<64xi32, #tpu.memory_space<vmem>>
      %dma_wait3A_709 = arith.constant 0 : i32
      %dma_wait3A_710 = arith.constant 0 : i32
      %dma_wait3A_711 = tpu.memref_slice %arg14[%dma_wait3A_709, %dma_wait3A_710] : memref<10112x128xf32, #tpu.memory_space<vmem_shared>> -> memref<10112x128xf32, #tpu.memory_space<vmem_shared>>
      tpu.wait_indirect_dma semaphore(%arg20 : memref<!tpu.dma_semaphore, #tpu.memory_space<semaphore_mem>>) src(%arg12 : memref<64x128xf32, #tpu.memory_space<vmem>>) dst(%dma_wait3A_711 : memref<10112x128xf32, #tpu.memory_space<vmem_shared>>)
      %eq3A_712 = arith.constant 0 : i32
      %eq3A_713 = arith.cmpi eq, %arg0, %eq3A_712 : i32
      %convert_element_type3A_714 = arith.extui %eq3A_713 : i1 to i32
      %cond3A_715 = arith.constant 8 : i32
      %cond3A_716 = arith.constant 0 : i32
      %cond3A_717 = arith.constant 0 : i32
      %cond3A_718 = arith.cmpi ne, %convert_element_type3A_714, %cond3A_717 : i32
      scf.if %cond3A_718 {
        %dma_start3A_831 = arith.constant 0 : i32
        %dma_start3A_832 = tpu.memref_slice %arg8[%cond3A_715, %cond3A_716, %dma_start3A_831] : memref<10x2x64xi32, #tpu.memory_space<vmem>> -> memref<1x1x64xi32, #tpu.memory_space<vmem>>
        %dma_start3A_833 = tpu.memref_squeeze %dma_start3A_832 : memref<1x1x64xi32, #tpu.memory_space<vmem>> -> memref<64xi32, #tpu.memory_space<vmem>>
        %dma_start3A_834 = arith.constant 0 : i32
        %dma_start3A_835 = arith.constant 0 : i32
        %dma_start3A_836 = tpu.memref_slice %arg2[%dma_start3A_834, %dma_start3A_835] : memref<10000x128xf32, #tpu.memory_space<hbm>> -> memref<10000x128xf32, #tpu.memory_space<hbm>>
        tpu.enqueue_indirect_dma source(%dma_start3A_836 : memref<10000x128xf32, #tpu.memory_space<hbm>>) target(%arg12 : memref<64x128xf32, #tpu.memory_space<vmem>>) offsets(%dma_start3A_833 : memref<64xi32, #tpu.memory_space<vmem>>) semaphore(%arg15 : memref<!tpu.dma_semaphore, #tpu.memory_space<semaphore_mem>>)
      } else {
      }
      %eq3A_719 = arith.constant 1 : i32
      %eq3A_720 = arith.cmpi eq, %arg0, %eq3A_719 : i32
      %convert_element_type3A_721 = arith.extui %eq3A_720 : i1 to i32
      %cond3A_722 = arith.constant 8 : i32
      %cond3A_723 = arith.constant 0 : i32
      %cond3A_724 = arith.constant 0 : i32
      %cond3A_725 = arith.cmpi ne, %convert_element_type3A_721, %cond3A_724 : i32
      scf.if %cond3A_725 {
        %dma_start3A_831 = arith.constant 0 : i32
        %dma_start3A_832 = tpu.memref_slice %arg8[%cond3A_722, %cond3A_723, %dma_start3A_831] : memref<10x2x64xi32, #tpu.memory_space<vmem>> -> memref<1x1x64xi32, #tpu.memory_space<vmem>>
        %dma_start3A_833 = tpu.memref_squeeze %dma_start3A_832 : memref<1x1x64xi32, #tpu.memory_space<vmem>> -> memref<64xi32, #tpu.memory_space<vmem>>
        %dma_start3A_834 = arith.constant 0 : i32
        %dma_start3A_835 = arith.constant 0 : i32
        %dma_start3A_836 = tpu.memref_slice %arg3[%dma_start3A_834, %dma_start3A_835] : memref<10000x128xf32, #tpu.memory_space<hbm>> -> memref<10000x128xf32, #tpu.memory_space<hbm>>
        tpu.enqueue_indirect_dma source(%dma_start3A_836 : memref<10000x128xf32, #tpu.memory_space<hbm>>) target(%arg12 : memref<64x128xf32, #tpu.memory_space<vmem>>) offsets(%dma_start3A_833 : memref<64xi32, #tpu.memory_space<vmem>>) semaphore(%arg15 : memref<!tpu.dma_semaphore, #tpu.memory_space<semaphore_mem>>)
      } else {
      }
      %dma_start3A_726 = arith.constant 6 : i32
      %dma_start3A_727 = arith.constant 1 : i32
      %dma_start3A_728 = arith.constant 0 : i32
      %dma_start3A_729 = tpu.memref_slice %arg8[%dma_start3A_726, %dma_start3A_727, %dma_start3A_728] : memref<10x2x64xi32, #tpu.memory_space<vmem>> -> memref<1x1x64xi32, #tpu.memory_space<vmem>>
      %dma_start3A_730 = tpu.memref_squeeze %dma_start3A_729 : memref<1x1x64xi32, #tpu.memory_space<vmem>> -> memref<64xi32, #tpu.memory_space<vmem>>
      %dma_start3A_731 = arith.constant 0 : i32
      %dma_start3A_732 = arith.constant 0 : i32
      %dma_start3A_733 = tpu.memref_slice %arg14[%dma_start3A_731, %dma_start3A_732] : memref<10112x128xf32, #tpu.memory_space<vmem_shared>> -> memref<10112x128xf32, #tpu.memory_space<vmem_shared>>
      tpu.enqueue_indirect_dma source(%arg10 : memref<64x128xf32, #tpu.memory_space<vmem>>) target(%dma_start3A_733 : memref<10112x128xf32, #tpu.memory_space<vmem_shared>>) offsets(%dma_start3A_730 : memref<64xi32, #tpu.memory_space<vmem>>) semaphore(%arg18 : memref<!tpu.dma_semaphore, #tpu.memory_space<semaphore_mem>>) {add = true}
      %dma_wait3A_734 = arith.constant 0 : i32
      %dma_wait3A_735 = arith.constant 0 : i32
      %dma_wait3A_736 = arith.constant 0 : i32
      %dma_wait3A_737 = tpu.memref_slice %arg7[%dma_wait3A_734, %dma_wait3A_735, %dma_wait3A_736] : memref<10x2x64xi32, #tpu.memory_space<vmem>> -> memref<1x1x64xi32, #tpu.memory_space<vmem>>
      %dma_wait3A_738 = tpu.memref_squeeze %dma_wait3A_737 : memref<1x1x64xi32, #tpu.memory_space<vmem>> -> memref<64xi32, #tpu.memory_space<vmem>>
      %dma_wait3A_739 = arith.constant 0 : i32
      %dma_wait3A_740 = arith.constant 0 : i32
      %dma_wait3A_741 = tpu.memref_slice %arg2[%dma_wait3A_739, %dma_wait3A_740] : memref<10000x128xf32, #tpu.memory_space<hbm>> -> memref<10000x128xf32, #tpu.memory_space<hbm>>
      tpu.wait_indirect_dma semaphore(%arg15 : memref<!tpu.dma_semaphore, #tpu.memory_space<semaphore_mem>>) src(%dma_wait3A_741 : memref<10000x128xf32, #tpu.memory_space<hbm>>) dst(%arg11 : memref<64x128xf32, #tpu.memory_space<vmem>>)
      %dma_wait3A_742 = arith.constant 4 : i32
      %dma_wait3A_743 = arith.constant 1 : i32
      %dma_wait3A_744 = arith.constant 0 : i32
      %dma_wait3A_745 = tpu.memref_slice %arg8[%dma_wait3A_742, %dma_wait3A_743, %dma_wait3A_744] : memref<10x2x64xi32, #tpu.memory_space<vmem>> -> memref<1x1x64xi32, #tpu.memory_space<vmem>>
      %dma_wait3A_746 = tpu.memref_squeeze %dma_wait3A_745 : memref<1x1x64xi32, #tpu.memory_space<vmem>> -> memref<64xi32, #tpu.memory_space<vmem>>
      %dma_wait3A_747 = arith.constant 0 : i32
      %dma_wait3A_748 = arith.constant 0 : i32
      %dma_wait3A_749 = tpu.memref_slice %arg14[%dma_wait3A_747, %dma_wait3A_748] : memref<10112x128xf32, #tpu.memory_space<vmem_shared>> -> memref<10112x128xf32, #tpu.memory_space<vmem_shared>>
      tpu.wait_indirect_dma semaphore(%arg21 : memref<!tpu.dma_semaphore, #tpu.memory_space<semaphore_mem>>) src(%arg13 : memref<64x128xf32, #tpu.memory_space<vmem>>) dst(%dma_wait3A_749 : memref<10112x128xf32, #tpu.memory_space<vmem_shared>>)
      %eq3A_750 = arith.constant 0 : i32
      %eq3A_751 = arith.cmpi eq, %arg0, %eq3A_750 : i32
      %convert_element_type3A_752 = arith.extui %eq3A_751 : i1 to i32
      %cond3A_753 = arith.constant 9 : i32
      %cond3A_754 = arith.constant 0 : i32
      %cond3A_755 = arith.constant 0 : i32
      %cond3A_756 = arith.cmpi ne, %convert_element_type3A_752, %cond3A_755 : i32
      scf.if %cond3A_756 {
        %dma_start3A_831 = arith.constant 0 : i32
        %dma_start3A_832 = tpu.memref_slice %arg8[%cond3A_753, %cond3A_754, %dma_start3A_831] : memref<10x2x64xi32, #tpu.memory_space<vmem>> -> memref<1x1x64xi32, #tpu.memory_space<vmem>>
        %dma_start3A_833 = tpu.memref_squeeze %dma_start3A_832 : memref<1x1x64xi32, #tpu.memory_space<vmem>> -> memref<64xi32, #tpu.memory_space<vmem>>
        %dma_start3A_834 = arith.constant 0 : i32
        %dma_start3A_835 = arith.constant 0 : i32
        %dma_start3A_836 = tpu.memref_slice %arg2[%dma_start3A_834, %dma_start3A_835] : memref<10000x128xf32, #tpu.memory_space<hbm>> -> memref<10000x128xf32, #tpu.memory_space<hbm>>
        tpu.enqueue_indirect_dma source(%dma_start3A_836 : memref<10000x128xf32, #tpu.memory_space<hbm>>) target(%arg13 : memref<64x128xf32, #tpu.memory_space<vmem>>) offsets(%dma_start3A_833 : memref<64xi32, #tpu.memory_space<vmem>>) semaphore(%arg15 : memref<!tpu.dma_semaphore, #tpu.memory_space<semaphore_mem>>)
      } else {
      }
      %eq3A_757 = arith.constant 1 : i32
      %eq3A_758 = arith.cmpi eq, %arg0, %eq3A_757 : i32
      %convert_element_type3A_759 = arith.extui %eq3A_758 : i1 to i32
      %cond3A_760 = arith.constant 9 : i32
      %cond3A_761 = arith.constant 0 : i32
      %cond3A_762 = arith.constant 0 : i32
      %cond3A_763 = arith.cmpi ne, %convert_element_type3A_759, %cond3A_762 : i32
      scf.if %cond3A_763 {
        %dma_start3A_831 = arith.constant 0 : i32
        %dma_start3A_832 = tpu.memref_slice %arg8[%cond3A_760, %cond3A_761, %dma_start3A_831] : memref<10x2x64xi32, #tpu.memory_space<vmem>> -> memref<1x1x64xi32, #tpu.memory_space<vmem>>
        %dma_start3A_833 = tpu.memref_squeeze %dma_start3A_832 : memref<1x1x64xi32, #tpu.memory_space<vmem>> -> memref<64xi32, #tpu.memory_space<vmem>>
        %dma_start3A_834 = arith.constant 0 : i32
        %dma_start3A_835 = arith.constant 0 : i32
        %dma_start3A_836 = tpu.memref_slice %arg3[%dma_start3A_834, %dma_start3A_835] : memref<10000x128xf32, #tpu.memory_space<hbm>> -> memref<10000x128xf32, #tpu.memory_space<hbm>>
        tpu.enqueue_indirect_dma source(%dma_start3A_836 : memref<10000x128xf32, #tpu.memory_space<hbm>>) target(%arg13 : memref<64x128xf32, #tpu.memory_space<vmem>>) offsets(%dma_start3A_833 : memref<64xi32, #tpu.memory_space<vmem>>) semaphore(%arg15 : memref<!tpu.dma_semaphore, #tpu.memory_space<semaphore_mem>>)
      } else {
      }
      %dma_start3A_764 = arith.constant 7 : i32
      %dma_start3A_765 = arith.constant 1 : i32
      %dma_start3A_766 = arith.constant 0 : i32
      %dma_start3A_767 = tpu.memref_slice %arg8[%dma_start3A_764, %dma_start3A_765, %dma_start3A_766] : memref<10x2x64xi32, #tpu.memory_space<vmem>> -> memref<1x1x64xi32, #tpu.memory_space<vmem>>
      %dma_start3A_768 = tpu.memref_squeeze %dma_start3A_767 : memref<1x1x64xi32, #tpu.memory_space<vmem>> -> memref<64xi32, #tpu.memory_space<vmem>>
      %dma_start3A_769 = arith.constant 0 : i32
      %dma_start3A_770 = arith.constant 0 : i32
      %dma_start3A_771 = tpu.memref_slice %arg14[%dma_start3A_769, %dma_start3A_770] : memref<10112x128xf32, #tpu.memory_space<vmem_shared>> -> memref<10112x128xf32, #tpu.memory_space<vmem_shared>>
      tpu.enqueue_indirect_dma source(%arg11 : memref<64x128xf32, #tpu.memory_space<vmem>>) target(%dma_start3A_771 : memref<10112x128xf32, #tpu.memory_space<vmem_shared>>) offsets(%dma_start3A_768 : memref<64xi32, #tpu.memory_space<vmem>>) semaphore(%arg19 : memref<!tpu.dma_semaphore, #tpu.memory_space<semaphore_mem>>) {add = true}
      %dma_wait3A_772 = arith.constant 0 : i32
      %dma_wait3A_773 = arith.constant 0 : i32
      %dma_wait3A_774 = arith.constant 0 : i32
      %dma_wait3A_775 = tpu.memref_slice %arg7[%dma_wait3A_772, %dma_wait3A_773, %dma_wait3A_774] : memref<10x2x64xi32, #tpu.memory_space<vmem>> -> memref<1x1x64xi32, #tpu.memory_space<vmem>>
      %dma_wait3A_776 = tpu.memref_squeeze %dma_wait3A_775 : memref<1x1x64xi32, #tpu.memory_space<vmem>> -> memref<64xi32, #tpu.memory_space<vmem>>
      %dma_wait3A_777 = arith.constant 0 : i32
      %dma_wait3A_778 = arith.constant 0 : i32
      %dma_wait3A_779 = tpu.memref_slice %arg2[%dma_wait3A_777, %dma_wait3A_778] : memref<10000x128xf32, #tpu.memory_space<hbm>> -> memref<10000x128xf32, #tpu.memory_space<hbm>>
      tpu.wait_indirect_dma semaphore(%arg15 : memref<!tpu.dma_semaphore, #tpu.memory_space<semaphore_mem>>) src(%dma_wait3A_779 : memref<10000x128xf32, #tpu.memory_space<hbm>>) dst(%arg12 : memref<64x128xf32, #tpu.memory_space<vmem>>)
      %dma_wait3A_780 = arith.constant 5 : i32
      %dma_wait3A_781 = arith.constant 1 : i32
      %dma_wait3A_782 = arith.constant 0 : i32
      %dma_wait3A_783 = tpu.memref_slice %arg8[%dma_wait3A_780, %dma_wait3A_781, %dma_wait3A_782] : memref<10x2x64xi32, #tpu.memory_space<vmem>> -> memref<1x1x64xi32, #tpu.memory_space<vmem>>
      %dma_wait3A_784 = tpu.memref_squeeze %dma_wait3A_783 : memref<1x1x64xi32, #tpu.memory_space<vmem>> -> memref<64xi32, #tpu.memory_space<vmem>>
      %dma_wait3A_785 = arith.constant 0 : i32
      %dma_wait3A_786 = arith.constant 0 : i32
      %dma_wait3A_787 = tpu.memref_slice %arg14[%dma_wait3A_785, %dma_wait3A_786] : memref<10112x128xf32, #tpu.memory_space<vmem_shared>> -> memref<10112x128xf32, #tpu.memory_space<vmem_shared>>
      tpu.wait_indirect_dma semaphore(%arg17 : memref<!tpu.dma_semaphore, #tpu.memory_space<semaphore_mem>>) src(%arg9 : memref<64x128xf32, #tpu.memory_space<vmem>>) dst(%dma_wait3A_787 : memref<10112x128xf32, #tpu.memory_space<vmem_shared>>)
      %lt3A_788 = arith.constant 15 : i32
      %lt3A_789 = arith.cmpi slt, %scan3A_64, %lt3A_788 : i32
      %convert_element_type3A_790 = arith.extui %lt3A_789 : i1 to i32
      %cond3A_791 = arith.constant 0 : i32
      %cond3A_792 = arith.cmpi ne, %convert_element_type3A_790, %cond3A_791 : i32
      scf.if %cond3A_792 {
        %add3A_831 = arith.constant 1 : i32
        %add3A_832 = arith.addi %add3A_463, %add3A_831 : i32
        %mul3A_833 = arith.constant 10 : i32
        %mul3A_834 = arith.muli %add3A_832, %mul3A_833 : i32
        %add3A_835 = arith.addi %mul3A_4, %mul3A_834 : i32
        %dma_wait3A_836 = arith.constant 0 : i32
        %dma_wait3A_837 = arith.constant 0 : i32
        %dma_wait3A_838 = tpu.memref_slice %arg4[%add3A_835, %dma_wait3A_836, %dma_wait3A_837] : memref<5120x2x64xi32, #tpu.memory_space<hbm>> -> memref<10x2x64xi32, #tpu.memory_space<hbm>>
        %dma_wait3A_839 = arith.constant 0 : i32
        %dma_wait3A_840 = arith.constant 0 : i32
        %dma_wait3A_841 = tpu.memref_slice %arg4[%add3A_835, %dma_wait3A_839, %dma_wait3A_840] : memref<5120x2x64xi32, #tpu.memory_space<hbm>> -> memref<10x2x64xi32, #tpu.memory_space<hbm>>
        tpu.wait_dma2 semaphore(%arg16 : memref<!tpu.dma_semaphore, #tpu.memory_space<semaphore_mem>>) src(%dma_wait3A_841 : memref<10x2x64xi32, #tpu.memory_space<hbm>>) dst(%arg7 : memref<10x2x64xi32, #tpu.memory_space<vmem>>)
        %eq3A_842 = arith.constant 0 : i32
        %eq3A_843 = arith.cmpi eq, %arg0, %eq3A_842 : i32
        %convert_element_type3A_844 = arith.extui %eq3A_843 : i1 to i32
        %cond3A_845 = arith.constant 0 : i32
        %cond3A_846 = arith.constant 0 : i32
        %cond3A_847 = arith.constant 0 : i32
        %cond3A_848 = arith.cmpi ne, %convert_element_type3A_844, %cond3A_847 : i32
        scf.if %cond3A_848 {
          %dma_start3A_856 = arith.constant 0 : i32
          %dma_start3A_857 = tpu.memref_slice %arg7[%cond3A_845, %cond3A_846, %dma_start3A_856] : memref<10x2x64xi32, #tpu.memory_space<vmem>> -> memref<1x1x64xi32, #tpu.memory_space<vmem>>
          %dma_start3A_858 = tpu.memref_squeeze %dma_start3A_857 : memref<1x1x64xi32, #tpu.memory_space<vmem>> -> memref<64xi32, #tpu.memory_space<vmem>>
          %dma_start3A_859 = arith.constant 0 : i32
          %dma_start3A_860 = arith.constant 0 : i32
          %dma_start3A_861 = tpu.memref_slice %arg2[%dma_start3A_859, %dma_start3A_860] : memref<10000x128xf32, #tpu.memory_space<hbm>> -> memref<10000x128xf32, #tpu.memory_space<hbm>>
          tpu.enqueue_indirect_dma source(%dma_start3A_861 : memref<10000x128xf32, #tpu.memory_space<hbm>>) target(%arg9 : memref<64x128xf32, #tpu.memory_space<vmem>>) offsets(%dma_start3A_858 : memref<64xi32, #tpu.memory_space<vmem>>) semaphore(%arg15 : memref<!tpu.dma_semaphore, #tpu.memory_space<semaphore_mem>>)
        } else {
        }
        %eq3A_849 = arith.constant 1 : i32
        %eq3A_850 = arith.cmpi eq, %arg0, %eq3A_849 : i32
        %convert_element_type3A_851 = arith.extui %eq3A_850 : i1 to i32
        %cond3A_852 = arith.constant 0 : i32
        %cond3A_853 = arith.constant 0 : i32
        %cond3A_854 = arith.constant 0 : i32
        %cond3A_855 = arith.cmpi ne, %convert_element_type3A_851, %cond3A_854 : i32
        scf.if %cond3A_855 {
          %dma_start3A_856 = arith.constant 0 : i32
          %dma_start3A_857 = tpu.memref_slice %arg7[%cond3A_852, %cond3A_853, %dma_start3A_856] : memref<10x2x64xi32, #tpu.memory_space<vmem>> -> memref<1x1x64xi32, #tpu.memory_space<vmem>>
          %dma_start3A_858 = tpu.memref_squeeze %dma_start3A_857 : memref<1x1x64xi32, #tpu.memory_space<vmem>> -> memref<64xi32, #tpu.memory_space<vmem>>
          %dma_start3A_859 = arith.constant 0 : i32
          %dma_start3A_860 = arith.constant 0 : i32
          %dma_start3A_861 = tpu.memref_slice %arg3[%dma_start3A_859, %dma_start3A_860] : memref<10000x128xf32, #tpu.memory_space<hbm>> -> memref<10000x128xf32, #tpu.memory_space<hbm>>
          tpu.enqueue_indirect_dma source(%dma_start3A_861 : memref<10000x128xf32, #tpu.memory_space<hbm>>) target(%arg9 : memref<64x128xf32, #tpu.memory_space<vmem>>) offsets(%dma_start3A_858 : memref<64xi32, #tpu.memory_space<vmem>>) semaphore(%arg15 : memref<!tpu.dma_semaphore, #tpu.memory_space<semaphore_mem>>)
        } else {
        }
      } else {
      }
      %dma_start3A_793 = arith.constant 8 : i32
      %dma_start3A_794 = arith.constant 1 : i32
      %dma_start3A_795 = arith.constant 0 : i32
      %dma_start3A_796 = tpu.memref_slice %arg8[%dma_start3A_793, %dma_start3A_794, %dma_start3A_795] : memref<10x2x64xi32, #tpu.memory_space<vmem>> -> memref<1x1x64xi32, #tpu.memory_space<vmem>>
      %dma_start3A_797 = tpu.memref_squeeze %dma_start3A_796 : memref<1x1x64xi32, #tpu.memory_space<vmem>> -> memref<64xi32, #tpu.memory_space<vmem>>
      %dma_start3A_798 = arith.constant 0 : i32
      %dma_start3A_799 = arith.constant 0 : i32
      %dma_start3A_800 = tpu.memref_slice %arg14[%dma_start3A_798, %dma_start3A_799] : memref<10112x128xf32, #tpu.memory_space<vmem_shared>> -> memref<10112x128xf32, #tpu.memory_space<vmem_shared>>
      tpu.enqueue_indirect_dma source(%arg12 : memref<64x128xf32, #tpu.memory_space<vmem>>) target(%dma_start3A_800 : memref<10112x128xf32, #tpu.memory_space<vmem_shared>>) offsets(%dma_start3A_797 : memref<64xi32, #tpu.memory_space<vmem>>) semaphore(%arg20 : memref<!tpu.dma_semaphore, #tpu.memory_space<semaphore_mem>>) {add = true}
      %dma_wait3A_801 = arith.constant 0 : i32
      %dma_wait3A_802 = arith.constant 0 : i32
      %dma_wait3A_803 = arith.constant 0 : i32
      %dma_wait3A_804 = tpu.memref_slice %arg7[%dma_wait3A_801, %dma_wait3A_802, %dma_wait3A_803] : memref<10x2x64xi32, #tpu.memory_space<vmem>> -> memref<1x1x64xi32, #tpu.memory_space<vmem>>
      %dma_wait3A_805 = tpu.memref_squeeze %dma_wait3A_804 : memref<1x1x64xi32, #tpu.memory_space<vmem>> -> memref<64xi32, #tpu.memory_space<vmem>>
      %dma_wait3A_806 = arith.constant 0 : i32
      %dma_wait3A_807 = arith.constant 0 : i32
      %dma_wait3A_808 = tpu.memref_slice %arg2[%dma_wait3A_806, %dma_wait3A_807] : memref<10000x128xf32, #tpu.memory_space<hbm>> -> memref<10000x128xf32, #tpu.memory_space<hbm>>
      tpu.wait_indirect_dma semaphore(%arg15 : memref<!tpu.dma_semaphore, #tpu.memory_space<semaphore_mem>>) src(%dma_wait3A_808 : memref<10000x128xf32, #tpu.memory_space<hbm>>) dst(%arg13 : memref<64x128xf32, #tpu.memory_space<vmem>>)
      %dma_wait3A_809 = arith.constant 6 : i32
      %dma_wait3A_810 = arith.constant 1 : i32
      %dma_wait3A_811 = arith.constant 0 : i32
      %dma_wait3A_812 = tpu.memref_slice %arg8[%dma_wait3A_809, %dma_wait3A_810, %dma_wait3A_811] : memref<10x2x64xi32, #tpu.memory_space<vmem>> -> memref<1x1x64xi32, #tpu.memory_space<vmem>>
      %dma_wait3A_813 = tpu.memref_squeeze %dma_wait3A_812 : memref<1x1x64xi32, #tpu.memory_space<vmem>> -> memref<64xi32, #tpu.memory_space<vmem>>
      %dma_wait3A_814 = arith.constant 0 : i32
      %dma_wait3A_815 = arith.constant 0 : i32
      %dma_wait3A_816 = tpu.memref_slice %arg14[%dma_wait3A_814, %dma_wait3A_815] : memref<10112x128xf32, #tpu.memory_space<vmem_shared>> -> memref<10112x128xf32, #tpu.memory_space<vmem_shared>>
      tpu.wait_indirect_dma semaphore(%arg18 : memref<!tpu.dma_semaphore, #tpu.memory_space<semaphore_mem>>) src(%arg10 : memref<64x128xf32, #tpu.memory_space<vmem>>) dst(%dma_wait3A_816 : memref<10112x128xf32, #tpu.memory_space<vmem_shared>>)
      %lt3A_817 = arith.constant 15 : i32
      %lt3A_818 = arith.cmpi slt, %scan3A_64, %lt3A_817 : i32
      %convert_element_type3A_819 = arith.extui %lt3A_818 : i1 to i32
      %cond3A_820 = arith.constant 0 : i32
      %cond3A_821 = arith.cmpi ne, %convert_element_type3A_819, %cond3A_820 : i32
      scf.if %cond3A_821 {
        %eq3A_831 = arith.constant 0 : i32
        %eq3A_832 = arith.cmpi eq, %arg0, %eq3A_831 : i32
        %convert_element_type3A_833 = arith.extui %eq3A_832 : i1 to i32
        %cond3A_834 = arith.constant 1 : i32
        %cond3A_835 = arith.constant 0 : i32
        %cond3A_836 = arith.constant 0 : i32
        %cond3A_837 = arith.cmpi ne, %convert_element_type3A_833, %cond3A_836 : i32
        scf.if %cond3A_837 {
          %dma_start3A_845 = arith.constant 0 : i32
          %dma_start3A_846 = tpu.memref_slice %arg7[%cond3A_834, %cond3A_835, %dma_start3A_845] : memref<10x2x64xi32, #tpu.memory_space<vmem>> -> memref<1x1x64xi32, #tpu.memory_space<vmem>>
          %dma_start3A_847 = tpu.memref_squeeze %dma_start3A_846 : memref<1x1x64xi32, #tpu.memory_space<vmem>> -> memref<64xi32, #tpu.memory_space<vmem>>
          %dma_start3A_848 = arith.constant 0 : i32
          %dma_start3A_849 = arith.constant 0 : i32
          %dma_start3A_850 = tpu.memref_slice %arg2[%dma_start3A_848, %dma_start3A_849] : memref<10000x128xf32, #tpu.memory_space<hbm>> -> memref<10000x128xf32, #tpu.memory_space<hbm>>
          tpu.enqueue_indirect_dma source(%dma_start3A_850 : memref<10000x128xf32, #tpu.memory_space<hbm>>) target(%arg10 : memref<64x128xf32, #tpu.memory_space<vmem>>) offsets(%dma_start3A_847 : memref<64xi32, #tpu.memory_space<vmem>>) semaphore(%arg15 : memref<!tpu.dma_semaphore, #tpu.memory_space<semaphore_mem>>)
        } else {
        }
        %eq3A_838 = arith.constant 1 : i32
        %eq3A_839 = arith.cmpi eq, %arg0, %eq3A_838 : i32
        %convert_element_type3A_840 = arith.extui %eq3A_839 : i1 to i32
        %cond3A_841 = arith.constant 1 : i32
        %cond3A_842 = arith.constant 0 : i32
        %cond3A_843 = arith.constant 0 : i32
        %cond3A_844 = arith.cmpi ne, %convert_element_type3A_840, %cond3A_843 : i32
        scf.if %cond3A_844 {
          %dma_start3A_845 = arith.constant 0 : i32
          %dma_start3A_846 = tpu.memref_slice %arg7[%cond3A_841, %cond3A_842, %dma_start3A_845] : memref<10x2x64xi32, #tpu.memory_space<vmem>> -> memref<1x1x64xi32, #tpu.memory_space<vmem>>
          %dma_start3A_847 = tpu.memref_squeeze %dma_start3A_846 : memref<1x1x64xi32, #tpu.memory_space<vmem>> -> memref<64xi32, #tpu.memory_space<vmem>>
          %dma_start3A_848 = arith.constant 0 : i32
          %dma_start3A_849 = arith.constant 0 : i32
          %dma_start3A_850 = tpu.memref_slice %arg3[%dma_start3A_848, %dma_start3A_849] : memref<10000x128xf32, #tpu.memory_space<hbm>> -> memref<10000x128xf32, #tpu.memory_space<hbm>>
          tpu.enqueue_indirect_dma source(%dma_start3A_850 : memref<10000x128xf32, #tpu.memory_space<hbm>>) target(%arg10 : memref<64x128xf32, #tpu.memory_space<vmem>>) offsets(%dma_start3A_847 : memref<64xi32, #tpu.memory_space<vmem>>) semaphore(%arg15 : memref<!tpu.dma_semaphore, #tpu.memory_space<semaphore_mem>>)
        } else {
        }
      } else {
      }
      %dma_start3A_822 = arith.constant 9 : i32
      %dma_start3A_823 = arith.constant 1 : i32
      %dma_start3A_824 = arith.constant 0 : i32
      %dma_start3A_825 = tpu.memref_slice %arg8[%dma_start3A_822, %dma_start3A_823, %dma_start3A_824] : memref<10x2x64xi32, #tpu.memory_space<vmem>> -> memref<1x1x64xi32, #tpu.memory_space<vmem>>
      %dma_start3A_826 = tpu.memref_squeeze %dma_start3A_825 : memref<1x1x64xi32, #tpu.memory_space<vmem>> -> memref<64xi32, #tpu.memory_space<vmem>>
      %dma_start3A_827 = arith.constant 0 : i32
      %dma_start3A_828 = arith.constant 0 : i32
      %dma_start3A_829 = tpu.memref_slice %arg14[%dma_start3A_827, %dma_start3A_828] : memref<10112x128xf32, #tpu.memory_space<vmem_shared>> -> memref<10112x128xf32, #tpu.memory_space<vmem_shared>>
      tpu.enqueue_indirect_dma source(%arg13 : memref<64x128xf32, #tpu.memory_space<vmem>>) target(%dma_start3A_829 : memref<10112x128xf32, #tpu.memory_space<vmem_shared>>) offsets(%dma_start3A_826 : memref<64xi32, #tpu.memory_space<vmem>>) semaphore(%arg21 : memref<!tpu.dma_semaphore, #tpu.memory_space<semaphore_mem>>) {add = true}
      %scan3A_830 = arith.constant 0 : i32
      scf.yield %scan3A_830 : i32
    }
    %scan3A_35 = arith.constant 16 : i32
    %dma_wait3A = arith.constant 7 : i32
    %dma_wait3A_36 = arith.constant 1 : i32
    %dma_wait3A_37 = arith.constant 0 : i32
    %dma_wait3A_38 = tpu.memref_slice %arg8[%dma_wait3A, %dma_wait3A_36, %dma_wait3A_37] : memref<10x2x64xi32, #tpu.memory_space<vmem>> -> memref<1x1x64xi32, #tpu.memory_space<vmem>>
    %dma_wait3A_39 = tpu.memref_squeeze %dma_wait3A_38 : memref<1x1x64xi32, #tpu.memory_space<vmem>> -> memref<64xi32, #tpu.memory_space<vmem>>
    %dma_wait3A_40 = arith.constant 0 : i32
    %dma_wait3A_41 = arith.constant 0 : i32
    %dma_wait3A_42 = tpu.memref_slice %arg14[%dma_wait3A_40, %dma_wait3A_41] : memref<10112x128xf32, #tpu.memory_space<vmem_shared>> -> memref<10112x128xf32, #tpu.memory_space<vmem_shared>>
    tpu.wait_indirect_dma semaphore(%arg19 : memref<!tpu.dma_semaphore, #tpu.memory_space<semaphore_mem>>) src(%arg11 : memref<64x128xf32, #tpu.memory_space<vmem>>) dst(%dma_wait3A_42 : memref<10112x128xf32, #tpu.memory_space<vmem_shared>>)
    %dma_wait3A_43 = arith.constant 8 : i32
    %dma_wait3A_44 = arith.constant 1 : i32
    %dma_wait3A_45 = arith.constant 0 : i32
    %dma_wait3A_46 = tpu.memref_slice %arg8[%dma_wait3A_43, %dma_wait3A_44, %dma_wait3A_45] : memref<10x2x64xi32, #tpu.memory_space<vmem>> -> memref<1x1x64xi32, #tpu.memory_space<vmem>>
    %dma_wait3A_47 = tpu.memref_squeeze %dma_wait3A_46 : memref<1x1x64xi32, #tpu.memory_space<vmem>> -> memref<64xi32, #tpu.memory_space<vmem>>
    %dma_wait3A_48 = arith.constant 0 : i32
    %dma_wait3A_49 = arith.constant 0 : i32
    %dma_wait3A_50 = tpu.memref_slice %arg14[%dma_wait3A_48, %dma_wait3A_49] : memref<10112x128xf32, #tpu.memory_space<vmem_shared>> -> memref<10112x128xf32, #tpu.memory_space<vmem_shared>>
    tpu.wait_indirect_dma semaphore(%arg20 : memref<!tpu.dma_semaphore, #tpu.memory_space<semaphore_mem>>) src(%arg12 : memref<64x128xf32, #tpu.memory_space<vmem>>) dst(%dma_wait3A_50 : memref<10112x128xf32, #tpu.memory_space<vmem_shared>>)
    %dma_wait3A_51 = arith.constant 9 : i32
    %dma_wait3A_52 = arith.constant 1 : i32
    %dma_wait3A_53 = arith.constant 0 : i32
    %dma_wait3A_54 = tpu.memref_slice %arg8[%dma_wait3A_51, %dma_wait3A_52, %dma_wait3A_53] : memref<10x2x64xi32, #tpu.memory_space<vmem>> -> memref<1x1x64xi32, #tpu.memory_space<vmem>>
    %dma_wait3A_55 = tpu.memref_squeeze %dma_wait3A_54 : memref<1x1x64xi32, #tpu.memory_space<vmem>> -> memref<64xi32, #tpu.memory_space<vmem>>
    %dma_wait3A_56 = arith.constant 0 : i32
    %dma_wait3A_57 = arith.constant 0 : i32
    %dma_wait3A_58 = tpu.memref_slice %arg14[%dma_wait3A_56, %dma_wait3A_57] : memref<10112x128xf32, #tpu.memory_space<vmem_shared>> -> memref<10112x128xf32, #tpu.memory_space<vmem_shared>>
    tpu.wait_indirect_dma semaphore(%arg21 : memref<!tpu.dma_semaphore, #tpu.memory_space<semaphore_mem>>) src(%arg13 : memref<64x128xf32, #tpu.memory_space<vmem>>) dst(%dma_wait3A_58 : memref<10112x128xf32, #tpu.memory_space<vmem_shared>>)
    %barrier3A_59 = arith.constant 0 : index
    tpu.barrier barrier_id(%barrier3A_59)
    %mul3A_60 = arith.constant 632 : i32
    %mul3A_61 = arith.muli %arg1, %mul3A_60 : i32
    %mul3A_62 = arith.constant 632 : i32
    %mul3A_63 = arith.muli %arg1, %mul3A_62 : i32
    "tpu.region"() ({
      %run_scoped3A = tpu.sem_alloc : memref<!tpu.dma_semaphore, #tpu.memory_space<semaphore_mem>>
      %dma_start3A = arith.constant 0 : i32
      %dma_start3A_64 = tpu.memref_slice %arg6[%arg0, %mul3A_63, %dma_start3A] : memref<2x10112x128xf32, #tpu.memory_space<hbm>> -> memref<1x632x128xf32, #tpu.memory_space<hbm>>
      %dma_start3A_65 = tpu.memref_squeeze %dma_start3A_64 : memref<1x632x128xf32, #tpu.memory_space<hbm>> -> memref<632x128xf32, #tpu.memory_space<hbm>>
      %dma_start3A_66 = arith.constant 0 : i32
      %dma_start3A_67 = tpu.memref_slice %arg14[%mul3A_61, %dma_start3A_66] : memref<10112x128xf32, #tpu.memory_space<vmem_shared>> -> memref<632x128xf32, #tpu.memory_space<vmem_shared>>
      tpu.enqueue_dma source(%dma_start3A_67 : memref<632x128xf32, #tpu.memory_space<vmem_shared>>) target(%dma_start3A_65 : memref<632x128xf32, #tpu.memory_space<hbm>>) target_semaphore(%run_scoped3A : memref<!tpu.dma_semaphore, #tpu.memory_space<semaphore_mem>>)
      %dma_wait3A_68 = arith.constant 0 : i32
      %dma_wait3A_69 = tpu.memref_slice %arg6[%arg0, %mul3A_63, %dma_wait3A_68] : memref<2x10112x128xf32, #tpu.memory_space<hbm>> -> memref<1x632x128xf32, #tpu.memory_space<hbm>>
      %dma_wait3A_70 = tpu.memref_squeeze %dma_wait3A_69 : memref<1x632x128xf32, #tpu.memory_space<hbm>> -> memref<632x128xf32, #tpu.memory_space<hbm>>
      %dma_wait3A_71 = arith.constant 0 : i32
      %dma_wait3A_72 = tpu.memref_slice %arg14[%mul3A_61, %dma_wait3A_71] : memref<10112x128xf32, #tpu.memory_space<vmem_shared>> -> memref<632x128xf32, #tpu.memory_space<vmem_shared>>
      tpu.wait_dma2 semaphore(%run_scoped3A : memref<!tpu.dma_semaphore, #tpu.memory_space<semaphore_mem>>) src(%dma_wait3A_72 : memref<632x128xf32, #tpu.memory_space<vmem_shared>>) dst(%dma_wait3A_70 : memref<632x128xf32, #tpu.memory_space<hbm>>)
      tpu.yield
    }) : () -> ()
    return
  }
}

#map = affine_map<(d0, d1) -> (0, 0)>
#map1 = affine_map<(d0, d1) -> (0, 0, 0)>
#map2 = affine_map<(d0, d1) -> (0)>
module attributes {stable_mosaic.version = 14 : i64} {
  func.func @_agg_counts_body(%arg0: i32, %arg1: i32, %arg2: memref<10000x128xf32, #tpu.memory_space<hbm>>, %arg3: memref<5120x2x64xi32, #tpu.memory_space<hbm>>, %arg4: memref<10112x128xf32, #tpu.memory_space<hbm>>, %arg5: memref<10112xf32, #tpu.memory_space<hbm>>, %arg6: memref<2x10112x128xf32, #tpu.memory_space<hbm>>, %arg7: memref<20224xf32, #tpu.memory_space<hbm>>, %arg8: memref<10x2x64xi32, #tpu.memory_space<vmem>>, %arg9: memref<10x2x64xi32, #tpu.memory_space<vmem>>, %arg10: memref<64x128xf32, #tpu.memory_space<vmem>>, %arg11: memref<64x128xf32, #tpu.memory_space<vmem>>, %arg12: memref<64x128xf32, #tpu.memory_space<vmem>>, %arg13: memref<64x128xf32, #tpu.memory_space<vmem>>, %arg14: memref<64x128xf32, #tpu.memory_space<vmem>>, %arg15: memref<64xf32, #tpu.memory_space<vmem>>, %arg16: memref<10112x128xf32, #tpu.memory_space<vmem_shared>>, %arg17: memref<10112xf32, #tpu.memory_space<vmem_shared>>, %arg18: memref<!tpu.dma_semaphore, #tpu.memory_space<semaphore_mem>>, %arg19: memref<!tpu.dma_semaphore, #tpu.memory_space<semaphore_mem>>, %arg20: memref<!tpu.dma_semaphore, #tpu.memory_space<semaphore_mem>>, %arg21: memref<!tpu.dma_semaphore, #tpu.memory_space<semaphore_mem>>, %arg22: memref<!tpu.dma_semaphore, #tpu.memory_space<semaphore_mem>>, %arg23: memref<!tpu.dma_semaphore, #tpu.memory_space<semaphore_mem>>, %arg24: memref<!tpu.dma_semaphore, #tpu.memory_space<semaphore_mem>>) attributes {dimension_semantics = [#tpu.dimension_semantics<core_parallel>, #tpu.dimension_semantics<subcore_parallel>], iteration_bounds = array<i64: 2, 16>, scalar_prefetch = 0 : i64, scratch_operands = 17 : i64, tpu.core_type = #tpu.core_type<sc_vector_subcore>, window_params = [{transform_indices = #map}, {transform_indices = #map1}, {transform_indices = #map}, {transform_indices = #map2}, {transform_indices = #map1}, {transform_indices = #map2}]} {
    %mul3A = arith.constant 632 : i32
    %mul3A_0 = arith.muli %arg1, %mul3A : i32
    %mul3A_1 = arith.constant 632 : i32
    %mul3A_2 = arith.muli %arg1, %mul3A_1 : i32
    "tpu.region"() ({
      %run_scoped3A = tpu.sem_alloc : memref<!tpu.dma_semaphore, #tpu.memory_space<semaphore_mem>>
      %dma_start3A_106 = arith.constant 0 : i32
      %dma_start3A_107 = tpu.memref_slice %arg16[%mul3A_2, %dma_start3A_106] : memref<10112x128xf32, #tpu.memory_space<vmem_shared>> -> memref<632x128xf32, #tpu.memory_space<vmem_shared>>
      %dma_start3A_108 = arith.constant 0 : i32
      %dma_start3A_109 = tpu.memref_slice %arg4[%mul3A_0, %dma_start3A_108] : memref<10112x128xf32, #tpu.memory_space<hbm>> -> memref<632x128xf32, #tpu.memory_space<hbm>>
      tpu.enqueue_dma source(%dma_start3A_109 : memref<632x128xf32, #tpu.memory_space<hbm>>) target(%dma_start3A_107 : memref<632x128xf32, #tpu.memory_space<vmem_shared>>) target_semaphore(%run_scoped3A : memref<!tpu.dma_semaphore, #tpu.memory_space<semaphore_mem>>)
      %dma_wait3A_110 = arith.constant 0 : i32
      %dma_wait3A_111 = tpu.memref_slice %arg16[%mul3A_2, %dma_wait3A_110] : memref<10112x128xf32, #tpu.memory_space<vmem_shared>> -> memref<632x128xf32, #tpu.memory_space<vmem_shared>>
      %dma_wait3A_112 = arith.constant 0 : i32
      %dma_wait3A_113 = tpu.memref_slice %arg4[%mul3A_0, %dma_wait3A_112] : memref<10112x128xf32, #tpu.memory_space<hbm>> -> memref<632x128xf32, #tpu.memory_space<hbm>>
      tpu.wait_dma2 semaphore(%run_scoped3A : memref<!tpu.dma_semaphore, #tpu.memory_space<semaphore_mem>>) src(%dma_wait3A_113 : memref<632x128xf32, #tpu.memory_space<hbm>>) dst(%dma_wait3A_111 : memref<632x128xf32, #tpu.memory_space<vmem_shared>>)
      tpu.yield
    }) : () -> ()
    %eq3A = arith.constant 0 : i32
    %eq3A_3 = arith.cmpi eq, %arg1, %eq3A : i32
    %convert_element_type3A = arith.extui %eq3A_3 : i1 to i32
    %cond3A = arith.constant 0 : i32
    %cond3A_4 = arith.cmpi ne, %convert_element_type3A, %cond3A : i32
    scf.if %cond3A_4 {
      "tpu.region"() ({
        %run_scoped3A = tpu.sem_alloc : memref<!tpu.dma_semaphore, #tpu.memory_space<semaphore_mem>>
        tpu.enqueue_dma source(%arg5 : memref<10112xf32, #tpu.memory_space<hbm>>) target(%arg17 : memref<10112xf32, #tpu.memory_space<vmem_shared>>) target_semaphore(%run_scoped3A : memref<!tpu.dma_semaphore, #tpu.memory_space<semaphore_mem>>)
        tpu.wait_dma2 semaphore(%run_scoped3A : memref<!tpu.dma_semaphore, #tpu.memory_space<semaphore_mem>>) src(%arg5 : memref<10112xf32, #tpu.memory_space<hbm>>) dst(%arg17 : memref<10112xf32, #tpu.memory_space<vmem_shared>>)
        tpu.yield
      }) : () -> ()
    } else {
    }
    %broadcast_in_dim3A = arith.constant 1.000000e+00 : f32
    %broadcast_in_dim3A_5 = vector.broadcast %broadcast_in_dim3A : f32 to vector<16xf32>
    %swap3A = arith.constant 0 : index
    %swap3A_6 = tpu.vector_load %arg15[%swap3A] {strides = array<i32>} : memref<64xf32, #tpu.memory_space<vmem>>, vector<16xf32>,
    %swap3A_7 = vector.shape_cast %swap3A_6 : vector<16xf32> to vector<16xf32>
    %swap3A_8 = vector.shape_cast %broadcast_in_dim3A_5 : vector<16xf32> to vector<16xf32>
    tpu.vector_store %arg15[%swap3A], %swap3A_8 {strides = array<i32>} : memref<64xf32, #tpu.memory_space<vmem>>, vector<16xf32>,
    %broadcast_in_dim3A_9 = arith.constant 1.000000e+00 : f32
    %broadcast_in_dim3A_10 = vector.broadcast %broadcast_in_dim3A_9 : f32 to vector<16xf32>
    %swap3A_11 = arith.constant 16 : index
    %swap3A_12 = tpu.vector_load %arg15[%swap3A_11] {strides = array<i32>} : memref<64xf32, #tpu.memory_space<vmem>>, vector<16xf32>,
    %swap3A_13 = vector.shape_cast %swap3A_12 : vector<16xf32> to vector<16xf32>
    %swap3A_14 = vector.shape_cast %broadcast_in_dim3A_10 : vector<16xf32> to vector<16xf32>
    tpu.vector_store %arg15[%swap3A_11], %swap3A_14 {strides = array<i32>} : memref<64xf32, #tpu.memory_space<vmem>>, vector<16xf32>,
    %broadcast_in_dim3A_15 = arith.constant 1.000000e+00 : f32
    %broadcast_in_dim3A_16 = vector.broadcast %broadcast_in_dim3A_15 : f32 to vector<16xf32>
    %swap3A_17 = arith.constant 32 : index
    %swap3A_18 = tpu.vector_load %arg15[%swap3A_17] {strides = array<i32>} : memref<64xf32, #tpu.memory_space<vmem>>, vector<16xf32>,
    %swap3A_19 = vector.shape_cast %swap3A_18 : vector<16xf32> to vector<16xf32>
    %swap3A_20 = vector.shape_cast %broadcast_in_dim3A_16 : vector<16xf32> to vector<16xf32>
    tpu.vector_store %arg15[%swap3A_17], %swap3A_20 {strides = array<i32>} : memref<64xf32, #tpu.memory_space<vmem>>, vector<16xf32>,
    %broadcast_in_dim3A_21 = arith.constant 1.000000e+00 : f32
    %broadcast_in_dim3A_22 = vector.broadcast %broadcast_in_dim3A_21 : f32 to vector<16xf32>
    %swap3A_23 = arith.constant 48 : index
    %swap3A_24 = tpu.vector_load %arg15[%swap3A_23] {strides = array<i32>} : memref<64xf32, #tpu.memory_space<vmem>>, vector<16xf32>,
    %swap3A_25 = vector.shape_cast %swap3A_24 : vector<16xf32> to vector<16xf32>
    %swap3A_26 = vector.shape_cast %broadcast_in_dim3A_22 : vector<16xf32> to vector<16xf32>
    tpu.vector_store %arg15[%swap3A_23], %swap3A_26 {strides = array<i32>} : memref<64xf32, #tpu.memory_space<vmem>>, vector<16xf32>,
    %barrier3A = arith.constant 0 : index
    tpu.barrier barrier_id(%barrier3A)
    %mul3A_27 = arith.constant 16 : i32
    %mul3A_28 = arith.muli %arg0, %mul3A_27 : i32
    %add3A = arith.addi %mul3A_28, %arg1 : i32
    %mul3A_29 = arith.constant 160 : i32
    %mul3A_30 = arith.muli %add3A, %mul3A_29 : i32
    "tpu.region"() ({
      %run_scoped3A = tpu.sem_alloc : memref<!tpu.dma_semaphore, #tpu.memory_space<semaphore_mem>>
      %dma_start3A_106 = arith.constant 0 : i32
      %dma_start3A_107 = arith.constant 0 : i32
      %dma_start3A_108 = tpu.memref_slice %arg3[%mul3A_30, %dma_start3A_106, %dma_start3A_107] : memref<5120x2x64xi32, #tpu.memory_space<hbm>> -> memref<10x2x64xi32, #tpu.memory_space<hbm>>
      %dma_start3A_109 = arith.constant 0 : i32
      %dma_start3A_110 = arith.constant 0 : i32
      %dma_start3A_111 = tpu.memref_slice %arg3[%mul3A_30, %dma_start3A_109, %dma_start3A_110] : memref<5120x2x64xi32, #tpu.memory_space<hbm>> -> memref<10x2x64xi32, #tpu.memory_space<hbm>>
      tpu.enqueue_dma source(%dma_start3A_111 : memref<10x2x64xi32, #tpu.memory_space<hbm>>) target(%arg8 : memref<10x2x64xi32, #tpu.memory_space<vmem>>) target_semaphore(%run_scoped3A : memref<!tpu.dma_semaphore, #tpu.memory_space<semaphore_mem>>)
      %dma_wait3A_112 = arith.constant 0 : i32
      %dma_wait3A_113 = arith.constant 0 : i32
      %dma_wait3A_114 = tpu.memref_slice %arg3[%mul3A_30, %dma_wait3A_112, %dma_wait3A_113] : memref<5120x2x64xi32, #tpu.memory_space<hbm>> -> memref<10x2x64xi32, #tpu.memory_space<hbm>>
      %dma_wait3A_115 = arith.constant 0 : i32
      %dma_wait3A_116 = arith.constant 0 : i32
      %dma_wait3A_117 = tpu.memref_slice %arg3[%mul3A_30, %dma_wait3A_115, %dma_wait3A_116] : memref<5120x2x64xi32, #tpu.memory_space<hbm>> -> memref<10x2x64xi32, #tpu.memory_space<hbm>>
      tpu.wait_dma2 semaphore(%run_scoped3A : memref<!tpu.dma_semaphore, #tpu.memory_space<semaphore_mem>>) src(%dma_wait3A_117 : memref<10x2x64xi32, #tpu.memory_space<hbm>>) dst(%arg8 : memref<10x2x64xi32, #tpu.memory_space<vmem>>)
      tpu.yield
    }) : () -> ()
    %dma_start3A = arith.constant 0 : i32
    %dma_start3A_31 = arith.constant 0 : i32
    %dma_start3A_32 = arith.constant 0 : i32
    %dma_start3A_33 = tpu.memref_slice %arg8[%dma_start3A, %dma_start3A_31, %dma_start3A_32] : memref<10x2x64xi32, #tpu.memory_space<vmem>> -> memref<1x1x64xi32, #tpu.memory_space<vmem>>
    %dma_start3A_34 = tpu.memref_squeeze %dma_start3A_33 : memref<1x1x64xi32, #tpu.memory_space<vmem>> -> memref<64xi32, #tpu.memory_space<vmem>>
    %dma_start3A_35 = arith.constant 0 : i32
    %dma_start3A_36 = arith.constant 0 : i32
    %dma_start3A_37 = tpu.memref_slice %arg2[%dma_start3A_35, %dma_start3A_36] : memref<10000x128xf32, #tpu.memory_space<hbm>> -> memref<10000x128xf32, #tpu.memory_space<hbm>>
    tpu.enqueue_indirect_dma source(%dma_start3A_37 : memref<10000x128xf32, #tpu.memory_space<hbm>>) target(%arg10 : memref<64x128xf32, #tpu.memory_space<vmem>>) offsets(%dma_start3A_34 : memref<64xi32, #tpu.memory_space<vmem>>) semaphore(%arg18 : memref<!tpu.dma_semaphore, #tpu.memory_space<semaphore_mem>>)
    %dma_start3A_38 = arith.constant 1 : i32
    %dma_start3A_39 = arith.constant 0 : i32
    %dma_start3A_40 = arith.constant 0 : i32
    %dma_start3A_41 = tpu.memref_slice %arg8[%dma_start3A_38, %dma_start3A_39, %dma_start3A_40] : memref<10x2x64xi32, #tpu.memory_space<vmem>> -> memref<1x1x64xi32, #tpu.memory_space<vmem>>
    %dma_start3A_42 = tpu.memref_squeeze %dma_start3A_41 : memref<1x1x64xi32, #tpu.memory_space<vmem>> -> memref<64xi32, #tpu.memory_space<vmem>>
    %dma_start3A_43 = arith.constant 0 : i32
    %dma_start3A_44 = arith.constant 0 : i32
    %dma_start3A_45 = tpu.memref_slice %arg2[%dma_start3A_43, %dma_start3A_44] : memref<10000x128xf32, #tpu.memory_space<hbm>> -> memref<10000x128xf32, #tpu.memory_space<hbm>>
    tpu.enqueue_indirect_dma source(%dma_start3A_45 : memref<10000x128xf32, #tpu.memory_space<hbm>>) target(%arg11 : memref<64x128xf32, #tpu.memory_space<vmem>>) offsets(%dma_start3A_42 : memref<64xi32, #tpu.memory_space<vmem>>) semaphore(%arg18 : memref<!tpu.dma_semaphore, #tpu.memory_space<semaphore_mem>>)
    %scan3A = arith.constant 0 : i32
    %scan3A_46 = arith.constant 0 : i32
    %scan3A_47 = arith.constant 8 : i32
    %scan3A_48 = arith.addi %scan3A_46, %scan3A_47 : i32
    %scan3A_49 = arith.constant 1 : i32
    %scan3A_50 = scf.for %scan3A_106 = %scan3A_46 to %scan3A_48 step %scan3A_49 iter_args(%scan3A_107 = %scan3A) -> (i32)  : i32 {
      %mul3A_108 = arith.constant 2 : i32
      %mul3A_109 = arith.muli %mul3A_108, %scan3A_106 : i32
      %add3A_110 = arith.constant 0 : i32
      %add3A_111 = arith.addi %mul3A_109, %add3A_110 : i32
      %dma_wait3A_112 = arith.constant 0 : i32
      %dma_wait3A_113 = arith.constant 0 : i32
      %dma_wait3A_114 = arith.constant 0 : i32
      %dma_wait3A_115 = tpu.memref_slice %arg8[%dma_wait3A_112, %dma_wait3A_113, %dma_wait3A_114] : memref<10x2x64xi32, #tpu.memory_space<vmem>> -> memref<1x1x64xi32, #tpu.memory_space<vmem>>
      %dma_wait3A_116 = tpu.memref_squeeze %dma_wait3A_115 : memref<1x1x64xi32, #tpu.memory_space<vmem>> -> memref<64xi32, #tpu.memory_space<vmem>>
      %dma_wait3A_117 = arith.constant 0 : i32
      %dma_wait3A_118 = arith.constant 0 : i32
      %dma_wait3A_119 = tpu.memref_slice %arg2[%dma_wait3A_117, %dma_wait3A_118] : memref<10000x128xf32, #tpu.memory_space<hbm>> -> memref<10000x128xf32, #tpu.memory_space<hbm>>
      tpu.wait_indirect_dma semaphore(%arg18 : memref<!tpu.dma_semaphore, #tpu.memory_space<semaphore_mem>>) src(%dma_wait3A_119 : memref<10000x128xf32, #tpu.memory_space<hbm>>) dst(%arg10 : memref<64x128xf32, #tpu.memory_space<vmem>>)
      %gt3A = arith.constant 0 : i32
      %gt3A_120 = arith.cmpi sgt, %scan3A_106, %gt3A : i32
      %convert_element_type3A_121 = arith.extui %gt3A_120 : i1 to i32
      %cond3A_122 = arith.constant 0 : i32
      %cond3A_123 = arith.cmpi ne, %convert_element_type3A_121, %cond3A_122 : i32
      scf.if %cond3A_123 {
        %dma_wait3A_1026 = arith.constant 7 : i32
        %dma_wait3A_1027 = arith.constant 1 : i32
        %dma_wait3A_1028 = arith.constant 0 : i32
        %dma_wait3A_1029 = tpu.memref_slice %arg9[%dma_wait3A_1026, %dma_wait3A_1027, %dma_wait3A_1028] : memref<10x2x64xi32, #tpu.memory_space<vmem>> -> memref<1x1x64xi32, #tpu.memory_space<vmem>>
        %dma_wait3A_1030 = tpu.memref_squeeze %dma_wait3A_1029 : memref<1x1x64xi32, #tpu.memory_space<vmem>> -> memref<64xi32, #tpu.memory_space<vmem>>
        %dma_wait3A_1031 = arith.constant 0 : i32
        %dma_wait3A_1032 = arith.constant 0 : i32
        %dma_wait3A_1033 = tpu.memref_slice %arg16[%dma_wait3A_1031, %dma_wait3A_1032] : memref<10112x128xf32, #tpu.memory_space<vmem_shared>> -> memref<10112x128xf32, #tpu.memory_space<vmem_shared>>
        tpu.wait_indirect_dma semaphore(%arg22 : memref<!tpu.dma_semaphore, #tpu.memory_space<semaphore_mem>>) src(%arg12 : memref<64x128xf32, #tpu.memory_space<vmem>>) dst(%dma_wait3A_1033 : memref<10112x128xf32, #tpu.memory_space<vmem_shared>>)
        %dma_wait3A_1034 = arith.constant 7 : i32
        %dma_wait3A_1035 = arith.constant 1 : i32
        %dma_wait3A_1036 = arith.constant 0 : i32
        %dma_wait3A_1037 = tpu.memref_slice %arg9[%dma_wait3A_1034, %dma_wait3A_1035, %dma_wait3A_1036] : memref<10x2x64xi32, #tpu.memory_space<vmem>> -> memref<1x1x64xi32, #tpu.memory_space<vmem>>
        %dma_wait3A_1038 = tpu.memref_squeeze %dma_wait3A_1037 : memref<1x1x64xi32, #tpu.memory_space<vmem>> -> memref<64xi32, #tpu.memory_space<vmem>>
        %dma_wait3A_1039 = arith.constant 0 : i32
        %dma_wait3A_1040 = tpu.memref_slice %arg17[%dma_wait3A_1039] : memref<10112xf32, #tpu.memory_space<vmem_shared>> -> memref<10112xf32, #tpu.memory_space<vmem_shared>>
        tpu.wait_indirect_dma semaphore(%arg22 : memref<!tpu.dma_semaphore, #tpu.memory_space<semaphore_mem>>) src(%arg15 : memref<64xf32, #tpu.memory_space<vmem>>) dst(%dma_wait3A_1040 : memref<10112xf32, #tpu.memory_space<vmem_shared>>)
      } else {
      }
      %dma_start3A_124 = arith.constant 2 : i32
      %dma_start3A_125 = arith.constant 0 : i32
      %dma_start3A_126 = arith.constant 0 : i32
      %dma_start3A_127 = tpu.memref_slice %arg8[%dma_start3A_124, %dma_start3A_125, %dma_start3A_126] : memref<10x2x64xi32, #tpu.memory_space<vmem>> -> memref<1x1x64xi32, #tpu.memory_space<vmem>>
      %dma_start3A_128 = tpu.memref_squeeze %dma_start3A_127 : memref<1x1x64xi32, #tpu.memory_space<vmem>> -> memref<64xi32, #tpu.memory_space<vmem>>
      %dma_start3A_129 = arith.constant 0 : i32
      %dma_start3A_130 = arith.constant 0 : i32
      %dma_start3A_131 = tpu.memref_slice %arg2[%dma_start3A_129, %dma_start3A_130] : memref<10000x128xf32, #tpu.memory_space<hbm>> -> memref<10000x128xf32, #tpu.memory_space<hbm>>
      tpu.enqueue_indirect_dma source(%dma_start3A_131 : memref<10000x128xf32, #tpu.memory_space<hbm>>) target(%arg12 : memref<64x128xf32, #tpu.memory_space<vmem>>) offsets(%dma_start3A_128 : memref<64xi32, #tpu.memory_space<vmem>>) semaphore(%arg18 : memref<!tpu.dma_semaphore, #tpu.memory_space<semaphore_mem>>)
      %dma_start3A_132 = arith.constant 0 : i32
      %dma_start3A_133 = arith.constant 1 : i32
      %dma_start3A_134 = arith.constant 0 : i32
      %dma_start3A_135 = tpu.memref_slice %arg8[%dma_start3A_132, %dma_start3A_133, %dma_start3A_134] : memref<10x2x64xi32, #tpu.memory_space<vmem>> -> memref<1x1x64xi32, #tpu.memory_space<vmem>>
      %dma_start3A_136 = tpu.memref_squeeze %dma_start3A_135 : memref<1x1x64xi32, #tpu.memory_space<vmem>> -> memref<64xi32, #tpu.memory_space<vmem>>
      %dma_start3A_137 = arith.constant 0 : i32
      %dma_start3A_138 = arith.constant 0 : i32
      %dma_start3A_139 = tpu.memref_slice %arg16[%dma_start3A_137, %dma_start3A_138] : memref<10112x128xf32, #tpu.memory_space<vmem_shared>> -> memref<10112x128xf32, #tpu.memory_space<vmem_shared>>
      tpu.enqueue_indirect_dma source(%arg10 : memref<64x128xf32, #tpu.memory_space<vmem>>) target(%dma_start3A_139 : memref<10112x128xf32, #tpu.memory_space<vmem_shared>>) offsets(%dma_start3A_136 : memref<64xi32, #tpu.memory_space<vmem>>) semaphore(%arg20 : memref<!tpu.dma_semaphore, #tpu.memory_space<semaphore_mem>>) {add = true}
      %dma_start3A_140 = arith.constant 0 : i32
      %dma_start3A_141 = arith.constant 1 : i32
      %dma_start3A_142 = arith.constant 0 : i32
      %dma_start3A_143 = tpu.memref_slice %arg8[%dma_start3A_140, %dma_start3A_141, %dma_start3A_142] : memref<10x2x64xi32, #tpu.memory_space<vmem>> -> memref<1x1x64xi32, #tpu.memory_space<vmem>>
      %dma_start3A_144 = tpu.memref_squeeze %dma_start3A_143 : memref<1x1x64xi32, #tpu.memory_space<vmem>> -> memref<64xi32, #tpu.memory_space<vmem>>
      %dma_start3A_145 = arith.constant 0 : i32
      %dma_start3A_146 = tpu.memref_slice %arg17[%dma_start3A_145] : memref<10112xf32, #tpu.memory_space<vmem_shared>> -> memref<10112xf32, #tpu.memory_space<vmem_shared>>
      tpu.enqueue_indirect_dma source(%arg15 : memref<64xf32, #tpu.memory_space<vmem>>) target(%dma_start3A_146 : memref<10112xf32, #tpu.memory_space<vmem_shared>>) offsets(%dma_start3A_144 : memref<64xi32, #tpu.memory_space<vmem>>) semaphore(%arg20 : memref<!tpu.dma_semaphore, #tpu.memory_space<semaphore_mem>>) {add = true}
      %dma_wait3A_147 = arith.constant 0 : i32
      %dma_wait3A_148 = arith.constant 0 : i32
      %dma_wait3A_149 = arith.constant 0 : i32
      %dma_wait3A_150 = tpu.memref_slice %arg8[%dma_wait3A_147, %dma_wait3A_148, %dma_wait3A_149] : memref<10x2x64xi32, #tpu.memory_space<vmem>> -> memref<1x1x64xi32, #tpu.memory_space<vmem>>
      %dma_wait3A_151 = tpu.memref_squeeze %dma_wait3A_150 : memref<1x1x64xi32, #tpu.memory_space<vmem>> -> memref<64xi32, #tpu.memory_space<vmem>>
      %dma_wait3A_152 = arith.constant 0 : i32
      %dma_wait3A_153 = arith.constant 0 : i32
      %dma_wait3A_154 = tpu.memref_slice %arg2[%dma_wait3A_152, %dma_wait3A_153] : memref<10000x128xf32, #tpu.memory_space<hbm>> -> memref<10000x128xf32, #tpu.memory_space<hbm>>
      tpu.wait_indirect_dma semaphore(%arg18 : memref<!tpu.dma_semaphore, #tpu.memory_space<semaphore_mem>>) src(%dma_wait3A_154 : memref<10000x128xf32, #tpu.memory_space<hbm>>) dst(%arg11 : memref<64x128xf32, #tpu.memory_space<vmem>>)
      %gt3A_155 = arith.constant 0 : i32
      %gt3A_156 = arith.cmpi sgt, %scan3A_106, %gt3A_155 : i32
      %convert_element_type3A_157 = arith.extui %gt3A_156 : i1 to i32
      %cond3A_158 = arith.constant 0 : i32
      %cond3A_159 = arith.cmpi ne, %convert_element_type3A_157, %cond3A_158 : i32
      scf.if %cond3A_159 {
        %dma_wait3A_1026 = arith.constant 8 : i32
        %dma_wait3A_1027 = arith.constant 1 : i32
        %dma_wait3A_1028 = arith.constant 0 : i32
        %dma_wait3A_1029 = tpu.memref_slice %arg9[%dma_wait3A_1026, %dma_wait3A_1027, %dma_wait3A_1028] : memref<10x2x64xi32, #tpu.memory_space<vmem>> -> memref<1x1x64xi32, #tpu.memory_space<vmem>>
        %dma_wait3A_1030 = tpu.memref_squeeze %dma_wait3A_1029 : memref<1x1x64xi32, #tpu.memory_space<vmem>> -> memref<64xi32, #tpu.memory_space<vmem>>
        %dma_wait3A_1031 = arith.constant 0 : i32
        %dma_wait3A_1032 = arith.constant 0 : i32
        %dma_wait3A_1033 = tpu.memref_slice %arg16[%dma_wait3A_1031, %dma_wait3A_1032] : memref<10112x128xf32, #tpu.memory_space<vmem_shared>> -> memref<10112x128xf32, #tpu.memory_space<vmem_shared>>
        tpu.wait_indirect_dma semaphore(%arg23 : memref<!tpu.dma_semaphore, #tpu.memory_space<semaphore_mem>>) src(%arg13 : memref<64x128xf32, #tpu.memory_space<vmem>>) dst(%dma_wait3A_1033 : memref<10112x128xf32, #tpu.memory_space<vmem_shared>>)
        %dma_wait3A_1034 = arith.constant 8 : i32
        %dma_wait3A_1035 = arith.constant 1 : i32
        %dma_wait3A_1036 = arith.constant 0 : i32
        %dma_wait3A_1037 = tpu.memref_slice %arg9[%dma_wait3A_1034, %dma_wait3A_1035, %dma_wait3A_1036] : memref<10x2x64xi32, #tpu.memory_space<vmem>> -> memref<1x1x64xi32, #tpu.memory_space<vmem>>
        %dma_wait3A_1038 = tpu.memref_squeeze %dma_wait3A_1037 : memref<1x1x64xi32, #tpu.memory_space<vmem>> -> memref<64xi32, #tpu.memory_space<vmem>>
        %dma_wait3A_1039 = arith.constant 0 : i32
        %dma_wait3A_1040 = tpu.memref_slice %arg17[%dma_wait3A_1039] : memref<10112xf32, #tpu.memory_space<vmem_shared>> -> memref<10112xf32, #tpu.memory_space<vmem_shared>>
        tpu.wait_indirect_dma semaphore(%arg23 : memref<!tpu.dma_semaphore, #tpu.memory_space<semaphore_mem>>) src(%arg15 : memref<64xf32, #tpu.memory_space<vmem>>) dst(%dma_wait3A_1040 : memref<10112xf32, #tpu.memory_space<vmem_shared>>)
      } else {
      }
      %dma_start3A_160 = arith.constant 3 : i32
      %dma_start3A_161 = arith.constant 0 : i32
      %dma_start3A_162 = arith.constant 0 : i32
      %dma_start3A_163 = tpu.memref_slice %arg8[%dma_start3A_160, %dma_start3A_161, %dma_start3A_162] : memref<10x2x64xi32, #tpu.memory_space<vmem>> -> memref<1x1x64xi32, #tpu.memory_space<vmem>>
      %dma_start3A_164 = tpu.memref_squeeze %dma_start3A_163 : memref<1x1x64xi32, #tpu.memory_space<vmem>> -> memref<64xi32, #tpu.memory_space<vmem>>
      %dma_start3A_165 = arith.constant 0 : i32
      %dma_start3A_166 = arith.constant 0 : i32
      %dma_start3A_167 = tpu.memref_slice %arg2[%dma_start3A_165, %dma_start3A_166] : memref<10000x128xf32, #tpu.memory_space<hbm>> -> memref<10000x128xf32, #tpu.memory_space<hbm>>
      tpu.enqueue_indirect_dma source(%dma_start3A_167 : memref<10000x128xf32, #tpu.memory_space<hbm>>) target(%arg13 : memref<64x128xf32, #tpu.memory_space<vmem>>) offsets(%dma_start3A_164 : memref<64xi32, #tpu.memory_space<vmem>>) semaphore(%arg18 : memref<!tpu.dma_semaphore, #tpu.memory_space<semaphore_mem>>)
      %dma_start3A_168 = arith.constant 1 : i32
      %dma_start3A_169 = arith.constant 1 : i32
      %dma_start3A_170 = arith.constant 0 : i32
      %dma_start3A_171 = tpu.memref_slice %arg8[%dma_start3A_168, %dma_start3A_169, %dma_start3A_170] : memref<10x2x64xi32, #tpu.memory_space<vmem>> -> memref<1x1x64xi32, #tpu.memory_space<vmem>>
      %dma_start3A_172 = tpu.memref_squeeze %dma_start3A_171 : memref<1x1x64xi32, #tpu.memory_space<vmem>> -> memref<64xi32, #tpu.memory_space<vmem>>
      %dma_start3A_173 = arith.constant 0 : i32
      %dma_start3A_174 = arith.constant 0 : i32
      %dma_start3A_175 = tpu.memref_slice %arg16[%dma_start3A_173, %dma_start3A_174] : memref<10112x128xf32, #tpu.memory_space<vmem_shared>> -> memref<10112x128xf32, #tpu.memory_space<vmem_shared>>
      tpu.enqueue_indirect_dma source(%arg11 : memref<64x128xf32, #tpu.memory_space<vmem>>) target(%dma_start3A_175 : memref<10112x128xf32, #tpu.memory_space<vmem_shared>>) offsets(%dma_start3A_172 : memref<64xi32, #tpu.memory_space<vmem>>) semaphore(%arg21 : memref<!tpu.dma_semaphore, #tpu.memory_space<semaphore_mem>>) {add = true}
      %dma_start3A_176 = arith.constant 1 : i32
      %dma_start3A_177 = arith.constant 1 : i32
      %dma_start3A_178 = arith.constant 0 : i32
      %dma_start3A_179 = tpu.memref_slice %arg8[%dma_start3A_176, %dma_start3A_177, %dma_start3A_178] : memref<10x2x64xi32, #tpu.memory_space<vmem>> -> memref<1x1x64xi32, #tpu.memory_space<vmem>>
      %dma_start3A_180 = tpu.memref_squeeze %dma_start3A_179 : memref<1x1x64xi32, #tpu.memory_space<vmem>> -> memref<64xi32, #tpu.memory_space<vmem>>
      %dma_start3A_181 = arith.constant 0 : i32
      %dma_start3A_182 = tpu.memref_slice %arg17[%dma_start3A_181] : memref<10112xf32, #tpu.memory_space<vmem_shared>> -> memref<10112xf32, #tpu.memory_space<vmem_shared>>
      tpu.enqueue_indirect_dma source(%arg15 : memref<64xf32, #tpu.memory_space<vmem>>) target(%dma_start3A_182 : memref<10112xf32, #tpu.memory_space<vmem_shared>>) offsets(%dma_start3A_180 : memref<64xi32, #tpu.memory_space<vmem>>) semaphore(%arg21 : memref<!tpu.dma_semaphore, #tpu.memory_space<semaphore_mem>>) {add = true}
      %dma_wait3A_183 = arith.constant 0 : i32
      %dma_wait3A_184 = arith.constant 0 : i32
      %dma_wait3A_185 = arith.constant 0 : i32
      %dma_wait3A_186 = tpu.memref_slice %arg8[%dma_wait3A_183, %dma_wait3A_184, %dma_wait3A_185] : memref<10x2x64xi32, #tpu.memory_space<vmem>> -> memref<1x1x64xi32, #tpu.memory_space<vmem>>
      %dma_wait3A_187 = tpu.memref_squeeze %dma_wait3A_186 : memref<1x1x64xi32, #tpu.memory_space<vmem>> -> memref<64xi32, #tpu.memory_space<vmem>>
      %dma_wait3A_188 = arith.constant 0 : i32
      %dma_wait3A_189 = arith.constant 0 : i32
      %dma_wait3A_190 = tpu.memref_slice %arg2[%dma_wait3A_188, %dma_wait3A_189] : memref<10000x128xf32, #tpu.memory_space<hbm>> -> memref<10000x128xf32, #tpu.memory_space<hbm>>
      tpu.wait_indirect_dma semaphore(%arg18 : memref<!tpu.dma_semaphore, #tpu.memory_space<semaphore_mem>>) src(%dma_wait3A_190 : memref<10000x128xf32, #tpu.memory_space<hbm>>) dst(%arg12 : memref<64x128xf32, #tpu.memory_space<vmem>>)
      %gt3A_191 = arith.constant 0 : i32
      %gt3A_192 = arith.cmpi sgt, %scan3A_106, %gt3A_191 : i32
      %convert_element_type3A_193 = arith.extui %gt3A_192 : i1 to i32
      %cond3A_194 = arith.constant 0 : i32
      %cond3A_195 = arith.cmpi ne, %convert_element_type3A_193, %cond3A_194 : i32
      scf.if %cond3A_195 {
        %dma_wait3A_1026 = arith.constant 9 : i32
        %dma_wait3A_1027 = arith.constant 1 : i32
        %dma_wait3A_1028 = arith.constant 0 : i32
        %dma_wait3A_1029 = tpu.memref_slice %arg9[%dma_wait3A_1026, %dma_wait3A_1027, %dma_wait3A_1028] : memref<10x2x64xi32, #tpu.memory_space<vmem>> -> memref<1x1x64xi32, #tpu.memory_space<vmem>>
        %dma_wait3A_1030 = tpu.memref_squeeze %dma_wait3A_1029 : memref<1x1x64xi32, #tpu.memory_space<vmem>> -> memref<64xi32, #tpu.memory_space<vmem>>
        %dma_wait3A_1031 = arith.constant 0 : i32
        %dma_wait3A_1032 = arith.constant 0 : i32
        %dma_wait3A_1033 = tpu.memref_slice %arg16[%dma_wait3A_1031, %dma_wait3A_1032] : memref<10112x128xf32, #tpu.memory_space<vmem_shared>> -> memref<10112x128xf32, #tpu.memory_space<vmem_shared>>
        tpu.wait_indirect_dma semaphore(%arg24 : memref<!tpu.dma_semaphore, #tpu.memory_space<semaphore_mem>>) src(%arg14 : memref<64x128xf32, #tpu.memory_space<vmem>>) dst(%dma_wait3A_1033 : memref<10112x128xf32, #tpu.memory_space<vmem_shared>>)
        %dma_wait3A_1034 = arith.constant 9 : i32
        %dma_wait3A_1035 = arith.constant 1 : i32
        %dma_wait3A_1036 = arith.constant 0 : i32
        %dma_wait3A_1037 = tpu.memref_slice %arg9[%dma_wait3A_1034, %dma_wait3A_1035, %dma_wait3A_1036] : memref<10x2x64xi32, #tpu.memory_space<vmem>> -> memref<1x1x64xi32, #tpu.memory_space<vmem>>
        %dma_wait3A_1038 = tpu.memref_squeeze %dma_wait3A_1037 : memref<1x1x64xi32, #tpu.memory_space<vmem>> -> memref<64xi32, #tpu.memory_space<vmem>>
        %dma_wait3A_1039 = arith.constant 0 : i32
        %dma_wait3A_1040 = tpu.memref_slice %arg17[%dma_wait3A_1039] : memref<10112xf32, #tpu.memory_space<vmem_shared>> -> memref<10112xf32, #tpu.memory_space<vmem_shared>>
        tpu.wait_indirect_dma semaphore(%arg24 : memref<!tpu.dma_semaphore, #tpu.memory_space<semaphore_mem>>) src(%arg15 : memref<64xf32, #tpu.memory_space<vmem>>) dst(%dma_wait3A_1040 : memref<10112xf32, #tpu.memory_space<vmem_shared>>)
      } else {
      }
      %add3A_196 = arith.constant 1 : i32
      %add3A_197 = arith.addi %add3A_111, %add3A_196 : i32
      %mul3A_198 = arith.constant 10 : i32
      %mul3A_199 = arith.muli %add3A_197, %mul3A_198 : i32
      %add3A_200 = arith.addi %mul3A_30, %mul3A_199 : i32
      %dma_start3A_201 = arith.constant 0 : i32
      %dma_start3A_202 = arith.constant 0 : i32
      %dma_start3A_203 = tpu.memref_slice %arg3[%add3A_200, %dma_start3A_201, %dma_start3A_202] : memref<5120x2x64xi32, #tpu.memory_space<hbm>> -> memref<10x2x64xi32, #tpu.memory_space<hbm>>
      %dma_start3A_204 = arith.constant 0 : i32
      %dma_start3A_205 = arith.constant 0 : i32
      %dma_start3A_206 = tpu.memref_slice %arg3[%add3A_200, %dma_start3A_204, %dma_start3A_205] : memref<5120x2x64xi32, #tpu.memory_space<hbm>> -> memref<10x2x64xi32, #tpu.memory_space<hbm>>
      tpu.enqueue_dma source(%dma_start3A_206 : memref<10x2x64xi32, #tpu.memory_space<hbm>>) target(%arg9 : memref<10x2x64xi32, #tpu.memory_space<vmem>>) target_semaphore(%arg19 : memref<!tpu.dma_semaphore, #tpu.memory_space<semaphore_mem>>)
      %dma_start3A_207 = arith.constant 4 : i32
      %dma_start3A_208 = arith.constant 0 : i32
      %dma_start3A_209 = arith.constant 0 : i32
      %dma_start3A_210 = tpu.memref_slice %arg8[%dma_start3A_207, %dma_start3A_208, %dma_start3A_209] : memref<10x2x64xi32, #tpu.memory_space<vmem>> -> memref<1x1x64xi32, #tpu.memory_space<vmem>>
      %dma_start3A_211 = tpu.memref_squeeze %dma_start3A_210 : memref<1x1x64xi32, #tpu.memory_space<vmem>> -> memref<64xi32, #tpu.memory_space<vmem>>
      %dma_start3A_212 = arith.constant 0 : i32
      %dma_start3A_213 = arith.constant 0 : i32
      %dma_start3A_214 = tpu.memref_slice %arg2[%dma_start3A_212, %dma_start3A_213] : memref<10000x128xf32, #tpu.memory_space<hbm>> -> memref<10000x128xf32, #tpu.memory_space<hbm>>
      tpu.enqueue_indirect_dma source(%dma_start3A_214 : memref<10000x128xf32, #tpu.memory_space<hbm>>) target(%arg14 : memref<64x128xf32, #tpu.memory_space<vmem>>) offsets(%dma_start3A_211 : memref<64xi32, #tpu.memory_space<vmem>>) semaphore(%arg18 : memref<!tpu.dma_semaphore, #tpu.memory_space<semaphore_mem>>)
      %dma_start3A_215 = arith.constant 2 : i32
      %dma_start3A_216 = arith.constant 1 : i32
      %dma_start3A_217 = arith.constant 0 : i32
      %dma_start3A_218 = tpu.memref_slice %arg8[%dma_start3A_215, %dma_start3A_216, %dma_start3A_217] : memref<10x2x64xi32, #tpu.memory_space<vmem>> -> memref<1x1x64xi32, #tpu.memory_space<vmem>>
      %dma_start3A_219 = tpu.memref_squeeze %dma_start3A_218 : memref<1x1x64xi32, #tpu.memory_space<vmem>> -> memref<64xi32, #tpu.memory_space<vmem>>
      %dma_start3A_220 = arith.constant 0 : i32
      %dma_start3A_221 = arith.constant 0 : i32
      %dma_start3A_222 = tpu.memref_slice %arg16[%dma_start3A_220, %dma_start3A_221] : memref<10112x128xf32, #tpu.memory_space<vmem_shared>> -> memref<10112x128xf32, #tpu.memory_space<vmem_shared>>
      tpu.enqueue_indirect_dma source(%arg12 : memref<64x128xf32, #tpu.memory_space<vmem>>) target(%dma_start3A_222 : memref<10112x128xf32, #tpu.memory_space<vmem_shared>>) offsets(%dma_start3A_219 : memref<64xi32, #tpu.memory_space<vmem>>) semaphore(%arg22 : memref<!tpu.dma_semaphore, #tpu.memory_space<semaphore_mem>>) {add = true}
      %dma_start3A_223 = arith.constant 2 : i32
      %dma_start3A_224 = arith.constant 1 : i32
      %dma_start3A_225 = arith.constant 0 : i32
      %dma_start3A_226 = tpu.memref_slice %arg8[%dma_start3A_223, %dma_start3A_224, %dma_start3A_225] : memref<10x2x64xi32, #tpu.memory_space<vmem>> -> memref<1x1x64xi32, #tpu.memory_space<vmem>>
      %dma_start3A_227 = tpu.memref_squeeze %dma_start3A_226 : memref<1x1x64xi32, #tpu.memory_space<vmem>> -> memref<64xi32, #tpu.memory_space<vmem>>
      %dma_start3A_228 = arith.constant 0 : i32
      %dma_start3A_229 = tpu.memref_slice %arg17[%dma_start3A_228] : memref<10112xf32, #tpu.memory_space<vmem_shared>> -> memref<10112xf32, #tpu.memory_space<vmem_shared>>
      tpu.enqueue_indirect_dma source(%arg15 : memref<64xf32, #tpu.memory_space<vmem>>) target(%dma_start3A_229 : memref<10112xf32, #tpu.memory_space<vmem_shared>>) offsets(%dma_start3A_227 : memref<64xi32, #tpu.memory_space<vmem>>) semaphore(%arg22 : memref<!tpu.dma_semaphore, #tpu.memory_space<semaphore_mem>>) {add = true}
      %dma_wait3A_230 = arith.constant 0 : i32
      %dma_wait3A_231 = arith.constant 0 : i32
      %dma_wait3A_232 = arith.constant 0 : i32
      %dma_wait3A_233 = tpu.memref_slice %arg8[%dma_wait3A_230, %dma_wait3A_231, %dma_wait3A_232] : memref<10x2x64xi32, #tpu.memory_space<vmem>> -> memref<1x1x64xi32, #tpu.memory_space<vmem>>
      %dma_wait3A_234 = tpu.memref_squeeze %dma_wait3A_233 : memref<1x1x64xi32, #tpu.memory_space<vmem>> -> memref<64xi32, #tpu.memory_space<vmem>>
      %dma_wait3A_235 = arith.constant 0 : i32
      %dma_wait3A_236 = arith.constant 0 : i32
      %dma_wait3A_237 = tpu.memref_slice %arg2[%dma_wait3A_235, %dma_wait3A_236] : memref<10000x128xf32, #tpu.memory_space<hbm>> -> memref<10000x128xf32, #tpu.memory_space<hbm>>
      tpu.wait_indirect_dma semaphore(%arg18 : memref<!tpu.dma_semaphore, #tpu.memory_space<semaphore_mem>>) src(%dma_wait3A_237 : memref<10000x128xf32, #tpu.memory_space<hbm>>) dst(%arg13 : memref<64x128xf32, #tpu.memory_space<vmem>>)
      %dma_wait3A_238 = arith.constant 0 : i32
      %dma_wait3A_239 = arith.constant 1 : i32
      %dma_wait3A_240 = arith.constant 0 : i32
      %dma_wait3A_241 = tpu.memref_slice %arg8[%dma_wait3A_238, %dma_wait3A_239, %dma_wait3A_240] : memref<10x2x64xi32, #tpu.memory_space<vmem>> -> memref<1x1x64xi32, #tpu.memory_space<vmem>>
      %dma_wait3A_242 = tpu.memref_squeeze %dma_wait3A_241 : memref<1x1x64xi32, #tpu.memory_space<vmem>> -> memref<64xi32, #tpu.memory_space<vmem>>
      %dma_wait3A_243 = arith.constant 0 : i32
      %dma_wait3A_244 = arith.constant 0 : i32
      %dma_wait3A_245 = tpu.memref_slice %arg16[%dma_wait3A_243, %dma_wait3A_244] : memref<10112x128xf32, #tpu.memory_space<vmem_shared>> -> memref<10112x128xf32, #tpu.memory_space<vmem_shared>>
      tpu.wait_indirect_dma semaphore(%arg20 : memref<!tpu.dma_semaphore, #tpu.memory_space<semaphore_mem>>) src(%arg10 : memref<64x128xf32, #tpu.memory_space<vmem>>) dst(%dma_wait3A_245 : memref<10112x128xf32, #tpu.memory_space<vmem_shared>>)
      %dma_wait3A_246 = arith.constant 0 : i32
      %dma_wait3A_247 = arith.constant 1 : i32
      %dma_wait3A_248 = arith.constant 0 : i32
      %dma_wait3A_249 = tpu.memref_slice %arg8[%dma_wait3A_246, %dma_wait3A_247, %dma_wait3A_248] : memref<10x2x64xi32, #tpu.memory_space<vmem>> -> memref<1x1x64xi32, #tpu.memory_space<vmem>>
      %dma_wait3A_250 = tpu.memref_squeeze %dma_wait3A_249 : memref<1x1x64xi32, #tpu.memory_space<vmem>> -> memref<64xi32, #tpu.memory_space<vmem>>
      %dma_wait3A_251 = arith.constant 0 : i32
      %dma_wait3A_252 = tpu.memref_slice %arg17[%dma_wait3A_251] : memref<10112xf32, #tpu.memory_space<vmem_shared>> -> memref<10112xf32, #tpu.memory_space<vmem_shared>>
      tpu.wait_indirect_dma semaphore(%arg20 : memref<!tpu.dma_semaphore, #tpu.memory_space<semaphore_mem>>) src(%arg15 : memref<64xf32, #tpu.memory_space<vmem>>) dst(%dma_wait3A_252 : memref<10112xf32, #tpu.memory_space<vmem_shared>>)
      %dma_start3A_253 = arith.constant 5 : i32
      %dma_start3A_254 = arith.constant 0 : i32
      %dma_start3A_255 = arith.constant 0 : i32
      %dma_start3A_256 = tpu.memref_slice %arg8[%dma_start3A_253, %dma_start3A_254, %dma_start3A_255] : memref<10x2x64xi32, #tpu.memory_space<vmem>> -> memref<1x1x64xi32, #tpu.memory_space<vmem>>
      %dma_start3A_257 = tpu.memref_squeeze %dma_start3A_256 : memref<1x1x64xi32, #tpu.memory_space<vmem>> -> memref<64xi32, #tpu.memory_space<vmem>>
      %dma_start3A_258 = arith.constant 0 : i32
      %dma_start3A_259 = arith.constant 0 : i32
      %dma_start3A_260 = tpu.memref_slice %arg2[%dma_start3A_258, %dma_start3A_259] : memref<10000x128xf32, #tpu.memory_space<hbm>> -> memref<10000x128xf32, #tpu.memory_space<hbm>>
      tpu.enqueue_indirect_dma source(%dma_start3A_260 : memref<10000x128xf32, #tpu.memory_space<hbm>>) target(%arg10 : memref<64x128xf32, #tpu.memory_space<vmem>>) offsets(%dma_start3A_257 : memref<64xi32, #tpu.memory_space<vmem>>) semaphore(%arg18 : memref<!tpu.dma_semaphore, #tpu.memory_space<semaphore_mem>>)
      %dma_start3A_261 = arith.constant 3 : i32
      %dma_start3A_262 = arith.constant 1 : i32
      %dma_start3A_263 = arith.constant 0 : i32
      %dma_start3A_264 = tpu.memref_slice %arg8[%dma_start3A_261, %dma_start3A_262, %dma_start3A_263] : memref<10x2x64xi32, #tpu.memory_space<vmem>> -> memref<1x1x64xi32, #tpu.memory_space<vmem>>
      %dma_start3A_265 = tpu.memref_squeeze %dma_start3A_264 : memref<1x1x64xi32, #tpu.memory_space<vmem>> -> memref<64xi32, #tpu.memory_space<vmem>>
      %dma_start3A_266 = arith.constant 0 : i32
      %dma_start3A_267 = arith.constant 0 : i32
      %dma_start3A_268 = tpu.memref_slice %arg16[%dma_start3A_266, %dma_start3A_267] : memref<10112x128xf32, #tpu.memory_space<vmem_shared>> -> memref<10112x128xf32, #tpu.memory_space<vmem_shared>>
      tpu.enqueue_indirect_dma source(%arg13 : memref<64x128xf32, #tpu.memory_space<vmem>>) target(%dma_start3A_268 : memref<10112x128xf32, #tpu.memory_space<vmem_shared>>) offsets(%dma_start3A_265 : memref<64xi32, #tpu.memory_space<vmem>>) semaphore(%arg23 : memref<!tpu.dma_semaphore, #tpu.memory_space<semaphore_mem>>) {add = true}
      %dma_start3A_269 = arith.constant 3 : i32
      %dma_start3A_270 = arith.constant 1 : i32
      %dma_start3A_271 = arith.constant 0 : i32
      %dma_start3A_272 = tpu.memref_slice %arg8[%dma_start3A_269, %dma_start3A_270, %dma_start3A_271] : memref<10x2x64xi32, #tpu.memory_space<vmem>> -> memref<1x1x64xi32, #tpu.memory_space<vmem>>
      %dma_start3A_273 = tpu.memref_squeeze %dma_start3A_272 : memref<1x1x64xi32, #tpu.memory_space<vmem>> -> memref<64xi32, #tpu.memory_space<vmem>>
      %dma_start3A_274 = arith.constant 0 : i32
      %dma_start3A_275 = tpu.memref_slice %arg17[%dma_start3A_274] : memref<10112xf32, #tpu.memory_space<vmem_shared>> -> memref<10112xf32, #tpu.memory_space<vmem_shared>>
      tpu.enqueue_indirect_dma source(%arg15 : memref<64xf32, #tpu.memory_space<vmem>>) target(%dma_start3A_275 : memref<10112xf32, #tpu.memory_space<vmem_shared>>) offsets(%dma_start3A_273 : memref<64xi32, #tpu.memory_space<vmem>>) semaphore(%arg23 : memref<!tpu.dma_semaphore, #tpu.memory_space<semaphore_mem>>) {add = true}
      %dma_wait3A_276 = arith.constant 0 : i32
      %dma_wait3A_277 = arith.constant 0 : i32
      %dma_wait3A_278 = arith.constant 0 : i32
      %dma_wait3A_279 = tpu.memref_slice %arg8[%dma_wait3A_276, %dma_wait3A_277, %dma_wait3A_278] : memref<10x2x64xi32, #tpu.memory_space<vmem>> -> memref<1x1x64xi32, #tpu.memory_space<vmem>>
      %dma_wait3A_280 = tpu.memref_squeeze %dma_wait3A_279 : memref<1x1x64xi32, #tpu.memory_space<vmem>> -> memref<64xi32, #tpu.memory_space<vmem>>
      %dma_wait3A_281 = arith.constant 0 : i32
      %dma_wait3A_282 = arith.constant 0 : i32
      %dma_wait3A_283 = tpu.memref_slice %arg2[%dma_wait3A_281, %dma_wait3A_282] : memref<10000x128xf32, #tpu.memory_space<hbm>> -> memref<10000x128xf32, #tpu.memory_space<hbm>>
      tpu.wait_indirect_dma semaphore(%arg18 : memref<!tpu.dma_semaphore, #tpu.memory_space<semaphore_mem>>) src(%dma_wait3A_283 : memref<10000x128xf32, #tpu.memory_space<hbm>>) dst(%arg14 : memref<64x128xf32, #tpu.memory_space<vmem>>)
      %dma_wait3A_284 = arith.constant 1 : i32
      %dma_wait3A_285 = arith.constant 1 : i32
      %dma_wait3A_286 = arith.constant 0 : i32
      %dma_wait3A_287 = tpu.memref_slice %arg8[%dma_wait3A_284, %dma_wait3A_285, %dma_wait3A_286] : memref<10x2x64xi32, #tpu.memory_space<vmem>> -> memref<1x1x64xi32, #tpu.memory_space<vmem>>
      %dma_wait3A_288 = tpu.memref_squeeze %dma_wait3A_287 : memref<1x1x64xi32, #tpu.memory_space<vmem>> -> memref<64xi32, #tpu.memory_space<vmem>>
      %dma_wait3A_289 = arith.constant 0 : i32
      %dma_wait3A_290 = arith.constant 0 : i32
      %dma_wait3A_291 = tpu.memref_slice %arg16[%dma_wait3A_289, %dma_wait3A_290] : memref<10112x128xf32, #tpu.memory_space<vmem_shared>> -> memref<10112x128xf32, #tpu.memory_space<vmem_shared>>
      tpu.wait_indirect_dma semaphore(%arg21 : memref<!tpu.dma_semaphore, #tpu.memory_space<semaphore_mem>>) src(%arg11 : memref<64x128xf32, #tpu.memory_space<vmem>>) dst(%dma_wait3A_291 : memref<10112x128xf32, #tpu.memory_space<vmem_shared>>)
      %dma_wait3A_292 = arith.constant 1 : i32
      %dma_wait3A_293 = arith.constant 1 : i32
      %dma_wait3A_294 = arith.constant 0 : i32
      %dma_wait3A_295 = tpu.memref_slice %arg8[%dma_wait3A_292, %dma_wait3A_293, %dma_wait3A_294] : memref<10x2x64xi32, #tpu.memory_space<vmem>> -> memref<1x1x64xi32, #tpu.memory_space<vmem>>
      %dma_wait3A_296 = tpu.memref_squeeze %dma_wait3A_295 : memref<1x1x64xi32, #tpu.memory_space<vmem>> -> memref<64xi32, #tpu.memory_space<vmem>>
      %dma_wait3A_297 = arith.constant 0 : i32
      %dma_wait3A_298 = tpu.memref_slice %arg17[%dma_wait3A_297] : memref<10112xf32, #tpu.memory_space<vmem_shared>> -> memref<10112xf32, #tpu.memory_space<vmem_shared>>
      tpu.wait_indirect_dma semaphore(%arg21 : memref<!tpu.dma_semaphore, #tpu.memory_space<semaphore_mem>>) src(%arg15 : memref<64xf32, #tpu.memory_space<vmem>>) dst(%dma_wait3A_298 : memref<10112xf32, #tpu.memory_space<vmem_shared>>)
      %dma_start3A_299 = arith.constant 6 : i32
      %dma_start3A_300 = arith.constant 0 : i32
      %dma_start3A_301 = arith.constant 0 : i32
      %dma_start3A_302 = tpu.memref_slice %arg8[%dma_start3A_299, %dma_start3A_300, %dma_start3A_301] : memref<10x2x64xi32, #tpu.memory_space<vmem>> -> memref<1x1x64xi32, #tpu.memory_space<vmem>>
      %dma_start3A_303 = tpu.memref_squeeze %dma_start3A_302 : memref<1x1x64xi32, #tpu.memory_space<vmem>> -> memref<64xi32, #tpu.memory_space<vmem>>
      %dma_start3A_304 = arith.constant 0 : i32
      %dma_start3A_305 = arith.constant 0 : i32
      %dma_start3A_306 = tpu.memref_slice %arg2[%dma_start3A_304, %dma_start3A_305] : memref<10000x128xf32, #tpu.memory_space<hbm>> -> memref<10000x128xf32, #tpu.memory_space<hbm>>
      tpu.enqueue_indirect_dma source(%dma_start3A_306 : memref<10000x128xf32, #tpu.memory_space<hbm>>) target(%arg11 : memref<64x128xf32, #tpu.memory_space<vmem>>) offsets(%dma_start3A_303 : memref<64xi32, #tpu.memory_space<vmem>>) semaphore(%arg18 : memref<!tpu.dma_semaphore, #tpu.memory_space<semaphore_mem>>)
      %dma_start3A_307 = arith.constant 4 : i32
      %dma_start3A_308 = arith.constant 1 : i32
      %dma_start3A_309 = arith.constant 0 : i32
      %dma_start3A_310 = tpu.memref_slice %arg8[%dma_start3A_307, %dma_start3A_308, %dma_start3A_309] : memref<10x2x64xi32, #tpu.memory_space<vmem>> -> memref<1x1x64xi32, #tpu.memory_space<vmem>>
      %dma_start3A_311 = tpu.memref_squeeze %dma_start3A_310 : memref<1x1x64xi32, #tpu.memory_space<vmem>> -> memref<64xi32, #tpu.memory_space<vmem>>
      %dma_start3A_312 = arith.constant 0 : i32
      %dma_start3A_313 = arith.constant 0 : i32
      %dma_start3A_314 = tpu.memref_slice %arg16[%dma_start3A_312, %dma_start3A_313] : memref<10112x128xf32, #tpu.memory_space<vmem_shared>> -> memref<10112x128xf32, #tpu.memory_space<vmem_shared>>
      tpu.enqueue_indirect_dma source(%arg14 : memref<64x128xf32, #tpu.memory_space<vmem>>) target(%dma_start3A_314 : memref<10112x128xf32, #tpu.memory_space<vmem_shared>>) offsets(%dma_start3A_311 : memref<64xi32, #tpu.memory_space<vmem>>) semaphore(%arg24 : memref<!tpu.dma_semaphore, #tpu.memory_space<semaphore_mem>>) {add = true}
      %dma_start3A_315 = arith.constant 4 : i32
      %dma_start3A_316 = arith.constant 1 : i32
      %dma_start3A_317 = arith.constant 0 : i32
      %dma_start3A_318 = tpu.memref_slice %arg8[%dma_start3A_315, %dma_start3A_316, %dma_start3A_317] : memref<10x2x64xi32, #tpu.memory_space<vmem>> -> memref<1x1x64xi32, #tpu.memory_space<vmem>>
      %dma_start3A_319 = tpu.memref_squeeze %dma_start3A_318 : memref<1x1x64xi32, #tpu.memory_space<vmem>> -> memref<64xi32, #tpu.memory_space<vmem>>
      %dma_start3A_320 = arith.constant 0 : i32
      %dma_start3A_321 = tpu.memref_slice %arg17[%dma_start3A_320] : memref<10112xf32, #tpu.memory_space<vmem_shared>> -> memref<10112xf32, #tpu.memory_space<vmem_shared>>
      tpu.enqueue_indirect_dma source(%arg15 : memref<64xf32, #tpu.memory_space<vmem>>) target(%dma_start3A_321 : memref<10112xf32, #tpu.memory_space<vmem_shared>>) offsets(%dma_start3A_319 : memref<64xi32, #tpu.memory_space<vmem>>) semaphore(%arg24 : memref<!tpu.dma_semaphore, #tpu.memory_space<semaphore_mem>>) {add = true}
      %dma_wait3A_322 = arith.constant 0 : i32
      %dma_wait3A_323 = arith.constant 0 : i32
      %dma_wait3A_324 = arith.constant 0 : i32
      %dma_wait3A_325 = tpu.memref_slice %arg8[%dma_wait3A_322, %dma_wait3A_323, %dma_wait3A_324] : memref<10x2x64xi32, #tpu.memory_space<vmem>> -> memref<1x1x64xi32, #tpu.memory_space<vmem>>
      %dma_wait3A_326 = tpu.memref_squeeze %dma_wait3A_325 : memref<1x1x64xi32, #tpu.memory_space<vmem>> -> memref<64xi32, #tpu.memory_space<vmem>>
      %dma_wait3A_327 = arith.constant 0 : i32
      %dma_wait3A_328 = arith.constant 0 : i32
      %dma_wait3A_329 = tpu.memref_slice %arg2[%dma_wait3A_327, %dma_wait3A_328] : memref<10000x128xf32, #tpu.memory_space<hbm>> -> memref<10000x128xf32, #tpu.memory_space<hbm>>
      tpu.wait_indirect_dma semaphore(%arg18 : memref<!tpu.dma_semaphore, #tpu.memory_space<semaphore_mem>>) src(%dma_wait3A_329 : memref<10000x128xf32, #tpu.memory_space<hbm>>) dst(%arg10 : memref<64x128xf32, #tpu.memory_space<vmem>>)
      %dma_wait3A_330 = arith.constant 2 : i32
      %dma_wait3A_331 = arith.constant 1 : i32
      %dma_wait3A_332 = arith.constant 0 : i32
      %dma_wait3A_333 = tpu.memref_slice %arg8[%dma_wait3A_330, %dma_wait3A_331, %dma_wait3A_332] : memref<10x2x64xi32, #tpu.memory_space<vmem>> -> memref<1x1x64xi32, #tpu.memory_space<vmem>>
      %dma_wait3A_334 = tpu.memref_squeeze %dma_wait3A_333 : memref<1x1x64xi32, #tpu.memory_space<vmem>> -> memref<64xi32, #tpu.memory_space<vmem>>
      %dma_wait3A_335 = arith.constant 0 : i32
      %dma_wait3A_336 = arith.constant 0 : i32
      %dma_wait3A_337 = tpu.memref_slice %arg16[%dma_wait3A_335, %dma_wait3A_336] : memref<10112x128xf32, #tpu.memory_space<vmem_shared>> -> memref<10112x128xf32, #tpu.memory_space<vmem_shared>>
      tpu.wait_indirect_dma semaphore(%arg22 : memref<!tpu.dma_semaphore, #tpu.memory_space<semaphore_mem>>) src(%arg12 : memref<64x128xf32, #tpu.memory_space<vmem>>) dst(%dma_wait3A_337 : memref<10112x128xf32, #tpu.memory_space<vmem_shared>>)
      %dma_wait3A_338 = arith.constant 2 : i32
      %dma_wait3A_339 = arith.constant 1 : i32
      %dma_wait3A_340 = arith.constant 0 : i32
      %dma_wait3A_341 = tpu.memref_slice %arg8[%dma_wait3A_338, %dma_wait3A_339, %dma_wait3A_340] : memref<10x2x64xi32, #tpu.memory_space<vmem>> -> memref<1x1x64xi32, #tpu.memory_space<vmem>>
      %dma_wait3A_342 = tpu.memref_squeeze %dma_wait3A_341 : memref<1x1x64xi32, #tpu.memory_space<vmem>> -> memref<64xi32, #tpu.memory_space<vmem>>
      %dma_wait3A_343 = arith.constant 0 : i32
      %dma_wait3A_344 = tpu.memref_slice %arg17[%dma_wait3A_343] : memref<10112xf32, #tpu.memory_space<vmem_shared>> -> memref<10112xf32, #tpu.memory_space<vmem_shared>>
      tpu.wait_indirect_dma semaphore(%arg22 : memref<!tpu.dma_semaphore, #tpu.memory_space<semaphore_mem>>) src(%arg15 : memref<64xf32, #tpu.memory_space<vmem>>) dst(%dma_wait3A_344 : memref<10112xf32, #tpu.memory_space<vmem_shared>>)
      %dma_start3A_345 = arith.constant 7 : i32
      %dma_start3A_346 = arith.constant 0 : i32
      %dma_start3A_347 = arith.constant 0 : i32
      %dma_start3A_348 = tpu.memref_slice %arg8[%dma_start3A_345, %dma_start3A_346, %dma_start3A_347] : memref<10x2x64xi32, #tpu.memory_space<vmem>> -> memref<1x1x64xi32, #tpu.memory_space<vmem>>
      %dma_start3A_349 = tpu.memref_squeeze %dma_start3A_348 : memref<1x1x64xi32, #tpu.memory_space<vmem>> -> memref<64xi32, #tpu.memory_space<vmem>>
      %dma_start3A_350 = arith.constant 0 : i32
      %dma_start3A_351 = arith.constant 0 : i32
      %dma_start3A_352 = tpu.memref_slice %arg2[%dma_start3A_350, %dma_start3A_351] : memref<10000x128xf32, #tpu.memory_space<hbm>> -> memref<10000x128xf32, #tpu.memory_space<hbm>>
      tpu.enqueue_indirect_dma source(%dma_start3A_352 : memref<10000x128xf32, #tpu.memory_space<hbm>>) target(%arg12 : memref<64x128xf32, #tpu.memory_space<vmem>>) offsets(%dma_start3A_349 : memref<64xi32, #tpu.memory_space<vmem>>) semaphore(%arg18 : memref<!tpu.dma_semaphore, #tpu.memory_space<semaphore_mem>>)
      %dma_start3A_353 = arith.constant 5 : i32
      %dma_start3A_354 = arith.constant 1 : i32
      %dma_start3A_355 = arith.constant 0 : i32
      %dma_start3A_356 = tpu.memref_slice %arg8[%dma_start3A_353, %dma_start3A_354, %dma_start3A_355] : memref<10x2x64xi32, #tpu.memory_space<vmem>> -> memref<1x1x64xi32, #tpu.memory_space<vmem>>
      %dma_start3A_357 = tpu.memref_squeeze %dma_start3A_356 : memref<1x1x64xi32, #tpu.memory_space<vmem>> -> memref<64xi32, #tpu.memory_space<vmem>>
      %dma_start3A_358 = arith.constant 0 : i32
      %dma_start3A_359 = arith.constant 0 : i32
      %dma_start3A_360 = tpu.memref_slice %arg16[%dma_start3A_358, %dma_start3A_359] : memref<10112x128xf32, #tpu.memory_space<vmem_shared>> -> memref<10112x128xf32, #tpu.memory_space<vmem_shared>>
      tpu.enqueue_indirect_dma source(%arg10 : memref<64x128xf32, #tpu.memory_space<vmem>>) target(%dma_start3A_360 : memref<10112x128xf32, #tpu.memory_space<vmem_shared>>) offsets(%dma_start3A_357 : memref<64xi32, #tpu.memory_space<vmem>>) semaphore(%arg20 : memref<!tpu.dma_semaphore, #tpu.memory_space<semaphore_mem>>) {add = true}
      %dma_start3A_361 = arith.constant 5 : i32
      %dma_start3A_362 = arith.constant 1 : i32
      %dma_start3A_363 = arith.constant 0 : i32
      %dma_start3A_364 = tpu.memref_slice %arg8[%dma_start3A_361, %dma_start3A_362, %dma_start3A_363] : memref<10x2x64xi32, #tpu.memory_space<vmem>> -> memref<1x1x64xi32, #tpu.memory_space<vmem>>
      %dma_start3A_365 = tpu.memref_squeeze %dma_start3A_364 : memref<1x1x64xi32, #tpu.memory_space<vmem>> -> memref<64xi32, #tpu.memory_space<vmem>>
      %dma_start3A_366 = arith.constant 0 : i32
      %dma_start3A_367 = tpu.memref_slice %arg17[%dma_start3A_366] : memref<10112xf32, #tpu.memory_space<vmem_shared>> -> memref<10112xf32, #tpu.memory_space<vmem_shared>>
      tpu.enqueue_indirect_dma source(%arg15 : memref<64xf32, #tpu.memory_space<vmem>>) target(%dma_start3A_367 : memref<10112xf32, #tpu.memory_space<vmem_shared>>) offsets(%dma_start3A_365 : memref<64xi32, #tpu.memory_space<vmem>>) semaphore(%arg20 : memref<!tpu.dma_semaphore, #tpu.memory_space<semaphore_mem>>) {add = true}
      %dma_wait3A_368 = arith.constant 0 : i32
      %dma_wait3A_369 = arith.constant 0 : i32
      %dma_wait3A_370 = arith.constant 0 : i32
      %dma_wait3A_371 = tpu.memref_slice %arg8[%dma_wait3A_368, %dma_wait3A_369, %dma_wait3A_370] : memref<10x2x64xi32, #tpu.memory_space<vmem>> -> memref<1x1x64xi32, #tpu.memory_space<vmem>>
      %dma_wait3A_372 = tpu.memref_squeeze %dma_wait3A_371 : memref<1x1x64xi32, #tpu.memory_space<vmem>> -> memref<64xi32, #tpu.memory_space<vmem>>
      %dma_wait3A_373 = arith.constant 0 : i32
      %dma_wait3A_374 = arith.constant 0 : i32
      %dma_wait3A_375 = tpu.memref_slice %arg2[%dma_wait3A_373, %dma_wait3A_374] : memref<10000x128xf32, #tpu.memory_space<hbm>> -> memref<10000x128xf32, #tpu.memory_space<hbm>>
      tpu.wait_indirect_dma semaphore(%arg18 : memref<!tpu.dma_semaphore, #tpu.memory_space<semaphore_mem>>) src(%dma_wait3A_375 : memref<10000x128xf32, #tpu.memory_space<hbm>>) dst(%arg11 : memref<64x128xf32, #tpu.memory_space<vmem>>)
      %dma_wait3A_376 = arith.constant 3 : i32
      %dma_wait3A_377 = arith.constant 1 : i32
      %dma_wait3A_378 = arith.constant 0 : i32
      %dma_wait3A_379 = tpu.memref_slice %arg8[%dma_wait3A_376, %dma_wait3A_377, %dma_wait3A_378] : memref<10x2x64xi32, #tpu.memory_space<vmem>> -> memref<1x1x64xi32, #tpu.memory_space<vmem>>
      %dma_wait3A_380 = tpu.memref_squeeze %dma_wait3A_379 : memref<1x1x64xi32, #tpu.memory_space<vmem>> -> memref<64xi32, #tpu.memory_space<vmem>>
      %dma_wait3A_381 = arith.constant 0 : i32
      %dma_wait3A_382 = arith.constant 0 : i32
      %dma_wait3A_383 = tpu.memref_slice %arg16[%dma_wait3A_381, %dma_wait3A_382] : memref<10112x128xf32, #tpu.memory_space<vmem_shared>> -> memref<10112x128xf32, #tpu.memory_space<vmem_shared>>
      tpu.wait_indirect_dma semaphore(%arg23 : memref<!tpu.dma_semaphore, #tpu.memory_space<semaphore_mem>>) src(%arg13 : memref<64x128xf32, #tpu.memory_space<vmem>>) dst(%dma_wait3A_383 : memref<10112x128xf32, #tpu.memory_space<vmem_shared>>)
      %dma_wait3A_384 = arith.constant 3 : i32
      %dma_wait3A_385 = arith.constant 1 : i32
      %dma_wait3A_386 = arith.constant 0 : i32
      %dma_wait3A_387 = tpu.memref_slice %arg8[%dma_wait3A_384, %dma_wait3A_385, %dma_wait3A_386] : memref<10x2x64xi32, #tpu.memory_space<vmem>> -> memref<1x1x64xi32, #tpu.memory_space<vmem>>
      %dma_wait3A_388 = tpu.memref_squeeze %dma_wait3A_387 : memref<1x1x64xi32, #tpu.memory_space<vmem>> -> memref<64xi32, #tpu.memory_space<vmem>>
      %dma_wait3A_389 = arith.constant 0 : i32
      %dma_wait3A_390 = tpu.memref_slice %arg17[%dma_wait3A_389] : memref<10112xf32, #tpu.memory_space<vmem_shared>> -> memref<10112xf32, #tpu.memory_space<vmem_shared>>
      tpu.wait_indirect_dma semaphore(%arg23 : memref<!tpu.dma_semaphore, #tpu.memory_space<semaphore_mem>>) src(%arg15 : memref<64xf32, #tpu.memory_space<vmem>>) dst(%dma_wait3A_390 : memref<10112xf32, #tpu.memory_space<vmem_shared>>)
      %dma_start3A_391 = arith.constant 8 : i32
      %dma_start3A_392 = arith.constant 0 : i32
      %dma_start3A_393 = arith.constant 0 : i32
      %dma_start3A_394 = tpu.memref_slice %arg8[%dma_start3A_391, %dma_start3A_392, %dma_start3A_393] : memref<10x2x64xi32, #tpu.memory_space<vmem>> -> memref<1x1x64xi32, #tpu.memory_space<vmem>>
      %dma_start3A_395 = tpu.memref_squeeze %dma_start3A_394 : memref<1x1x64xi32, #tpu.memory_space<vmem>> -> memref<64xi32, #tpu.memory_space<vmem>>
      %dma_start3A_396 = arith.constant 0 : i32
      %dma_start3A_397 = arith.constant 0 : i32
      %dma_start3A_398 = tpu.memref_slice %arg2[%dma_start3A_396, %dma_start3A_397] : memref<10000x128xf32, #tpu.memory_space<hbm>> -> memref<10000x128xf32, #tpu.memory_space<hbm>>
      tpu.enqueue_indirect_dma source(%dma_start3A_398 : memref<10000x128xf32, #tpu.memory_space<hbm>>) target(%arg13 : memref<64x128xf32, #tpu.memory_space<vmem>>) offsets(%dma_start3A_395 : memref<64xi32, #tpu.memory_space<vmem>>) semaphore(%arg18 : memref<!tpu.dma_semaphore, #tpu.memory_space<semaphore_mem>>)
      %dma_start3A_399 = arith.constant 6 : i32
      %dma_start3A_400 = arith.constant 1 : i32
      %dma_start3A_401 = arith.constant 0 : i32
      %dma_start3A_402 = tpu.memref_slice %arg8[%dma_start3A_399, %dma_start3A_400, %dma_start3A_401] : memref<10x2x64xi32, #tpu.memory_space<vmem>> -> memref<1x1x64xi32, #tpu.memory_space<vmem>>
      %dma_start3A_403 = tpu.memref_squeeze %dma_start3A_402 : memref<1x1x64xi32, #tpu.memory_space<vmem>> -> memref<64xi32, #tpu.memory_space<vmem>>
      %dma_start3A_404 = arith.constant 0 : i32
      %dma_start3A_405 = arith.constant 0 : i32
      %dma_start3A_406 = tpu.memref_slice %arg16[%dma_start3A_404, %dma_start3A_405] : memref<10112x128xf32, #tpu.memory_space<vmem_shared>> -> memref<10112x128xf32, #tpu.memory_space<vmem_shared>>
      tpu.enqueue_indirect_dma source(%arg11 : memref<64x128xf32, #tpu.memory_space<vmem>>) target(%dma_start3A_406 : memref<10112x128xf32, #tpu.memory_space<vmem_shared>>) offsets(%dma_start3A_403 : memref<64xi32, #tpu.memory_space<vmem>>) semaphore(%arg21 : memref<!tpu.dma_semaphore, #tpu.memory_space<semaphore_mem>>) {add = true}
      %dma_start3A_407 = arith.constant 6 : i32
      %dma_start3A_408 = arith.constant 1 : i32
      %dma_start3A_409 = arith.constant 0 : i32
      %dma_start3A_410 = tpu.memref_slice %arg8[%dma_start3A_407, %dma_start3A_408, %dma_start3A_409] : memref<10x2x64xi32, #tpu.memory_space<vmem>> -> memref<1x1x64xi32, #tpu.memory_space<vmem>>
      %dma_start3A_411 = tpu.memref_squeeze %dma_start3A_410 : memref<1x1x64xi32, #tpu.memory_space<vmem>> -> memref<64xi32, #tpu.memory_space<vmem>>
      %dma_start3A_412 = arith.constant 0 : i32
      %dma_start3A_413 = tpu.memref_slice %arg17[%dma_start3A_412] : memref<10112xf32, #tpu.memory_space<vmem_shared>> -> memref<10112xf32, #tpu.memory_space<vmem_shared>>
      tpu.enqueue_indirect_dma source(%arg15 : memref<64xf32, #tpu.memory_space<vmem>>) target(%dma_start3A_413 : memref<10112xf32, #tpu.memory_space<vmem_shared>>) offsets(%dma_start3A_411 : memref<64xi32, #tpu.memory_space<vmem>>) semaphore(%arg21 : memref<!tpu.dma_semaphore, #tpu.memory_space<semaphore_mem>>) {add = true}
      %dma_wait3A_414 = arith.constant 0 : i32
      %dma_wait3A_415 = arith.constant 0 : i32
      %dma_wait3A_416 = arith.constant 0 : i32
      %dma_wait3A_417 = tpu.memref_slice %arg8[%dma_wait3A_414, %dma_wait3A_415, %dma_wait3A_416] : memref<10x2x64xi32, #tpu.memory_space<vmem>> -> memref<1x1x64xi32, #tpu.memory_space<vmem>>
      %dma_wait3A_418 = tpu.memref_squeeze %dma_wait3A_417 : memref<1x1x64xi32, #tpu.memory_space<vmem>> -> memref<64xi32, #tpu.memory_space<vmem>>
      %dma_wait3A_419 = arith.constant 0 : i32
      %dma_wait3A_420 = arith.constant 0 : i32
      %dma_wait3A_421 = tpu.memref_slice %arg2[%dma_wait3A_419, %dma_wait3A_420] : memref<10000x128xf32, #tpu.memory_space<hbm>> -> memref<10000x128xf32, #tpu.memory_space<hbm>>
      tpu.wait_indirect_dma semaphore(%arg18 : memref<!tpu.dma_semaphore, #tpu.memory_space<semaphore_mem>>) src(%dma_wait3A_421 : memref<10000x128xf32, #tpu.memory_space<hbm>>) dst(%arg12 : memref<64x128xf32, #tpu.memory_space<vmem>>)
      %dma_wait3A_422 = arith.constant 4 : i32
      %dma_wait3A_423 = arith.constant 1 : i32
      %dma_wait3A_424 = arith.constant 0 : i32
      %dma_wait3A_425 = tpu.memref_slice %arg8[%dma_wait3A_422, %dma_wait3A_423, %dma_wait3A_424] : memref<10x2x64xi32, #tpu.memory_space<vmem>> -> memref<1x1x64xi32, #tpu.memory_space<vmem>>
      %dma_wait3A_426 = tpu.memref_squeeze %dma_wait3A_425 : memref<1x1x64xi32, #tpu.memory_space<vmem>> -> memref<64xi32, #tpu.memory_space<vmem>>
      %dma_wait3A_427 = arith.constant 0 : i32
      %dma_wait3A_428 = arith.constant 0 : i32
      %dma_wait3A_429 = tpu.memref_slice %arg16[%dma_wait3A_427, %dma_wait3A_428] : memref<10112x128xf32, #tpu.memory_space<vmem_shared>> -> memref<10112x128xf32, #tpu.memory_space<vmem_shared>>
      tpu.wait_indirect_dma semaphore(%arg24 : memref<!tpu.dma_semaphore, #tpu.memory_space<semaphore_mem>>) src(%arg14 : memref<64x128xf32, #tpu.memory_space<vmem>>) dst(%dma_wait3A_429 : memref<10112x128xf32, #tpu.memory_space<vmem_shared>>)
      %dma_wait3A_430 = arith.constant 4 : i32
      %dma_wait3A_431 = arith.constant 1 : i32
      %dma_wait3A_432 = arith.constant 0 : i32
      %dma_wait3A_433 = tpu.memref_slice %arg8[%dma_wait3A_430, %dma_wait3A_431, %dma_wait3A_432] : memref<10x2x64xi32, #tpu.memory_space<vmem>> -> memref<1x1x64xi32, #tpu.memory_space<vmem>>
      %dma_wait3A_434 = tpu.memref_squeeze %dma_wait3A_433 : memref<1x1x64xi32, #tpu.memory_space<vmem>> -> memref<64xi32, #tpu.memory_space<vmem>>
      %dma_wait3A_435 = arith.constant 0 : i32
      %dma_wait3A_436 = tpu.memref_slice %arg17[%dma_wait3A_435] : memref<10112xf32, #tpu.memory_space<vmem_shared>> -> memref<10112xf32, #tpu.memory_space<vmem_shared>>
      tpu.wait_indirect_dma semaphore(%arg24 : memref<!tpu.dma_semaphore, #tpu.memory_space<semaphore_mem>>) src(%arg15 : memref<64xf32, #tpu.memory_space<vmem>>) dst(%dma_wait3A_436 : memref<10112xf32, #tpu.memory_space<vmem_shared>>)
      %dma_start3A_437 = arith.constant 9 : i32
      %dma_start3A_438 = arith.constant 0 : i32
      %dma_start3A_439 = arith.constant 0 : i32
      %dma_start3A_440 = tpu.memref_slice %arg8[%dma_start3A_437, %dma_start3A_438, %dma_start3A_439] : memref<10x2x64xi32, #tpu.memory_space<vmem>> -> memref<1x1x64xi32, #tpu.memory_space<vmem>>
      %dma_start3A_441 = tpu.memref_squeeze %dma_start3A_440 : memref<1x1x64xi32, #tpu.memory_space<vmem>> -> memref<64xi32, #tpu.memory_space<vmem>>
      %dma_start3A_442 = arith.constant 0 : i32
      %dma_start3A_443 = arith.constant 0 : i32
      %dma_start3A_444 = tpu.memref_slice %arg2[%dma_start3A_442, %dma_start3A_443] : memref<10000x128xf32, #tpu.memory_space<hbm>> -> memref<10000x128xf32, #tpu.memory_space<hbm>>
      tpu.enqueue_indirect_dma source(%dma_start3A_444 : memref<10000x128xf32, #tpu.memory_space<hbm>>) target(%arg14 : memref<64x128xf32, #tpu.memory_space<vmem>>) offsets(%dma_start3A_441 : memref<64xi32, #tpu.memory_space<vmem>>) semaphore(%arg18 : memref<!tpu.dma_semaphore, #tpu.memory_space<semaphore_mem>>)
      %dma_start3A_445 = arith.constant 7 : i32
      %dma_start3A_446 = arith.constant 1 : i32
      %dma_start3A_447 = arith.constant 0 : i32
      %dma_start3A_448 = tpu.memref_slice %arg8[%dma_start3A_445, %dma_start3A_446, %dma_start3A_447] : memref<10x2x64xi32, #tpu.memory_space<vmem>> -> memref<1x1x64xi32, #tpu.memory_space<vmem>>
      %dma_start3A_449 = tpu.memref_squeeze %dma_start3A_448 : memref<1x1x64xi32, #tpu.memory_space<vmem>> -> memref<64xi32, #tpu.memory_space<vmem>>
      %dma_start3A_450 = arith.constant 0 : i32
      %dma_start3A_451 = arith.constant 0 : i32
      %dma_start3A_452 = tpu.memref_slice %arg16[%dma_start3A_450, %dma_start3A_451] : memref<10112x128xf32, #tpu.memory_space<vmem_shared>> -> memref<10112x128xf32, #tpu.memory_space<vmem_shared>>
      tpu.enqueue_indirect_dma source(%arg12 : memref<64x128xf32, #tpu.memory_space<vmem>>) target(%dma_start3A_452 : memref<10112x128xf32, #tpu.memory_space<vmem_shared>>) offsets(%dma_start3A_449 : memref<64xi32, #tpu.memory_space<vmem>>) semaphore(%arg22 : memref<!tpu.dma_semaphore, #tpu.memory_space<semaphore_mem>>) {add = true}
      %dma_start3A_453 = arith.constant 7 : i32
      %dma_start3A_454 = arith.constant 1 : i32
      %dma_start3A_455 = arith.constant 0 : i32
      %dma_start3A_456 = tpu.memref_slice %arg8[%dma_start3A_453, %dma_start3A_454, %dma_start3A_455] : memref<10x2x64xi32, #tpu.memory_space<vmem>> -> memref<1x1x64xi32, #tpu.memory_space<vmem>>
      %dma_start3A_457 = tpu.memref_squeeze %dma_start3A_456 : memref<1x1x64xi32, #tpu.memory_space<vmem>> -> memref<64xi32, #tpu.memory_space<vmem>>
      %dma_start3A_458 = arith.constant 0 : i32
      %dma_start3A_459 = tpu.memref_slice %arg17[%dma_start3A_458] : memref<10112xf32, #tpu.memory_space<vmem_shared>> -> memref<10112xf32, #tpu.memory_space<vmem_shared>>
      tpu.enqueue_indirect_dma source(%arg15 : memref<64xf32, #tpu.memory_space<vmem>>) target(%dma_start3A_459 : memref<10112xf32, #tpu.memory_space<vmem_shared>>) offsets(%dma_start3A_457 : memref<64xi32, #tpu.memory_space<vmem>>) semaphore(%arg22 : memref<!tpu.dma_semaphore, #tpu.memory_space<semaphore_mem>>) {add = true}
      %dma_wait3A_460 = arith.constant 0 : i32
      %dma_wait3A_461 = arith.constant 0 : i32
      %dma_wait3A_462 = arith.constant 0 : i32
      %dma_wait3A_463 = tpu.memref_slice %arg8[%dma_wait3A_460, %dma_wait3A_461, %dma_wait3A_462] : memref<10x2x64xi32, #tpu.memory_space<vmem>> -> memref<1x1x64xi32, #tpu.memory_space<vmem>>
      %dma_wait3A_464 = tpu.memref_squeeze %dma_wait3A_463 : memref<1x1x64xi32, #tpu.memory_space<vmem>> -> memref<64xi32, #tpu.memory_space<vmem>>
      %dma_wait3A_465 = arith.constant 0 : i32
      %dma_wait3A_466 = arith.constant 0 : i32
      %dma_wait3A_467 = tpu.memref_slice %arg2[%dma_wait3A_465, %dma_wait3A_466] : memref<10000x128xf32, #tpu.memory_space<hbm>> -> memref<10000x128xf32, #tpu.memory_space<hbm>>
      tpu.wait_indirect_dma semaphore(%arg18 : memref<!tpu.dma_semaphore, #tpu.memory_space<semaphore_mem>>) src(%dma_wait3A_467 : memref<10000x128xf32, #tpu.memory_space<hbm>>) dst(%arg13 : memref<64x128xf32, #tpu.memory_space<vmem>>)
      %dma_wait3A_468 = arith.constant 5 : i32
      %dma_wait3A_469 = arith.constant 1 : i32
      %dma_wait3A_470 = arith.constant 0 : i32
      %dma_wait3A_471 = tpu.memref_slice %arg8[%dma_wait3A_468, %dma_wait3A_469, %dma_wait3A_470] : memref<10x2x64xi32, #tpu.memory_space<vmem>> -> memref<1x1x64xi32, #tpu.memory_space<vmem>>
      %dma_wait3A_472 = tpu.memref_squeeze %dma_wait3A_471 : memref<1x1x64xi32, #tpu.memory_space<vmem>> -> memref<64xi32, #tpu.memory_space<vmem>>
      %dma_wait3A_473 = arith.constant 0 : i32
      %dma_wait3A_474 = arith.constant 0 : i32
      %dma_wait3A_475 = tpu.memref_slice %arg16[%dma_wait3A_473, %dma_wait3A_474] : memref<10112x128xf32, #tpu.memory_space<vmem_shared>> -> memref<10112x128xf32, #tpu.memory_space<vmem_shared>>
      tpu.wait_indirect_dma semaphore(%arg20 : memref<!tpu.dma_semaphore, #tpu.memory_space<semaphore_mem>>) src(%arg10 : memref<64x128xf32, #tpu.memory_space<vmem>>) dst(%dma_wait3A_475 : memref<10112x128xf32, #tpu.memory_space<vmem_shared>>)
      %dma_wait3A_476 = arith.constant 5 : i32
      %dma_wait3A_477 = arith.constant 1 : i32
      %dma_wait3A_478 = arith.constant 0 : i32
      %dma_wait3A_479 = tpu.memref_slice %arg8[%dma_wait3A_476, %dma_wait3A_477, %dma_wait3A_478] : memref<10x2x64xi32, #tpu.memory_space<vmem>> -> memref<1x1x64xi32, #tpu.memory_space<vmem>>
      %dma_wait3A_480 = tpu.memref_squeeze %dma_wait3A_479 : memref<1x1x64xi32, #tpu.memory_space<vmem>> -> memref<64xi32, #tpu.memory_space<vmem>>
      %dma_wait3A_481 = arith.constant 0 : i32
      %dma_wait3A_482 = tpu.memref_slice %arg17[%dma_wait3A_481] : memref<10112xf32, #tpu.memory_space<vmem_shared>> -> memref<10112xf32, #tpu.memory_space<vmem_shared>>
      tpu.wait_indirect_dma semaphore(%arg20 : memref<!tpu.dma_semaphore, #tpu.memory_space<semaphore_mem>>) src(%arg15 : memref<64xf32, #tpu.memory_space<vmem>>) dst(%dma_wait3A_482 : memref<10112xf32, #tpu.memory_space<vmem_shared>>)
      %add3A_483 = arith.constant 1 : i32
      %add3A_484 = arith.addi %add3A_111, %add3A_483 : i32
      %mul3A_485 = arith.constant 10 : i32
      %mul3A_486 = arith.muli %add3A_484, %mul3A_485 : i32
      %add3A_487 = arith.addi %mul3A_30, %mul3A_486 : i32
      %dma_wait3A_488 = arith.constant 0 : i32
      %dma_wait3A_489 = arith.constant 0 : i32
      %dma_wait3A_490 = tpu.memref_slice %arg3[%add3A_487, %dma_wait3A_488, %dma_wait3A_489] : memref<5120x2x64xi32, #tpu.memory_space<hbm>> -> memref<10x2x64xi32, #tpu.memory_space<hbm>>
      %dma_wait3A_491 = arith.constant 0 : i32
      %dma_wait3A_492 = arith.constant 0 : i32
      %dma_wait3A_493 = tpu.memref_slice %arg3[%add3A_487, %dma_wait3A_491, %dma_wait3A_492] : memref<5120x2x64xi32, #tpu.memory_space<hbm>> -> memref<10x2x64xi32, #tpu.memory_space<hbm>>
      tpu.wait_dma2 semaphore(%arg19 : memref<!tpu.dma_semaphore, #tpu.memory_space<semaphore_mem>>) src(%dma_wait3A_493 : memref<10x2x64xi32, #tpu.memory_space<hbm>>) dst(%arg9 : memref<10x2x64xi32, #tpu.memory_space<vmem>>)
      %dma_start3A_494 = arith.constant 0 : i32
      %dma_start3A_495 = arith.constant 0 : i32
      %dma_start3A_496 = arith.constant 0 : i32
      %dma_start3A_497 = tpu.memref_slice %arg9[%dma_start3A_494, %dma_start3A_495, %dma_start3A_496] : memref<10x2x64xi32, #tpu.memory_space<vmem>> -> memref<1x1x64xi32, #tpu.memory_space<vmem>>
      %dma_start3A_498 = tpu.memref_squeeze %dma_start3A_497 : memref<1x1x64xi32, #tpu.memory_space<vmem>> -> memref<64xi32, #tpu.memory_space<vmem>>
      %dma_start3A_499 = arith.constant 0 : i32
      %dma_start3A_500 = arith.constant 0 : i32
      %dma_start3A_501 = tpu.memref_slice %arg2[%dma_start3A_499, %dma_start3A_500] : memref<10000x128xf32, #tpu.memory_space<hbm>> -> memref<10000x128xf32, #tpu.memory_space<hbm>>
      tpu.enqueue_indirect_dma source(%dma_start3A_501 : memref<10000x128xf32, #tpu.memory_space<hbm>>) target(%arg10 : memref<64x128xf32, #tpu.memory_space<vmem>>) offsets(%dma_start3A_498 : memref<64xi32, #tpu.memory_space<vmem>>) semaphore(%arg18 : memref<!tpu.dma_semaphore, #tpu.memory_space<semaphore_mem>>)
      %dma_start3A_502 = arith.constant 8 : i32
      %dma_start3A_503 = arith.constant 1 : i32
      %dma_start3A_504 = arith.constant 0 : i32
      %dma_start3A_505 = tpu.memref_slice %arg8[%dma_start3A_502, %dma_start3A_503, %dma_start3A_504] : memref<10x2x64xi32, #tpu.memory_space<vmem>> -> memref<1x1x64xi32, #tpu.memory_space<vmem>>
      %dma_start3A_506 = tpu.memref_squeeze %dma_start3A_505 : memref<1x1x64xi32, #tpu.memory_space<vmem>> -> memref<64xi32, #tpu.memory_space<vmem>>
      %dma_start3A_507 = arith.constant 0 : i32
      %dma_start3A_508 = arith.constant 0 : i32
      %dma_start3A_509 = tpu.memref_slice %arg16[%dma_start3A_507, %dma_start3A_508] : memref<10112x128xf32, #tpu.memory_space<vmem_shared>> -> memref<10112x128xf32, #tpu.memory_space<vmem_shared>>
      tpu.enqueue_indirect_dma source(%arg13 : memref<64x128xf32, #tpu.memory_space<vmem>>) target(%dma_start3A_509 : memref<10112x128xf32, #tpu.memory_space<vmem_shared>>) offsets(%dma_start3A_506 : memref<64xi32, #tpu.memory_space<vmem>>) semaphore(%arg23 : memref<!tpu.dma_semaphore, #tpu.memory_space<semaphore_mem>>) {add = true}
      %dma_start3A_510 = arith.constant 8 : i32
      %dma_start3A_511 = arith.constant 1 : i32
      %dma_start3A_512 = arith.constant 0 : i32
      %dma_start3A_513 = tpu.memref_slice %arg8[%dma_start3A_510, %dma_start3A_511, %dma_start3A_512] : memref<10x2x64xi32, #tpu.memory_space<vmem>> -> memref<1x1x64xi32, #tpu.memory_space<vmem>>
      %dma_start3A_514 = tpu.memref_squeeze %dma_start3A_513 : memref<1x1x64xi32, #tpu.memory_space<vmem>> -> memref<64xi32, #tpu.memory_space<vmem>>
      %dma_start3A_515 = arith.constant 0 : i32
      %dma_start3A_516 = tpu.memref_slice %arg17[%dma_start3A_515] : memref<10112xf32, #tpu.memory_space<vmem_shared>> -> memref<10112xf32, #tpu.memory_space<vmem_shared>>
      tpu.enqueue_indirect_dma source(%arg15 : memref<64xf32, #tpu.memory_space<vmem>>) target(%dma_start3A_516 : memref<10112xf32, #tpu.memory_space<vmem_shared>>) offsets(%dma_start3A_514 : memref<64xi32, #tpu.memory_space<vmem>>) semaphore(%arg23 : memref<!tpu.dma_semaphore, #tpu.memory_space<semaphore_mem>>) {add = true}
      %dma_wait3A_517 = arith.constant 0 : i32
      %dma_wait3A_518 = arith.constant 0 : i32
      %dma_wait3A_519 = arith.constant 0 : i32
      %dma_wait3A_520 = tpu.memref_slice %arg8[%dma_wait3A_517, %dma_wait3A_518, %dma_wait3A_519] : memref<10x2x64xi32, #tpu.memory_space<vmem>> -> memref<1x1x64xi32, #tpu.memory_space<vmem>>
      %dma_wait3A_521 = tpu.memref_squeeze %dma_wait3A_520 : memref<1x1x64xi32, #tpu.memory_space<vmem>> -> memref<64xi32, #tpu.memory_space<vmem>>
      %dma_wait3A_522 = arith.constant 0 : i32
      %dma_wait3A_523 = arith.constant 0 : i32
      %dma_wait3A_524 = tpu.memref_slice %arg2[%dma_wait3A_522, %dma_wait3A_523] : memref<10000x128xf32, #tpu.memory_space<hbm>> -> memref<10000x128xf32, #tpu.memory_space<hbm>>
      tpu.wait_indirect_dma semaphore(%arg18 : memref<!tpu.dma_semaphore, #tpu.memory_space<semaphore_mem>>) src(%dma_wait3A_524 : memref<10000x128xf32, #tpu.memory_space<hbm>>) dst(%arg14 : memref<64x128xf32, #tpu.memory_space<vmem>>)
      %dma_wait3A_525 = arith.constant 6 : i32
      %dma_wait3A_526 = arith.constant 1 : i32
      %dma_wait3A_527 = arith.constant 0 : i32
      %dma_wait3A_528 = tpu.memref_slice %arg8[%dma_wait3A_525, %dma_wait3A_526, %dma_wait3A_527] : memref<10x2x64xi32, #tpu.memory_space<vmem>> -> memref<1x1x64xi32, #tpu.memory_space<vmem>>
      %dma_wait3A_529 = tpu.memref_squeeze %dma_wait3A_528 : memref<1x1x64xi32, #tpu.memory_space<vmem>> -> memref<64xi32, #tpu.memory_space<vmem>>
      %dma_wait3A_530 = arith.constant 0 : i32
      %dma_wait3A_531 = arith.constant 0 : i32
      %dma_wait3A_532 = tpu.memref_slice %arg16[%dma_wait3A_530, %dma_wait3A_531] : memref<10112x128xf32, #tpu.memory_space<vmem_shared>> -> memref<10112x128xf32, #tpu.memory_space<vmem_shared>>
      tpu.wait_indirect_dma semaphore(%arg21 : memref<!tpu.dma_semaphore, #tpu.memory_space<semaphore_mem>>) src(%arg11 : memref<64x128xf32, #tpu.memory_space<vmem>>) dst(%dma_wait3A_532 : memref<10112x128xf32, #tpu.memory_space<vmem_shared>>)
      %dma_wait3A_533 = arith.constant 6 : i32
      %dma_wait3A_534 = arith.constant 1 : i32
      %dma_wait3A_535 = arith.constant 0 : i32
      %dma_wait3A_536 = tpu.memref_slice %arg8[%dma_wait3A_533, %dma_wait3A_534, %dma_wait3A_535] : memref<10x2x64xi32, #tpu.memory_space<vmem>> -> memref<1x1x64xi32, #tpu.memory_space<vmem>>
      %dma_wait3A_537 = tpu.memref_squeeze %dma_wait3A_536 : memref<1x1x64xi32, #tpu.memory_space<vmem>> -> memref<64xi32, #tpu.memory_space<vmem>>
      %dma_wait3A_538 = arith.constant 0 : i32
      %dma_wait3A_539 = tpu.memref_slice %arg17[%dma_wait3A_538] : memref<10112xf32, #tpu.memory_space<vmem_shared>> -> memref<10112xf32, #tpu.memory_space<vmem_shared>>
      tpu.wait_indirect_dma semaphore(%arg21 : memref<!tpu.dma_semaphore, #tpu.memory_space<semaphore_mem>>) src(%arg15 : memref<64xf32, #tpu.memory_space<vmem>>) dst(%dma_wait3A_539 : memref<10112xf32, #tpu.memory_space<vmem_shared>>)
      %dma_start3A_540 = arith.constant 1 : i32
      %dma_start3A_541 = arith.constant 0 : i32
      %dma_start3A_542 = arith.constant 0 : i32
      %dma_start3A_543 = tpu.memref_slice %arg9[%dma_start3A_540, %dma_start3A_541, %dma_start3A_542] : memref<10x2x64xi32, #tpu.memory_space<vmem>> -> memref<1x1x64xi32, #tpu.memory_space<vmem>>
      %dma_start3A_544 = tpu.memref_squeeze %dma_start3A_543 : memref<1x1x64xi32, #tpu.memory_space<vmem>> -> memref<64xi32, #tpu.memory_space<vmem>>
      %dma_start3A_545 = arith.constant 0 : i32
      %dma_start3A_546 = arith.constant 0 : i32
      %dma_start3A_547 = tpu.memref_slice %arg2[%dma_start3A_545, %dma_start3A_546] : memref<10000x128xf32, #tpu.memory_space<hbm>> -> memref<10000x128xf32, #tpu.memory_space<hbm>>
      tpu.enqueue_indirect_dma source(%dma_start3A_547 : memref<10000x128xf32, #tpu.memory_space<hbm>>) target(%arg11 : memref<64x128xf32, #tpu.memory_space<vmem>>) offsets(%dma_start3A_544 : memref<64xi32, #tpu.memory_space<vmem>>) semaphore(%arg18 : memref<!tpu.dma_semaphore, #tpu.memory_space<semaphore_mem>>)
      %dma_start3A_548 = arith.constant 9 : i32
      %dma_start3A_549 = arith.constant 1 : i32
      %dma_start3A_550 = arith.constant 0 : i32
      %dma_start3A_551 = tpu.memref_slice %arg8[%dma_start3A_548, %dma_start3A_549, %dma_start3A_550] : memref<10x2x64xi32, #tpu.memory_space<vmem>> -> memref<1x1x64xi32, #tpu.memory_space<vmem>>
      %dma_start3A_552 = tpu.memref_squeeze %dma_start3A_551 : memref<1x1x64xi32, #tpu.memory_space<vmem>> -> memref<64xi32, #tpu.memory_space<vmem>>
      %dma_start3A_553 = arith.constant 0 : i32
      %dma_start3A_554 = arith.constant 0 : i32
      %dma_start3A_555 = tpu.memref_slice %arg16[%dma_start3A_553, %dma_start3A_554] : memref<10112x128xf32, #tpu.memory_space<vmem_shared>> -> memref<10112x128xf32, #tpu.memory_space<vmem_shared>>
      tpu.enqueue_indirect_dma source(%arg14 : memref<64x128xf32, #tpu.memory_space<vmem>>) target(%dma_start3A_555 : memref<10112x128xf32, #tpu.memory_space<vmem_shared>>) offsets(%dma_start3A_552 : memref<64xi32, #tpu.memory_space<vmem>>) semaphore(%arg24 : memref<!tpu.dma_semaphore, #tpu.memory_space<semaphore_mem>>) {add = true}
      %dma_start3A_556 = arith.constant 9 : i32
      %dma_start3A_557 = arith.constant 1 : i32
      %dma_start3A_558 = arith.constant 0 : i32
      %dma_start3A_559 = tpu.memref_slice %arg8[%dma_start3A_556, %dma_start3A_557, %dma_start3A_558] : memref<10x2x64xi32, #tpu.memory_space<vmem>> -> memref<1x1x64xi32, #tpu.memory_space<vmem>>
      %dma_start3A_560 = tpu.memref_squeeze %dma_start3A_559 : memref<1x1x64xi32, #tpu.memory_space<vmem>> -> memref<64xi32, #tpu.memory_space<vmem>>
      %dma_start3A_561 = arith.constant 0 : i32
      %dma_start3A_562 = tpu.memref_slice %arg17[%dma_start3A_561] : memref<10112xf32, #tpu.memory_space<vmem_shared>> -> memref<10112xf32, #tpu.memory_space<vmem_shared>>
      tpu.enqueue_indirect_dma source(%arg15 : memref<64xf32, #tpu.memory_space<vmem>>) target(%dma_start3A_562 : memref<10112xf32, #tpu.memory_space<vmem_shared>>) offsets(%dma_start3A_560 : memref<64xi32, #tpu.memory_space<vmem>>) semaphore(%arg24 : memref<!tpu.dma_semaphore, #tpu.memory_space<semaphore_mem>>) {add = true}
      %mul3A_563 = arith.constant 2 : i32
      %mul3A_564 = arith.muli %mul3A_563, %scan3A_106 : i32
      %add3A_565 = arith.constant 1 : i32
      %add3A_566 = arith.addi %mul3A_564, %add3A_565 : i32
      %dma_wait3A_567 = arith.constant 0 : i32
      %dma_wait3A_568 = arith.constant 0 : i32
      %dma_wait3A_569 = arith.constant 0 : i32
      %dma_wait3A_570 = tpu.memref_slice %arg8[%dma_wait3A_567, %dma_wait3A_568, %dma_wait3A_569] : memref<10x2x64xi32, #tpu.memory_space<vmem>> -> memref<1x1x64xi32, #tpu.memory_space<vmem>>
      %dma_wait3A_571 = tpu.memref_squeeze %dma_wait3A_570 : memref<1x1x64xi32, #tpu.memory_space<vmem>> -> memref<64xi32, #tpu.memory_space<vmem>>
      %dma_wait3A_572 = arith.constant 0 : i32
      %dma_wait3A_573 = arith.constant 0 : i32
      %dma_wait3A_574 = tpu.memref_slice %arg2[%dma_wait3A_572, %dma_wait3A_573] : memref<10000x128xf32, #tpu.memory_space<hbm>> -> memref<10000x128xf32, #tpu.memory_space<hbm>>
      tpu.wait_indirect_dma semaphore(%arg18 : memref<!tpu.dma_semaphore, #tpu.memory_space<semaphore_mem>>) src(%dma_wait3A_574 : memref<10000x128xf32, #tpu.memory_space<hbm>>) dst(%arg10 : memref<64x128xf32, #tpu.memory_space<vmem>>)
      %dma_wait3A_575 = arith.constant 7 : i32
      %dma_wait3A_576 = arith.constant 1 : i32
      %dma_wait3A_577 = arith.constant 0 : i32
      %dma_wait3A_578 = tpu.memref_slice %arg8[%dma_wait3A_575, %dma_wait3A_576, %dma_wait3A_577] : memref<10x2x64xi32, #tpu.memory_space<vmem>> -> memref<1x1x64xi32, #tpu.memory_space<vmem>>
      %dma_wait3A_579 = tpu.memref_squeeze %dma_wait3A_578 : memref<1x1x64xi32, #tpu.memory_space<vmem>> -> memref<64xi32, #tpu.memory_space<vmem>>
      %dma_wait3A_580 = arith.constant 0 : i32
      %dma_wait3A_581 = arith.constant 0 : i32
      %dma_wait3A_582 = tpu.memref_slice %arg16[%dma_wait3A_580, %dma_wait3A_581] : memref<10112x128xf32, #tpu.memory_space<vmem_shared>> -> memref<10112x128xf32, #tpu.memory_space<vmem_shared>>
      tpu.wait_indirect_dma semaphore(%arg22 : memref<!tpu.dma_semaphore, #tpu.memory_space<semaphore_mem>>) src(%arg12 : memref<64x128xf32, #tpu.memory_space<vmem>>) dst(%dma_wait3A_582 : memref<10112x128xf32, #tpu.memory_space<vmem_shared>>)
      %dma_wait3A_583 = arith.constant 7 : i32
      %dma_wait3A_584 = arith.constant 1 : i32
      %dma_wait3A_585 = arith.constant 0 : i32
      %dma_wait3A_586 = tpu.memref_slice %arg8[%dma_wait3A_583, %dma_wait3A_584, %dma_wait3A_585] : memref<10x2x64xi32, #tpu.memory_space<vmem>> -> memref<1x1x64xi32, #tpu.memory_space<vmem>>
      %dma_wait3A_587 = tpu.memref_squeeze %dma_wait3A_586 : memref<1x1x64xi32, #tpu.memory_space<vmem>> -> memref<64xi32, #tpu.memory_space<vmem>>
      %dma_wait3A_588 = arith.constant 0 : i32
      %dma_wait3A_589 = tpu.memref_slice %arg17[%dma_wait3A_588] : memref<10112xf32, #tpu.memory_space<vmem_shared>> -> memref<10112xf32, #tpu.memory_space<vmem_shared>>
      tpu.wait_indirect_dma semaphore(%arg22 : memref<!tpu.dma_semaphore, #tpu.memory_space<semaphore_mem>>) src(%arg15 : memref<64xf32, #tpu.memory_space<vmem>>) dst(%dma_wait3A_589 : memref<10112xf32, #tpu.memory_space<vmem_shared>>)
      %dma_start3A_590 = arith.constant 2 : i32
      %dma_start3A_591 = arith.constant 0 : i32
      %dma_start3A_592 = arith.constant 0 : i32
      %dma_start3A_593 = tpu.memref_slice %arg9[%dma_start3A_590, %dma_start3A_591, %dma_start3A_592] : memref<10x2x64xi32, #tpu.memory_space<vmem>> -> memref<1x1x64xi32, #tpu.memory_space<vmem>>
      %dma_start3A_594 = tpu.memref_squeeze %dma_start3A_593 : memref<1x1x64xi32, #tpu.memory_space<vmem>> -> memref<64xi32, #tpu.memory_space<vmem>>
      %dma_start3A_595 = arith.constant 0 : i32
      %dma_start3A_596 = arith.constant 0 : i32
      %dma_start3A_597 = tpu.memref_slice %arg2[%dma_start3A_595, %dma_start3A_596] : memref<10000x128xf32, #tpu.memory_space<hbm>> -> memref<10000x128xf32, #tpu.memory_space<hbm>>
      tpu.enqueue_indirect_dma source(%dma_start3A_597 : memref<10000x128xf32, #tpu.memory_space<hbm>>) target(%arg12 : memref<64x128xf32, #tpu.memory_space<vmem>>) offsets(%dma_start3A_594 : memref<64xi32, #tpu.memory_space<vmem>>) semaphore(%arg18 : memref<!tpu.dma_semaphore, #tpu.memory_space<semaphore_mem>>)
      %dma_start3A_598 = arith.constant 0 : i32
      %dma_start3A_599 = arith.constant 1 : i32
      %dma_start3A_600 = arith.constant 0 : i32
      %dma_start3A_601 = tpu.memref_slice %arg9[%dma_start3A_598, %dma_start3A_599, %dma_start3A_600] : memref<10x2x64xi32, #tpu.memory_space<vmem>> -> memref<1x1x64xi32, #tpu.memory_space<vmem>>
      %dma_start3A_602 = tpu.memref_squeeze %dma_start3A_601 : memref<1x1x64xi32, #tpu.memory_space<vmem>> -> memref<64xi32, #tpu.memory_space<vmem>>
      %dma_start3A_603 = arith.constant 0 : i32
      %dma_start3A_604 = arith.constant 0 : i32
      %dma_start3A_605 = tpu.memref_slice %arg16[%dma_start3A_603, %dma_start3A_604] : memref<10112x128xf32, #tpu.memory_space<vmem_shared>> -> memref<10112x128xf32, #tpu.memory_space<vmem_shared>>
      tpu.enqueue_indirect_dma source(%arg10 : memref<64x128xf32, #tpu.memory_space<vmem>>) target(%dma_start3A_605 : memref<10112x128xf32, #tpu.memory_space<vmem_shared>>) offsets(%dma_start3A_602 : memref<64xi32, #tpu.memory_space<vmem>>) semaphore(%arg20 : memref<!tpu.dma_semaphore, #tpu.memory_space<semaphore_mem>>) {add = true}
      %dma_start3A_606 = arith.constant 0 : i32
      %dma_start3A_607 = arith.constant 1 : i32
      %dma_start3A_608 = arith.constant 0 : i32
      %dma_start3A_609 = tpu.memref_slice %arg9[%dma_start3A_606, %dma_start3A_607, %dma_start3A_608] : memref<10x2x64xi32, #tpu.memory_space<vmem>> -> memref<1x1x64xi32, #tpu.memory_space<vmem>>
      %dma_start3A_610 = tpu.memref_squeeze %dma_start3A_609 : memref<1x1x64xi32, #tpu.memory_space<vmem>> -> memref<64xi32, #tpu.memory_space<vmem>>
      %dma_start3A_611 = arith.constant 0 : i32
      %dma_start3A_612 = tpu.memref_slice %arg17[%dma_start3A_611] : memref<10112xf32, #tpu.memory_space<vmem_shared>> -> memref<10112xf32, #tpu.memory_space<vmem_shared>>
      tpu.enqueue_indirect_dma source(%arg15 : memref<64xf32, #tpu.memory_space<vmem>>) target(%dma_start3A_612 : memref<10112xf32, #tpu.memory_space<vmem_shared>>) offsets(%dma_start3A_610 : memref<64xi32, #tpu.memory_space<vmem>>) semaphore(%arg20 : memref<!tpu.dma_semaphore, #tpu.memory_space<semaphore_mem>>) {add = true}
      %dma_wait3A_613 = arith.constant 0 : i32
      %dma_wait3A_614 = arith.constant 0 : i32
      %dma_wait3A_615 = arith.constant 0 : i32
      %dma_wait3A_616 = tpu.memref_slice %arg8[%dma_wait3A_613, %dma_wait3A_614, %dma_wait3A_615] : memref<10x2x64xi32, #tpu.memory_space<vmem>> -> memref<1x1x64xi32, #tpu.memory_space<vmem>>
      %dma_wait3A_617 = tpu.memref_squeeze %dma_wait3A_616 : memref<1x1x64xi32, #tpu.memory_space<vmem>> -> memref<64xi32, #tpu.memory_space<vmem>>
      %dma_wait3A_618 = arith.constant 0 : i32
      %dma_wait3A_619 = arith.constant 0 : i32
      %dma_wait3A_620 = tpu.memref_slice %arg2[%dma_wait3A_618, %dma_wait3A_619] : memref<10000x128xf32, #tpu.memory_space<hbm>> -> memref<10000x128xf32, #tpu.memory_space<hbm>>
      tpu.wait_indirect_dma semaphore(%arg18 : memref<!tpu.dma_semaphore, #tpu.memory_space<semaphore_mem>>) src(%dma_wait3A_620 : memref<10000x128xf32, #tpu.memory_space<hbm>>) dst(%arg11 : memref<64x128xf32, #tpu.memory_space<vmem>>)
      %dma_wait3A_621 = arith.constant 8 : i32
      %dma_wait3A_622 = arith.constant 1 : i32
      %dma_wait3A_623 = arith.constant 0 : i32
      %dma_wait3A_624 = tpu.memref_slice %arg8[%dma_wait3A_621, %dma_wait3A_622, %dma_wait3A_623] : memref<10x2x64xi32, #tpu.memory_space<vmem>> -> memref<1x1x64xi32, #tpu.memory_space<vmem>>
      %dma_wait3A_625 = tpu.memref_squeeze %dma_wait3A_624 : memref<1x1x64xi32, #tpu.memory_space<vmem>> -> memref<64xi32, #tpu.memory_space<vmem>>
      %dma_wait3A_626 = arith.constant 0 : i32
      %dma_wait3A_627 = arith.constant 0 : i32
      %dma_wait3A_628 = tpu.memref_slice %arg16[%dma_wait3A_626, %dma_wait3A_627] : memref<10112x128xf32, #tpu.memory_space<vmem_shared>> -> memref<10112x128xf32, #tpu.memory_space<vmem_shared>>
      tpu.wait_indirect_dma semaphore(%arg23 : memref<!tpu.dma_semaphore, #tpu.memory_space<semaphore_mem>>) src(%arg13 : memref<64x128xf32, #tpu.memory_space<vmem>>) dst(%dma_wait3A_628 : memref<10112x128xf32, #tpu.memory_space<vmem_shared>>)
      %dma_wait3A_629 = arith.constant 8 : i32
      %dma_wait3A_630 = arith.constant 1 : i32
      %dma_wait3A_631 = arith.constant 0 : i32
      %dma_wait3A_632 = tpu.memref_slice %arg8[%dma_wait3A_629, %dma_wait3A_630, %dma_wait3A_631] : memref<10x2x64xi32, #tpu.memory_space<vmem>> -> memref<1x1x64xi32, #tpu.memory_space<vmem>>
      %dma_wait3A_633 = tpu.memref_squeeze %dma_wait3A_632 : memref<1x1x64xi32, #tpu.memory_space<vmem>> -> memref<64xi32, #tpu.memory_space<vmem>>
      %dma_wait3A_634 = arith.constant 0 : i32
      %dma_wait3A_635 = tpu.memref_slice %arg17[%dma_wait3A_634] : memref<10112xf32, #tpu.memory_space<vmem_shared>> -> memref<10112xf32, #tpu.memory_space<vmem_shared>>
      tpu.wait_indirect_dma semaphore(%arg23 : memref<!tpu.dma_semaphore, #tpu.memory_space<semaphore_mem>>) src(%arg15 : memref<64xf32, #tpu.memory_space<vmem>>) dst(%dma_wait3A_635 : memref<10112xf32, #tpu.memory_space<vmem_shared>>)
      %dma_start3A_636 = arith.constant 3 : i32
      %dma_start3A_637 = arith.constant 0 : i32
      %dma_start3A_638 = arith.constant 0 : i32
      %dma_start3A_639 = tpu.memref_slice %arg9[%dma_start3A_636, %dma_start3A_637, %dma_start3A_638] : memref<10x2x64xi32, #tpu.memory_space<vmem>> -> memref<1x1x64xi32, #tpu.memory_space<vmem>>
      %dma_start3A_640 = tpu.memref_squeeze %dma_start3A_639 : memref<1x1x64xi32, #tpu.memory_space<vmem>> -> memref<64xi32, #tpu.memory_space<vmem>>
      %dma_start3A_641 = arith.constant 0 : i32
      %dma_start3A_642 = arith.constant 0 : i32
      %dma_start3A_643 = tpu.memref_slice %arg2[%dma_start3A_641, %dma_start3A_642] : memref<10000x128xf32, #tpu.memory_space<hbm>> -> memref<10000x128xf32, #tpu.memory_space<hbm>>
      tpu.enqueue_indirect_dma source(%dma_start3A_643 : memref<10000x128xf32, #tpu.memory_space<hbm>>) target(%arg13 : memref<64x128xf32, #tpu.memory_space<vmem>>) offsets(%dma_start3A_640 : memref<64xi32, #tpu.memory_space<vmem>>) semaphore(%arg18 : memref<!tpu.dma_semaphore, #tpu.memory_space<semaphore_mem>>)
      %dma_start3A_644 = arith.constant 1 : i32
      %dma_start3A_645 = arith.constant 1 : i32
      %dma_start3A_646 = arith.constant 0 : i32
      %dma_start3A_647 = tpu.memref_slice %arg9[%dma_start3A_644, %dma_start3A_645, %dma_start3A_646] : memref<10x2x64xi32, #tpu.memory_space<vmem>> -> memref<1x1x64xi32, #tpu.memory_space<vmem>>
      %dma_start3A_648 = tpu.memref_squeeze %dma_start3A_647 : memref<1x1x64xi32, #tpu.memory_space<vmem>> -> memref<64xi32, #tpu.memory_space<vmem>>
      %dma_start3A_649 = arith.constant 0 : i32
      %dma_start3A_650 = arith.constant 0 : i32
      %dma_start3A_651 = tpu.memref_slice %arg16[%dma_start3A_649, %dma_start3A_650] : memref<10112x128xf32, #tpu.memory_space<vmem_shared>> -> memref<10112x128xf32, #tpu.memory_space<vmem_shared>>
      tpu.enqueue_indirect_dma source(%arg11 : memref<64x128xf32, #tpu.memory_space<vmem>>) target(%dma_start3A_651 : memref<10112x128xf32, #tpu.memory_space<vmem_shared>>) offsets(%dma_start3A_648 : memref<64xi32, #tpu.memory_space<vmem>>) semaphore(%arg21 : memref<!tpu.dma_semaphore, #tpu.memory_space<semaphore_mem>>) {add = true}
      %dma_start3A_652 = arith.constant 1 : i32
      %dma_start3A_653 = arith.constant 1 : i32
      %dma_start3A_654 = arith.constant 0 : i32
      %dma_start3A_655 = tpu.memref_slice %arg9[%dma_start3A_652, %dma_start3A_653, %dma_start3A_654] : memref<10x2x64xi32, #tpu.memory_space<vmem>> -> memref<1x1x64xi32, #tpu.memory_space<vmem>>
      %dma_start3A_656 = tpu.memref_squeeze %dma_start3A_655 : memref<1x1x64xi32, #tpu.memory_space<vmem>> -> memref<64xi32, #tpu.memory_space<vmem>>
      %dma_start3A_657 = arith.constant 0 : i32
      %dma_start3A_658 = tpu.memref_slice %arg17[%dma_start3A_657] : memref<10112xf32, #tpu.memory_space<vmem_shared>> -> memref<10112xf32, #tpu.memory_space<vmem_shared>>
      tpu.enqueue_indirect_dma source(%arg15 : memref<64xf32, #tpu.memory_space<vmem>>) target(%dma_start3A_658 : memref<10112xf32, #tpu.memory_space<vmem_shared>>) offsets(%dma_start3A_656 : memref<64xi32, #tpu.memory_space<vmem>>) semaphore(%arg21 : memref<!tpu.dma_semaphore, #tpu.memory_space<semaphore_mem>>) {add = true}
      %dma_wait3A_659 = arith.constant 0 : i32
      %dma_wait3A_660 = arith.constant 0 : i32
      %dma_wait3A_661 = arith.constant 0 : i32
      %dma_wait3A_662 = tpu.memref_slice %arg8[%dma_wait3A_659, %dma_wait3A_660, %dma_wait3A_661] : memref<10x2x64xi32, #tpu.memory_space<vmem>> -> memref<1x1x64xi32, #tpu.memory_space<vmem>>
      %dma_wait3A_663 = tpu.memref_squeeze %dma_wait3A_662 : memref<1x1x64xi32, #tpu.memory_space<vmem>> -> memref<64xi32, #tpu.memory_space<vmem>>
      %dma_wait3A_664 = arith.constant 0 : i32
      %dma_wait3A_665 = arith.constant 0 : i32
      %dma_wait3A_666 = tpu.memref_slice %arg2[%dma_wait3A_664, %dma_wait3A_665] : memref<10000x128xf32, #tpu.memory_space<hbm>> -> memref<10000x128xf32, #tpu.memory_space<hbm>>
      tpu.wait_indirect_dma semaphore(%arg18 : memref<!tpu.dma_semaphore, #tpu.memory_space<semaphore_mem>>) src(%dma_wait3A_666 : memref<10000x128xf32, #tpu.memory_space<hbm>>) dst(%arg12 : memref<64x128xf32, #tpu.memory_space<vmem>>)
      %dma_wait3A_667 = arith.constant 9 : i32
      %dma_wait3A_668 = arith.constant 1 : i32
      %dma_wait3A_669 = arith.constant 0 : i32
      %dma_wait3A_670 = tpu.memref_slice %arg8[%dma_wait3A_667, %dma_wait3A_668, %dma_wait3A_669] : memref<10x2x64xi32, #tpu.memory_space<vmem>> -> memref<1x1x64xi32, #tpu.memory_space<vmem>>
      %dma_wait3A_671 = tpu.memref_squeeze %dma_wait3A_670 : memref<1x1x64xi32, #tpu.memory_space<vmem>> -> memref<64xi32, #tpu.memory_space<vmem>>
      %dma_wait3A_672 = arith.constant 0 : i32
      %dma_wait3A_673 = arith.constant 0 : i32
      %dma_wait3A_674 = tpu.memref_slice %arg16[%dma_wait3A_672, %dma_wait3A_673] : memref<10112x128xf32, #tpu.memory_space<vmem_shared>> -> memref<10112x128xf32, #tpu.memory_space<vmem_shared>>
      tpu.wait_indirect_dma semaphore(%arg24 : memref<!tpu.dma_semaphore, #tpu.memory_space<semaphore_mem>>) src(%arg14 : memref<64x128xf32, #tpu.memory_space<vmem>>) dst(%dma_wait3A_674 : memref<10112x128xf32, #tpu.memory_space<vmem_shared>>)
      %dma_wait3A_675 = arith.constant 9 : i32
      %dma_wait3A_676 = arith.constant 1 : i32
      %dma_wait3A_677 = arith.constant 0 : i32
      %dma_wait3A_678 = tpu.memref_slice %arg8[%dma_wait3A_675, %dma_wait3A_676, %dma_wait3A_677] : memref<10x2x64xi32, #tpu.memory_space<vmem>> -> memref<1x1x64xi32, #tpu.memory_space<vmem>>
      %dma_wait3A_679 = tpu.memref_squeeze %dma_wait3A_678 : memref<1x1x64xi32, #tpu.memory_space<vmem>> -> memref<64xi32, #tpu.memory_space<vmem>>
      %dma_wait3A_680 = arith.constant 0 : i32
      %dma_wait3A_681 = tpu.memref_slice %arg17[%dma_wait3A_680] : memref<10112xf32, #tpu.memory_space<vmem_shared>> -> memref<10112xf32, #tpu.memory_space<vmem_shared>>
      tpu.wait_indirect_dma semaphore(%arg24 : memref<!tpu.dma_semaphore, #tpu.memory_space<semaphore_mem>>) src(%arg15 : memref<64xf32, #tpu.memory_space<vmem>>) dst(%dma_wait3A_681 : memref<10112xf32, #tpu.memory_space<vmem_shared>>)
      %lt3A = arith.constant 7 : i32
      %lt3A_682 = arith.cmpi slt, %scan3A_106, %lt3A : i32
      %convert_element_type3A_683 = arith.extui %lt3A_682 : i1 to i32
      %cond3A_684 = arith.constant 0 : i32
      %cond3A_685 = arith.cmpi ne, %convert_element_type3A_683, %cond3A_684 : i32
      scf.if %cond3A_685 {
        %add3A_1026 = arith.constant 1 : i32
        %add3A_1027 = arith.addi %add3A_566, %add3A_1026 : i32
        %mul3A_1028 = arith.constant 10 : i32
        %mul3A_1029 = arith.muli %add3A_1027, %mul3A_1028 : i32
        %add3A_1030 = arith.addi %mul3A_30, %mul3A_1029 : i32
        %dma_start3A_1031 = arith.constant 0 : i32
        %dma_start3A_1032 = arith.constant 0 : i32
        %dma_start3A_1033 = tpu.memref_slice %arg3[%add3A_1030, %dma_start3A_1031, %dma_start3A_1032] : memref<5120x2x64xi32, #tpu.memory_space<hbm>> -> memref<10x2x64xi32, #tpu.memory_space<hbm>>
        %dma_start3A_1034 = arith.constant 0 : i32
        %dma_start3A_1035 = arith.constant 0 : i32
        %dma_start3A_1036 = tpu.memref_slice %arg3[%add3A_1030, %dma_start3A_1034, %dma_start3A_1035] : memref<5120x2x64xi32, #tpu.memory_space<hbm>> -> memref<10x2x64xi32, #tpu.memory_space<hbm>>
        tpu.enqueue_dma source(%dma_start3A_1036 : memref<10x2x64xi32, #tpu.memory_space<hbm>>) target(%arg8 : memref<10x2x64xi32, #tpu.memory_space<vmem>>) target_semaphore(%arg19 : memref<!tpu.dma_semaphore, #tpu.memory_space<semaphore_mem>>)
      } else {
      }
      %dma_start3A_686 = arith.constant 4 : i32
      %dma_start3A_687 = arith.constant 0 : i32
      %dma_start3A_688 = arith.constant 0 : i32
      %dma_start3A_689 = tpu.memref_slice %arg9[%dma_start3A_686, %dma_start3A_687, %dma_start3A_688] : memref<10x2x64xi32, #tpu.memory_space<vmem>> -> memref<1x1x64xi32, #tpu.memory_space<vmem>>
      %dma_start3A_690 = tpu.memref_squeeze %dma_start3A_689 : memref<1x1x64xi32, #tpu.memory_space<vmem>> -> memref<64xi32, #tpu.memory_space<vmem>>
      %dma_start3A_691 = arith.constant 0 : i32
      %dma_start3A_692 = arith.constant 0 : i32
      %dma_start3A_693 = tpu.memref_slice %arg2[%dma_start3A_691, %dma_start3A_692] : memref<10000x128xf32, #tpu.memory_space<hbm>> -> memref<10000x128xf32, #tpu.memory_space<hbm>>
      tpu.enqueue_indirect_dma source(%dma_start3A_693 : memref<10000x128xf32, #tpu.memory_space<hbm>>) target(%arg14 : memref<64x128xf32, #tpu.memory_space<vmem>>) offsets(%dma_start3A_690 : memref<64xi32, #tpu.memory_space<vmem>>) semaphore(%arg18 : memref<!tpu.dma_semaphore, #tpu.memory_space<semaphore_mem>>)
      %dma_start3A_694 = arith.constant 2 : i32
      %dma_start3A_695 = arith.constant 1 : i32
      %dma_start3A_696 = arith.constant 0 : i32
      %dma_start3A_697 = tpu.memref_slice %arg9[%dma_start3A_694, %dma_start3A_695, %dma_start3A_696] : memref<10x2x64xi32, #tpu.memory_space<vmem>> -> memref<1x1x64xi32, #tpu.memory_space<vmem>>
      %dma_start3A_698 = tpu.memref_squeeze %dma_start3A_697 : memref<1x1x64xi32, #tpu.memory_space<vmem>> -> memref<64xi32, #tpu.memory_space<vmem>>
      %dma_start3A_699 = arith.constant 0 : i32
      %dma_start3A_700 = arith.constant 0 : i32
      %dma_start3A_701 = tpu.memref_slice %arg16[%dma_start3A_699, %dma_start3A_700] : memref<10112x128xf32, #tpu.memory_space<vmem_shared>> -> memref<10112x128xf32, #tpu.memory_space<vmem_shared>>
      tpu.enqueue_indirect_dma source(%arg12 : memref<64x128xf32, #tpu.memory_space<vmem>>) target(%dma_start3A_701 : memref<10112x128xf32, #tpu.memory_space<vmem_shared>>) offsets(%dma_start3A_698 : memref<64xi32, #tpu.memory_space<vmem>>) semaphore(%arg22 : memref<!tpu.dma_semaphore, #tpu.memory_space<semaphore_mem>>) {add = true}
      %dma_start3A_702 = arith.constant 2 : i32
      %dma_start3A_703 = arith.constant 1 : i32
      %dma_start3A_704 = arith.constant 0 : i32
      %dma_start3A_705 = tpu.memref_slice %arg9[%dma_start3A_702, %dma_start3A_703, %dma_start3A_704] : memref<10x2x64xi32, #tpu.memory_space<vmem>> -> memref<1x1x64xi32, #tpu.memory_space<vmem>>
      %dma_start3A_706 = tpu.memref_squeeze %dma_start3A_705 : memref<1x1x64xi32, #tpu.memory_space<vmem>> -> memref<64xi32, #tpu.memory_space<vmem>>
      %dma_start3A_707 = arith.constant 0 : i32
      %dma_start3A_708 = tpu.memref_slice %arg17[%dma_start3A_707] : memref<10112xf32, #tpu.memory_space<vmem_shared>> -> memref<10112xf32, #tpu.memory_space<vmem_shared>>
      tpu.enqueue_indirect_dma source(%arg15 : memref<64xf32, #tpu.memory_space<vmem>>) target(%dma_start3A_708 : memref<10112xf32, #tpu.memory_space<vmem_shared>>) offsets(%dma_start3A_706 : memref<64xi32, #tpu.memory_space<vmem>>) semaphore(%arg22 : memref<!tpu.dma_semaphore, #tpu.memory_space<semaphore_mem>>) {add = true}
      %dma_wait3A_709 = arith.constant 0 : i32
      %dma_wait3A_710 = arith.constant 0 : i32
      %dma_wait3A_711 = arith.constant 0 : i32
      %dma_wait3A_712 = tpu.memref_slice %arg8[%dma_wait3A_709, %dma_wait3A_710, %dma_wait3A_711] : memref<10x2x64xi32, #tpu.memory_space<vmem>> -> memref<1x1x64xi32, #tpu.memory_space<vmem>>
      %dma_wait3A_713 = tpu.memref_squeeze %dma_wait3A_712 : memref<1x1x64xi32, #tpu.memory_space<vmem>> -> memref<64xi32, #tpu.memory_space<vmem>>
      %dma_wait3A_714 = arith.constant 0 : i32
      %dma_wait3A_715 = arith.constant 0 : i32
      %dma_wait3A_716 = tpu.memref_slice %arg2[%dma_wait3A_714, %dma_wait3A_715] : memref<10000x128xf32, #tpu.memory_space<hbm>> -> memref<10000x128xf32, #tpu.memory_space<hbm>>
      tpu.wait_indirect_dma semaphore(%arg18 : memref<!tpu.dma_semaphore, #tpu.memory_space<semaphore_mem>>) src(%dma_wait3A_716 : memref<10000x128xf32, #tpu.memory_space<hbm>>) dst(%arg13 : memref<64x128xf32, #tpu.memory_space<vmem>>)
      %dma_wait3A_717 = arith.constant 0 : i32
      %dma_wait3A_718 = arith.constant 1 : i32
      %dma_wait3A_719 = arith.constant 0 : i32
      %dma_wait3A_720 = tpu.memref_slice %arg9[%dma_wait3A_717, %dma_wait3A_718, %dma_wait3A_719] : memref<10x2x64xi32, #tpu.memory_space<vmem>> -> memref<1x1x64xi32, #tpu.memory_space<vmem>>
      %dma_wait3A_721 = tpu.memref_squeeze %dma_wait3A_720 : memref<1x1x64xi32, #tpu.memory_space<vmem>> -> memref<64xi32, #tpu.memory_space<vmem>>
      %dma_wait3A_722 = arith.constant 0 : i32
      %dma_wait3A_723 = arith.constant 0 : i32
      %dma_wait3A_724 = tpu.memref_slice %arg16[%dma_wait3A_722, %dma_wait3A_723] : memref<10112x128xf32, #tpu.memory_space<vmem_shared>> -> memref<10112x128xf32, #tpu.memory_space<vmem_shared>>
      tpu.wait_indirect_dma semaphore(%arg20 : memref<!tpu.dma_semaphore, #tpu.memory_space<semaphore_mem>>) src(%arg10 : memref<64x128xf32, #tpu.memory_space<vmem>>) dst(%dma_wait3A_724 : memref<10112x128xf32, #tpu.memory_space<vmem_shared>>)
      %dma_wait3A_725 = arith.constant 0 : i32
      %dma_wait3A_726 = arith.constant 1 : i32
      %dma_wait3A_727 = arith.constant 0 : i32
      %dma_wait3A_728 = tpu.memref_slice %arg9[%dma_wait3A_725, %dma_wait3A_726, %dma_wait3A_727] : memref<10x2x64xi32, #tpu.memory_space<vmem>> -> memref<1x1x64xi32, #tpu.memory_space<vmem>>
      %dma_wait3A_729 = tpu.memref_squeeze %dma_wait3A_728 : memref<1x1x64xi32, #tpu.memory_space<vmem>> -> memref<64xi32, #tpu.memory_space<vmem>>
      %dma_wait3A_730 = arith.constant 0 : i32
      %dma_wait3A_731 = tpu.memref_slice %arg17[%dma_wait3A_730] : memref<10112xf32, #tpu.memory_space<vmem_shared>> -> memref<10112xf32, #tpu.memory_space<vmem_shared>>
      tpu.wait_indirect_dma semaphore(%arg20 : memref<!tpu.dma_semaphore, #tpu.memory_space<semaphore_mem>>) src(%arg15 : memref<64xf32, #tpu.memory_space<vmem>>) dst(%dma_wait3A_731 : memref<10112xf32, #tpu.memory_space<vmem_shared>>)
      %dma_start3A_732 = arith.constant 5 : i32
      %dma_start3A_733 = arith.constant 0 : i32
      %dma_start3A_734 = arith.constant 0 : i32
      %dma_start3A_735 = tpu.memref_slice %arg9[%dma_start3A_732, %dma_start3A_733, %dma_start3A_734] : memref<10x2x64xi32, #tpu.memory_space<vmem>> -> memref<1x1x64xi32, #tpu.memory_space<vmem>>
      %dma_start3A_736 = tpu.memref_squeeze %dma_start3A_735 : memref<1x1x64xi32, #tpu.memory_space<vmem>> -> memref<64xi32, #tpu.memory_space<vmem>>
      %dma_start3A_737 = arith.constant 0 : i32
      %dma_start3A_738 = arith.constant 0 : i32
      %dma_start3A_739 = tpu.memref_slice %arg2[%dma_start3A_737, %dma_start3A_738] : memref<10000x128xf32, #tpu.memory_space<hbm>> -> memref<10000x128xf32, #tpu.memory_space<hbm>>
      tpu.enqueue_indirect_dma source(%dma_start3A_739 : memref<10000x128xf32, #tpu.memory_space<hbm>>) target(%arg10 : memref<64x128xf32, #tpu.memory_space<vmem>>) offsets(%dma_start3A_736 : memref<64xi32, #tpu.memory_space<vmem>>) semaphore(%arg18 : memref<!tpu.dma_semaphore, #tpu.memory_space<semaphore_mem>>)
      %dma_start3A_740 = arith.constant 3 : i32
      %dma_start3A_741 = arith.constant 1 : i32
      %dma_start3A_742 = arith.constant 0 : i32
      %dma_start3A_743 = tpu.memref_slice %arg9[%dma_start3A_740, %dma_start3A_741, %dma_start3A_742] : memref<10x2x64xi32, #tpu.memory_space<vmem>> -> memref<1x1x64xi32, #tpu.memory_space<vmem>>
      %dma_start3A_744 = tpu.memref_squeeze %dma_start3A_743 : memref<1x1x64xi32, #tpu.memory_space<vmem>> -> memref<64xi32, #tpu.memory_space<vmem>>
      %dma_start3A_745 = arith.constant 0 : i32
      %dma_start3A_746 = arith.constant 0 : i32
      %dma_start3A_747 = tpu.memref_slice %arg16[%dma_start3A_745, %dma_start3A_746] : memref<10112x128xf32, #tpu.memory_space<vmem_shared>> -> memref<10112x128xf32, #tpu.memory_space<vmem_shared>>
      tpu.enqueue_indirect_dma source(%arg13 : memref<64x128xf32, #tpu.memory_space<vmem>>) target(%dma_start3A_747 : memref<10112x128xf32, #tpu.memory_space<vmem_shared>>) offsets(%dma_start3A_744 : memref<64xi32, #tpu.memory_space<vmem>>) semaphore(%arg23 : memref<!tpu.dma_semaphore, #tpu.memory_space<semaphore_mem>>) {add = true}
      %dma_start3A_748 = arith.constant 3 : i32
      %dma_start3A_749 = arith.constant 1 : i32
      %dma_start3A_750 = arith.constant 0 : i32
      %dma_start3A_751 = tpu.memref_slice %arg9[%dma_start3A_748, %dma_start3A_749, %dma_start3A_750] : memref<10x2x64xi32, #tpu.memory_space<vmem>> -> memref<1x1x64xi32, #tpu.memory_space<vmem>>
      %dma_start3A_752 = tpu.memref_squeeze %dma_start3A_751 : memref<1x1x64xi32, #tpu.memory_space<vmem>> -> memref<64xi32, #tpu.memory_space<vmem>>
      %dma_start3A_753 = arith.constant 0 : i32
      %dma_start3A_754 = tpu.memref_slice %arg17[%dma_start3A_753] : memref<10112xf32, #tpu.memory_space<vmem_shared>> -> memref<10112xf32, #tpu.memory_space<vmem_shared>>
      tpu.enqueue_indirect_dma source(%arg15 : memref<64xf32, #tpu.memory_space<vmem>>) target(%dma_start3A_754 : memref<10112xf32, #tpu.memory_space<vmem_shared>>) offsets(%dma_start3A_752 : memref<64xi32, #tpu.memory_space<vmem>>) semaphore(%arg23 : memref<!tpu.dma_semaphore, #tpu.memory_space<semaphore_mem>>) {add = true}
      %dma_wait3A_755 = arith.constant 0 : i32
      %dma_wait3A_756 = arith.constant 0 : i32
      %dma_wait3A_757 = arith.constant 0 : i32
      %dma_wait3A_758 = tpu.memref_slice %arg8[%dma_wait3A_755, %dma_wait3A_756, %dma_wait3A_757] : memref<10x2x64xi32, #tpu.memory_space<vmem>> -> memref<1x1x64xi32, #tpu.memory_space<vmem>>
      %dma_wait3A_759 = tpu.memref_squeeze %dma_wait3A_758 : memref<1x1x64xi32, #tpu.memory_space<vmem>> -> memref<64xi32, #tpu.memory_space<vmem>>
      %dma_wait3A_760 = arith.constant 0 : i32
      %dma_wait3A_761 = arith.constant 0 : i32
      %dma_wait3A_762 = tpu.memref_slice %arg2[%dma_wait3A_760, %dma_wait3A_761] : memref<10000x128xf32, #tpu.memory_space<hbm>> -> memref<10000x128xf32, #tpu.memory_space<hbm>>
      tpu.wait_indirect_dma semaphore(%arg18 : memref<!tpu.dma_semaphore, #tpu.memory_space<semaphore_mem>>) src(%dma_wait3A_762 : memref<10000x128xf32, #tpu.memory_space<hbm>>) dst(%arg14 : memref<64x128xf32, #tpu.memory_space<vmem>>)
      %dma_wait3A_763 = arith.constant 1 : i32
      %dma_wait3A_764 = arith.constant 1 : i32
      %dma_wait3A_765 = arith.constant 0 : i32
      %dma_wait3A_766 = tpu.memref_slice %arg9[%dma_wait3A_763, %dma_wait3A_764, %dma_wait3A_765] : memref<10x2x64xi32, #tpu.memory_space<vmem>> -> memref<1x1x64xi32, #tpu.memory_space<vmem>>
      %dma_wait3A_767 = tpu.memref_squeeze %dma_wait3A_766 : memref<1x1x64xi32, #tpu.memory_space<vmem>> -> memref<64xi32, #tpu.memory_space<vmem>>
      %dma_wait3A_768 = arith.constant 0 : i32
      %dma_wait3A_769 = arith.constant 0 : i32
      %dma_wait3A_770 = tpu.memref_slice %arg16[%dma_wait3A_768, %dma_wait3A_769] : memref<10112x128xf32, #tpu.memory_space<vmem_shared>> -> memref<10112x128xf32, #tpu.memory_space<vmem_shared>>
      tpu.wait_indirect_dma semaphore(%arg21 : memref<!tpu.dma_semaphore, #tpu.memory_space<semaphore_mem>>) src(%arg11 : memref<64x128xf32, #tpu.memory_space<vmem>>) dst(%dma_wait3A_770 : memref<10112x128xf32, #tpu.memory_space<vmem_shared>>)
      %dma_wait3A_771 = arith.constant 1 : i32
      %dma_wait3A_772 = arith.constant 1 : i32
      %dma_wait3A_773 = arith.constant 0 : i32
      %dma_wait3A_774 = tpu.memref_slice %arg9[%dma_wait3A_771, %dma_wait3A_772, %dma_wait3A_773] : memref<10x2x64xi32, #tpu.memory_space<vmem>> -> memref<1x1x64xi32, #tpu.memory_space<vmem>>
      %dma_wait3A_775 = tpu.memref_squeeze %dma_wait3A_774 : memref<1x1x64xi32, #tpu.memory_space<vmem>> -> memref<64xi32, #tpu.memory_space<vmem>>
      %dma_wait3A_776 = arith.constant 0 : i32
      %dma_wait3A_777 = tpu.memref_slice %arg17[%dma_wait3A_776] : memref<10112xf32, #tpu.memory_space<vmem_shared>> -> memref<10112xf32, #tpu.memory_space<vmem_shared>>
      tpu.wait_indirect_dma semaphore(%arg21 : memref<!tpu.dma_semaphore, #tpu.memory_space<semaphore_mem>>) src(%arg15 : memref<64xf32, #tpu.memory_space<vmem>>) dst(%dma_wait3A_777 : memref<10112xf32, #tpu.memory_space<vmem_shared>>)
      %dma_start3A_778 = arith.constant 6 : i32
      %dma_start3A_779 = arith.constant 0 : i32
      %dma_start3A_780 = arith.constant 0 : i32
      %dma_start3A_781 = tpu.memref_slice %arg9[%dma_start3A_778, %dma_start3A_779, %dma_start3A_780] : memref<10x2x64xi32, #tpu.memory_space<vmem>> -> memref<1x1x64xi32, #tpu.memory_space<vmem>>
      %dma_start3A_782 = tpu.memref_squeeze %dma_start3A_781 : memref<1x1x64xi32, #tpu.memory_space<vmem>> -> memref<64xi32, #tpu.memory_space<vmem>>
      %dma_start3A_783 = arith.constant 0 : i32
      %dma_start3A_784 = arith.constant 0 : i32
      %dma_start3A_785 = tpu.memref_slice %arg2[%dma_start3A_783, %dma_start3A_784] : memref<10000x128xf32, #tpu.memory_space<hbm>> -> memref<10000x128xf32, #tpu.memory_space<hbm>>
      tpu.enqueue_indirect_dma source(%dma_start3A_785 : memref<10000x128xf32, #tpu.memory_space<hbm>>) target(%arg11 : memref<64x128xf32, #tpu.memory_space<vmem>>) offsets(%dma_start3A_782 : memref<64xi32, #tpu.memory_space<vmem>>) semaphore(%arg18 : memref<!tpu.dma_semaphore, #tpu.memory_space<semaphore_mem>>)
      %dma_start3A_786 = arith.constant 4 : i32
      %dma_start3A_787 = arith.constant 1 : i32
      %dma_start3A_788 = arith.constant 0 : i32
      %dma_start3A_789 = tpu.memref_slice %arg9[%dma_start3A_786, %dma_start3A_787, %dma_start3A_788] : memref<10x2x64xi32, #tpu.memory_space<vmem>> -> memref<1x1x64xi32, #tpu.memory_space<vmem>>
      %dma_start3A_790 = tpu.memref_squeeze %dma_start3A_789 : memref<1x1x64xi32, #tpu.memory_space<vmem>> -> memref<64xi32, #tpu.memory_space<vmem>>
      %dma_start3A_791 = arith.constant 0 : i32
      %dma_start3A_792 = arith.constant 0 : i32
      %dma_start3A_793 = tpu.memref_slice %arg16[%dma_start3A_791, %dma_start3A_792] : memref<10112x128xf32, #tpu.memory_space<vmem_shared>> -> memref<10112x128xf32, #tpu.memory_space<vmem_shared>>
      tpu.enqueue_indirect_dma source(%arg14 : memref<64x128xf32, #tpu.memory_space<vmem>>) target(%dma_start3A_793 : memref<10112x128xf32, #tpu.memory_space<vmem_shared>>) offsets(%dma_start3A_790 : memref<64xi32, #tpu.memory_space<vmem>>) semaphore(%arg24 : memref<!tpu.dma_semaphore, #tpu.memory_space<semaphore_mem>>) {add = true}
      %dma_start3A_794 = arith.constant 4 : i32
      %dma_start3A_795 = arith.constant 1 : i32
      %dma_start3A_796 = arith.constant 0 : i32
      %dma_start3A_797 = tpu.memref_slice %arg9[%dma_start3A_794, %dma_start3A_795, %dma_start3A_796] : memref<10x2x64xi32, #tpu.memory_space<vmem>> -> memref<1x1x64xi32, #tpu.memory_space<vmem>>
      %dma_start3A_798 = tpu.memref_squeeze %dma_start3A_797 : memref<1x1x64xi32, #tpu.memory_space<vmem>> -> memref<64xi32, #tpu.memory_space<vmem>>
      %dma_start3A_799 = arith.constant 0 : i32
      %dma_start3A_800 = tpu.memref_slice %arg17[%dma_start3A_799] : memref<10112xf32, #tpu.memory_space<vmem_shared>> -> memref<10112xf32, #tpu.memory_space<vmem_shared>>
      tpu.enqueue_indirect_dma source(%arg15 : memref<64xf32, #tpu.memory_space<vmem>>) target(%dma_start3A_800 : memref<10112xf32, #tpu.memory_space<vmem_shared>>) offsets(%dma_start3A_798 : memref<64xi32, #tpu.memory_space<vmem>>) semaphore(%arg24 : memref<!tpu.dma_semaphore, #tpu.memory_space<semaphore_mem>>) {add = true}
      %dma_wait3A_801 = arith.constant 0 : i32
      %dma_wait3A_802 = arith.constant 0 : i32
      %dma_wait3A_803 = arith.constant 0 : i32
      %dma_wait3A_804 = tpu.memref_slice %arg8[%dma_wait3A_801, %dma_wait3A_802, %dma_wait3A_803] : memref<10x2x64xi32, #tpu.memory_space<vmem>> -> memref<1x1x64xi32, #tpu.memory_space<vmem>>
      %dma_wait3A_805 = tpu.memref_squeeze %dma_wait3A_804 : memref<1x1x64xi32, #tpu.memory_space<vmem>> -> memref<64xi32, #tpu.memory_space<vmem>>
      %dma_wait3A_806 = arith.constant 0 : i32
      %dma_wait3A_807 = arith.constant 0 : i32
      %dma_wait3A_808 = tpu.memref_slice %arg2[%dma_wait3A_806, %dma_wait3A_807] : memref<10000x128xf32, #tpu.memory_space<hbm>> -> memref<10000x128xf32, #tpu.memory_space<hbm>>
      tpu.wait_indirect_dma semaphore(%arg18 : memref<!tpu.dma_semaphore, #tpu.memory_space<semaphore_mem>>) src(%dma_wait3A_808 : memref<10000x128xf32, #tpu.memory_space<hbm>>) dst(%arg10 : memref<64x128xf32, #tpu.memory_space<vmem>>)
      %dma_wait3A_809 = arith.constant 2 : i32
      %dma_wait3A_810 = arith.constant 1 : i32
      %dma_wait3A_811 = arith.constant 0 : i32
      %dma_wait3A_812 = tpu.memref_slice %arg9[%dma_wait3A_809, %dma_wait3A_810, %dma_wait3A_811] : memref<10x2x64xi32, #tpu.memory_space<vmem>> -> memref<1x1x64xi32, #tpu.memory_space<vmem>>
      %dma_wait3A_813 = tpu.memref_squeeze %dma_wait3A_812 : memref<1x1x64xi32, #tpu.memory_space<vmem>> -> memref<64xi32, #tpu.memory_space<vmem>>
      %dma_wait3A_814 = arith.constant 0 : i32
      %dma_wait3A_815 = arith.constant 0 : i32
      %dma_wait3A_816 = tpu.memref_slice %arg16[%dma_wait3A_814, %dma_wait3A_815] : memref<10112x128xf32, #tpu.memory_space<vmem_shared>> -> memref<10112x128xf32, #tpu.memory_space<vmem_shared>>
      tpu.wait_indirect_dma semaphore(%arg22 : memref<!tpu.dma_semaphore, #tpu.memory_space<semaphore_mem>>) src(%arg12 : memref<64x128xf32, #tpu.memory_space<vmem>>) dst(%dma_wait3A_816 : memref<10112x128xf32, #tpu.memory_space<vmem_shared>>)
      %dma_wait3A_817 = arith.constant 2 : i32
      %dma_wait3A_818 = arith.constant 1 : i32
      %dma_wait3A_819 = arith.constant 0 : i32
      %dma_wait3A_820 = tpu.memref_slice %arg9[%dma_wait3A_817, %dma_wait3A_818, %dma_wait3A_819] : memref<10x2x64xi32, #tpu.memory_space<vmem>> -> memref<1x1x64xi32, #tpu.memory_space<vmem>>
      %dma_wait3A_821 = tpu.memref_squeeze %dma_wait3A_820 : memref<1x1x64xi32, #tpu.memory_space<vmem>> -> memref<64xi32, #tpu.memory_space<vmem>>
      %dma_wait3A_822 = arith.constant 0 : i32
      %dma_wait3A_823 = tpu.memref_slice %arg17[%dma_wait3A_822] : memref<10112xf32, #tpu.memory_space<vmem_shared>> -> memref<10112xf32, #tpu.memory_space<vmem_shared>>
      tpu.wait_indirect_dma semaphore(%arg22 : memref<!tpu.dma_semaphore, #tpu.memory_space<semaphore_mem>>) src(%arg15 : memref<64xf32, #tpu.memory_space<vmem>>) dst(%dma_wait3A_823 : memref<10112xf32, #tpu.memory_space<vmem_shared>>)
      %dma_start3A_824 = arith.constant 7 : i32
      %dma_start3A_825 = arith.constant 0 : i32
      %dma_start3A_826 = arith.constant 0 : i32
      %dma_start3A_827 = tpu.memref_slice %arg9[%dma_start3A_824, %dma_start3A_825, %dma_start3A_826] : memref<10x2x64xi32, #tpu.memory_space<vmem>> -> memref<1x1x64xi32, #tpu.memory_space<vmem>>
      %dma_start3A_828 = tpu.memref_squeeze %dma_start3A_827 : memref<1x1x64xi32, #tpu.memory_space<vmem>> -> memref<64xi32, #tpu.memory_space<vmem>>
      %dma_start3A_829 = arith.constant 0 : i32
      %dma_start3A_830 = arith.constant 0 : i32
      %dma_start3A_831 = tpu.memref_slice %arg2[%dma_start3A_829, %dma_start3A_830] : memref<10000x128xf32, #tpu.memory_space<hbm>> -> memref<10000x128xf32, #tpu.memory_space<hbm>>
      tpu.enqueue_indirect_dma source(%dma_start3A_831 : memref<10000x128xf32, #tpu.memory_space<hbm>>) target(%arg12 : memref<64x128xf32, #tpu.memory_space<vmem>>) offsets(%dma_start3A_828 : memref<64xi32, #tpu.memory_space<vmem>>) semaphore(%arg18 : memref<!tpu.dma_semaphore, #tpu.memory_space<semaphore_mem>>)
      %dma_start3A_832 = arith.constant 5 : i32
      %dma_start3A_833 = arith.constant 1 : i32
      %dma_start3A_834 = arith.constant 0 : i32
      %dma_start3A_835 = tpu.memref_slice %arg9[%dma_start3A_832, %dma_start3A_833, %dma_start3A_834] : memref<10x2x64xi32, #tpu.memory_space<vmem>> -> memref<1x1x64xi32, #tpu.memory_space<vmem>>
      %dma_start3A_836 = tpu.memref_squeeze %dma_start3A_835 : memref<1x1x64xi32, #tpu.memory_space<vmem>> -> memref<64xi32, #tpu.memory_space<vmem>>
      %dma_start3A_837 = arith.constant 0 : i32
      %dma_start3A_838 = arith.constant 0 : i32
      %dma_start3A_839 = tpu.memref_slice %arg16[%dma_start3A_837, %dma_start3A_838] : memref<10112x128xf32, #tpu.memory_space<vmem_shared>> -> memref<10112x128xf32, #tpu.memory_space<vmem_shared>>
      tpu.enqueue_indirect_dma source(%arg10 : memref<64x128xf32, #tpu.memory_space<vmem>>) target(%dma_start3A_839 : memref<10112x128xf32, #tpu.memory_space<vmem_shared>>) offsets(%dma_start3A_836 : memref<64xi32, #tpu.memory_space<vmem>>) semaphore(%arg20 : memref<!tpu.dma_semaphore, #tpu.memory_space<semaphore_mem>>) {add = true}
      %dma_start3A_840 = arith.constant 5 : i32
      %dma_start3A_841 = arith.constant 1 : i32
      %dma_start3A_842 = arith.constant 0 : i32
      %dma_start3A_843 = tpu.memref_slice %arg9[%dma_start3A_840, %dma_start3A_841, %dma_start3A_842] : memref<10x2x64xi32, #tpu.memory_space<vmem>> -> memref<1x1x64xi32, #tpu.memory_space<vmem>>
      %dma_start3A_844 = tpu.memref_squeeze %dma_start3A_843 : memref<1x1x64xi32, #tpu.memory_space<vmem>> -> memref<64xi32, #tpu.memory_space<vmem>>
      %dma_start3A_845 = arith.constant 0 : i32
      %dma_start3A_846 = tpu.memref_slice %arg17[%dma_start3A_845] : memref<10112xf32, #tpu.memory_space<vmem_shared>> -> memref<10112xf32, #tpu.memory_space<vmem_shared>>
      tpu.enqueue_indirect_dma source(%arg15 : memref<64xf32, #tpu.memory_space<vmem>>) target(%dma_start3A_846 : memref<10112xf32, #tpu.memory_space<vmem_shared>>) offsets(%dma_start3A_844 : memref<64xi32, #tpu.memory_space<vmem>>) semaphore(%arg20 : memref<!tpu.dma_semaphore, #tpu.memory_space<semaphore_mem>>) {add = true}
      %dma_wait3A_847 = arith.constant 0 : i32
      %dma_wait3A_848 = arith.constant 0 : i32
      %dma_wait3A_849 = arith.constant 0 : i32
      %dma_wait3A_850 = tpu.memref_slice %arg8[%dma_wait3A_847, %dma_wait3A_848, %dma_wait3A_849] : memref<10x2x64xi32, #tpu.memory_space<vmem>> -> memref<1x1x64xi32, #tpu.memory_space<vmem>>
      %dma_wait3A_851 = tpu.memref_squeeze %dma_wait3A_850 : memref<1x1x64xi32, #tpu.memory_space<vmem>> -> memref<64xi32, #tpu.memory_space<vmem>>
      %dma_wait3A_852 = arith.constant 0 : i32
      %dma_wait3A_853 = arith.constant 0 : i32
      %dma_wait3A_854 = tpu.memref_slice %arg2[%dma_wait3A_852, %dma_wait3A_853] : memref<10000x128xf32, #tpu.memory_space<hbm>> -> memref<10000x128xf32, #tpu.memory_space<hbm>>
      tpu.wait_indirect_dma semaphore(%arg18 : memref<!tpu.dma_semaphore, #tpu.memory_space<semaphore_mem>>) src(%dma_wait3A_854 : memref<10000x128xf32, #tpu.memory_space<hbm>>) dst(%arg11 : memref<64x128xf32, #tpu.memory_space<vmem>>)
      %dma_wait3A_855 = arith.constant 3 : i32
      %dma_wait3A_856 = arith.constant 1 : i32
      %dma_wait3A_857 = arith.constant 0 : i32
      %dma_wait3A_858 = tpu.memref_slice %arg9[%dma_wait3A_855, %dma_wait3A_856, %dma_wait3A_857] : memref<10x2x64xi32, #tpu.memory_space<vmem>> -> memref<1x1x64xi32, #tpu.memory_space<vmem>>
      %dma_wait3A_859 = tpu.memref_squeeze %dma_wait3A_858 : memref<1x1x64xi32, #tpu.memory_space<vmem>> -> memref<64xi32, #tpu.memory_space<vmem>>
      %dma_wait3A_860 = arith.constant 0 : i32
      %dma_wait3A_861 = arith.constant 0 : i32
      %dma_wait3A_862 = tpu.memref_slice %arg16[%dma_wait3A_860, %dma_wait3A_861] : memref<10112x128xf32, #tpu.memory_space<vmem_shared>> -> memref<10112x128xf32, #tpu.memory_space<vmem_shared>>
      tpu.wait_indirect_dma semaphore(%arg23 : memref<!tpu.dma_semaphore, #tpu.memory_space<semaphore_mem>>) src(%arg13 : memref<64x128xf32, #tpu.memory_space<vmem>>) dst(%dma_wait3A_862 : memref<10112x128xf32, #tpu.memory_space<vmem_shared>>)
      %dma_wait3A_863 = arith.constant 3 : i32
      %dma_wait3A_864 = arith.constant 1 : i32
      %dma_wait3A_865 = arith.constant 0 : i32
      %dma_wait3A_866 = tpu.memref_slice %arg9[%dma_wait3A_863, %dma_wait3A_864, %dma_wait3A_865] : memref<10x2x64xi32, #tpu.memory_space<vmem>> -> memref<1x1x64xi32, #tpu.memory_space<vmem>>
      %dma_wait3A_867 = tpu.memref_squeeze %dma_wait3A_866 : memref<1x1x64xi32, #tpu.memory_space<vmem>> -> memref<64xi32, #tpu.memory_space<vmem>>
      %dma_wait3A_868 = arith.constant 0 : i32
      %dma_wait3A_869 = tpu.memref_slice %arg17[%dma_wait3A_868] : memref<10112xf32, #tpu.memory_space<vmem_shared>> -> memref<10112xf32, #tpu.memory_space<vmem_shared>>
      tpu.wait_indirect_dma semaphore(%arg23 : memref<!tpu.dma_semaphore, #tpu.memory_space<semaphore_mem>>) src(%arg15 : memref<64xf32, #tpu.memory_space<vmem>>) dst(%dma_wait3A_869 : memref<10112xf32, #tpu.memory_space<vmem_shared>>)
      %dma_start3A_870 = arith.constant 8 : i32
      %dma_start3A_871 = arith.constant 0 : i32
      %dma_start3A_872 = arith.constant 0 : i32
      %dma_start3A_873 = tpu.memref_slice %arg9[%dma_start3A_870, %dma_start3A_871, %dma_start3A_872] : memref<10x2x64xi32, #tpu.memory_space<vmem>> -> memref<1x1x64xi32, #tpu.memory_space<vmem>>
      %dma_start3A_874 = tpu.memref_squeeze %dma_start3A_873 : memref<1x1x64xi32, #tpu.memory_space<vmem>> -> memref<64xi32, #tpu.memory_space<vmem>>
      %dma_start3A_875 = arith.constant 0 : i32
      %dma_start3A_876 = arith.constant 0 : i32
      %dma_start3A_877 = tpu.memref_slice %arg2[%dma_start3A_875, %dma_start3A_876] : memref<10000x128xf32, #tpu.memory_space<hbm>> -> memref<10000x128xf32, #tpu.memory_space<hbm>>
      tpu.enqueue_indirect_dma source(%dma_start3A_877 : memref<10000x128xf32, #tpu.memory_space<hbm>>) target(%arg13 : memref<64x128xf32, #tpu.memory_space<vmem>>) offsets(%dma_start3A_874 : memref<64xi32, #tpu.memory_space<vmem>>) semaphore(%arg18 : memref<!tpu.dma_semaphore, #tpu.memory_space<semaphore_mem>>)
      %dma_start3A_878 = arith.constant 6 : i32
      %dma_start3A_879 = arith.constant 1 : i32
      %dma_start3A_880 = arith.constant 0 : i32
      %dma_start3A_881 = tpu.memref_slice %arg9[%dma_start3A_878, %dma_start3A_879, %dma_start3A_880] : memref<10x2x64xi32, #tpu.memory_space<vmem>> -> memref<1x1x64xi32, #tpu.memory_space<vmem>>
      %dma_start3A_882 = tpu.memref_squeeze %dma_start3A_881 : memref<1x1x64xi32, #tpu.memory_space<vmem>> -> memref<64xi32, #tpu.memory_space<vmem>>
      %dma_start3A_883 = arith.constant 0 : i32
      %dma_start3A_884 = arith.constant 0 : i32
      %dma_start3A_885 = tpu.memref_slice %arg16[%dma_start3A_883, %dma_start3A_884] : memref<10112x128xf32, #tpu.memory_space<vmem_shared>> -> memref<10112x128xf32, #tpu.memory_space<vmem_shared>>
      tpu.enqueue_indirect_dma source(%arg11 : memref<64x128xf32, #tpu.memory_space<vmem>>) target(%dma_start3A_885 : memref<10112x128xf32, #tpu.memory_space<vmem_shared>>) offsets(%dma_start3A_882 : memref<64xi32, #tpu.memory_space<vmem>>) semaphore(%arg21 : memref<!tpu.dma_semaphore, #tpu.memory_space<semaphore_mem>>) {add = true}
      %dma_start3A_886 = arith.constant 6 : i32
      %dma_start3A_887 = arith.constant 1 : i32
      %dma_start3A_888 = arith.constant 0 : i32
      %dma_start3A_889 = tpu.memref_slice %arg9[%dma_start3A_886, %dma_start3A_887, %dma_start3A_888] : memref<10x2x64xi32, #tpu.memory_space<vmem>> -> memref<1x1x64xi32, #tpu.memory_space<vmem>>
      %dma_start3A_890 = tpu.memref_squeeze %dma_start3A_889 : memref<1x1x64xi32, #tpu.memory_space<vmem>> -> memref<64xi32, #tpu.memory_space<vmem>>
      %dma_start3A_891 = arith.constant 0 : i32
      %dma_start3A_892 = tpu.memref_slice %arg17[%dma_start3A_891] : memref<10112xf32, #tpu.memory_space<vmem_shared>> -> memref<10112xf32, #tpu.memory_space<vmem_shared>>
      tpu.enqueue_indirect_dma source(%arg15 : memref<64xf32, #tpu.memory_space<vmem>>) target(%dma_start3A_892 : memref<10112xf32, #tpu.memory_space<vmem_shared>>) offsets(%dma_start3A_890 : memref<64xi32, #tpu.memory_space<vmem>>) semaphore(%arg21 : memref<!tpu.dma_semaphore, #tpu.memory_space<semaphore_mem>>) {add = true}
      %dma_wait3A_893 = arith.constant 0 : i32
      %dma_wait3A_894 = arith.constant 0 : i32
      %dma_wait3A_895 = arith.constant 0 : i32
      %dma_wait3A_896 = tpu.memref_slice %arg8[%dma_wait3A_893, %dma_wait3A_894, %dma_wait3A_895] : memref<10x2x64xi32, #tpu.memory_space<vmem>> -> memref<1x1x64xi32, #tpu.memory_space<vmem>>
      %dma_wait3A_897 = tpu.memref_squeeze %dma_wait3A_896 : memref<1x1x64xi32, #tpu.memory_space<vmem>> -> memref<64xi32, #tpu.memory_space<vmem>>
      %dma_wait3A_898 = arith.constant 0 : i32
      %dma_wait3A_899 = arith.constant 0 : i32
      %dma_wait3A_900 = tpu.memref_slice %arg2[%dma_wait3A_898, %dma_wait3A_899] : memref<10000x128xf32, #tpu.memory_space<hbm>> -> memref<10000x128xf32, #tpu.memory_space<hbm>>
      tpu.wait_indirect_dma semaphore(%arg18 : memref<!tpu.dma_semaphore, #tpu.memory_space<semaphore_mem>>) src(%dma_wait3A_900 : memref<10000x128xf32, #tpu.memory_space<hbm>>) dst(%arg12 : memref<64x128xf32, #tpu.memory_space<vmem>>)
      %dma_wait3A_901 = arith.constant 4 : i32
      %dma_wait3A_902 = arith.constant 1 : i32
      %dma_wait3A_903 = arith.constant 0 : i32
      %dma_wait3A_904 = tpu.memref_slice %arg9[%dma_wait3A_901, %dma_wait3A_902, %dma_wait3A_903] : memref<10x2x64xi32, #tpu.memory_space<vmem>> -> memref<1x1x64xi32, #tpu.memory_space<vmem>>
      %dma_wait3A_905 = tpu.memref_squeeze %dma_wait3A_904 : memref<1x1x64xi32, #tpu.memory_space<vmem>> -> memref<64xi32, #tpu.memory_space<vmem>>
      %dma_wait3A_906 = arith.constant 0 : i32
      %dma_wait3A_907 = arith.constant 0 : i32
      %dma_wait3A_908 = tpu.memref_slice %arg16[%dma_wait3A_906, %dma_wait3A_907] : memref<10112x128xf32, #tpu.memory_space<vmem_shared>> -> memref<10112x128xf32, #tpu.memory_space<vmem_shared>>
      tpu.wait_indirect_dma semaphore(%arg24 : memref<!tpu.dma_semaphore, #tpu.memory_space<semaphore_mem>>) src(%arg14 : memref<64x128xf32, #tpu.memory_space<vmem>>) dst(%dma_wait3A_908 : memref<10112x128xf32, #tpu.memory_space<vmem_shared>>)
      %dma_wait3A_909 = arith.constant 4 : i32
      %dma_wait3A_910 = arith.constant 1 : i32
      %dma_wait3A_911 = arith.constant 0 : i32
      %dma_wait3A_912 = tpu.memref_slice %arg9[%dma_wait3A_909, %dma_wait3A_910, %dma_wait3A_911] : memref<10x2x64xi32, #tpu.memory_space<vmem>> -> memref<1x1x64xi32, #tpu.memory_space<vmem>>
      %dma_wait3A_913 = tpu.memref_squeeze %dma_wait3A_912 : memref<1x1x64xi32, #tpu.memory_space<vmem>> -> memref<64xi32, #tpu.memory_space<vmem>>
      %dma_wait3A_914 = arith.constant 0 : i32
      %dma_wait3A_915 = tpu.memref_slice %arg17[%dma_wait3A_914] : memref<10112xf32, #tpu.memory_space<vmem_shared>> -> memref<10112xf32, #tpu.memory_space<vmem_shared>>
      tpu.wait_indirect_dma semaphore(%arg24 : memref<!tpu.dma_semaphore, #tpu.memory_space<semaphore_mem>>) src(%arg15 : memref<64xf32, #tpu.memory_space<vmem>>) dst(%dma_wait3A_915 : memref<10112xf32, #tpu.memory_space<vmem_shared>>)
      %dma_start3A_916 = arith.constant 9 : i32
      %dma_start3A_917 = arith.constant 0 : i32
      %dma_start3A_918 = arith.constant 0 : i32
      %dma_start3A_919 = tpu.memref_slice %arg9[%dma_start3A_916, %dma_start3A_917, %dma_start3A_918] : memref<10x2x64xi32, #tpu.memory_space<vmem>> -> memref<1x1x64xi32, #tpu.memory_space<vmem>>
      %dma_start3A_920 = tpu.memref_squeeze %dma_start3A_919 : memref<1x1x64xi32, #tpu.memory_space<vmem>> -> memref<64xi32, #tpu.memory_space<vmem>>
      %dma_start3A_921 = arith.constant 0 : i32
      %dma_start3A_922 = arith.constant 0 : i32
      %dma_start3A_923 = tpu.memref_slice %arg2[%dma_start3A_921, %dma_start3A_922] : memref<10000x128xf32, #tpu.memory_space<hbm>> -> memref<10000x128xf32, #tpu.memory_space<hbm>>
      tpu.enqueue_indirect_dma source(%dma_start3A_923 : memref<10000x128xf32, #tpu.memory_space<hbm>>) target(%arg14 : memref<64x128xf32, #tpu.memory_space<vmem>>) offsets(%dma_start3A_920 : memref<64xi32, #tpu.memory_space<vmem>>) semaphore(%arg18 : memref<!tpu.dma_semaphore, #tpu.memory_space<semaphore_mem>>)
      %dma_start3A_924 = arith.constant 7 : i32
      %dma_start3A_925 = arith.constant 1 : i32
      %dma_start3A_926 = arith.constant 0 : i32
      %dma_start3A_927 = tpu.memref_slice %arg9[%dma_start3A_924, %dma_start3A_925, %dma_start3A_926] : memref<10x2x64xi32, #tpu.memory_space<vmem>> -> memref<1x1x64xi32, #tpu.memory_space<vmem>>
      %dma_start3A_928 = tpu.memref_squeeze %dma_start3A_927 : memref<1x1x64xi32, #tpu.memory_space<vmem>> -> memref<64xi32, #tpu.memory_space<vmem>>
      %dma_start3A_929 = arith.constant 0 : i32
      %dma_start3A_930 = arith.constant 0 : i32
      %dma_start3A_931 = tpu.memref_slice %arg16[%dma_start3A_929, %dma_start3A_930] : memref<10112x128xf32, #tpu.memory_space<vmem_shared>> -> memref<10112x128xf32, #tpu.memory_space<vmem_shared>>
      tpu.enqueue_indirect_dma source(%arg12 : memref<64x128xf32, #tpu.memory_space<vmem>>) target(%dma_start3A_931 : memref<10112x128xf32, #tpu.memory_space<vmem_shared>>) offsets(%dma_start3A_928 : memref<64xi32, #tpu.memory_space<vmem>>) semaphore(%arg22 : memref<!tpu.dma_semaphore, #tpu.memory_space<semaphore_mem>>) {add = true}
      %dma_start3A_932 = arith.constant 7 : i32
      %dma_start3A_933 = arith.constant 1 : i32
      %dma_start3A_934 = arith.constant 0 : i32
      %dma_start3A_935 = tpu.memref_slice %arg9[%dma_start3A_932, %dma_start3A_933, %dma_start3A_934] : memref<10x2x64xi32, #tpu.memory_space<vmem>> -> memref<1x1x64xi32, #tpu.memory_space<vmem>>
      %dma_start3A_936 = tpu.memref_squeeze %dma_start3A_935 : memref<1x1x64xi32, #tpu.memory_space<vmem>> -> memref<64xi32, #tpu.memory_space<vmem>>
      %dma_start3A_937 = arith.constant 0 : i32
      %dma_start3A_938 = tpu.memref_slice %arg17[%dma_start3A_937] : memref<10112xf32, #tpu.memory_space<vmem_shared>> -> memref<10112xf32, #tpu.memory_space<vmem_shared>>
      tpu.enqueue_indirect_dma source(%arg15 : memref<64xf32, #tpu.memory_space<vmem>>) target(%dma_start3A_938 : memref<10112xf32, #tpu.memory_space<vmem_shared>>) offsets(%dma_start3A_936 : memref<64xi32, #tpu.memory_space<vmem>>) semaphore(%arg22 : memref<!tpu.dma_semaphore, #tpu.memory_space<semaphore_mem>>) {add = true}
      %dma_wait3A_939 = arith.constant 0 : i32
      %dma_wait3A_940 = arith.constant 0 : i32
      %dma_wait3A_941 = arith.constant 0 : i32
      %dma_wait3A_942 = tpu.memref_slice %arg8[%dma_wait3A_939, %dma_wait3A_940, %dma_wait3A_941] : memref<10x2x64xi32, #tpu.memory_space<vmem>> -> memref<1x1x64xi32, #tpu.memory_space<vmem>>
      %dma_wait3A_943 = tpu.memref_squeeze %dma_wait3A_942 : memref<1x1x64xi32, #tpu.memory_space<vmem>> -> memref<64xi32, #tpu.memory_space<vmem>>
      %dma_wait3A_944 = arith.constant 0 : i32
      %dma_wait3A_945 = arith.constant 0 : i32
      %dma_wait3A_946 = tpu.memref_slice %arg2[%dma_wait3A_944, %dma_wait3A_945] : memref<10000x128xf32, #tpu.memory_space<hbm>> -> memref<10000x128xf32, #tpu.memory_space<hbm>>
      tpu.wait_indirect_dma semaphore(%arg18 : memref<!tpu.dma_semaphore, #tpu.memory_space<semaphore_mem>>) src(%dma_wait3A_946 : memref<10000x128xf32, #tpu.memory_space<hbm>>) dst(%arg13 : memref<64x128xf32, #tpu.memory_space<vmem>>)
      %dma_wait3A_947 = arith.constant 5 : i32
      %dma_wait3A_948 = arith.constant 1 : i32
      %dma_wait3A_949 = arith.constant 0 : i32
      %dma_wait3A_950 = tpu.memref_slice %arg9[%dma_wait3A_947, %dma_wait3A_948, %dma_wait3A_949] : memref<10x2x64xi32, #tpu.memory_space<vmem>> -> memref<1x1x64xi32, #tpu.memory_space<vmem>>
      %dma_wait3A_951 = tpu.memref_squeeze %dma_wait3A_950 : memref<1x1x64xi32, #tpu.memory_space<vmem>> -> memref<64xi32, #tpu.memory_space<vmem>>
      %dma_wait3A_952 = arith.constant 0 : i32
      %dma_wait3A_953 = arith.constant 0 : i32
      %dma_wait3A_954 = tpu.memref_slice %arg16[%dma_wait3A_952, %dma_wait3A_953] : memref<10112x128xf32, #tpu.memory_space<vmem_shared>> -> memref<10112x128xf32, #tpu.memory_space<vmem_shared>>
      tpu.wait_indirect_dma semaphore(%arg20 : memref<!tpu.dma_semaphore, #tpu.memory_space<semaphore_mem>>) src(%arg10 : memref<64x128xf32, #tpu.memory_space<vmem>>) dst(%dma_wait3A_954 : memref<10112x128xf32, #tpu.memory_space<vmem_shared>>)
      %dma_wait3A_955 = arith.constant 5 : i32
      %dma_wait3A_956 = arith.constant 1 : i32
      %dma_wait3A_957 = arith.constant 0 : i32
      %dma_wait3A_958 = tpu.memref_slice %arg9[%dma_wait3A_955, %dma_wait3A_956, %dma_wait3A_957] : memref<10x2x64xi32, #tpu.memory_space<vmem>> -> memref<1x1x64xi32, #tpu.memory_space<vmem>>
      %dma_wait3A_959 = tpu.memref_squeeze %dma_wait3A_958 : memref<1x1x64xi32, #tpu.memory_space<vmem>> -> memref<64xi32, #tpu.memory_space<vmem>>
      %dma_wait3A_960 = arith.constant 0 : i32
      %dma_wait3A_961 = tpu.memref_slice %arg17[%dma_wait3A_960] : memref<10112xf32, #tpu.memory_space<vmem_shared>> -> memref<10112xf32, #tpu.memory_space<vmem_shared>>
      tpu.wait_indirect_dma semaphore(%arg20 : memref<!tpu.dma_semaphore, #tpu.memory_space<semaphore_mem>>) src(%arg15 : memref<64xf32, #tpu.memory_space<vmem>>) dst(%dma_wait3A_961 : memref<10112xf32, #tpu.memory_space<vmem_shared>>)
      %lt3A_962 = arith.constant 7 : i32
      %lt3A_963 = arith.cmpi slt, %scan3A_106, %lt3A_962 : i32
      %convert_element_type3A_964 = arith.extui %lt3A_963 : i1 to i32
      %cond3A_965 = arith.constant 0 : i32
      %cond3A_966 = arith.cmpi ne, %convert_element_type3A_964, %cond3A_965 : i32
      scf.if %cond3A_966 {
        %add3A_1026 = arith.constant 1 : i32
        %add3A_1027 = arith.addi %add3A_566, %add3A_1026 : i32
        %mul3A_1028 = arith.constant 10 : i32
        %mul3A_1029 = arith.muli %add3A_1027, %mul3A_1028 : i32
        %add3A_1030 = arith.addi %mul3A_30, %mul3A_1029 : i32
        %dma_wait3A_1031 = arith.constant 0 : i32
        %dma_wait3A_1032 = arith.constant 0 : i32
        %dma_wait3A_1033 = tpu.memref_slice %arg3[%add3A_1030, %dma_wait3A_1031, %dma_wait3A_1032] : memref<5120x2x64xi32, #tpu.memory_space<hbm>> -> memref<10x2x64xi32, #tpu.memory_space<hbm>>
        %dma_wait3A_1034 = arith.constant 0 : i32
        %dma_wait3A_1035 = arith.constant 0 : i32
        %dma_wait3A_1036 = tpu.memref_slice %arg3[%add3A_1030, %dma_wait3A_1034, %dma_wait3A_1035] : memref<5120x2x64xi32, #tpu.memory_space<hbm>> -> memref<10x2x64xi32, #tpu.memory_space<hbm>>
        tpu.wait_dma2 semaphore(%arg19 : memref<!tpu.dma_semaphore, #tpu.memory_space<semaphore_mem>>) src(%dma_wait3A_1036 : memref<10x2x64xi32, #tpu.memory_space<hbm>>) dst(%arg8 : memref<10x2x64xi32, #tpu.memory_space<vmem>>)
        %dma_start3A_1037 = arith.constant 0 : i32
        %dma_start3A_1038 = arith.constant 0 : i32
        %dma_start3A_1039 = arith.constant 0 : i32
        %dma_start3A_1040 = tpu.memref_slice %arg8[%dma_start3A_1037, %dma_start3A_1038, %dma_start3A_1039] : memref<10x2x64xi32, #tpu.memory_space<vmem>> -> memref<1x1x64xi32, #tpu.memory_space<vmem>>
        %dma_start3A_1041 = tpu.memref_squeeze %dma_start3A_1040 : memref<1x1x64xi32, #tpu.memory_space<vmem>> -> memref<64xi32, #tpu.memory_space<vmem>>
        %dma_start3A_1042 = arith.constant 0 : i32
        %dma_start3A_1043 = arith.constant 0 : i32
        %dma_start3A_1044 = tpu.memref_slice %arg2[%dma_start3A_1042, %dma_start3A_1043] : memref<10000x128xf32, #tpu.memory_space<hbm>> -> memref<10000x128xf32, #tpu.memory_space<hbm>>
        tpu.enqueue_indirect_dma source(%dma_start3A_1044 : memref<10000x128xf32, #tpu.memory_space<hbm>>) target(%arg10 : memref<64x128xf32, #tpu.memory_space<vmem>>) offsets(%dma_start3A_1041 : memref<64xi32, #tpu.memory_space<vmem>>) semaphore(%arg18 : memref<!tpu.dma_semaphore, #tpu.memory_space<semaphore_mem>>)
      } else {
      }
      %dma_start3A_967 = arith.constant 8 : i32
      %dma_start3A_968 = arith.constant 1 : i32
      %dma_start3A_969 = arith.constant 0 : i32
      %dma_start3A_970 = tpu.memref_slice %arg9[%dma_start3A_967, %dma_start3A_968, %dma_start3A_969] : memref<10x2x64xi32, #tpu.memory_space<vmem>> -> memref<1x1x64xi32, #tpu.memory_space<vmem>>
      %dma_start3A_971 = tpu.memref_squeeze %dma_start3A_970 : memref<1x1x64xi32, #tpu.memory_space<vmem>> -> memref<64xi32, #tpu.memory_space<vmem>>
      %dma_start3A_972 = arith.constant 0 : i32
      %dma_start3A_973 = arith.constant 0 : i32
      %dma_start3A_974 = tpu.memref_slice %arg16[%dma_start3A_972, %dma_start3A_973] : memref<10112x128xf32, #tpu.memory_space<vmem_shared>> -> memref<10112x128xf32, #tpu.memory_space<vmem_shared>>
      tpu.enqueue_indirect_dma source(%arg13 : memref<64x128xf32, #tpu.memory_space<vmem>>) target(%dma_start3A_974 : memref<10112x128xf32, #tpu.memory_space<vmem_shared>>) offsets(%dma_start3A_971 : memref<64xi32, #tpu.memory_space<vmem>>) semaphore(%arg23 : memref<!tpu.dma_semaphore, #tpu.memory_space<semaphore_mem>>) {add = true}
      %dma_start3A_975 = arith.constant 8 : i32
      %dma_start3A_976 = arith.constant 1 : i32
      %dma_start3A_977 = arith.constant 0 : i32
      %dma_start3A_978 = tpu.memref_slice %arg9[%dma_start3A_975, %dma_start3A_976, %dma_start3A_977] : memref<10x2x64xi32, #tpu.memory_space<vmem>> -> memref<1x1x64xi32, #tpu.memory_space<vmem>>
      %dma_start3A_979 = tpu.memref_squeeze %dma_start3A_978 : memref<1x1x64xi32, #tpu.memory_space<vmem>> -> memref<64xi32, #tpu.memory_space<vmem>>
      %dma_start3A_980 = arith.constant 0 : i32
      %dma_start3A_981 = tpu.memref_slice %arg17[%dma_start3A_980] : memref<10112xf32, #tpu.memory_space<vmem_shared>> -> memref<10112xf32, #tpu.memory_space<vmem_shared>>
      tpu.enqueue_indirect_dma source(%arg15 : memref<64xf32, #tpu.memory_space<vmem>>) target(%dma_start3A_981 : memref<10112xf32, #tpu.memory_space<vmem_shared>>) offsets(%dma_start3A_979 : memref<64xi32, #tpu.memory_space<vmem>>) semaphore(%arg23 : memref<!tpu.dma_semaphore, #tpu.memory_space<semaphore_mem>>) {add = true}
      %dma_wait3A_982 = arith.constant 0 : i32
      %dma_wait3A_983 = arith.constant 0 : i32
      %dma_wait3A_984 = arith.constant 0 : i32
      %dma_wait3A_985 = tpu.memref_slice %arg8[%dma_wait3A_982, %dma_wait3A_983, %dma_wait3A_984] : memref<10x2x64xi32, #tpu.memory_space<vmem>> -> memref<1x1x64xi32, #tpu.memory_space<vmem>>
      %dma_wait3A_986 = tpu.memref_squeeze %dma_wait3A_985 : memref<1x1x64xi32, #tpu.memory_space<vmem>> -> memref<64xi32, #tpu.memory_space<vmem>>
      %dma_wait3A_987 = arith.constant 0 : i32
      %dma_wait3A_988 = arith.constant 0 : i32
      %dma_wait3A_989 = tpu.memref_slice %arg2[%dma_wait3A_987, %dma_wait3A_988] : memref<10000x128xf32, #tpu.memory_space<hbm>> -> memref<10000x128xf32, #tpu.memory_space<hbm>>
      tpu.wait_indirect_dma semaphore(%arg18 : memref<!tpu.dma_semaphore, #tpu.memory_space<semaphore_mem>>) src(%dma_wait3A_989 : memref<10000x128xf32, #tpu.memory_space<hbm>>) dst(%arg14 : memref<64x128xf32, #tpu.memory_space<vmem>>)
      %dma_wait3A_990 = arith.constant 6 : i32
      %dma_wait3A_991 = arith.constant 1 : i32
      %dma_wait3A_992 = arith.constant 0 : i32
      %dma_wait3A_993 = tpu.memref_slice %arg9[%dma_wait3A_990, %dma_wait3A_991, %dma_wait3A_992] : memref<10x2x64xi32, #tpu.memory_space<vmem>> -> memref<1x1x64xi32, #tpu.memory_space<vmem>>
      %dma_wait3A_994 = tpu.memref_squeeze %dma_wait3A_993 : memref<1x1x64xi32, #tpu.memory_space<vmem>> -> memref<64xi32, #tpu.memory_space<vmem>>
      %dma_wait3A_995 = arith.constant 0 : i32
      %dma_wait3A_996 = arith.constant 0 : i32
      %dma_wait3A_997 = tpu.memref_slice %arg16[%dma_wait3A_995, %dma_wait3A_996] : memref<10112x128xf32, #tpu.memory_space<vmem_shared>> -> memref<10112x128xf32, #tpu.memory_space<vmem_shared>>
      tpu.wait_indirect_dma semaphore(%arg21 : memref<!tpu.dma_semaphore, #tpu.memory_space<semaphore_mem>>) src(%arg11 : memref<64x128xf32, #tpu.memory_space<vmem>>) dst(%dma_wait3A_997 : memref<10112x128xf32, #tpu.memory_space<vmem_shared>>)
      %dma_wait3A_998 = arith.constant 6 : i32
      %dma_wait3A_999 = arith.constant 1 : i32
      %dma_wait3A_1000 = arith.constant 0 : i32
      %dma_wait3A_1001 = tpu.memref_slice %arg9[%dma_wait3A_998, %dma_wait3A_999, %dma_wait3A_1000] : memref<10x2x64xi32, #tpu.memory_space<vmem>> -> memref<1x1x64xi32, #tpu.memory_space<vmem>>
      %dma_wait3A_1002 = tpu.memref_squeeze %dma_wait3A_1001 : memref<1x1x64xi32, #tpu.memory_space<vmem>> -> memref<64xi32, #tpu.memory_space<vmem>>
      %dma_wait3A_1003 = arith.constant 0 : i32
      %dma_wait3A_1004 = tpu.memref_slice %arg17[%dma_wait3A_1003] : memref<10112xf32, #tpu.memory_space<vmem_shared>> -> memref<10112xf32, #tpu.memory_space<vmem_shared>>
      tpu.wait_indirect_dma semaphore(%arg21 : memref<!tpu.dma_semaphore, #tpu.memory_space<semaphore_mem>>) src(%arg15 : memref<64xf32, #tpu.memory_space<vmem>>) dst(%dma_wait3A_1004 : memref<10112xf32, #tpu.memory_space<vmem_shared>>)
      %lt3A_1005 = arith.constant 7 : i32
      %lt3A_1006 = arith.cmpi slt, %scan3A_106, %lt3A_1005 : i32
      %convert_element_type3A_1007 = arith.extui %lt3A_1006 : i1 to i32
      %cond3A_1008 = arith.constant 0 : i32
      %cond3A_1009 = arith.cmpi ne, %convert_element_type3A_1007, %cond3A_1008 : i32
      scf.if %cond3A_1009 {
        %dma_start3A_1026 = arith.constant 1 : i32
        %dma_start3A_1027 = arith.constant 0 : i32
        %dma_start3A_1028 = arith.constant 0 : i32
        %dma_start3A_1029 = tpu.memref_slice %arg8[%dma_start3A_1026, %dma_start3A_1027, %dma_start3A_1028] : memref<10x2x64xi32, #tpu.memory_space<vmem>> -> memref<1x1x64xi32, #tpu.memory_space<vmem>>
        %dma_start3A_1030 = tpu.memref_squeeze %dma_start3A_1029 : memref<1x1x64xi32, #tpu.memory_space<vmem>> -> memref<64xi32, #tpu.memory_space<vmem>>
        %dma_start3A_1031 = arith.constant 0 : i32
        %dma_start3A_1032 = arith.constant 0 : i32
        %dma_start3A_1033 = tpu.memref_slice %arg2[%dma_start3A_1031, %dma_start3A_1032] : memref<10000x128xf32, #tpu.memory_space<hbm>> -> memref<10000x128xf32, #tpu.memory_space<hbm>>
        tpu.enqueue_indirect_dma source(%dma_start3A_1033 : memref<10000x128xf32, #tpu.memory_space<hbm>>) target(%arg11 : memref<64x128xf32, #tpu.memory_space<vmem>>) offsets(%dma_start3A_1030 : memref<64xi32, #tpu.memory_space<vmem>>) semaphore(%arg18 : memref<!tpu.dma_semaphore, #tpu.memory_space<semaphore_mem>>)
      } else {
      }
      %dma_start3A_1010 = arith.constant 9 : i32
      %dma_start3A_1011 = arith.constant 1 : i32
      %dma_start3A_1012 = arith.constant 0 : i32
      %dma_start3A_1013 = tpu.memref_slice %arg9[%dma_start3A_1010, %dma_start3A_1011, %dma_start3A_1012] : memref<10x2x64xi32, #tpu.memory_space<vmem>> -> memref<1x1x64xi32, #tpu.memory_space<vmem>>
      %dma_start3A_1014 = tpu.memref_squeeze %dma_start3A_1013 : memref<1x1x64xi32, #tpu.memory_space<vmem>> -> memref<64xi32, #tpu.memory_space<vmem>>
      %dma_start3A_1015 = arith.constant 0 : i32
      %dma_start3A_1016 = arith.constant 0 : i32
      %dma_start3A_1017 = tpu.memref_slice %arg16[%dma_start3A_1015, %dma_start3A_1016] : memref<10112x128xf32, #tpu.memory_space<vmem_shared>> -> memref<10112x128xf32, #tpu.memory_space<vmem_shared>>
      tpu.enqueue_indirect_dma source(%arg14 : memref<64x128xf32, #tpu.memory_space<vmem>>) target(%dma_start3A_1017 : memref<10112x128xf32, #tpu.memory_space<vmem_shared>>) offsets(%dma_start3A_1014 : memref<64xi32, #tpu.memory_space<vmem>>) semaphore(%arg24 : memref<!tpu.dma_semaphore, #tpu.memory_space<semaphore_mem>>) {add = true}
      %dma_start3A_1018 = arith.constant 9 : i32
      %dma_start3A_1019 = arith.constant 1 : i32
      %dma_start3A_1020 = arith.constant 0 : i32
      %dma_start3A_1021 = tpu.memref_slice %arg9[%dma_start3A_1018, %dma_start3A_1019, %dma_start3A_1020] : memref<10x2x64xi32, #tpu.memory_space<vmem>> -> memref<1x1x64xi32, #tpu.memory_space<vmem>>
      %dma_start3A_1022 = tpu.memref_squeeze %dma_start3A_1021 : memref<1x1x64xi32, #tpu.memory_space<vmem>> -> memref<64xi32, #tpu.memory_space<vmem>>
      %dma_start3A_1023 = arith.constant 0 : i32
      %dma_start3A_1024 = tpu.memref_slice %arg17[%dma_start3A_1023] : memref<10112xf32, #tpu.memory_space<vmem_shared>> -> memref<10112xf32, #tpu.memory_space<vmem_shared>>
      tpu.enqueue_indirect_dma source(%arg15 : memref<64xf32, #tpu.memory_space<vmem>>) target(%dma_start3A_1024 : memref<10112xf32, #tpu.memory_space<vmem_shared>>) offsets(%dma_start3A_1022 : memref<64xi32, #tpu.memory_space<vmem>>) semaphore(%arg24 : memref<!tpu.dma_semaphore, #tpu.memory_space<semaphore_mem>>) {add = true}
      %scan3A_1025 = arith.constant 0 : i32
      scf.yield %scan3A_1025 : i32
    }
    %scan3A_51 = arith.constant 8 : i32
    %dma_wait3A = arith.constant 7 : i32
    %dma_wait3A_52 = arith.constant 1 : i32
    %dma_wait3A_53 = arith.constant 0 : i32
    %dma_wait3A_54 = tpu.memref_slice %arg9[%dma_wait3A, %dma_wait3A_52, %dma_wait3A_53] : memref<10x2x64xi32, #tpu.memory_space<vmem>> -> memref<1x1x64xi32, #tpu.memory_space<vmem>>
    %dma_wait3A_55 = tpu.memref_squeeze %dma_wait3A_54 : memref<1x1x64xi32, #tpu.memory_space<vmem>> -> memref<64xi32, #tpu.memory_space<vmem>>
    %dma_wait3A_56 = arith.constant 0 : i32
    %dma_wait3A_57 = arith.constant 0 : i32
    %dma_wait3A_58 = tpu.memref_slice %arg16[%dma_wait3A_56, %dma_wait3A_57] : memref<10112x128xf32, #tpu.memory_space<vmem_shared>> -> memref<10112x128xf32, #tpu.memory_space<vmem_shared>>
    tpu.wait_indirect_dma semaphore(%arg22 : memref<!tpu.dma_semaphore, #tpu.memory_space<semaphore_mem>>) src(%arg12 : memref<64x128xf32, #tpu.memory_space<vmem>>) dst(%dma_wait3A_58 : memref<10112x128xf32, #tpu.memory_space<vmem_shared>>)
    %dma_wait3A_59 = arith.constant 7 : i32
    %dma_wait3A_60 = arith.constant 1 : i32
    %dma_wait3A_61 = arith.constant 0 : i32
    %dma_wait3A_62 = tpu.memref_slice %arg9[%dma_wait3A_59, %dma_wait3A_60, %dma_wait3A_61] : memref<10x2x64xi32, #tpu.memory_space<vmem>> -> memref<1x1x64xi32, #tpu.memory_space<vmem>>
    %dma_wait3A_63 = tpu.memref_squeeze %dma_wait3A_62 : memref<1x1x64xi32, #tpu.memory_space<vmem>> -> memref<64xi32, #tpu.memory_space<vmem>>
    %dma_wait3A_64 = arith.constant 0 : i32
    %dma_wait3A_65 = tpu.memref_slice %arg17[%dma_wait3A_64] : memref<10112xf32, #tpu.memory_space<vmem_shared>> -> memref<10112xf32, #tpu.memory_space<vmem_shared>>
    tpu.wait_indirect_dma semaphore(%arg22 : memref<!tpu.dma_semaphore, #tpu.memory_space<semaphore_mem>>) src(%arg15 : memref<64xf32, #tpu.memory_space<vmem>>) dst(%dma_wait3A_65 : memref<10112xf32, #tpu.memory_space<vmem_shared>>)
    %dma_wait3A_66 = arith.constant 8 : i32
    %dma_wait3A_67 = arith.constant 1 : i32
    %dma_wait3A_68 = arith.constant 0 : i32
    %dma_wait3A_69 = tpu.memref_slice %arg9[%dma_wait3A_66, %dma_wait3A_67, %dma_wait3A_68] : memref<10x2x64xi32, #tpu.memory_space<vmem>> -> memref<1x1x64xi32, #tpu.memory_space<vmem>>
    %dma_wait3A_70 = tpu.memref_squeeze %dma_wait3A_69 : memref<1x1x64xi32, #tpu.memory_space<vmem>> -> memref<64xi32, #tpu.memory_space<vmem>>
    %dma_wait3A_71 = arith.constant 0 : i32
    %dma_wait3A_72 = arith.constant 0 : i32
    %dma_wait3A_73 = tpu.memref_slice %arg16[%dma_wait3A_71, %dma_wait3A_72] : memref<10112x128xf32, #tpu.memory_space<vmem_shared>> -> memref<10112x128xf32, #tpu.memory_space<vmem_shared>>
    tpu.wait_indirect_dma semaphore(%arg23 : memref<!tpu.dma_semaphore, #tpu.memory_space<semaphore_mem>>) src(%arg13 : memref<64x128xf32, #tpu.memory_space<vmem>>) dst(%dma_wait3A_73 : memref<10112x128xf32, #tpu.memory_space<vmem_shared>>)
    %dma_wait3A_74 = arith.constant 8 : i32
    %dma_wait3A_75 = arith.constant 1 : i32
    %dma_wait3A_76 = arith.constant 0 : i32
    %dma_wait3A_77 = tpu.memref_slice %arg9[%dma_wait3A_74, %dma_wait3A_75, %dma_wait3A_76] : memref<10x2x64xi32, #tpu.memory_space<vmem>> -> memref<1x1x64xi32, #tpu.memory_space<vmem>>
    %dma_wait3A_78 = tpu.memref_squeeze %dma_wait3A_77 : memref<1x1x64xi32, #tpu.memory_space<vmem>> -> memref<64xi32, #tpu.memory_space<vmem>>
    %dma_wait3A_79 = arith.constant 0 : i32
    %dma_wait3A_80 = tpu.memref_slice %arg17[%dma_wait3A_79] : memref<10112xf32, #tpu.memory_space<vmem_shared>> -> memref<10112xf32, #tpu.memory_space<vmem_shared>>
    tpu.wait_indirect_dma semaphore(%arg23 : memref<!tpu.dma_semaphore, #tpu.memory_space<semaphore_mem>>) src(%arg15 : memref<64xf32, #tpu.memory_space<vmem>>) dst(%dma_wait3A_80 : memref<10112xf32, #tpu.memory_space<vmem_shared>>)
    %dma_wait3A_81 = arith.constant 9 : i32
    %dma_wait3A_82 = arith.constant 1 : i32
    %dma_wait3A_83 = arith.constant 0 : i32
    %dma_wait3A_84 = tpu.memref_slice %arg9[%dma_wait3A_81, %dma_wait3A_82, %dma_wait3A_83] : memref<10x2x64xi32, #tpu.memory_space<vmem>> -> memref<1x1x64xi32, #tpu.memory_space<vmem>>
    %dma_wait3A_85 = tpu.memref_squeeze %dma_wait3A_84 : memref<1x1x64xi32, #tpu.memory_space<vmem>> -> memref<64xi32, #tpu.memory_space<vmem>>
    %dma_wait3A_86 = arith.constant 0 : i32
    %dma_wait3A_87 = arith.constant 0 : i32
    %dma_wait3A_88 = tpu.memref_slice %arg16[%dma_wait3A_86, %dma_wait3A_87] : memref<10112x128xf32, #tpu.memory_space<vmem_shared>> -> memref<10112x128xf32, #tpu.memory_space<vmem_shared>>
    tpu.wait_indirect_dma semaphore(%arg24 : memref<!tpu.dma_semaphore, #tpu.memory_space<semaphore_mem>>) src(%arg14 : memref<64x128xf32, #tpu.memory_space<vmem>>) dst(%dma_wait3A_88 : memref<10112x128xf32, #tpu.memory_space<vmem_shared>>)
    %dma_wait3A_89 = arith.constant 9 : i32
    %dma_wait3A_90 = arith.constant 1 : i32
    %dma_wait3A_91 = arith.constant 0 : i32
    %dma_wait3A_92 = tpu.memref_slice %arg9[%dma_wait3A_89, %dma_wait3A_90, %dma_wait3A_91] : memref<10x2x64xi32, #tpu.memory_space<vmem>> -> memref<1x1x64xi32, #tpu.memory_space<vmem>>
    %dma_wait3A_93 = tpu.memref_squeeze %dma_wait3A_92 : memref<1x1x64xi32, #tpu.memory_space<vmem>> -> memref<64xi32, #tpu.memory_space<vmem>>
    %dma_wait3A_94 = arith.constant 0 : i32
    %dma_wait3A_95 = tpu.memref_slice %arg17[%dma_wait3A_94] : memref<10112xf32, #tpu.memory_space<vmem_shared>> -> memref<10112xf32, #tpu.memory_space<vmem_shared>>
    tpu.wait_indirect_dma semaphore(%arg24 : memref<!tpu.dma_semaphore, #tpu.memory_space<semaphore_mem>>) src(%arg15 : memref<64xf32, #tpu.memory_space<vmem>>) dst(%dma_wait3A_95 : memref<10112xf32, #tpu.memory_space<vmem_shared>>)
    %barrier3A_96 = arith.constant 0 : index
    tpu.barrier barrier_id(%barrier3A_96)
    %mul3A_97 = arith.constant 632 : i32
    %mul3A_98 = arith.muli %arg1, %mul3A_97 : i32
    %mul3A_99 = arith.constant 632 : i32
    %mul3A_100 = arith.muli %arg1, %mul3A_99 : i32
    "tpu.region"() ({
      %run_scoped3A = tpu.sem_alloc : memref<!tpu.dma_semaphore, #tpu.memory_space<semaphore_mem>>
      %dma_start3A_106 = arith.constant 0 : i32
      %dma_start3A_107 = tpu.memref_slice %arg6[%arg0, %mul3A_100, %dma_start3A_106] : memref<2x10112x128xf32, #tpu.memory_space<hbm>> -> memref<1x632x128xf32, #tpu.memory_space<hbm>>
      %dma_start3A_108 = tpu.memref_squeeze %dma_start3A_107 : memref<1x632x128xf32, #tpu.memory_space<hbm>> -> memref<632x128xf32, #tpu.memory_space<hbm>>
      %dma_start3A_109 = arith.constant 0 : i32
      %dma_start3A_110 = tpu.memref_slice %arg16[%mul3A_98, %dma_start3A_109] : memref<10112x128xf32, #tpu.memory_space<vmem_shared>> -> memref<632x128xf32, #tpu.memory_space<vmem_shared>>
      tpu.enqueue_dma source(%dma_start3A_110 : memref<632x128xf32, #tpu.memory_space<vmem_shared>>) target(%dma_start3A_108 : memref<632x128xf32, #tpu.memory_space<hbm>>) target_semaphore(%run_scoped3A : memref<!tpu.dma_semaphore, #tpu.memory_space<semaphore_mem>>)
      %dma_wait3A_111 = arith.constant 0 : i32
      %dma_wait3A_112 = tpu.memref_slice %arg6[%arg0, %mul3A_100, %dma_wait3A_111] : memref<2x10112x128xf32, #tpu.memory_space<hbm>> -> memref<1x632x128xf32, #tpu.memory_space<hbm>>
      %dma_wait3A_113 = tpu.memref_squeeze %dma_wait3A_112 : memref<1x632x128xf32, #tpu.memory_space<hbm>> -> memref<632x128xf32, #tpu.memory_space<hbm>>
      %dma_wait3A_114 = arith.constant 0 : i32
      %dma_wait3A_115 = tpu.memref_slice %arg16[%mul3A_98, %dma_wait3A_114] : memref<10112x128xf32, #tpu.memory_space<vmem_shared>> -> memref<632x128xf32, #tpu.memory_space<vmem_shared>>
      tpu.wait_dma2 semaphore(%run_scoped3A : memref<!tpu.dma_semaphore, #tpu.memory_space<semaphore_mem>>) src(%dma_wait3A_115 : memref<632x128xf32, #tpu.memory_space<vmem_shared>>) dst(%dma_wait3A_113 : memref<632x128xf32, #tpu.memory_space<hbm>>)
      tpu.yield
    }) : () -> ()
    %eq3A_101 = arith.constant 0 : i32
    %eq3A_102 = arith.cmpi eq, %arg1, %eq3A_101 : i32
    %convert_element_type3A_103 = arith.extui %eq3A_102 : i1 to i32
    %cond3A_104 = arith.constant 0 : i32
    %cond3A_105 = arith.cmpi ne, %convert_element_type3A_103, %cond3A_104 : i32
    scf.if %cond3A_105 {
      %mul3A_106 = arith.constant 10112 : i32
      %mul3A_107 = arith.muli %arg0, %mul3A_106 : i32
      "tpu.region"() ({
        %run_scoped3A = tpu.sem_alloc : memref<!tpu.dma_semaphore, #tpu.memory_space<semaphore_mem>>
        %dma_start3A_108 = tpu.memref_slice %arg7[%mul3A_107] : memref<20224xf32, #tpu.memory_space<hbm>> -> memref<10112xf32, #tpu.memory_space<hbm>>
        tpu.enqueue_dma source(%arg17 : memref<10112xf32, #tpu.memory_space<vmem_shared>>) target(%dma_start3A_108 : memref<10112xf32, #tpu.memory_space<hbm>>) target_semaphore(%run_scoped3A : memref<!tpu.dma_semaphore, #tpu.memory_space<semaphore_mem>>)
        %dma_wait3A_109 = tpu.memref_slice %arg7[%mul3A_107] : memref<20224xf32, #tpu.memory_space<hbm>> -> memref<10112xf32, #tpu.memory_space<hbm>>
        tpu.wait_dma2 semaphore(%run_scoped3A : memref<!tpu.dma_semaphore, #tpu.memory_space<semaphore_mem>>) src(%arg17 : memref<10112xf32, #tpu.memory_space<vmem_shared>>) dst(%dma_wait3A_109 : memref<10112xf32, #tpu.memory_space<hbm>>)
        tpu.yield
      }) : () -> ()
    } else {
    }
    return
  }
}

module attributes {stable_mosaic.version = 14 : i64} {
  func.func @_dense1_body(%arg0: i32, %arg1: memref<2x1000x128xf32, #tpu.memory_space<vmem>>, %arg2: memref<2x1000x1xf32, #tpu.memory_space<vmem>>, %arg3: memref<1000x128xf32, #tpu.memory_space<vmem>>, %arg4: memref<128x256xf32, #tpu.memory_space<vmem>>, %arg5: memref<128x256xf32, #tpu.memory_space<vmem>>, %arg6: memref<1x256xf32, #tpu.memory_space<vmem>>, %arg7: memref<1000x128xf32, #tpu.memory_space<vmem>>, %arg8: memref<1000x128xf32, #tpu.memory_space<vmem>>) attributes {dimension_semantics = [#tpu.dimension_semantics<arbitrary>], iteration_bounds = array<i64: 10>, scalar_prefetch = 0 : i64, scratch_operands = 0 : i64, tpu.core_type = #tpu.core_type<tc>, window_params = [{transform_indices = @transform_0, window_bounds = array<i64: 2, 1000, 128>}, {transform_indices = @transform_1, window_bounds = array<i64: 2, 1000, 1>}, {transform_indices = @transform_2, window_bounds = array<i64: 1000, 128>}, {pipeline_mode = #tpu.pipeline_mode<synchronous>, transform_indices = @transform_3, window_bounds = array<i64: 128, 256>}, {pipeline_mode = #tpu.pipeline_mode<synchronous>, transform_indices = @transform_4, window_bounds = array<i64: 128, 256>}, {pipeline_mode = #tpu.pipeline_mode<synchronous>, transform_indices = @transform_5, window_bounds = array<i64: 1, 256>}, {transform_indices = @transform_6, window_bounds = array<i64: 1000, 128>}, {transform_indices = @transform_7, window_bounds = array<i64: 1000, 128>}]} {
    %get3A = arith.constant 0 : index
    %get3A_0 = arith.constant 0 : index
    %get3A_1 = arith.constant 0 : index
    %get3A_2 = vector.load %arg2[%get3A, %get3A_0, %get3A_1] : memref<2x1000x1xf32, #tpu.memory_space<vmem>>, vector<1x1000x1xf32>
    %get3A_3 = vector.shape_cast %get3A_2 : vector<1x1000x1xf32> to vector<1000x1xf32>
    %get3A_4 = arith.constant 1 : index
    %get3A_5 = arith.constant 0 : index
    %get3A_6 = arith.constant 0 : index
    %get3A_7 = vector.load %arg2[%get3A_4, %get3A_5, %get3A_6] : memref<2x1000x1xf32, #tpu.memory_space<vmem>>, vector<1x1000x1xf32>
    %get3A_8 = vector.shape_cast %get3A_7 : vector<1x1000x1xf32> to vector<1000x1xf32>
    %add3A = arith.addf %get3A_3, %get3A_8 : vector<1000x1xf32>
    %max3A = arith.constant 1.000000e+00 : f32
    %max3A_9 = vector.broadcast %max3A : f32 to vector<1000x1xf32>
    %max3A_10 = arith.maximumf %add3A, %max3A_9 : vector<1000x1xf32>
    %div3A = arith.constant 1.000000e+00 : f32
    %div3A_11 = vector.broadcast %div3A : f32 to vector<1000x1xf32>
    %div3A_12 = arith.divf %div3A_11, %max3A_10 : vector<1000x1xf32>
    %get3A_13 = arith.constant 0 : index
    %get3A_14 = arith.constant 0 : index
    %get3A_15 = arith.constant 0 : index
    %get3A_16 = vector.load %arg1[%get3A_13, %get3A_14, %get3A_15] : memref<2x1000x128xf32, #tpu.memory_space<vmem>>, vector<1x1000x128xf32>
    %get3A_17 = vector.shape_cast %get3A_16 : vector<1x1000x128xf32> to vector<1000x128xf32>
    %get3A_18 = arith.constant 1 : index
    %get3A_19 = arith.constant 0 : index
    %get3A_20 = arith.constant 0 : index
    %get3A_21 = vector.load %arg1[%get3A_18, %get3A_19, %get3A_20] : memref<2x1000x128xf32, #tpu.memory_space<vmem>>, vector<1x1000x128xf32>
    %get3A_22 = vector.shape_cast %get3A_21 : vector<1x1000x128xf32> to vector<1000x128xf32>
    %add3A_23 = arith.addf %get3A_17, %get3A_22 : vector<1000x128xf32>
    %mul3A = vector.broadcast %div3A_12 : vector<1000x1xf32> to vector<1000x128xf32>
    %mul3A_24 = arith.mulf %add3A_23, %mul3A : vector<1000x128xf32>
    %get3A_25 = arith.constant 0 : index
    %get3A_26 = arith.constant 0 : index
    %get3A_27 = vector.load %arg4[%get3A_25, %get3A_26] : memref<128x256xf32, #tpu.memory_space<vmem>>, vector<128x256xf32>
    %dot_general3A = arith.constant dense<0.000000e+00> : vector<1000x256xf32>
    %dot_general3A_28 = tpu.matmul %mul3A_24, %get3A_27, %dot_general3A {dimension_numbers = #tpu.dot_dimension_numbers<[1], [0], [0], [1], [0, 0, 1, 1], [], []>, transpose_lhs_hint = false} : vector<1000x128xf32>, vector<128x256xf32>, vector<1000x256xf32> -> vector<1000x256xf32>
    %get3A_29 = arith.constant 0 : index
    %get3A_30 = arith.constant 0 : index
    %get3A_31 = vector.load %arg3[%get3A_29, %get3A_30] : memref<1000x128xf32, #tpu.memory_space<vmem>>, vector<1000x128xf32>
    %get3A_32 = arith.constant 0 : index
    %get3A_33 = arith.constant 0 : index
    %get3A_34 = vector.load %arg5[%get3A_32, %get3A_33] : memref<128x256xf32, #tpu.memory_space<vmem>>, vector<128x256xf32>
    %dot_general3A_35 = arith.constant dense<0.000000e+00> : vector<1000x256xf32>
    %dot_general3A_36 = tpu.matmul %get3A_31, %get3A_34, %dot_general3A_35 {dimension_numbers = #tpu.dot_dimension_numbers<[1], [0], [0], [1], [0, 0, 1, 1], [], []>, transpose_lhs_hint = false} : vector<1000x128xf32>, vector<128x256xf32>, vector<1000x256xf32> -> vector<1000x256xf32>
    %add3A_37 = arith.addf %dot_general3A_28, %dot_general3A_36 : vector<1000x256xf32>
    %get3A_38 = arith.constant 0 : index
    %get3A_39 = arith.constant 0 : index
    %get3A_40 = vector.load %arg6[%get3A_38, %get3A_39] : memref<1x256xf32, #tpu.memory_space<vmem>>, vector<1x256xf32>
    %add3A_41 = vector.broadcast %get3A_40 : vector<1x256xf32> to vector<1000x256xf32>
    %add3A_42 = arith.addf %add3A_37, %add3A_41 : vector<1000x256xf32>
    %max3A_43 = arith.constant 0.000000e+00 : f32
    %max3A_44 = vector.broadcast %max3A_43 : f32 to vector<1000x256xf32>
    %max3A_45 = arith.maximumf %add3A_42, %max3A_44 : vector<1000x256xf32>
    %slice3A = vector.extract_strided_slice %max3A_45 {offsets = [0, 0], sizes = [1000, 128], strides = [1, 1]} : vector<1000x256xf32> to vector<1000x128xf32>
    %swap3A = arith.constant 0 : index
    %swap3A_46 = arith.constant 0 : index
    %swap3A_47 = vector.load %arg7[%swap3A, %swap3A_46] : memref<1000x128xf32, #tpu.memory_space<vmem>>, vector<1000x128xf32>
    tpu.vector_store %arg7[%swap3A, %swap3A_46], %slice3A {strides = array<i32>} : memref<1000x128xf32, #tpu.memory_space<vmem>>, vector<1000x128xf32>,
    %slice3A_48 = vector.extract_strided_slice %max3A_45 {offsets = [0, 128], sizes = [1000, 128], strides = [1, 1]} : vector<1000x256xf32> to vector<1000x128xf32>
    %swap3A_49 = arith.constant 0 : index
    %swap3A_50 = arith.constant 0 : index
    %swap3A_51 = vector.load %arg8[%swap3A_49, %swap3A_50] : memref<1000x128xf32, #tpu.memory_space<vmem>>, vector<1000x128xf32>
    tpu.vector_store %arg8[%swap3A_49, %swap3A_50], %slice3A_48 {strides = array<i32>} : memref<1000x128xf32, #tpu.memory_space<vmem>>, vector<1000x128xf32>,
    return
  }
  func.func @transform_0(%arg0: i32) -> (i32, i32, i32) {
    %c0_i32 = arith.constant 0 : i32
    %c0_i32_0 = arith.constant 0 : i32
    %c0_i32_1 = arith.constant 0 : i32
    return %c0_i32, %arg0, %c0_i32_0 : i32, i32, i32
  }
  func.func @transform_1(%arg0: i32) -> (i32, i32, i32) {
    %c0_i32 = arith.constant 0 : i32
    %c0_i32_0 = arith.constant 0 : i32
    %c0_i32_1 = arith.constant 0 : i32
    return %c0_i32, %arg0, %c0_i32_0 : i32, i32, i32
  }
  func.func @transform_2(%arg0: i32) -> (i32, i32) {
    %c0_i32 = arith.constant 0 : i32
    %c0_i32_0 = arith.constant 0 : i32
    return %arg0, %c0_i32 : i32, i32
  }
  func.func @transform_3(%arg0: i32) -> (i32, i32) {
    %c0_i32 = arith.constant 0 : i32
    %c0_i32_0 = arith.constant 0 : i32
    %c0_i32_1 = arith.constant 0 : i32
    return %c0_i32, %c0_i32_0 : i32, i32
  }
  func.func @transform_4(%arg0: i32) -> (i32, i32) {
    %c0_i32 = arith.constant 0 : i32
    %c0_i32_0 = arith.constant 0 : i32
    %c0_i32_1 = arith.constant 0 : i32
    return %c0_i32, %c0_i32_0 : i32, i32
  }
  func.func @transform_5(%arg0: i32) -> (i32, i32) {
    %c0_i32 = arith.constant 0 : i32
    %c0_i32_0 = arith.constant 0 : i32
    %c0_i32_1 = arith.constant 0 : i32
    return %c0_i32, %c0_i32_0 : i32, i32
  }
  func.func @transform_6(%arg0: i32) -> (i32, i32) {
    %c0_i32 = arith.constant 0 : i32
    %c0_i32_0 = arith.constant 0 : i32
    return %arg0, %c0_i32 : i32, i32
  }
  func.func @transform_7(%arg0: i32) -> (i32, i32) {
    %c0_i32 = arith.constant 0 : i32
    %c0_i32_0 = arith.constant 0 : i32
    return %arg0, %c0_i32 : i32, i32
  }
}

module attributes {stable_mosaic.version = 14 : i64} {
  func.func @_dense2_body(%arg0: i32, %arg1: memref<2x1000x128xf32, #tpu.memory_space<vmem>>, %arg2: memref<2x1000x1xf32, #tpu.memory_space<vmem>>, %arg3: memref<1000x128xf32, #tpu.memory_space<vmem>>, %arg4: memref<1000x128xf32, #tpu.memory_space<vmem>>, %arg5: memref<1000x1xi32, #tpu.memory_space<vmem>>, %arg6: memref<256x256xf32, #tpu.memory_space<vmem>>, %arg7: memref<256x256xf32, #tpu.memory_space<vmem>>, %arg8: memref<1x256xf32, #tpu.memory_space<vmem>>, %arg9: memref<256x128xf32, #tpu.memory_space<vmem>>, %arg10: memref<1x128xf32, #tpu.memory_space<vmem>>, %arg11: memref<64x128xf32, #tpu.memory_space<vmem>>, %arg12: memref<64x256xf32, #tpu.memory_space<vmem>>) attributes {dimension_semantics = [#tpu.dimension_semantics<arbitrary>], iteration_bounds = array<i64: 10>, scalar_prefetch = 0 : i64, scratch_operands = 1 : i64, tpu.core_type = #tpu.core_type<tc>, window_params = [{transform_indices = @transform_0, window_bounds = array<i64: 2, 1000, 128>}, {transform_indices = @transform_1, window_bounds = array<i64: 2, 1000, 1>}, {transform_indices = @transform_2, window_bounds = array<i64: 1000, 128>}, {transform_indices = @transform_3, window_bounds = array<i64: 1000, 128>}, {transform_indices = @transform_4, window_bounds = array<i64: 1000, 1>}, {pipeline_mode = #tpu.pipeline_mode<synchronous>, transform_indices = @transform_5, window_bounds = array<i64: 256, 256>}, {pipeline_mode = #tpu.pipeline_mode<synchronous>, transform_indices = @transform_6, window_bounds = array<i64: 256, 256>}, {pipeline_mode = #tpu.pipeline_mode<synchronous>, transform_indices = @transform_7, window_bounds = array<i64: 1, 256>}, {pipeline_mode = #tpu.pipeline_mode<synchronous>, transform_indices = @transform_8, window_bounds = array<i64: 256, 128>}, {pipeline_mode = #tpu.pipeline_mode<synchronous>, transform_indices = @transform_9, window_bounds = array<i64: 1, 128>}, {pipeline_mode = #tpu.pipeline_mode<synchronous>, transform_indices = @transform_10, window_bounds = array<i64: 64, 128>}]} {
    %eq3A = arith.constant 0 : i32
    %eq3A_0 = arith.cmpi eq, %arg0, %eq3A : i32
    %convert_element_type3A = arith.extui %eq3A_0 : i1 to i32
    %cond3A = arith.constant 0 : i32
    %cond3A_1 = arith.cmpi ne, %convert_element_type3A, %cond3A : i32
    scf.if %cond3A_1 {
      %broadcast_in_dim3A = arith.constant 0.000000e+00 : f32
      %broadcast_in_dim3A_71 = vector.broadcast %broadcast_in_dim3A : f32 to vector<64x256xf32>
      %swap3A_72 = arith.constant 0 : index
      %swap3A_73 = arith.constant 0 : index
      %swap3A_74 = vector.load %arg12[%swap3A_72, %swap3A_73] : memref<64x256xf32, #tpu.memory_space<vmem>>, vector<64x256xf32>
      tpu.vector_store %arg12[%swap3A_72, %swap3A_73], %broadcast_in_dim3A_71 {strides = array<i32>} : memref<64x256xf32, #tpu.memory_space<vmem>>, vector<64x256xf32>,
    } else {
    }
    %get3A = arith.constant 0 : index
    %get3A_2 = arith.constant 0 : index
    %get3A_3 = arith.constant 0 : index
    %get3A_4 = vector.load %arg2[%get3A, %get3A_2, %get3A_3] : memref<2x1000x1xf32, #tpu.memory_space<vmem>>, vector<1x1000x1xf32>
    %get3A_5 = vector.shape_cast %get3A_4 : vector<1x1000x1xf32> to vector<1000x1xf32>
    %get3A_6 = arith.constant 1 : index
    %get3A_7 = arith.constant 0 : index
    %get3A_8 = arith.constant 0 : index
    %get3A_9 = vector.load %arg2[%get3A_6, %get3A_7, %get3A_8] : memref<2x1000x1xf32, #tpu.memory_space<vmem>>, vector<1x1000x1xf32>
    %get3A_10 = vector.shape_cast %get3A_9 : vector<1x1000x1xf32> to vector<1000x1xf32>
    %add3A = arith.addf %get3A_5, %get3A_10 : vector<1000x1xf32>
    %max3A = arith.constant 1.000000e+00 : f32
    %max3A_11 = vector.broadcast %max3A : f32 to vector<1000x1xf32>
    %max3A_12 = arith.maximumf %add3A, %max3A_11 : vector<1000x1xf32>
    %div3A = arith.constant 1.000000e+00 : f32
    %div3A_13 = vector.broadcast %div3A : f32 to vector<1000x1xf32>
    %div3A_14 = arith.divf %div3A_13, %max3A_12 : vector<1000x1xf32>
    %get3A_15 = arith.constant 0 : index
    %get3A_16 = arith.constant 0 : index
    %get3A_17 = arith.constant 0 : index
    %get3A_18 = vector.load %arg1[%get3A_15, %get3A_16, %get3A_17] : memref<2x1000x128xf32, #tpu.memory_space<vmem>>, vector<1x1000x128xf32>
    %get3A_19 = vector.shape_cast %get3A_18 : vector<1x1000x128xf32> to vector<1000x128xf32>
    %get3A_20 = arith.constant 1 : index
    %get3A_21 = arith.constant 0 : index
    %get3A_22 = arith.constant 0 : index
    %get3A_23 = vector.load %arg1[%get3A_20, %get3A_21, %get3A_22] : memref<2x1000x128xf32, #tpu.memory_space<vmem>>, vector<1x1000x128xf32>
    %get3A_24 = vector.shape_cast %get3A_23 : vector<1x1000x128xf32> to vector<1000x128xf32>
    %concatenate3A = tpu.concatenate %get3A_19, %get3A_24 in 1 : vector<1000x128xf32>, vector<1000x128xf32> -> vector<1000x256xf32>
    %mul3A = vector.broadcast %div3A_14 : vector<1000x1xf32> to vector<1000x256xf32>
    %mul3A_25 = arith.mulf %concatenate3A, %mul3A : vector<1000x256xf32>
    %get3A_26 = arith.constant 0 : index
    %get3A_27 = arith.constant 0 : index
    %get3A_28 = vector.load %arg3[%get3A_26, %get3A_27] : memref<1000x128xf32, #tpu.memory_space<vmem>>, vector<1000x128xf32>
    %get3A_29 = arith.constant 0 : index
    %get3A_30 = arith.constant 0 : index
    %get3A_31 = vector.load %arg4[%get3A_29, %get3A_30] : memref<1000x128xf32, #tpu.memory_space<vmem>>, vector<1000x128xf32>
    %concatenate3A_32 = tpu.concatenate %get3A_28, %get3A_31 in 1 : vector<1000x128xf32>, vector<1000x128xf32> -> vector<1000x256xf32>
    %get3A_33 = arith.constant 0 : index
    %get3A_34 = arith.constant 0 : index
    %get3A_35 = vector.load %arg6[%get3A_33, %get3A_34] : memref<256x256xf32, #tpu.memory_space<vmem>>, vector<256x256xf32>
    %dot_general3A = arith.constant dense<0.000000e+00> : vector<1000x256xf32>
    %dot_general3A_36 = tpu.matmul %mul3A_25, %get3A_35, %dot_general3A {dimension_numbers = #tpu.dot_dimension_numbers<[1], [0], [0], [1], [0, 0, 1, 1], [], []>, transpose_lhs_hint = false} : vector<1000x256xf32>, vector<256x256xf32>, vector<1000x256xf32> -> vector<1000x256xf32>
    %get3A_37 = arith.constant 0 : index
    %get3A_38 = arith.constant 0 : index
    %get3A_39 = vector.load %arg7[%get3A_37, %get3A_38] : memref<256x256xf32, #tpu.memory_space<vmem>>, vector<256x256xf32>
    %dot_general3A_40 = arith.constant dense<0.000000e+00> : vector<1000x256xf32>
    %dot_general3A_41 = tpu.matmul %concatenate3A_32, %get3A_39, %dot_general3A_40 {dimension_numbers = #tpu.dot_dimension_numbers<[1], [0], [0], [1], [0, 0, 1, 1], [], []>, transpose_lhs_hint = false} : vector<1000x256xf32>, vector<256x256xf32>, vector<1000x256xf32> -> vector<1000x256xf32>
    %add3A_42 = arith.addf %dot_general3A_36, %dot_general3A_41 : vector<1000x256xf32>
    %get3A_43 = arith.constant 0 : index
    %get3A_44 = arith.constant 0 : index
    %get3A_45 = vector.load %arg8[%get3A_43, %get3A_44] : memref<1x256xf32, #tpu.memory_space<vmem>>, vector<1x256xf32>
    %add3A_46 = vector.broadcast %get3A_45 : vector<1x256xf32> to vector<1000x256xf32>
    %add3A_47 = arith.addf %add3A_42, %add3A_46 : vector<1000x256xf32>
    %max3A_48 = arith.constant 0.000000e+00 : f32
    %max3A_49 = vector.broadcast %max3A_48 : f32 to vector<1000x256xf32>
    %max3A_50 = arith.maximumf %add3A_47, %max3A_49 : vector<1000x256xf32>
    %get3A_51 = arith.constant 0 : index
    %get3A_52 = arith.constant 0 : index
    %get3A_53 = vector.load %arg5[%get3A_51, %get3A_52] : memref<1000x1xi32, #tpu.memory_space<vmem>>, vector<1000x1xi32>
    %iota3A = tpu.iota {dimensions = array<i32: 1>} : vector<1000x64xi32>
    %eq3A_54 = vector.broadcast %get3A_53 : vector<1000x1xi32> to vector<1000x64xi32>
    %eq3A_55 = arith.cmpi eq, %eq3A_54, %iota3A : vector<1000x64xi32>
    %convert_element_type3A_56 = arith.extui %eq3A_55 : vector<1000x64xi1> to vector<1000x64xi32>
    %convert_element_type3A_57 = arith.sitofp %convert_element_type3A_56 : vector<1000x64xi32> to vector<1000x64xf32>
    %get3A_58 = arith.constant 0 : index
    %get3A_59 = arith.constant 0 : index
    %get3A_60 = vector.load %arg12[%get3A_58, %get3A_59] : memref<64x256xf32, #tpu.memory_space<vmem>>, vector<64x256xf32>
    %dot_general3A_61 = arith.constant dense<0.000000e+00> : vector<64x256xf32>
    %dot_general3A_62 = tpu.matmul %convert_element_type3A_57, %max3A_50, %dot_general3A_61 {dimension_numbers = #tpu.dot_dimension_numbers<[0], [0], [1], [1], [0, 1, 1, 1], [], []>, transpose_lhs_hint = false} : vector<1000x64xf32>, vector<1000x256xf32>, vector<64x256xf32> -> vector<64x256xf32>
    %add3A_63 = arith.addf %get3A_60, %dot_general3A_62 : vector<64x256xf32>
    %swap3A = arith.constant 0 : index
    %swap3A_64 = arith.constant 0 : index
    %swap3A_65 = vector.load %arg12[%swap3A, %swap3A_64] : memref<64x256xf32, #tpu.memory_space<vmem>>, vector<64x256xf32>
    tpu.vector_store %arg12[%swap3A, %swap3A_64], %add3A_63 {strides = array<i32>} : memref<64x256xf32, #tpu.memory_space<vmem>>, vector<64x256xf32>,
    %eq3A_66 = arith.constant 9 : i32
    %eq3A_67 = arith.cmpi eq, %arg0, %eq3A_66 : i32
    %convert_element_type3A_68 = arith.extui %eq3A_67 : i1 to i32
    %cond3A_69 = arith.constant 0 : i32
    %cond3A_70 = arith.cmpi ne, %convert_element_type3A_68, %cond3A_69 : i32
    scf.if %cond3A_70 {
      %get3A_71 = arith.constant 0 : index
      %get3A_72 = arith.constant 0 : index
      %get3A_73 = vector.load %arg12[%get3A_71, %get3A_72] : memref<64x256xf32, #tpu.memory_space<vmem>>, vector<64x256xf32>
      %get3A_74 = arith.constant 0 : index
      %get3A_75 = arith.constant 0 : index
      %get3A_76 = vector.load %arg9[%get3A_74, %get3A_75] : memref<256x128xf32, #tpu.memory_space<vmem>>, vector<256x128xf32>
      %dot_general3A_77 = arith.constant dense<0.000000e+00> : vector<64x128xf32>
      %dot_general3A_78 = tpu.matmul %get3A_73, %get3A_76, %dot_general3A_77 {dimension_numbers = #tpu.dot_dimension_numbers<[1], [0], [0], [1], [0, 0, 1, 1], [], []>, transpose_lhs_hint = false} : vector<64x256xf32>, vector<256x128xf32>, vector<64x128xf32> -> vector<64x128xf32>
      %get3A_79 = arith.constant 0 : index
      %get3A_80 = arith.constant 0 : index
      %get3A_81 = vector.load %arg10[%get3A_79, %get3A_80] : memref<1x128xf32, #tpu.memory_space<vmem>>, vector<1x128xf32>
      %add3A_82 = vector.broadcast %get3A_81 : vector<1x128xf32> to vector<64x128xf32>
      %add3A_83 = arith.addf %dot_general3A_78, %add3A_82 : vector<64x128xf32>
      %swap3A_84 = arith.constant 0 : index
      %swap3A_85 = arith.constant 0 : index
      %swap3A_86 = vector.load %arg11[%swap3A_84, %swap3A_85] : memref<64x128xf32, #tpu.memory_space<vmem>>, vector<64x128xf32>
      tpu.vector_store %arg11[%swap3A_84, %swap3A_85], %add3A_83 {strides = array<i32>} : memref<64x128xf32, #tpu.memory_space<vmem>>, vector<64x128xf32>,
    } else {
    }
    return
  }
  func.func @transform_0(%arg0: i32) -> (i32, i32, i32) {
    %c0_i32 = arith.constant 0 : i32
    %c0_i32_0 = arith.constant 0 : i32
    %c0_i32_1 = arith.constant 0 : i32
    return %c0_i32, %arg0, %c0_i32_0 : i32, i32, i32
  }
  func.func @transform_1(%arg0: i32) -> (i32, i32, i32) {
    %c0_i32 = arith.constant 0 : i32
    %c0_i32_0 = arith.constant 0 : i32
    %c0_i32_1 = arith.constant 0 : i32
    return %c0_i32, %arg0, %c0_i32_0 : i32, i32, i32
  }
  func.func @transform_2(%arg0: i32) -> (i32, i32) {
    %c0_i32 = arith.constant 0 : i32
    %c0_i32_0 = arith.constant 0 : i32
    return %arg0, %c0_i32 : i32, i32
  }
  func.func @transform_3(%arg0: i32) -> (i32, i32) {
    %c0_i32 = arith.constant 0 : i32
    %c0_i32_0 = arith.constant 0 : i32
    return %arg0, %c0_i32 : i32, i32
  }
  func.func @transform_4(%arg0: i32) -> (i32, i32) {
    %c0_i32 = arith.constant 0 : i32
    %c0_i32_0 = arith.constant 0 : i32
    return %arg0, %c0_i32 : i32, i32
  }
  func.func @transform_5(%arg0: i32) -> (i32, i32) {
    %c0_i32 = arith.constant 0 : i32
    %c0_i32_0 = arith.constant 0 : i32
    %c0_i32_1 = arith.constant 0 : i32
    return %c0_i32, %c0_i32_0 : i32, i32
  }
  func.func @transform_6(%arg0: i32) -> (i32, i32) {
    %c0_i32 = arith.constant 0 : i32
    %c0_i32_0 = arith.constant 0 : i32
    %c0_i32_1 = arith.constant 0 : i32
    return %c0_i32, %c0_i32_0 : i32, i32
  }
  func.func @transform_7(%arg0: i32) -> (i32, i32) {
    %c0_i32 = arith.constant 0 : i32
    %c0_i32_0 = arith.constant 0 : i32
    %c0_i32_1 = arith.constant 0 : i32
    return %c0_i32, %c0_i32_0 : i32, i32
  }
  func.func @transform_8(%arg0: i32) -> (i32, i32) {
    %c0_i32 = arith.constant 0 : i32
    %c0_i32_0 = arith.constant 0 : i32
    %c0_i32_1 = arith.constant 0 : i32
    return %c0_i32, %c0_i32_0 : i32, i32
  }
  func.func @transform_9(%arg0: i32) -> (i32, i32) {
    %c0_i32 = arith.constant 0 : i32
    %c0_i32_0 = arith.constant 0 : i32
    %c0_i32_1 = arith.constant 0 : i32
    return %c0_i32, %c0_i32_0 : i32, i32
  }
  func.func @transform_10(%arg0: i32) -> (i32, i32) {
    %c0_i32 = arith.constant 0 : i32
    %c0_i32_0 = arith.constant 0 : i32
    %c0_i32_1 = arith.constant 0 : i32
    return %c0_i32, %c0_i32_0 : i32, i32
  }
}

</mosaic_0001>

<sc_bundles>
// kernel: kernel.6.cloned.1.call-start
scs
__scs_entry_jumppad:
0x0: {  	(pc) =	sbr.rel $0x88, $3  }
0x1: {  	(tag) =	ssettag $0x0;
	lr =	simm.s32 $0x1  }
0x2: {  	[smem:$0x3F96] =	sst lr;
	_ =	strace $0xD0000000  }
0x3: {  	_ = 	snop  }
0x4: {  	_ = 	snop  }
0x5: {  	_ = 	snop  }
0x6: {  	_ = 	snop  }
0x7: {  	_ = 	snop  }
__scs_overlays_trampoline_lowered:
0x8: {  	[smem:$0x3FA5] =	sst s0  }
0x9: {  	[smem:$0x3FA6] =	sst s1  }
0xa: {  	[smem:$0x3FA7] =	sst s2  }
0xb: {  	[smem:$0x3FA8] =	sst s3  }
0xc: {  	[smem:$0x3FA9] =	sst s4  }
0xd: {  	[smem:$0x3FAA] =	sst s5  }
0xe: {  	[smem:$0x3FAB] =	sst s6  }
0xf: {  	[smem:$0x3FAC] =	sst s7  }
0x10: {  	[smem:$0x3FAD] =	sst s8  }
0x11: {  	[smem:$0x3FAE] =	sst s9;
	s0 =	simm.s32 @!p0 $0x0  }
0x12: {  	s1 =	sld [smem:$0x3F94];
	s0 =	simm.s32 @p0 $0x1  }
0x13: {  	[smem:$0x3FAF] =	sst s0;
	s0 =	simm.s32 @!p1 $0x0  }
0x14: {  	s2 =	sld [smem:$0x3F93];
	s0 =	simm.s32 @p1 $0x1  }
0x15: {  	[smem:$0x3FB0] =	sst s0;
	s0 =	simm.s32 @!p2 $0x0  }
0x16: {  	s3 =	sld [smem:$0x3FDB];
	s0 =	simm.s32 @p2 $0x1  }
0x17: {  	s4 =	simm.s32 $0x1BF5;
	[smem:$0x3FB2] =	sst s0  }
0x18: {  	s0 =	sld [smem:$0x3F95];
	_ =	swait.ge [sflag:s4], $0x0  }
0x19: {  	s7 =	sld [smem:$0x3F96]  }
0x1a: {  	s8 =	sadd.s32 $0xFFFFE003, lr  }
0x1b: {  	s9 =	sadd.s32 $0xFFFFFEF7, lr;
	s5 =	simm.s32 $0xFFFFFFFF;
	p2 =	slt.u32 s8, $0xFFFFF086  }
0x1c: {  	p1 =	slt.u32 s9, $0xF7A;
	s5 =	simm.s32 @!p2 $0x0  }
0x1d: {  	s5 =	simm.s32 @p1 $0x1;
	p0 =	seq.s32 s7, s2  }
0x1e: {  	s7 =	smul.u32 @!p0 $0xF7A, s2;
	p2 =	seq.s32 @!p0 s5, $0x0  }
0x1f: {  	s9 =	smul.u32 $0xF7A, s1;
	s8 =	simm.s32 @!p0 $0x1BF5;
	p2 =	por !p2, p0  }
0x20: {  	[sflag:s8] =	ssyncset.s32 @!p0 $0xFFFFF086;
	s6 =	sadd.s32 @!p0 s3, s7;
	s7 =	simm.s32 @!p0 $0x108  }
0x21: {  	s3 =	sadd.s32 s3, s9;
	s6 =	sadd.s32 @!p0 $0x88, s6;
	s7 =	simm.s32 @p2 $0x1082  }
0x22: {  	[simem:s7], [sflag:s8] =	dma.local @!p0 [hbm:s6], $0xF7A  }
0x23: {  	s9 =	sor.u32 $0xD0000000, s2;
	s6 =	simm.s32 $0x108;
	_ =	swait.ge @!p0 [sflag:s8], $0x0  }
0x24: {  	s3 =	sadd.s32 $0x88, s3;
	s6 =	simm.s32 @!p1 $0x1082;
	[sflag:s4] =	ssyncset.s32 $0xFFFFF086  }
0x25: {  	[simem:s6], [sflag:s4] =	dma.local [hbm:s3], $0xF7A  }
0x26: {  	[smem:$0x3F96] =	sst s1;
	(tag) =	ssettag s2;
	_ =	strace s9  }
0x27: {  	s1 =	sld [smem:$0x3FA6]  }
0x28: {  	s2 =	sld [smem:$0x3FA7]  }
0x29: {  	s4 =	sld [smem:$0x3FA9]  }
0x2a: {  	p0 =	seq.s32 s5, $0x0;
	s5 =	sld [smem:$0x3FAA]  }
0x2b: {  	s6 =	sld [smem:$0x3FAB]  }
0x2c: {  	s7 =	sld [smem:$0x3FAC]  }
0x2d: {  	s3 =	simm.s32 $0x108;
	s8 =	sld [smem:$0x3FAD]  }
0x2e: {  	s3 =	simm.s32 @!p0 $0x1082;
	s9 =	sld [smem:$0x3FAE]  }
0x2f: {  	lr =	sadd.s32 s0, s3;
	s0 =	sld [smem:$0x3FA5]  }
0x30: {  	s3 =	sld [smem:$0x3FA8]  }
0x31: {  	[smem:$0x3FB1] =	sst s10  }
0x32: {  	s10 =	sld [smem:$0x3FAF];
	_ =	sdelay $0x3  }
0x33: {  	p0 =	seq.s32 s10, $0x1;
	s10 =	sld [smem:$0x3FB1];
	_ =	sdelay $0x3  }
0x34: {  	[smem:$0x3FB1] =	sst s10  }
0x35: {  	s10 =	sld [smem:$0x3FB0];
	_ =	sdelay $0x3  }
0x36: {  	p1 =	seq.s32 s10, $0x1;
	s10 =	sld [smem:$0x3FB1];
	_ =	sdelay $0x3  }
0x37: {  	[smem:$0x3FB1] =	sst s10  }
0x38: {  	s10 =	sld [smem:$0x3FB2]  }
0x39: {  	_ = 	snop;
	(pc) =	sbr.ind lr, $3  }
0x3a: {  	_ = 	snop  }
0x3b: {  	_ = 	snop  }
0x3c: {  	p2 =	seq.s32 s10, $0x1;
	s10 =	sld [smem:$0x3FB1]  }
0x3d: {  	_ =	shalt  }
0x3e: {  	_ =	shalt  }
0x3f: {  	_ =	shalt  }
0x40: {  	_ =	shalt  }
0x41: {  	_ =	shalt  }
0x42: {  	_ =	shalt  }
0x43: {  	_ =	shalt  }
0x44: {  	_ =	shalt  }
0x45: {  	_ =	shalt  }
0x46: {  	_ =	shalt  }
0x47: {  	_ =	shalt  }
0x48: {  	_ =	shalt  }
0x49: {  	_ =	shalt  }
0x4a: {  	_ =	shalt  }
0x4b: {  	_ =	shalt  }
0x4c: {  	_ =	shalt  }
0x4d: {  	_ =	shalt  }
0x4e: {  	_ =	shalt  }
0x4f: {  	_ =	shalt  }
0x50: {  	_ =	shalt  }
0x51: {  	_ =	shalt  }
0x52: {  	_ =	shalt  }
0x53: {  	_ =	shalt  }
0x54: {  	_ =	shalt  }
0x55: {  	_ =	shalt  }
0x56: {  	_ =	shalt  }
0x57: {  	_ =	shalt  }
0x58: {  	_ =	shalt  }
0x59: {  	_ =	shalt  }
0x5a: {  	_ =	shalt  }
0x5b: {  	_ =	shalt  }
0x5c: {  	_ =	shalt  }
0x5d: {  	_ =	shalt  }
0x5e: {  	_ =	shalt  }
0x5f: {  	_ =	shalt  }
0x60: {  	_ =	shalt  }
0x61: {  	_ =	shalt  }
0x62: {  	_ =	shalt  }
0x63: {  	_ =	shalt  }
0x64: {  	_ =	shalt  }
0x65: {  	_ =	shalt  }
0x66: {  	_ =	shalt  }
0x67: {  	_ =	shalt  }
0x68: {  	_ =	shalt  }
0x69: {  	_ =	shalt  }
0x6a: {  	_ =	shalt  }
0x6b: {  	_ =	shalt  }
0x6c: {  	_ =	shalt  }
0x6d: {  	_ =	shalt  }
0x6e: {  	_ =	shalt  }
0x6f: {  	_ =	shalt  }
0x70: {  	_ =	shalt  }
0x71: {  	_ =	shalt  }
0x72: {  	_ =	shalt  }
0x73: {  	_ =	shalt  }
0x74: {  	_ =	shalt  }
0x75: {  	_ =	shalt  }
0x76: {  	_ =	shalt  }
0x77: {  	_ =	shalt  }
0x78: {  	_ =	shalt  }
0x79: {  	_ =	shalt  }
0x7a: {  	_ =	shalt  }
0x7b: {  	_ =	shalt  }
0x7c: {  	_ =	shalt  }
0x7d: {  	_ =	shalt  }
0x7e: {  	_ =	shalt  }
0x7f: {  	_ =	shalt  }
0x80: {  	_ =	shalt  }
0x81: {  	_ =	shalt  }
0x82: {  	_ =	shalt  }
0x83: {  	_ =	shalt  }
0x84: {  	_ =	shalt  }
0x85: {  	_ =	shalt  }
0x86: {  	_ =	shalt  }
0x87: {  	_ =	shalt  }
.Lfunc_end0:
.L_simem_size_0:
called_computation_lowered:
.L_overlay_start_0:
0x88: {  	s2 =	sld [smem:$0x3FD9]  }
0x89: {  	s3 =	sld [smem:$0x3FFE];
	_ =	sdelay $0x1  }
0x8a: {  	s1 =	srdreg.scid  }
0x8b: {  	s0 =	sand.u32 $0x1, s1  }
0x8c: {  	s17 =	sshll.u32 s0, $0xA;
	s2 =	sadd.s32 s3, s2  }
0x8d: {  	s2 =	sadd.s32 s2, s17  }
0x8e: {  	[smem:$0x3FBD] =	sst s2  }
0x8f: {  	_ = 	snop  }
0x90: {  	s2 =	sld [smem:$0x3FC9];
	(tm) =	ssettm $0x1  }
0x91: {  	s18 =	sld [smem:$0x3FFB];
	_ =	sdelay $0x3  }
0x92: {  	_ =	strace s18  }
0x93: {  	s3 =	sld [smem:$0x3FFC];
	_ =	sdelay $0x3  }
0x94: {  	_ =	strace s3  }
0x95: {  	s3 =	sld [smem:$0x3FFD];
	_ =	sdelay $0x3  }
0x96: {  	_ =	strace s3  }
0x97: {  	_ =	strace $0x8FFFFFFF  }
0x98: {  	s19 =	sld [smem:$0x3FDB];
	_ =	sdelay $0x1  }
0x99: {  	s4 =	simm.s32 $_scs_section_size  }
0x9a: {  	s5 =	simm.s32 $_size__tile_overlayer_lowered;
	s6 =	simm.s32 $_tile_overlayer_lowered  }
0x9b: {  	s22 =	simm.s32 $0x1BFF;
	s21 =	sshll.u32 s6, $0x1;
	s3 =	sadd.s32 s4, s19  }
0x9c: {  	s7 =	simm.s32 $0x0;
	s20 =	sshll.u32 s5, $0x1;
	s5 =	sadd.s32 s21, s3  }
0x9d: {  	[timem:s7], [sflag:s22] =	dma.local [hbm:s5], s20  }
0x9e: {  	_ =	swait.ge [sflag:s22], s20  }
0x9f: {  	s4 =	ssub.s32 $0x0, s20;
	[sflag:s22] =	ssyncset.done $0x0  }
0xa0: {  	[sflag:s22] =	ssyncadd.s32 s4;
	_ =	sdelay $0x1  }
0xa1: {  	s23 =	simm.s32 $0x1B8B  }
0xa2: {  	_ =	swait.ge [sflag:s23], $0x1  }
0xa3: {  	[sflag:s23] =	ssyncset.done $0x0  }
0xa4: {  	s25 =	simm.s32 $0x1B8E;
	s24 =	sld [smem:$0x3FFE];
	[sflag:s23] =	ssyncadd.s32 $0xFFFFFFFF  }
0xa5: {  	s26 =	simm.s32 $execute0_lowered;
	[smem:$0x3FD2] =	sst s25  }
0xa6: {  	s5 =	sshll.u32 s26, $0x1;
	_ =	strace $0x80000046;
	[dreg:$0x1] =	wrdreg $0xFFFFFFFF  }
0xa7: {  	s28 =	simm.s32 $_size_execute0_lowered;
	s3 =	sadd.s32 s3, s5;
	[dreg:$0x0] =	wrdreg $0x0  }
0xa8: {  	s5 =	sshll.u32 s28, $0x1;
	[dreg:$0x2] =	wrdreg s3  }
0xa9: {  	[dreg:$0x3] =	wrdreg s5  }
0xaa: {  	[dreg:$0x4] =	wrdreg $0xC0  }
0xab: {  	_ =	task [dreg:s7], $0x5FFFF  }
0xac: {  	[dreg:$0x1] =	wrdreg $0xFFFFFFFF  }
0xad: {  	[dreg:$0x0] =	wrdreg $0x60  }
0xae: {  	[dreg:$0x2] =	wrdreg s2  }
0xaf: {  	[dreg:$0x3] =	wrdreg s24  }
0xb0: {  	[dreg:$0x4] =	wrdreg $0xB4800  }
0xb1: {  	[dreg:$0x5] =	wrdreg $0x1F0800  }
0xb2: {  	[dreg:$0x6] =	wrdreg $0x9  }
0xb3: {  	_ =	task.clear_ibuf [dreg:s7], $0x7FFFF;
	_ =	strace $0x90000046  }
0xb4: {  	s29 =	simm.s32 $0x9;
	_ =	strace $0x80000048  }
0xb5: {  	_ =	swait.ge [sflag:s29], $0x1  }
0xb6: {  	[sflag:s29] =	ssyncadd.s32 $0xFFFFFFFF  }
0xb7: {  	_ =	strace $0x90000048  }
0xb8: {  	_ =	sfence  }
0xb9: {  	s30 =	sld [smem:$0x0];
	_ =	sdelay $0x2  }
0xba: {  	s31 =	sshll.u32 s1, $0xD;
	s1 =	sshrl.u32 s1, $0x2  }
0xbb: {  	s3 =	sand.u32 $0x4000, s31;
	s1 =	sadd.s32 s1, s30  }
0xbc: {  	s0 =	sor.u32 s3, s0;
	s1 =	sshll.u32 s1, $0x11  }
0xbd: {  	s0 =	sor.u32 s1, s0  }
0xbe: {  	s0 =	sadd.s32 $0x8F2B, s0  }
0xbf: {  	[sflag:s0] =	ssyncadd.remote.s32 $0x1  }
0xc0: {  	_ =	sfence.sel $0xFFFF  }
0xc1: {  	[dreg:$0x0] =	wrdreg $0xFFFFFFFF;
	(pc) =	sbr.abs _section_cstart, $3  }
0xc2: {  	[dreg:$0x1] =	wrdreg $0xFFFFFFFF  }
0xc3: {  	_ =	task.clear_ibuf [dreg:s7], $0x2FFFF;
	_ =	strace $0x9FFFFFFF  }
0xc4: {  	(tm) =	ssettm $0x7FFFFFFF  }
0xc5: {  	_ =	shalt  }
tec
execute0_lowered:
.L_overlay_start_1:
0x0: {  	(tag) =	ssettag $0x1  }
0x1: {  	s1 =	rddreg [dreg:$0x0]  }
0x2: {  	s0 =	rddreg [dreg:$0x1]  }
0x3: {  	s2 =	rddreg [dreg:$0x2]  }
0x4: {  	s3 =	rddreg [dreg:$0x3];
	s4 =	stileid.u32  }
0x5: {  	s5 =	srdreg.scid;
	s7 =	simm.s32 $0x0;
	s29 =	simm.s32 $0x9400  }
0x6: {  	s31 =	simm.s32 $0x5400;
	s14 =	simm.s32 $0xA80;
	s6 =	smul.u32 $0x13C00, s4  }
0x7: {  	s30 =	simm.s32 $0x1080;
	s5 =	sand.u32 $0x1, s5;
	s11 =	smul.u32 $0x4F000, s4  }
0x8: {  	[smem:$0x7FF] =	sst s7;
	s9 =	sadd.s32 $0x3600, s0;
	s13 =	smul.u32 $0xA0, s4  }
0x9: {  	s16 =	sadd.s32 $0x52E00, s0;
	s20 =	sshll.u32 s4, $0x6;
	s15 =	smul.u32 $0x13C000, s5  }
0xa: {  	p0 =	sne.s32 s4, $0x0;
	_ =	strace $0x80000047;
	s17 =	smul.u32 $0x4F0, s5  }
0xb: {  	[dreg:$0x5] =	wrdreg s16;
	s10 =	ssub.s32 $0x2, s5;
	s12 =	smul.u32 $0xA00, s5  }
0xc: {  	s5 =	sshll.u32 s5, $0x4;
	s16 =	simm.s32 $0x1380;
	s8 =	sshrl.u32 s6, $0x3  }
0xd: {  	s18 =	sshrl.u32 s10, $0x1;
	s11 =	sshrl.u32 s11, $0x2;
	s5 =	sor.u32 s4, s5  }
0xe: {  	s4 =	simm.s32 $0x0;
	s8 =	sadd.s32 s8, s0;
	s6 =	sadd.s32 s6, s15  }
0xf: {  	s7 =	ssub.s32 s10, s18;
	s19 =	sadd.s32 s11, s2;
	s5 =	smul.u32 $0x1400, s5  }
0x10: {  	s12 =	sadd.s32 s13, s12;
	s15 =	sor.u32 $0x1C08, s20;
	s18 =	simm.s32 $0x1400  }
0x11: {  	s20 =	simm.s32 $0x3400;
	s11 =	simm.s32 $0x5;
	s13 =	simm.s32 $0xD80  }
0x12: {  	s10 =	simm.s32 $0x1280;
	[dreg:$0x10] =	wrdreg s4;
	s6 =	sshrl.u32 s6, $0x3  }
0x13: {  	s8 =	sadd.s32 $0x2B600, s8;
	s21 =	sshll.u32 s12, $0x5;
	s24 =	smax.u32 s7, $0x1  }
0x14: {  	s28 =	sshrl.u32 s19, $0x3;
	s7 =	simm.s32 $0x6;
	s19 =	simm.s32 $0x7  }
0x15: {  	s12 =	simm.s32 $0xC80;
	[dreg:$0x7] =	wrdreg s15;
	s6 =	sadd.s32 s6, s0  }
0x16: {  	s0 =	sadd.s32 s17, s0;
	[dreg:$0x6] =	wrdreg s8;
	s5 =	sadd.s32 s9, s5  }
0x17: {  	s23 =	sadd.s32 s21, s9;
	[dreg:$0xb] =	wrdreg s24;
	s9 =	simm.s32 $0x8  }
0x18: {  	s17 =	simm.s32 $0x40;
	s21 =	simm.s32 $0x1;
	[dreg:$0xe] =	wrdreg s28  }
0x19: {  	s8 =	simm.s32 $0x4;
	[dreg:$0x8] =	wrdreg s5;
	s22 =	sadd.s32 $0x53E00, s6  }
0x1a: {  	s24 =	simm.s32 $0xE80;
	s0 =	sadd.s32 $0x53400, s0;
	[dreg:$0x9] =	wrdreg s22  }
.Ltmp0:
0x1b: {  	s25 =	sadd.s32 $0x280, s23;
	[dreg:$0xa] =	wrdreg s0;
	(pc) =	sbr.rel .LBB2_1-.Ltmp0, $4  }
0x1c: {  	s26 =	sadd.s32 $0x140, s23;
	s23 =	simm.s32 $0x7400;
	[dreg:$0xc] =	wrdreg s25  }
0x1d: {  	s5 =	simm.s32 $0x2;
	s6 =	simm.s32 $0x1180;
	[dreg:$0xd] =	wrdreg s26  }
0x1e: {  	s0 =	sshrl.u32 @!p0 s3, $0x3;
	s25 =	simm.s32 $0xB400;
	s22 =	simm.s32 $0xB80  }
0x1f: {  	v0 =	vimm.f32 $1.000000000e+00;
	s26 =	simm.s32 $0xF80;
	[dreg:$0xf] =	wrdreg s0;
	s0 =	simm.s32 $0x3  }
.LBB2_4:
0x20: {  	[spmem:s2] =	stream.indirect.scatter.add.f32 [tilespmem:s29], [sflag:$0x7], $0x80, s16, s17, $0xb8;
	[tilespmem:$0x1F2F8] =	vst v63  }
0x21: {  	_ = 	snop  }
0x22: {  	[spmem:s3] =	stream.indirect.scatter.add.f32 [tilespmem:s25], [sflag:$0x7], $0x1, s16, s17, $0xb8;
	[tilespmem:$0x1F2F8] =	vst v63  }
0x23: {  	_ =	swait.ge [sflag:s11], $0x2000  }
0x24: {  	[sflag:s11] =	ssyncset.done $0x0  }
0x25: {  	[sflag:s11] =	ssyncadd.s32 $0xFFFFE000  }
0x26: {  	_ =	swait.ge [sflag:s11], $0x40  }
0x27: {  	[sflag:s11] =	ssyncset.done $0x0  }
0x28: {  	[sflag:s11] =	ssyncadd.s32 $0xFFFFFFC0  }
0x29: {  	_ =	swait.ge [sflag:s7], $0x2000  }
0x2a: {  	[sflag:s7] =	ssyncset.done $0x0  }
0x2b: {  	[sflag:s7] =	ssyncadd.s32 $0xFFFFE000  }
0x2c: {  	_ =	swait.ge [sflag:s7], $0x40  }
0x2d: {  	[sflag:s7] =	ssyncset.done $0x0  }
0x2e: {  	[sflag:s7] =	ssyncadd.s32 $0xFFFFFFC0  }
0x2f: {  	_ =	swait.ge [sflag:s19], $0x2000  }
0x30: {  	[sflag:s19] =	ssyncset.done $0x0  }
0x31: {  	[sflag:s19] =	ssyncadd.s32 $0xFFFFE000  }
0x32: {  	_ =	swait.ge [sflag:s19], $0x40  }
0x33: {  	[sflag:s19] =	ssyncset.done $0x0  }
0x34: {  	[sflag:s19] =	ssyncadd.s32 $0xFFFFFFC0  }
0x35: {  	[bflag:$0x0] =	sbarrier.arrive $0xFFFF  }
0x36: {  	s15 =	rddreg [dreg:$0x7]  }
0x37: {  	s4 =	rddreg [dreg:$0x9]  }
0x38: {  	s9 =	simm.s32 $0x8;
	s14 =	rddreg [dreg:$0xe]  }
0x39: {  	[hbm:s4], [sflag:s15] =	dma.local [spmem:s14], $0x2780  }
0x3a: {  	_ =	swait.ge [sflag:s9], $0x2780  }
0x3b: {  	[sflag:s9] =	ssyncset.done $0x0;
	s4 =	rddreg [dreg:$0xa]  }
0x3c: {  	[sflag:s9] =	ssyncadd.s32 $0xFFFFD880;
	s9 =	rddreg [dreg:$0xf]  }
0x3d: {  	[hbm:s4], [sflag:s15] =	dma.local @!p0 [spmem:s9], $0x4F0  }
0x3e: {  	s4 =	simm.s32 @!p0 $0x8  }
0x3f: {  	_ =	swait.ge @!p0 [sflag:s4], $0x4F0  }
0x40: {  	s28 =	rddreg [dreg:$0x10]  }
0x41: {  	s9 =	rddreg [dreg:$0xb];
	s28 =	sadd.s32 $0x1, s28  }
0x42: {  	p1 =	sne.s32 s28, s9  }
.Ltmp1:
0x43: {  	_ = 	snop;
	(pc) =	sbr.rel @!p1 .LBB2_5-.Ltmp1, $4  }
0x44: {  	_ = 	snop  }
0x45: {  	[sflag:s4] =	ssyncset.done @!p0 $0x0  }
0x46: {  	[sflag:s4] =	ssyncadd.s32 @!p0 $0xFFFFFB10;
	[dreg:$0x10] =	wrdreg s28  }
0x47: {  	s28 =	smov.u32 s14;
	s14 =	simm.s32 $0xA80;
	s9 =	simm.s32 $0x8  }
.LBB2_1:
0x48: {  	s4 =	rddreg [dreg:$0x6]  }
0x49: {  	[spmem:s28], [sflag:s15] =	dma.local [hbm:s4], $0x2780  }
0x4a: {  	_ =	swait.ge [sflag:s9], $0x2780  }
0x4b: {  	[sflag:s9] =	ssyncset.done $0x0;
	s4 =	rddreg [dreg:$0x5]  }
0x4c: {  	[sflag:s9] =	ssyncadd.s32 $0xFFFFD880;
	s9 =	rddreg [dreg:$0xf]  }
0x4d: {  	[spmem:s9], [sflag:s15] =	dma.local @!p0 [hbm:s4], $0x4F0  }
0x4e: {  	s4 =	simm.s32 @!p0 $0x8  }
0x4f: {  	_ =	swait.ge @!p0 [sflag:s4], $0x4F0  }
0x50: {  	[sflag:s4] =	ssyncset.done @!p0 $0x0  }
0x51: {  	[sflag:s4] =	ssyncadd.s32 @!p0 $0xFFFFFB10  }
0x52: {  	[tilespmem:$0xB400] =	vst v0  }
0x53: {  	[tilespmem:$0xB410] =	vst v0  }
0x54: {  	[tilespmem:$0xB420] =	vst v0  }
0x55: {  	[tilespmem:$0xB430] =	vst v0  }
0x56: {  	[bflag:$0x0] =	sbarrier.arrive $0xFFFF  }
0x57: {  	s15 =	simm.s32 $0x8;
	s4 =	simm.s32 $0x0;
	s28 =	rddreg [dreg:$0x8]  }
0x58: {  	[tilespmem:s4], [sflag:$0x8] =	stream.linear.gather [hbm4b:s28+s4], $0xA00, $0x38;
	[tilespmem:$0x1F2F8] =	vst v63  }
0x59: {  	_ =	swait.ge [sflag:s15], $0xA00  }
0x5a: {  	[sflag:s15] =	ssyncset.done $0x0  }
0x5b: {  	[sflag:s15] =	ssyncadd.s32 $0xFFFFF600  }
0x5c: {  	[tilespmem:s18], [sflag:$0x1] =	stream.indirect.gather [hbm4b:s1+s17], $0x80, s4, s17, $0xb8;
	[tilespmem:$0x1F2F8] =	vst v63  }
0x5d: {  	s28 =	simm.s32 $0x100;
	s4 =	simm.s32 $0x0  }
0x5e: {  	[tilespmem:s20], [sflag:$0x1] =	stream.indirect.gather [hbm4b:s1+s17], $0x80, s28, s17, $0xb8;
	[tilespmem:$0x1F2F8] =	vst v63  }
.LBB2_2:
0x5f: {  	_ =	swait.ge [sflag:s21], $0x2000;
	p1 =	seq.s32 s4, $0x0  }
0x60: {  	[sflag:s21] =	ssyncset.done $0x0;
	s28 =	simm.s32 @p1 $0x40  }
0x61: {  	s9 =	simm.s32 @p1 $0x200;
	s15 =	simm.s32 @p1 $0x5400;
	[sflag:s21] =	ssyncadd.s32 $0xFFFFE000  }
0x62: {  	[tilespmem:s15], [sflag:$0x1] =	stream.indirect.gather @p1 [hbm4b:s1+s28], $0x80, s9, s28, $0xb8;
	[tilespmem:$0x1F2F8] =	vst v63  }
0x63: {  	s9 =	simm.s32 @p1 $0x80;
	s15 =	simm.s32 @p1 $0x1400  }
0x64: {  	[spmem:s2] =	stream.indirect.scatter.add.f32 @p1 [tilespmem:s15], [sflag:$0x3], $0x80, s9, s28, $0xb8;
	[tilespmem:$0x1F2F8] =	vst v63  }
0x65: {  	s15 =	simm.s32 @p1 $0xB400  }
0x66: {  	[spmem:s3] =	stream.indirect.scatter.add.f32 @p1 [tilespmem:s15], [sflag:$0x3], $0x1, s9, s28, $0xb8;
	[tilespmem:$0x1F2F8] =	vst v63  }
0x67: {  	s9 =	simm.s32 @p1 $0x1  }
0x68: {  	_ =	swait.ge @p1 [sflag:s9], $0x2000  }
0x69: {  	[sflag:s9] =	ssyncset.done @p1 $0x0  }
0x6a: {  	[sflag:s9] =	ssyncadd.s32 @p1 $0xFFFFE000;
	s9 =	simm.s32 @!p1 $0x5  }
0x6b: {  	_ =	swait.ge @!p1 [sflag:s9], $0x2000  }
0x6c: {  	[sflag:s9] =	ssyncset.done @!p1 $0x0  }
0x6d: {  	[sflag:s9] =	ssyncadd.s32 @!p1 $0xFFFFE000  }
0x6e: {  	_ =	swait.ge @!p1 [sflag:s9], $0x40  }
0x6f: {  	s15 =	simm.s32 @!p1 $0x200;
	[sflag:s9] =	ssyncset.done @!p1 $0x0  }
0x70: {  	s28 =	simm.s32 @!p1 $0x5400;
	[sflag:s9] =	ssyncadd.s32 @!p1 $0xFFFFFFC0;
	s9 =	simm.s32 @!p1 $0x40  }
0x71: {  	[tilespmem:s28], [sflag:$0x1] =	stream.indirect.gather @!p1 [hbm4b:s1+s9], $0x80, s15, s9, $0xb8;
	[tilespmem:$0x1F2F8] =	vst v63  }
0x72: {  	s15 =	simm.s32 @!p1 $0x80;
	s28 =	simm.s32 @!p1 $0x1400  }
0x73: {  	[spmem:s2] =	stream.indirect.scatter.add.f32 @!p1 [tilespmem:s28], [sflag:$0x3], $0x80, s15, s9, $0xb8;
	[tilespmem:$0x1F2F8] =	vst v63  }
0x74: {  	s28 =	simm.s32 @!p1 $0xB400  }
0x75: {  	[spmem:s3] =	stream.indirect.scatter.add.f32 @!p1 [tilespmem:s28], [sflag:$0x3], $0x1, s15, s9, $0xb8;
	[tilespmem:$0x1F2F8] =	vst v63  }
0x76: {  	s9 =	simm.s32 @!p1 $0x1  }
0x77: {  	_ =	swait.ge @!p1 [sflag:s9], $0x2000  }
0x78: {  	[sflag:s9] =	ssyncset.done @!p1 $0x0  }
0x79: {  	[sflag:s9] =	ssyncadd.s32 @!p1 $0xFFFFE000;
	s9 =	simm.s32 @!p1 $0x6  }
0x7a: {  	_ =	swait.ge @!p1 [sflag:s9], $0x2000  }
0x7b: {  	[sflag:s9] =	ssyncset.done @!p1 $0x0  }
0x7c: {  	[sflag:s9] =	ssyncadd.s32 @!p1 $0xFFFFE000  }
0x7d: {  	_ =	swait.ge @!p1 [sflag:s9], $0x40  }
0x7e: {  	[sflag:s9] =	ssyncset.done @!p1 $0x0  }
0x7f: {  	s28 =	simm.s32 $0x300;
	[sflag:s9] =	ssyncadd.s32 @!p1 $0xFFFFFFC0  }
0x80: {  	[tilespmem:s23], [sflag:$0x1] =	stream.indirect.gather [hbm4b:s1+s17], $0x80, s28, s17, $0xb8;
	[tilespmem:$0x1F2F8] =	vst v63  }
0x81: {  	s15 =	simm.s32 $0x180  }
0x82: {  	[spmem:s2] =	stream.indirect.scatter.add.f32 [tilespmem:s20], [sflag:$0x4], $0x80, s15, s17, $0xb8;
	[tilespmem:$0x1F2F8] =	vst v63  }
0x83: {  	_ = 	snop  }
0x84: {  	[spmem:s3] =	stream.indirect.scatter.add.f32 [tilespmem:s25], [sflag:$0x4], $0x1, s15, s17, $0xb8;
	[tilespmem:$0x1F2F8] =	vst v63  }
0x85: {  	_ =	swait.ge [sflag:s21], $0x2000  }
0x86: {  	[sflag:s21] =	ssyncset.done $0x0  }
0x87: {  	s9 =	simm.s32 @!p1 $0x7;
	[sflag:s21] =	ssyncadd.s32 $0xFFFFE000  }
0x88: {  	_ =	swait.ge @!p1 [sflag:s9], $0x2000  }
0x89: {  	[sflag:s9] =	ssyncset.done @!p1 $0x0  }
0x8a: {  	[sflag:s9] =	ssyncadd.s32 @!p1 $0xFFFFE000  }
0x8b: {  	_ =	swait.ge @!p1 [sflag:s9], $0x40  }
0x8c: {  	s15 =	simm.s32 $0x0;
	[sflag:s9] =	ssyncset.done @!p1 $0x0;
	s28 =	rddreg [dreg:$0xd]  }
0x8d: {  	[sflag:s9] =	ssyncadd.s32 @!p1 $0xFFFFFFC0;
	s9 =	sadd.s32 s4, s28;
	s28 =	simm.s32 $0xA00  }
0x8e: {  	[tilespmem:s28], [sflag:$0x2] =	stream.linear.gather [hbm4b:s9+s15], $0xA00, $0x38;
	[tilespmem:$0x1F2F8] =	vst v63  }
0x8f: {  	s15 =	simm.s32 $0x400  }
0x90: {  	[tilespmem:s29], [sflag:$0x1] =	stream.indirect.gather [hbm4b:s1+s17], $0x80, s15, s17, $0xb8;
	[tilespmem:$0x1F2F8] =	vst v63  }
0x91: {  	s15 =	simm.s32 $0x280  }
0x92: {  	[spmem:s2] =	stream.indirect.scatter.add.f32 [tilespmem:s31], [sflag:$0x5], $0x80, s15, s17, $0xb8;
	[tilespmem:$0x1F2F8] =	vst v63  }
0x93: {  	_ = 	snop  }
0x94: {  	[spmem:s3] =	stream.indirect.scatter.add.f32 [tilespmem:s25], [sflag:$0x5], $0x1, s15, s17, $0xb8;
	[tilespmem:$0x1F2F8] =	vst v63  }
0x95: {  	_ =	swait.ge [sflag:s21], $0x2000  }
0x96: {  	[sflag:s21] =	ssyncset.done $0x0  }
0x97: {  	[sflag:s21] =	ssyncadd.s32 $0xFFFFE000  }
0x98: {  	_ =	swait.ge [sflag:s0], $0x2000  }
0x99: {  	[sflag:s0] =	ssyncset.done $0x0  }
0x9a: {  	[sflag:s0] =	ssyncadd.s32 $0xFFFFE000  }
0x9b: {  	_ =	swait.ge [sflag:s0], $0x40  }
0x9c: {  	[sflag:s0] =	ssyncset.done $0x0  }
0x9d: {  	s15 =	simm.s32 $0x500;
	[sflag:s0] =	ssyncadd.s32 $0xFFFFFFC0  }
0x9e: {  	[tilespmem:s18], [sflag:$0x1] =	stream.indirect.gather [hbm4b:s1+s17], $0x80, s15, s17, $0xb8;
	[tilespmem:$0x1F2F8] =	vst v63  }
0x9f: {  	s15 =	simm.s32 $0x380  }
0xa0: {  	[spmem:s2] =	stream.indirect.scatter.add.f32 [tilespmem:s23], [sflag:$0x6], $0x80, s15, s17, $0xb8;
	[tilespmem:$0x1F2F8] =	vst v63  }
0xa1: {  	_ = 	snop  }
0xa2: {  	[spmem:s3] =	stream.indirect.scatter.add.f32 [tilespmem:s25], [sflag:$0x6], $0x1, s15, s17, $0xb8;
	[tilespmem:$0x1F2F8] =	vst v63  }
0xa3: {  	_ =	swait.ge [sflag:s21], $0x2000  }
0xa4: {  	[sflag:s21] =	ssyncset.done $0x0  }
0xa5: {  	[sflag:s21] =	ssyncadd.s32 $0xFFFFE000  }
0xa6: {  	_ =	swait.ge [sflag:s8], $0x2000  }
0xa7: {  	[sflag:s8] =	ssyncset.done $0x0  }
0xa8: {  	[sflag:s8] =	ssyncadd.s32 $0xFFFFE000  }
0xa9: {  	_ =	swait.ge [sflag:s8], $0x40  }
0xaa: {  	[sflag:s8] =	ssyncset.done $0x0  }
0xab: {  	s15 =	simm.s32 $0x600;
	[sflag:s8] =	ssyncadd.s32 $0xFFFFFFC0  }
0xac: {  	[tilespmem:s20], [sflag:$0x1] =	stream.indirect.gather [hbm4b:s1+s17], $0x80, s15, s17, $0xb8;
	[tilespmem:$0x1F2F8] =	vst v63  }
0xad: {  	s15 =	simm.s32 $0x480  }
0xae: {  	[spmem:s2] =	stream.indirect.scatter.add.f32 [tilespmem:s29], [sflag:$0x7], $0x80, s15, s17, $0xb8;
	[tilespmem:$0x1F2F8] =	vst v63  }
0xaf: {  	_ = 	snop  }
0xb0: {  	[spmem:s3] =	stream.indirect.scatter.add.f32 [tilespmem:s25], [sflag:$0x7], $0x1, s15, s17, $0xb8;
	[tilespmem:$0x1F2F8] =	vst v63  }
0xb1: {  	_ =	swait.ge [sflag:s21], $0x2000  }
0xb2: {  	[sflag:s21] =	ssyncset.done $0x0  }
0xb3: {  	[sflag:s21] =	ssyncadd.s32 $0xFFFFE000  }
0xb4: {  	_ =	swait.ge [sflag:s11], $0x2000  }
0xb5: {  	[sflag:s11] =	ssyncset.done $0x0  }
0xb6: {  	[sflag:s11] =	ssyncadd.s32 $0xFFFFE000  }
0xb7: {  	_ =	swait.ge [sflag:s11], $0x40  }
0xb8: {  	[sflag:s11] =	ssyncset.done $0x0  }
0xb9: {  	s15 =	simm.s32 $0x700;
	[sflag:s11] =	ssyncadd.s32 $0xFFFFFFC0  }
0xba: {  	[tilespmem:s31], [sflag:$0x1] =	stream.indirect.gather [hbm4b:s1+s17], $0x80, s15, s17, $0xb8;
	[tilespmem:$0x1F2F8] =	vst v63  }
0xbb: {  	s15 =	simm.s32 $0x580  }
0xbc: {  	[spmem:s2] =	stream.indirect.scatter.add.f32 [tilespmem:s18], [sflag:$0x3], $0x80, s15, s17, $0xb8;
	[tilespmem:$0x1F2F8] =	vst v63  }
0xbd: {  	_ = 	snop  }
0xbe: {  	[spmem:s3] =	stream.indirect.scatter.add.f32 [tilespmem:s25], [sflag:$0x3], $0x1, s15, s17, $0xb8;
	[tilespmem:$0x1F2F8] =	vst v63  }
0xbf: {  	_ =	swait.ge [sflag:s21], $0x2000  }
0xc0: {  	[sflag:s21] =	ssyncset.done $0x0  }
0xc1: {  	[sflag:s21] =	ssyncadd.s32 $0xFFFFE000  }
0xc2: {  	_ =	swait.ge [sflag:s7], $0x2000  }
0xc3: {  	[sflag:s7] =	ssyncset.done $0x0  }
0xc4: {  	[sflag:s7] =	ssyncadd.s32 $0xFFFFE000  }
0xc5: {  	_ =	swait.ge [sflag:s7], $0x40  }
0xc6: {  	[sflag:s7] =	ssyncset.done $0x0  }
0xc7: {  	s15 =	simm.s32 $0x800;
	[sflag:s7] =	ssyncadd.s32 $0xFFFFFFC0  }
0xc8: {  	[tilespmem:s23], [sflag:$0x1] =	stream.indirect.gather [hbm4b:s1+s17], $0x80, s15, s17, $0xb8;
	[tilespmem:$0x1F2F8] =	vst v63  }
0xc9: {  	s15 =	simm.s32 $0x680  }
0xca: {  	[spmem:s2] =	stream.indirect.scatter.add.f32 [tilespmem:s20], [sflag:$0x4], $0x80, s15, s17, $0xb8;
	[tilespmem:$0x1F2F8] =	vst v63  }
0xcb: {  	_ = 	snop  }
0xcc: {  	[spmem:s3] =	stream.indirect.scatter.add.f32 [tilespmem:s25], [sflag:$0x4], $0x1, s15, s17, $0xb8;
	[tilespmem:$0x1F2F8] =	vst v63  }
0xcd: {  	_ =	swait.ge [sflag:s21], $0x2000  }
0xce: {  	[sflag:s21] =	ssyncset.done $0x0  }
0xcf: {  	[sflag:s21] =	ssyncadd.s32 $0xFFFFE000  }
0xd0: {  	_ =	swait.ge [sflag:s19], $0x2000  }
0xd1: {  	[sflag:s19] =	ssyncset.done $0x0  }
0xd2: {  	[sflag:s19] =	ssyncadd.s32 $0xFFFFE000  }
0xd3: {  	_ =	swait.ge [sflag:s19], $0x40  }
0xd4: {  	[sflag:s19] =	ssyncset.done $0x0  }
0xd5: {  	s15 =	simm.s32 $0x900;
	[sflag:s19] =	ssyncadd.s32 $0xFFFFFFC0  }
0xd6: {  	[tilespmem:s29], [sflag:$0x1] =	stream.indirect.gather [hbm4b:s1+s17], $0x80, s15, s17, $0xb8;
	[tilespmem:$0x1F2F8] =	vst v63  }
0xd7: {  	s15 =	simm.s32 $0x780  }
0xd8: {  	[spmem:s2] =	stream.indirect.scatter.add.f32 [tilespmem:s31], [sflag:$0x5], $0x80, s15, s17, $0xb8;
	[tilespmem:$0x1F2F8] =	vst v63  }
0xd9: {  	_ = 	snop  }
0xda: {  	[spmem:s3] =	stream.indirect.scatter.add.f32 [tilespmem:s25], [sflag:$0x5], $0x1, s15, s17, $0xb8;
	[tilespmem:$0x1F2F8] =	vst v63  }
0xdb: {  	_ =	swait.ge [sflag:s21], $0x2000  }
0xdc: {  	[sflag:s21] =	ssyncset.done $0x0  }
0xdd: {  	[sflag:s21] =	ssyncadd.s32 $0xFFFFE000  }
0xde: {  	_ =	swait.ge [sflag:s0], $0x2000  }
0xdf: {  	[sflag:s0] =	ssyncset.done $0x0  }
0xe0: {  	[sflag:s0] =	ssyncadd.s32 $0xFFFFE000  }
0xe1: {  	_ =	swait.ge [sflag:s0], $0x40  }
0xe2: {  	[sflag:s0] =	ssyncset.done $0x0  }
0xe3: {  	[sflag:s0] =	ssyncadd.s32 $0xFFFFFFC0  }
0xe4: {  	_ =	swait.ge [sflag:s5], $0xA00  }
0xe5: {  	[sflag:s5] =	ssyncset.done $0x0  }
0xe6: {  	[sflag:s5] =	ssyncadd.s32 $0xFFFFF600  }
0xe7: {  	[tilespmem:s18], [sflag:$0x1] =	stream.indirect.gather [hbm4b:s1+s17], $0x80, s28, s17, $0xb8;
	[tilespmem:$0x1F2F8] =	vst v63  }
0xe8: {  	s28 =	simm.s32 $0x880  }
0xe9: {  	[spmem:s2] =	stream.indirect.scatter.add.f32 [tilespmem:s23], [sflag:$0x6], $0x80, s28, s17, $0xb8;
	[tilespmem:$0x1F2F8] =	vst v63  }
0xea: {  	_ = 	snop  }
0xeb: {  	[spmem:s3] =	stream.indirect.scatter.add.f32 [tilespmem:s25], [sflag:$0x6], $0x1, s28, s17, $0xb8;
	[tilespmem:$0x1F2F8] =	vst v63  }
0xec: {  	_ =	swait.ge [sflag:s21], $0x2000  }
0xed: {  	[sflag:s21] =	ssyncset.done $0x0  }
0xee: {  	[sflag:s21] =	ssyncadd.s32 $0xFFFFE000  }
0xef: {  	_ =	swait.ge [sflag:s8], $0x2000  }
0xf0: {  	[sflag:s8] =	ssyncset.done $0x0  }
0xf1: {  	[sflag:s8] =	ssyncadd.s32 $0xFFFFE000  }
0xf2: {  	_ =	swait.ge [sflag:s8], $0x40  }
0xf3: {  	[sflag:s8] =	ssyncset.done $0x0  }
0xf4: {  	s15 =	simm.s32 $0xB00;
	[sflag:s8] =	ssyncadd.s32 $0xFFFFFFC0  }
0xf5: {  	[tilespmem:s20], [sflag:$0x1] =	stream.indirect.gather [hbm4b:s1+s17], $0x80, s15, s17, $0xb8;
	[tilespmem:$0x1F2F8] =	vst v63  }
0xf6: {  	s28 =	simm.s32 $0x980  }
0xf7: {  	[spmem:s2] =	stream.indirect.scatter.add.f32 [tilespmem:s29], [sflag:$0x7], $0x80, s28, s17, $0xb8;
	[tilespmem:$0x1F2F8] =	vst v63  }
0xf8: {  	_ = 	snop  }
0xf9: {  	[spmem:s3] =	stream.indirect.scatter.add.f32 [tilespmem:s25], [sflag:$0x7], $0x1, s28, s17, $0xb8;
	[tilespmem:$0x1F2F8] =	vst v63  }
0xfa: {  	_ =	swait.ge [sflag:s21], $0x2000  }
0xfb: {  	[sflag:s21] =	ssyncset.done $0x0  }
0xfc: {  	[sflag:s21] =	ssyncadd.s32 $0xFFFFE000  }
0xfd: {  	_ =	swait.ge [sflag:s11], $0x2000  }
0xfe: {  	[sflag:s11] =	ssyncset.done $0x0  }
0xff: {  	[sflag:s11] =	ssyncadd.s32 $0xFFFFE000  }
0x100: {  	_ =	swait.ge [sflag:s11], $0x40  }
0x101: {  	[sflag:s11] =	ssyncset.done $0x0  }
0x102: {  	s15 =	simm.s32 $0xC00;
	[sflag:s11] =	ssyncadd.s32 $0xFFFFFFC0  }
0x103: {  	[tilespmem:s31], [sflag:$0x1] =	stream.indirect.gather [hbm4b:s1+s17], $0x80, s15, s17, $0xb8;
	[tilespmem:$0x1F2F8] =	vst v63  }
0x104: {  	_ = 	snop  }
0x105: {  	[spmem:s2] =	stream.indirect.scatter.add.f32 [tilespmem:s18], [sflag:$0x3], $0x80, s14, s17, $0xb8;
	[tilespmem:$0x1F2F8] =	vst v63  }
0x106: {  	_ = 	snop  }
0x107: {  	[spmem:s3] =	stream.indirect.scatter.add.f32 [tilespmem:s25], [sflag:$0x3], $0x1, s14, s17, $0xb8;
	[tilespmem:$0x1F2F8] =	vst v63  }
0x108: {  	_ =	swait.ge [sflag:s21], $0x2000  }
0x109: {  	[sflag:s21] =	ssyncset.done $0x0  }
0x10a: {  	[sflag:s21] =	ssyncadd.s32 $0xFFFFE000  }
0x10b: {  	_ =	swait.ge [sflag:s7], $0x2000  }
0x10c: {  	[sflag:s7] =	ssyncset.done $0x0  }
0x10d: {  	[sflag:s7] =	ssyncadd.s32 $0xFFFFE000  }
0x10e: {  	_ =	swait.ge [sflag:s7], $0x40  }
0x10f: {  	[sflag:s7] =	ssyncset.done $0x0  }
0x110: {  	s28 =	simm.s32 $0xD00;
	[sflag:s7] =	ssyncadd.s32 $0xFFFFFFC0  }
0x111: {  	[tilespmem:s23], [sflag:$0x1] =	stream.indirect.gather [hbm4b:s1+s17], $0x80, s28, s17, $0xb8;
	[tilespmem:$0x1F2F8] =	vst v63  }
0x112: {  	_ = 	snop  }
0x113: {  	[spmem:s2] =	stream.indirect.scatter.add.f32 [tilespmem:s20], [sflag:$0x4], $0x80, s22, s17, $0xb8;
	[tilespmem:$0x1F2F8] =	vst v63  }
0x114: {  	_ = 	snop  }
0x115: {  	[spmem:s3] =	stream.indirect.scatter.add.f32 [tilespmem:s25], [sflag:$0x4], $0x1, s22, s17, $0xb8;
	[tilespmem:$0x1F2F8] =	vst v63  }
0x116: {  	_ =	swait.ge [sflag:s21], $0x2000  }
0x117: {  	[sflag:s21] =	ssyncset.done $0x0  }
0x118: {  	[sflag:s21] =	ssyncadd.s32 $0xFFFFE000  }
0x119: {  	_ =	swait.ge [sflag:s19], $0x2000  }
0x11a: {  	[sflag:s19] =	ssyncset.done $0x0  }
0x11b: {  	[sflag:s19] =	ssyncadd.s32 $0xFFFFE000  }
0x11c: {  	_ =	swait.ge [sflag:s19], $0x40  }
0x11d: {  	p1 =	seq.s32 s4, $0x1180;
	[sflag:s19] =	ssyncset.done $0x0;
	s9 =	rddreg [dreg:$0xc]  }
0x11e: {  	s28 =	simm.s32 @!p1 $0x0;
	[sflag:s19] =	ssyncadd.s32 $0xFFFFFFC0;
	s9 =	sadd.s32 @!p1 s4, s9  }
0x11f: {  	[tilespmem:s28], [sflag:$0x2] =	stream.linear.gather @!p1 [hbm4b:s9+s28], $0xA00, $0x38;
	[tilespmem:$0x1F2F8] =	vst v63  }
0x120: {  	s15 =	simm.s32 $0xE00  }
0x121: {  	[tilespmem:s29], [sflag:$0x1] =	stream.indirect.gather [hbm4b:s1+s17], $0x80, s15, s17, $0xb8;
	[tilespmem:$0x1F2F8] =	vst v63  }
0x122: {  	_ = 	snop  }
0x123: {  	[spmem:s2] =	stream.indirect.scatter.add.f32 [tilespmem:s31], [sflag:$0x5], $0x80, s12, s17, $0xb8;
	[tilespmem:$0x1F2F8] =	vst v63  }
0x124: {  	_ = 	snop  }
0x125: {  	[spmem:s3] =	stream.indirect.scatter.add.f32 [tilespmem:s25], [sflag:$0x5], $0x1, s12, s17, $0xb8;
	[tilespmem:$0x1F2F8] =	vst v63  }
0x126: {  	_ =	swait.ge [sflag:s21], $0x2000  }
0x127: {  	[sflag:s21] =	ssyncset.done $0x0  }
0x128: {  	[sflag:s21] =	ssyncadd.s32 $0xFFFFE000  }
0x129: {  	_ =	swait.ge [sflag:s0], $0x2000  }
0x12a: {  	[sflag:s0] =	ssyncset.done $0x0  }
0x12b: {  	[sflag:s0] =	ssyncadd.s32 $0xFFFFE000  }
0x12c: {  	_ =	swait.ge [sflag:s0], $0x40  }
0x12d: {  	[sflag:s0] =	ssyncset.done $0x0  }
0x12e: {  	s15 =	simm.s32 $0xF00;
	[sflag:s0] =	ssyncadd.s32 $0xFFFFFFC0  }
0x12f: {  	[tilespmem:s18], [sflag:$0x1] =	stream.indirect.gather [hbm4b:s1+s17], $0x80, s15, s17, $0xb8;
	[tilespmem:$0x1F2F8] =	vst v63  }
0x130: {  	_ = 	snop  }
0x131: {  	[spmem:s2] =	stream.indirect.scatter.add.f32 [tilespmem:s23], [sflag:$0x6], $0x80, s13, s17, $0xb8;
	[tilespmem:$0x1F2F8] =	vst v63  }
0x132: {  	_ = 	snop  }
0x133: {  	[spmem:s3] =	stream.indirect.scatter.add.f32 [tilespmem:s25], [sflag:$0x6], $0x1, s13, s17, $0xb8;
	[tilespmem:$0x1F2F8] =	vst v63  }
0x134: {  	_ =	swait.ge [sflag:s21], $0x2000  }
0x135: {  	[sflag:s21] =	ssyncset.done $0x0  }
0x136: {  	[sflag:s21] =	ssyncadd.s32 $0xFFFFE000  }
0x137: {  	_ =	swait.ge [sflag:s8], $0x2000  }
0x138: {  	[sflag:s8] =	ssyncset.done $0x0  }
0x139: {  	[sflag:s8] =	ssyncadd.s32 $0xFFFFE000  }
0x13a: {  	_ =	swait.ge [sflag:s8], $0x40  }
0x13b: {  	[sflag:s8] =	ssyncset.done $0x0  }
0x13c: {  	s15 =	simm.s32 $0x1000;
	[sflag:s8] =	ssyncadd.s32 $0xFFFFFFC0  }
0x13d: {  	[tilespmem:s20], [sflag:$0x1] =	stream.indirect.gather [hbm4b:s1+s17], $0x80, s15, s17, $0xb8;
	[tilespmem:$0x1F2F8] =	vst v63  }
0x13e: {  	_ = 	snop  }
0x13f: {  	[spmem:s2] =	stream.indirect.scatter.add.f32 [tilespmem:s29], [sflag:$0x7], $0x80, s24, s17, $0xb8;
	[tilespmem:$0x1F2F8] =	vst v63  }
0x140: {  	_ = 	snop  }
0x141: {  	[spmem:s3] =	stream.indirect.scatter.add.f32 [tilespmem:s25], [sflag:$0x7], $0x1, s24, s17, $0xb8;
	[tilespmem:$0x1F2F8] =	vst v63  }
0x142: {  	_ =	swait.ge [sflag:s21], $0x2000  }
0x143: {  	[sflag:s21] =	ssyncset.done $0x0  }
0x144: {  	[sflag:s21] =	ssyncadd.s32 $0xFFFFE000  }
0x145: {  	_ =	swait.ge [sflag:s11], $0x2000  }
0x146: {  	[sflag:s11] =	ssyncset.done $0x0  }
0x147: {  	[sflag:s11] =	ssyncadd.s32 $0xFFFFE000  }
0x148: {  	_ =	swait.ge [sflag:s11], $0x40  }
0x149: {  	[sflag:s11] =	ssyncset.done $0x0  }
0x14a: {  	s15 =	simm.s32 $0x1100;
	[sflag:s11] =	ssyncadd.s32 $0xFFFFFFC0  }
0x14b: {  	[tilespmem:s31], [sflag:$0x1] =	stream.indirect.gather [hbm4b:s1+s17], $0x80, s15, s17, $0xb8;
	[tilespmem:$0x1F2F8] =	vst v63  }
0x14c: {  	_ = 	snop  }
0x14d: {  	[spmem:s2] =	stream.indirect.scatter.add.f32 [tilespmem:s18], [sflag:$0x3], $0x80, s26, s17, $0xb8;
	[tilespmem:$0x1F2F8] =	vst v63  }
0x14e: {  	_ = 	snop  }
0x14f: {  	[spmem:s3] =	stream.indirect.scatter.add.f32 [tilespmem:s25], [sflag:$0x3], $0x1, s26, s17, $0xb8;
	[tilespmem:$0x1F2F8] =	vst v63  }
0x150: {  	_ =	swait.ge [sflag:s21], $0x2000  }
0x151: {  	[sflag:s21] =	ssyncset.done $0x0  }
0x152: {  	[sflag:s21] =	ssyncadd.s32 $0xFFFFE000  }
0x153: {  	_ =	swait.ge [sflag:s7], $0x2000  }
0x154: {  	[sflag:s7] =	ssyncset.done $0x0  }
0x155: {  	[sflag:s7] =	ssyncadd.s32 $0xFFFFE000  }
0x156: {  	_ =	swait.ge [sflag:s7], $0x40  }
0x157: {  	[sflag:s7] =	ssyncset.done $0x0  }
0x158: {  	s15 =	simm.s32 $0x1200;
	[sflag:s7] =	ssyncadd.s32 $0xFFFFFFC0  }
0x159: {  	[tilespmem:s23], [sflag:$0x1] =	stream.indirect.gather [hbm4b:s1+s17], $0x80, s15, s17, $0xb8;
	[tilespmem:$0x1F2F8] =	vst v63  }
0x15a: {  	_ = 	snop  }
0x15b: {  	[spmem:s2] =	stream.indirect.scatter.add.f32 [tilespmem:s20], [sflag:$0x4], $0x80, s30, s17, $0xb8;
	[tilespmem:$0x1F2F8] =	vst v63  }
0x15c: {  	_ = 	snop  }
0x15d: {  	[spmem:s3] =	stream.indirect.scatter.add.f32 [tilespmem:s25], [sflag:$0x4], $0x1, s30, s17, $0xb8;
	[tilespmem:$0x1F2F8] =	vst v63  }
0x15e: {  	_ =	swait.ge [sflag:s21], $0x2000  }
0x15f: {  	[sflag:s21] =	ssyncset.done $0x0  }
0x160: {  	[sflag:s21] =	ssyncadd.s32 $0xFFFFE000  }
0x161: {  	_ =	swait.ge [sflag:s19], $0x2000  }
0x162: {  	[sflag:s19] =	ssyncset.done $0x0  }
0x163: {  	[sflag:s19] =	ssyncadd.s32 $0xFFFFE000  }
0x164: {  	_ =	swait.ge [sflag:s19], $0x40  }
0x165: {  	[sflag:s19] =	ssyncset.done $0x0  }
0x166: {  	s15 =	simm.s32 $0x1300;
	[sflag:s19] =	ssyncadd.s32 $0xFFFFFFC0  }
0x167: {  	[tilespmem:s29], [sflag:$0x1] =	stream.indirect.gather [hbm4b:s1+s17], $0x80, s15, s17, $0xb8;
	[tilespmem:$0x1F2F8] =	vst v63  }
0x168: {  	_ = 	snop  }
0x169: {  	[spmem:s2] =	stream.indirect.scatter.add.f32 [tilespmem:s31], [sflag:$0x5], $0x80, s6, s17, $0xb8;
	[tilespmem:$0x1F2F8] =	vst v63  }
0x16a: {  	_ = 	snop  }
0x16b: {  	[spmem:s3] =	stream.indirect.scatter.add.f32 [tilespmem:s25], [sflag:$0x5], $0x1, s6, s17, $0xb8;
	[tilespmem:$0x1F2F8] =	vst v63  }
0x16c: {  	_ =	swait.ge [sflag:s21], $0x2000  }
0x16d: {  	[sflag:s21] =	ssyncset.done $0x0  }
0x16e: {  	[sflag:s21] =	ssyncadd.s32 $0xFFFFE000  }
0x16f: {  	_ =	swait.ge [sflag:s0], $0x2000  }
0x170: {  	[sflag:s0] =	ssyncset.done $0x0  }
0x171: {  	[sflag:s0] =	ssyncadd.s32 $0xFFFFE000  }
0x172: {  	_ =	swait.ge [sflag:s0], $0x40  }
0x173: {  	[sflag:s0] =	ssyncset.done $0x0  }
0x174: {  	s9 =	simm.s32 @!p1 $0x2;
	[sflag:s0] =	ssyncadd.s32 $0xFFFFFFC0  }
0x175: {  	_ =	swait.ge @!p1 [sflag:s9], $0xA00  }
0x176: {  	[sflag:s9] =	ssyncset.done @!p1 $0x0  }
0x177: {  	s15 =	simm.s32 @!p1 $0x1400;
	[sflag:s9] =	ssyncadd.s32 @!p1 $0xFFFFF600;
	s9 =	simm.s32 @!p1 $0x40  }
0x178: {  	[tilespmem:s15], [sflag:$0x1] =	stream.indirect.gather @!p1 [hbm4b:s1+s9], $0x80, s28, s9, $0xb8;
	[tilespmem:$0x1F2F8] =	vst v63  }
0x179: {  	_ = 	snop  }
0x17a: {  	[spmem:s2] =	stream.indirect.scatter.add.f32 [tilespmem:s23], [sflag:$0x6], $0x80, s10, s17, $0xb8;
	[tilespmem:$0x1F2F8] =	vst v63  }
0x17b: {  	_ = 	snop  }
0x17c: {  	[spmem:s3] =	stream.indirect.scatter.add.f32 [tilespmem:s25], [sflag:$0x6], $0x1, s10, s17, $0xb8;
	[tilespmem:$0x1F2F8] =	vst v63  }
0x17d: {  	_ =	swait.ge [sflag:s21], $0x2000  }
0x17e: {  	[sflag:s21] =	ssyncset.done $0x0  }
0x17f: {  	[sflag:s21] =	ssyncadd.s32 $0xFFFFE000  }
0x180: {  	_ =	swait.ge [sflag:s8], $0x2000  }
.Ltmp2:
0x181: {  	[sflag:s8] =	ssyncset.done $0x0;
	(pc) =	sbr.rel @p1 .LBB2_4-.Ltmp2, $4  }
0x182: {  	[sflag:s8] =	ssyncadd.s32 $0xFFFFE000  }
0x183: {  	_ =	swait.ge [sflag:s8], $0x40  }
0x184: {  	[sflag:s8] =	ssyncset.done $0x0  }
0x185: {  	[sflag:s8] =	ssyncadd.s32 $0xFFFFFFC0  }
0x186: {  	s9 =	simm.s32 $0x100  }
0x187: {  	[tilespmem:s20], [sflag:$0x1] =	stream.indirect.gather [hbm4b:s1+s17], $0x80, s9, s17, $0xb8;
	[tilespmem:$0x1F2F8] =	vst v63  }
.Ltmp3:
0x188: {  	_ = 	snop;
	(pc) =	sbr.rel .LBB2_2-.Ltmp3, $4  }
0x189: {  	_ = 	snop  }
0x18a: {  	[spmem:s2] =	stream.indirect.scatter.add.f32 [tilespmem:s29], [sflag:$0x7], $0x80, s16, s17, $0xb8;
	[tilespmem:$0x1F2F8] =	vst v63  }
0x18b: {  	s4 =	sadd.s32 $0x280, s4  }
0x18c: {  	[spmem:s3] =	stream.indirect.scatter.add.f32 [tilespmem:s25], [sflag:$0x7], $0x1, s16, s17, $0xb8;
	[tilespmem:$0x1F2F8] =	vst v63  }
.LBB2_5:
0x18d: {  	_ =	sfence.sel $0x180000  }
0x18e: {  	[bflag:$0x0] =	sbarrier.arrive $0xFFFF  }
0x18f: {  	_ =	strace $0x90000047  }
0x190: {  	[bflag:$0x2] =	sbarrier.arrive $0xFFFF  }
0x191: {  	s0 =	rddreg [dreg:$0x4]  }
0x192: {  	s0 =	sadd.s32 @!p0 $0x100000, s0  }
0x193: {  	[sflag:s0] =	ssyncadd.tile.s32 @!p0 $0x1;
	_ =	shalt  }
.Lfunc_end2:
_tile_overlayer_lowered:
.L_overlay_start_2:
0x194: {  	(tag) =	ssettag $0x2  }
0x195: {  	s0 =	rddreg [dreg:$0x0];
	s2 =	stileid.u32  }
0x196: {  	s1 =	rddreg [dreg:$0x1];
	p0 =	sne.s32 s2, $0x0  }
0x197: {  	s3 =	rddreg [dreg:$0x2];
	[bflag:$0x3] =	sbarrier.arrive $0xFFFF;
	s2 =	simm.s32 @!p0 $0x1C08  }
0x198: {  	[timem:s3], [sflag:s2] =	dma.local @!p0 [hbm:s0], s1  }
0x199: {  	s0 =	simm.s32 @!p0 $0x8  }
0x19a: {  	_ =	swait.ge @!p0 [sflag:s0], s1  }
0x19b: {  	s1 =	ssub.s32 @!p0 $0x0, s1;
	[sflag:s0] =	ssyncset.done @!p0 $0x0  }
0x19c: {  	[sflag:s0] =	ssyncadd.s32 @!p0 s1  }
0x19d: {  	[bflag:$0x3] =	sbarrier.arrive $0xFFFF  }
0x19e: {  	_ =	shalt  }

// kernel: kernel.9.cloned.1.call-start
scs
__scs_entry_jumppad:
0x0: {  	(pc) =	sbr.rel $0x88, $3  }
0x1: {  	(tag) =	ssettag $0x0;
	lr =	simm.s32 $0x1  }
0x2: {  	[smem:$0x3F96] =	sst lr;
	_ =	strace $0xD0000000  }
0x3: {  	_ = 	snop  }
0x4: {  	_ = 	snop  }
0x5: {  	_ = 	snop  }
0x6: {  	_ = 	snop  }
0x7: {  	_ = 	snop  }
__scs_overlays_trampoline_lowered:
0x8: {  	[smem:$0x3FA5] =	sst s0  }
0x9: {  	[smem:$0x3FA6] =	sst s1  }
0xa: {  	[smem:$0x3FA7] =	sst s2  }
0xb: {  	[smem:$0x3FA8] =	sst s3  }
0xc: {  	[smem:$0x3FA9] =	sst s4  }
0xd: {  	[smem:$0x3FAA] =	sst s5  }
0xe: {  	[smem:$0x3FAB] =	sst s6  }
0xf: {  	[smem:$0x3FAC] =	sst s7  }
0x10: {  	[smem:$0x3FAD] =	sst s8  }
0x11: {  	[smem:$0x3FAE] =	sst s9;
	s0 =	simm.s32 @!p0 $0x0  }
0x12: {  	s1 =	sld [smem:$0x3F94];
	s0 =	simm.s32 @p0 $0x1  }
0x13: {  	[smem:$0x3FAF] =	sst s0;
	s0 =	simm.s32 @!p1 $0x0  }
0x14: {  	s2 =	sld [smem:$0x3F93];
	s0 =	simm.s32 @p1 $0x1  }
0x15: {  	[smem:$0x3FB0] =	sst s0;
	s0 =	simm.s32 @!p2 $0x0  }
0x16: {  	s3 =	sld [smem:$0x3FDB];
	s0 =	simm.s32 @p2 $0x1  }
0x17: {  	s4 =	simm.s32 $0x1BF5;
	[smem:$0x3FB2] =	sst s0  }
0x18: {  	s0 =	sld [smem:$0x3F95];
	_ =	swait.ge [sflag:s4], $0x0  }
0x19: {  	s7 =	sld [smem:$0x3F96]  }
0x1a: {  	s8 =	sadd.s32 $0xFFFFE003, lr  }
0x1b: {  	s9 =	sadd.s32 $0xFFFFFEF7, lr;
	s5 =	simm.s32 $0xFFFFFFFF;
	p2 =	slt.u32 s8, $0xFFFFF086  }
0x1c: {  	p1 =	slt.u32 s9, $0xF7A;
	s5 =	simm.s32 @!p2 $0x0  }
0x1d: {  	s5 =	simm.s32 @p1 $0x1;
	p0 =	seq.s32 s7, s2  }
0x1e: {  	s7 =	smul.u32 @!p0 $0xF7A, s2;
	p2 =	seq.s32 @!p0 s5, $0x0  }
0x1f: {  	s9 =	smul.u32 $0xF7A, s1;
	s8 =	simm.s32 @!p0 $0x1BF5;
	p2 =	por !p2, p0  }
0x20: {  	[sflag:s8] =	ssyncset.s32 @!p0 $0xFFFFF086;
	s6 =	sadd.s32 @!p0 s3, s7;
	s7 =	simm.s32 @!p0 $0x108  }
0x21: {  	s3 =	sadd.s32 s3, s9;
	s6 =	sadd.s32 @!p0 $0x88, s6;
	s7 =	simm.s32 @p2 $0x1082  }
0x22: {  	[simem:s7], [sflag:s8] =	dma.local @!p0 [hbm:s6], $0xF7A  }
0x23: {  	s9 =	sor.u32 $0xD0000000, s2;
	s6 =	simm.s32 $0x108;
	_ =	swait.ge @!p0 [sflag:s8], $0x0  }
0x24: {  	s3 =	sadd.s32 $0x88, s3;
	s6 =	simm.s32 @!p1 $0x1082;
	[sflag:s4] =	ssyncset.s32 $0xFFFFF086  }
0x25: {  	[simem:s6], [sflag:s4] =	dma.local [hbm:s3], $0xF7A  }
0x26: {  	[smem:$0x3F96] =	sst s1;
	(tag) =	ssettag s2;
	_ =	strace s9  }
0x27: {  	s1 =	sld [smem:$0x3FA6]  }
0x28: {  	s2 =	sld [smem:$0x3FA7]  }
0x29: {  	s4 =	sld [smem:$0x3FA9]  }
0x2a: {  	p0 =	seq.s32 s5, $0x0;
	s5 =	sld [smem:$0x3FAA]  }
0x2b: {  	s6 =	sld [smem:$0x3FAB]  }
0x2c: {  	s7 =	sld [smem:$0x3FAC]  }
0x2d: {  	s3 =	simm.s32 $0x108;
	s8 =	sld [smem:$0x3FAD]  }
0x2e: {  	s3 =	simm.s32 @!p0 $0x1082;
	s9 =	sld [smem:$0x3FAE]  }
0x2f: {  	lr =	sadd.s32 s0, s3;
	s0 =	sld [smem:$0x3FA5]  }
0x30: {  	s3 =	sld [smem:$0x3FA8]  }
0x31: {  	[smem:$0x3FB1] =	sst s10  }
0x32: {  	s10 =	sld [smem:$0x3FAF];
	_ =	sdelay $0x3  }
0x33: {  	p0 =	seq.s32 s10, $0x1;
	s10 =	sld [smem:$0x3FB1];
	_ =	sdelay $0x3  }
0x34: {  	[smem:$0x3FB1] =	sst s10  }
0x35: {  	s10 =	sld [smem:$0x3FB0];
	_ =	sdelay $0x3  }
0x36: {  	p1 =	seq.s32 s10, $0x1;
	s10 =	sld [smem:$0x3FB1];
	_ =	sdelay $0x3  }
0x37: {  	[smem:$0x3FB1] =	sst s10  }
0x38: {  	s10 =	sld [smem:$0x3FB2]  }
0x39: {  	_ = 	snop;
	(pc) =	sbr.ind lr, $3  }
0x3a: {  	_ = 	snop  }
0x3b: {  	_ = 	snop  }
0x3c: {  	p2 =	seq.s32 s10, $0x1;
	s10 =	sld [smem:$0x3FB1]  }
0x3d: {  	_ =	shalt  }
0x3e: {  	_ =	shalt  }
0x3f: {  	_ =	shalt  }
0x40: {  	_ =	shalt  }
0x41: {  	_ =	shalt  }
0x42: {  	_ =	shalt  }
0x43: {  	_ =	shalt  }
0x44: {  	_ =	shalt  }
0x45: {  	_ =	shalt  }
0x46: {  	_ =	shalt  }
0x47: {  	_ =	shalt  }
0x48: {  	_ =	shalt  }
0x49: {  	_ =	shalt  }
0x4a: {  	_ =	shalt  }
0x4b: {  	_ =	shalt  }
0x4c: {  	_ =	shalt  }
0x4d: {  	_ =	shalt  }
0x4e: {  	_ =	shalt  }
0x4f: {  	_ =	shalt  }
0x50: {  	_ =	shalt  }
0x51: {  	_ =	shalt  }
0x52: {  	_ =	shalt  }
0x53: {  	_ =	shalt  }
0x54: {  	_ =	shalt  }
0x55: {  	_ =	shalt  }
0x56: {  	_ =	shalt  }
0x57: {  	_ =	shalt  }
0x58: {  	_ =	shalt  }
0x59: {  	_ =	shalt  }
0x5a: {  	_ =	shalt  }
0x5b: {  	_ =	shalt  }
0x5c: {  	_ =	shalt  }
0x5d: {  	_ =	shalt  }
0x5e: {  	_ =	shalt  }
0x5f: {  	_ =	shalt  }
0x60: {  	_ =	shalt  }
0x61: {  	_ =	shalt  }
0x62: {  	_ =	shalt  }
0x63: {  	_ =	shalt  }
0x64: {  	_ =	shalt  }
0x65: {  	_ =	shalt  }
0x66: {  	_ =	shalt  }
0x67: {  	_ =	shalt  }
0x68: {  	_ =	shalt  }
0x69: {  	_ =	shalt  }
0x6a: {  	_ =	shalt  }
0x6b: {  	_ =	shalt  }
0x6c: {  	_ =	shalt  }
0x6d: {  	_ =	shalt  }
0x6e: {  	_ =	shalt  }
0x6f: {  	_ =	shalt  }
0x70: {  	_ =	shalt  }
0x71: {  	_ =	shalt  }
0x72: {  	_ =	shalt  }
0x73: {  	_ =	shalt  }
0x74: {  	_ =	shalt  }
0x75: {  	_ =	shalt  }
0x76: {  	_ =	shalt  }
0x77: {  	_ =	shalt  }
0x78: {  	_ =	shalt  }
0x79: {  	_ =	shalt  }
0x7a: {  	_ =	shalt  }
0x7b: {  	_ =	shalt  }
0x7c: {  	_ =	shalt  }
0x7d: {  	_ =	shalt  }
0x7e: {  	_ =	shalt  }
0x7f: {  	_ =	shalt  }
0x80: {  	_ =	shalt  }
0x81: {  	_ =	shalt  }
0x82: {  	_ =	shalt  }
0x83: {  	_ =	shalt  }
0x84: {  	_ =	shalt  }
0x85: {  	_ =	shalt  }
0x86: {  	_ =	shalt  }
0x87: {  	_ =	shalt  }
.Lfunc_end0:
.L_simem_size_0:
called_computation.1_lowered:
.L_overlay_start_0:
0x88: {  	s2 =	sld [smem:$0x3FD9]  }
0x89: {  	s3 =	sld [smem:$0x3FFE];
	_ =	sdelay $0x1  }
0x8a: {  	s1 =	srdreg.scid  }
0x8b: {  	s0 =	sand.u32 $0x1, s1  }
0x8c: {  	s16 =	sshll.u32 s0, $0xA;
	s2 =	sadd.s32 s3, s2  }
0x8d: {  	s2 =	sadd.s32 s2, s16  }
0x8e: {  	[smem:$0x3FBD] =	sst s2  }
0x8f: {  	_ = 	snop  }
0x90: {  	(tm) =	ssettm $0x1  }
0x91: {  	s17 =	sld [smem:$0x3FFB];
	_ =	sdelay $0x3  }
0x92: {  	_ =	strace s17  }
0x93: {  	s2 =	sld [smem:$0x3FFC];
	_ =	sdelay $0x3  }
0x94: {  	_ =	strace s2  }
0x95: {  	s2 =	sld [smem:$0x3FFD];
	_ =	sdelay $0x3  }
0x96: {  	_ =	strace s2  }
0x97: {  	_ =	strace $0x8FFFFFFF  }
0x98: {  	s18 =	sld [smem:$0x3FDB];
	_ =	sdelay $0x1  }
0x99: {  	s19 =	simm.s32 $_scs_section_size  }
0x9a: {  	s4 =	simm.s32 $_size__tile_overlayer_lowered;
	s5 =	simm.s32 $_tile_overlayer_lowered  }
0x9b: {  	s22 =	simm.s32 $0x1BFF;
	s21 =	sshll.u32 s5, $0x1;
	s2 =	sadd.s32 s19, s18  }
0x9c: {  	s6 =	simm.s32 $0x0;
	s20 =	sshll.u32 s4, $0x1;
	s4 =	sadd.s32 s21, s2  }
0x9d: {  	[timem:s6], [sflag:s22] =	dma.local [hbm:s4], s20  }
0x9e: {  	_ =	swait.ge [sflag:s22], s20  }
0x9f: {  	s3 =	ssub.s32 $0x0, s20;
	[sflag:s22] =	ssyncset.done $0x0  }
0xa0: {  	[sflag:s22] =	ssyncadd.s32 s3;
	_ =	sdelay $0x1  }
0xa1: {  	s23 =	simm.s32 $0x1B8B  }
0xa2: {  	_ =	swait.ge [sflag:s23], $0x1  }
0xa3: {  	[sflag:s23] =	ssyncset.done $0x0  }
0xa4: {  	s25 =	simm.s32 $0x1B8E;
	s24 =	sld [smem:$0x3FFE];
	[sflag:s23] =	ssyncadd.s32 $0xFFFFFFFF  }
0xa5: {  	s26 =	simm.s32 $execute0_lowered;
	[smem:$0x3FD2] =	sst s25  }
0xa6: {  	s4 =	sshll.u32 s26, $0x1;
	_ =	strace $0x80000049;
	[dreg:$0x1] =	wrdreg $0xFFFFFFFF  }
0xa7: {  	s28 =	simm.s32 $_size_execute0_lowered;
	s2 =	sadd.s32 s2, s4;
	[dreg:$0x0] =	wrdreg $0x0  }
0xa8: {  	s4 =	sshll.u32 s28, $0x1;
	[dreg:$0x2] =	wrdreg s2  }
0xa9: {  	[dreg:$0x3] =	wrdreg s4  }
0xaa: {  	[dreg:$0x4] =	wrdreg $0xC0  }
0xab: {  	_ =	task [dreg:s6], $0x5FFFF  }
0xac: {  	[dreg:$0x1] =	wrdreg $0xFFFFFFFF  }
0xad: {  	[dreg:$0x0] =	wrdreg $0x60  }
0xae: {  	[dreg:$0x2] =	wrdreg s24  }
0xaf: {  	[dreg:$0x3] =	wrdreg $0xB4000  }
0xb0: {  	[dreg:$0x4] =	wrdreg $0x9  }
0xb1: {  	_ =	task.clear_ibuf [dreg:s6], $0x5FFFF;
	_ =	strace $0x90000049  }
0xb2: {  	s29 =	simm.s32 $0x9;
	_ =	strace $0x8000004B  }
0xb3: {  	_ =	swait.ge [sflag:s29], $0x1  }
0xb4: {  	[sflag:s29] =	ssyncadd.s32 $0xFFFFFFFF  }
0xb5: {  	_ =	strace $0x9000004B  }
0xb6: {  	_ =	sfence  }
0xb7: {  	s30 =	sld [smem:$0x0];
	_ =	sdelay $0x2  }
0xb8: {  	s31 =	sshll.u32 s1, $0xD;
	s1 =	sshrl.u32 s1, $0x2  }
0xb9: {  	s3 =	sand.u32 $0x4000, s31;
	s1 =	sadd.s32 s1, s30  }
0xba: {  	s0 =	sor.u32 s3, s0;
	s1 =	sshll.u32 s1, $0x11  }
0xbb: {  	s0 =	sor.u32 s1, s0  }
0xbc: {  	s0 =	sadd.s32 $0x8F2B, s0  }
0xbd: {  	[sflag:s0] =	ssyncadd.remote.s32 $0x1  }
0xbe: {  	_ =	sfence.sel $0xFFFF  }
0xbf: {  	[dreg:$0x0] =	wrdreg $0xFFFFFFFF;
	(pc) =	sbr.abs _section_cstart, $3  }
0xc0: {  	[dreg:$0x1] =	wrdreg $0xFFFFFFFF  }
0xc1: {  	_ =	task.clear_ibuf [dreg:s6], $0x2FFFF;
	_ =	strace $0x9FFFFFFF  }
0xc2: {  	(tm) =	ssettm $0x7FFFFFFF  }
0xc3: {  	_ =	shalt  }
tec
execute0_lowered:
.L_overlay_start_1:
0x0: {  	(tag) =	ssettag $0x1  }
0x1: {  	s0 =	rddreg [dreg:$0x0]  }
0x2: {  	s2 =	rddreg [dreg:$0x1];
	s10 =	stileid.u32  }
0x3: {  	s4 =	srdreg.scid;
	s3 =	simm.s32 $0x0;
	s11 =	simm.s32 $0x8  }
0x4: {  	s12 =	simm.s32 $0x40;
	s13 =	simm.s32 $0x1400;
	s15 =	simm.s32 $0x3400  }
0x5: {  	s16 =	simm.s32 $0x1;
	s18 =	simm.s32 $0x7400;
	s29 =	simm.s32 $0x4  }
0x6: {  	s17 =	simm.s32 $0x2;
	s14 =	simm.s32 $0xE80;
	s19 =	simm.s32 $0x1100  }
0x7: {  	s28 =	simm.s32 $0x1300;
	s30 =	simm.s32 $0x1180;
	s1 =	smul.u32 $0x2800, s10  }
0x8: {  	s31 =	simm.s32 $0x1280;
	s5 =	smul.u32 $0x13C00, s10;
	s4 =	sand.u32 $0x1, s4  }
0x9: {  	[smem:$0x7FF] =	sst s3;
	s8 =	smul.u32 $0x4F000, s10;
	s22 =	sshll.u32 s10, $0x6  }
0xa: {  	s10 =	simm.s32 $0x7;
	s6 =	smul.u32 $0x13C000, s4;
	_ =	strace $0x8000004A  }
0xb: {  	s20 =	ssub.s32 $0x2, s4;
	p0 =	seq.s32 s4, $0x0;
	s4 =	simm.s32 $0x0  }
0xc: {  	s1 =	sadd.s32 s1, s0;
	s7 =	sshrl.u32 s5, $0x3;
	s9 =	sshrl.u32 s20, $0x1  }
0xd: {  	s21 =	sshrl.u32 s8, $0x2;
	s8 =	sor.u32 $0x1C08, s22;
	s22 =	simm.s32 $0x9400  }
0xe: {  	[dreg:$0x8] =	wrdreg s4;
	s5 =	sadd.s32 s5, s6;
	s7 =	sadd.s32 s7, s0  }
0xf: {  	s9 =	ssub.s32 s20, s9;
	s23 =	sadd.s32 s21, s2;
	s6 =	sadd.s32 $0x3600, s1  }
0x10: {  	s1 =	simm.s32 $0x52E00;
	s20 =	simm.s32 $0xA00;
	s21 =	simm.s32 $0xF80  }
0x11: {  	[dreg:$0x4] =	wrdreg s8;
	s5 =	sshrl.u32 s5, $0x3;
	s24 =	sadd.s32 $0x2B600, s7  }
0x12: {  	s26 =	smax.u32 s9, $0x1;
	s1 =	simm.s32 @!p0 $0x7A000;
	s7 =	simm.s32 $0x6  }
.Ltmp0:
0x13: {  	s5 =	sadd.s32 s5, s0;
	[dreg:$0x3] =	wrdreg s24;
	(pc) =	sbr.rel .LBB2_1-.Ltmp0, $4  }
0x14: {  	[dreg:$0x6] =	wrdreg s26;
	s9 =	sadd.s32 s1, s0;
	s24 =	simm.s32 $0x5400  }
0x15: {  	s0 =	simm.s32 $0x5;
	s26 =	simm.s32 $0x1080;
	s25 =	sadd.s32 $0xF1E00, s5  }
0x16: {  	s1 =	simm.s32 $0x1380;
	s5 =	sshrl.u32 s23, $0x3;
	[dreg:$0x5] =	wrdreg s25  }
0x17: {  	s23 =	simm.s32 $0x1200;
	s25 =	simm.s32 $0x3;
	[dreg:$0x7] =	wrdreg s5  }
.LBB2_4:
0x18: {  	[spmem:s2] =	stream.indirect.scatter.add.f32 [tilespmem:s18], [sflag:$0x6], $0x80, s31, s12, $0xb8;
	[tilespmem:$0x1F000] =	vst v63  }
0x19: {  	_ =	swait.ge [sflag:s16], $0x2000  }
0x1a: {  	[sflag:s16] =	ssyncset.done $0x0  }
0x1b: {  	[sflag:s16] =	ssyncadd.s32 $0xFFFFE000  }
0x1c: {  	_ =	swait.ge [sflag:s29], $0x2000  }
0x1d: {  	[sflag:s29] =	ssyncset.done $0x0  }
0x1e: {  	[sflag:s29] =	ssyncadd.s32 $0xFFFFE000  }
0x1f: {  	[spmem:s2] =	stream.indirect.scatter.add.f32 [tilespmem:s22], [sflag:$0x7], $0x80, s1, s12, $0xb8;
	[tilespmem:$0x1F000] =	vst v63  }
0x20: {  	_ =	swait.ge [sflag:s0], $0x2000  }
0x21: {  	[sflag:s0] =	ssyncset.done $0x0  }
0x22: {  	[sflag:s0] =	ssyncadd.s32 $0xFFFFE000  }
0x23: {  	_ =	swait.ge [sflag:s7], $0x2000  }
0x24: {  	[sflag:s7] =	ssyncset.done $0x0  }
0x25: {  	[sflag:s7] =	ssyncadd.s32 $0xFFFFE000  }
0x26: {  	_ =	swait.ge [sflag:s10], $0x2000  }
0x27: {  	[sflag:s10] =	ssyncset.done $0x0  }
0x28: {  	[sflag:s10] =	ssyncadd.s32 $0xFFFFE000  }
0x29: {  	[bflag:$0x0] =	sbarrier.arrive $0xFFFF  }
0x2a: {  	s8 =	rddreg [dreg:$0x4]  }
0x2b: {  	s4 =	rddreg [dreg:$0x5]  }
0x2c: {  	s11 =	simm.s32 $0x8;
	s5 =	rddreg [dreg:$0x7]  }
0x2d: {  	[hbm:s4], [sflag:s8] =	dma.local [spmem:s5], $0x2780  }
0x2e: {  	_ =	swait.ge [sflag:s11], $0x2780  }
0x2f: {  	s14 =	rddreg [dreg:$0x8]  }
0x30: {  	s4 =	rddreg [dreg:$0x6];
	s14 =	sadd.s32 $0x1, s14  }
0x31: {  	p0 =	sne.s32 s14, s4  }
.Ltmp1:
0x32: {  	_ = 	snop;
	(pc) =	sbr.rel @!p0 .LBB2_5-.Ltmp1, $3  }
0x33: {  	_ =	sdelay $0x1  }
0x34: {  	[sflag:s11] =	ssyncset.done $0x0  }
0x35: {  	[sflag:s11] =	ssyncadd.s32 $0xFFFFD880;
	[dreg:$0x8] =	wrdreg s14;
	s14 =	simm.s32 $0xE80  }
.LBB2_1:
0x36: {  	s4 =	rddreg [dreg:$0x3]  }
0x37: {  	[spmem:s5], [sflag:s8] =	dma.local [hbm:s4], $0x2780  }
0x38: {  	_ =	swait.ge [sflag:s11], $0x2780  }
0x39: {  	[sflag:s11] =	ssyncset.done $0x0  }
0x3a: {  	[sflag:s11] =	ssyncadd.s32 $0xFFFFD880  }
0x3b: {  	[bflag:$0x0] =	sbarrier.arrive $0xFFFF  }
0x3c: {  	[tilespmem:s3], [sflag:$0x8] =	stream.linear.gather [hbm4b:s6+s3], $0xA00, $0x38;
	[tilespmem:$0x1F000] =	vst v63  }
0x3d: {  	_ =	swait.ge [sflag:s11], $0xA00  }
0x3e: {  	[sflag:s11] =	ssyncset.done $0x0  }
0x3f: {  	[sflag:s11] =	ssyncadd.s32 $0xFFFFF600  }
0x40: {  	[tilespmem:s13], [sflag:$0x1] =	stream.indirect.gather [hbm4b:s9+s12], $0x80, s3, s12, $0xb8;
	[tilespmem:$0x1F000] =	vst v63  }
0x41: {  	s4 =	simm.s32 $0xFFFFDA80;
	s11 =	simm.s32 $0x100  }
0x42: {  	[tilespmem:s15], [sflag:$0x1] =	stream.indirect.gather [hbm4b:s9+s12], $0x80, s11, s12, $0xb8;
	[tilespmem:$0x1F000] =	vst v63  }
.LBB2_2:
0x43: {  	_ =	swait.ge [sflag:s16], $0x2000;
	p0 =	seq.s32 s4, $0xFFFFDA80  }
0x44: {  	[sflag:s16] =	ssyncset.done $0x0;
	s8 =	simm.s32 @p0 $0x40  }
0x45: {  	s5 =	simm.s32 @p0 $0x200;
	s11 =	simm.s32 @p0 $0x5400;
	[sflag:s16] =	ssyncadd.s32 $0xFFFFE000  }
0x46: {  	[tilespmem:s11], [sflag:$0x1] =	stream.indirect.gather @p0 [hbm4b:s9+s8], $0x80, s5, s8, $0xb8;
	[tilespmem:$0x1F000] =	vst v63  }
0x47: {  	s5 =	simm.s32 @p0 $0x80;
	s11 =	simm.s32 @p0 $0x1400  }
0x48: {  	[spmem:s2] =	stream.indirect.scatter.add.f32 @p0 [tilespmem:s11], [sflag:$0x3], $0x80, s5, s8, $0xb8;
	[tilespmem:$0x1F000] =	vst v63  }
0x49: {  	s5 =	simm.s32 @!p0 $0x5  }
0x4a: {  	_ =	swait.ge @!p0 [sflag:s5], $0x2000  }
0x4b: {  	s8 =	simm.s32 @!p0 $0x200;
	[sflag:s5] =	ssyncset.done @!p0 $0x0  }
0x4c: {  	s11 =	simm.s32 @!p0 $0x5400;
	[sflag:s5] =	ssyncadd.s32 @!p0 $0xFFFFE000;
	s5 =	simm.s32 @!p0 $0x40  }
0x4d: {  	[tilespmem:s11], [sflag:$0x1] =	stream.indirect.gather @!p0 [hbm4b:s9+s5], $0x80, s8, s5, $0xb8;
	[tilespmem:$0x1F000] =	vst v63  }
0x4e: {  	s8 =	simm.s32 @!p0 $0x80;
	s11 =	simm.s32 @!p0 $0x1400  }
0x4f: {  	[spmem:s2] =	stream.indirect.scatter.add.f32 @!p0 [tilespmem:s11], [sflag:$0x3], $0x80, s8, s5, $0xb8;
	[tilespmem:$0x1F000] =	vst v63  }
0x50: {  	s5 =	simm.s32 @!p0 $0x1  }
0x51: {  	_ =	swait.ge @!p0 [sflag:s5], $0x2000  }
0x52: {  	s8 =	simm.s32 @!p0 $0x6;
	[sflag:s5] =	ssyncset.done @!p0 $0x0  }
0x53: {  	s8 =	simm.s32 @p0 $0x1;
	[sflag:s5] =	ssyncadd.s32 @!p0 $0xFFFFE000  }
0x54: {  	_ =	swait.ge [sflag:s8], $0x2000  }
0x55: {  	[sflag:s8] =	ssyncset.done $0x0  }
0x56: {  	s11 =	simm.s32 $0x300;
	[sflag:s8] =	ssyncadd.s32 $0xFFFFE000  }
0x57: {  	[tilespmem:s18], [sflag:$0x1] =	stream.indirect.gather [hbm4b:s9+s12], $0x80, s11, s12, $0xb8;
	[tilespmem:$0x1F000] =	vst v63  }
0x58: {  	s8 =	simm.s32 $0x180  }
0x59: {  	[spmem:s2] =	stream.indirect.scatter.add.f32 [tilespmem:s15], [sflag:$0x4], $0x80, s8, s12, $0xb8;
	[tilespmem:$0x1F000] =	vst v63  }
0x5a: {  	_ =	swait.ge [sflag:s16], $0x2000  }
0x5b: {  	[sflag:s16] =	ssyncset.done $0x0  }
0x5c: {  	s5 =	simm.s32 @!p0 $0x7;
	[sflag:s16] =	ssyncadd.s32 $0xFFFFE000  }
0x5d: {  	_ =	swait.ge @!p0 [sflag:s5], $0x2000  }
0x5e: {  	s11 =	sadd.s32 s4, s6;
	[sflag:s5] =	ssyncset.done @!p0 $0x0  }
0x5f: {  	s11 =	sadd.s32 $0x26C0, s11;
	[sflag:s5] =	ssyncadd.s32 @!p0 $0xFFFFE000  }
0x60: {  	[tilespmem:s20], [sflag:$0x2] =	stream.linear.gather [hbm4b:s11+s3], $0xA00, $0x38;
	[tilespmem:$0x1F000] =	vst v63  }
0x61: {  	s8 =	simm.s32 $0x400  }
0x62: {  	[tilespmem:s22], [sflag:$0x1] =	stream.indirect.gather [hbm4b:s9+s12], $0x80, s8, s12, $0xb8;
	[tilespmem:$0x1F000] =	vst v63  }
0x63: {  	s11 =	simm.s32 $0x280  }
0x64: {  	[spmem:s2] =	stream.indirect.scatter.add.f32 [tilespmem:s24], [sflag:$0x5], $0x80, s11, s12, $0xb8;
	[tilespmem:$0x1F000] =	vst v63  }
0x65: {  	_ =	swait.ge [sflag:s16], $0x2000  }
0x66: {  	[sflag:s16] =	ssyncset.done $0x0  }
0x67: {  	[sflag:s16] =	ssyncadd.s32 $0xFFFFE000  }
0x68: {  	_ =	swait.ge [sflag:s25], $0x2000  }
0x69: {  	[sflag:s25] =	ssyncset.done $0x0  }
0x6a: {  	s8 =	simm.s32 $0x500;
	[sflag:s25] =	ssyncadd.s32 $0xFFFFE000  }
0x6b: {  	[tilespmem:s13], [sflag:$0x1] =	stream.indirect.gather [hbm4b:s9+s12], $0x80, s8, s12, $0xb8;
	[tilespmem:$0x1F000] =	vst v63  }
0x6c: {  	s11 =	simm.s32 $0x380  }
0x6d: {  	[spmem:s2] =	stream.indirect.scatter.add.f32 [tilespmem:s18], [sflag:$0x6], $0x80, s11, s12, $0xb8;
	[tilespmem:$0x1F000] =	vst v63  }
0x6e: {  	_ =	swait.ge [sflag:s16], $0x2000  }
0x6f: {  	[sflag:s16] =	ssyncset.done $0x0  }
0x70: {  	[sflag:s16] =	ssyncadd.s32 $0xFFFFE000  }
0x71: {  	_ =	swait.ge [sflag:s29], $0x2000  }
0x72: {  	[sflag:s29] =	ssyncset.done $0x0  }
0x73: {  	s8 =	simm.s32 $0x600;
	[sflag:s29] =	ssyncadd.s32 $0xFFFFE000  }
0x74: {  	[tilespmem:s15], [sflag:$0x1] =	stream.indirect.gather [hbm4b:s9+s12], $0x80, s8, s12, $0xb8;
	[tilespmem:$0x1F000] =	vst v63  }
0x75: {  	s11 =	simm.s32 $0x480  }
0x76: {  	[spmem:s2] =	stream.indirect.scatter.add.f32 [tilespmem:s22], [sflag:$0x7], $0x80, s11, s12, $0xb8;
	[tilespmem:$0x1F000] =	vst v63  }
0x77: {  	_ =	swait.ge [sflag:s16], $0x2000  }
0x78: {  	[sflag:s16] =	ssyncset.done $0x0  }
0x79: {  	[sflag:s16] =	ssyncadd.s32 $0xFFFFE000  }
0x7a: {  	_ =	swait.ge [sflag:s0], $0x2000  }
0x7b: {  	[sflag:s0] =	ssyncset.done $0x0  }
0x7c: {  	s8 =	simm.s32 $0x700;
	[sflag:s0] =	ssyncadd.s32 $0xFFFFE000  }
0x7d: {  	[tilespmem:s24], [sflag:$0x1] =	stream.indirect.gather [hbm4b:s9+s12], $0x80, s8, s12, $0xb8;
	[tilespmem:$0x1F000] =	vst v63  }
0x7e: {  	s11 =	simm.s32 $0x580  }
0x7f: {  	[spmem:s2] =	stream.indirect.scatter.add.f32 [tilespmem:s13], [sflag:$0x3], $0x80, s11, s12, $0xb8;
	[tilespmem:$0x1F000] =	vst v63  }
0x80: {  	_ =	swait.ge [sflag:s16], $0x2000  }
0x81: {  	[sflag:s16] =	ssyncset.done $0x0  }
0x82: {  	[sflag:s16] =	ssyncadd.s32 $0xFFFFE000  }
0x83: {  	_ =	swait.ge [sflag:s7], $0x2000  }
0x84: {  	[sflag:s7] =	ssyncset.done $0x0  }
0x85: {  	s8 =	simm.s32 $0x800;
	[sflag:s7] =	ssyncadd.s32 $0xFFFFE000  }
0x86: {  	[tilespmem:s18], [sflag:$0x1] =	stream.indirect.gather [hbm4b:s9+s12], $0x80, s8, s12, $0xb8;
	[tilespmem:$0x1F000] =	vst v63  }
0x87: {  	s11 =	simm.s32 $0x680  }
0x88: {  	[spmem:s2] =	stream.indirect.scatter.add.f32 [tilespmem:s15], [sflag:$0x4], $0x80, s11, s12, $0xb8;
	[tilespmem:$0x1F000] =	vst v63  }
0x89: {  	_ =	swait.ge [sflag:s16], $0x2000  }
0x8a: {  	[sflag:s16] =	ssyncset.done $0x0  }
0x8b: {  	[sflag:s16] =	ssyncadd.s32 $0xFFFFE000  }
0x8c: {  	_ =	swait.ge [sflag:s10], $0x2000  }
0x8d: {  	[sflag:s10] =	ssyncset.done $0x0  }
0x8e: {  	s8 =	simm.s32 $0x900;
	[sflag:s10] =	ssyncadd.s32 $0xFFFFE000  }
0x8f: {  	[tilespmem:s22], [sflag:$0x1] =	stream.indirect.gather [hbm4b:s9+s12], $0x80, s8, s12, $0xb8;
	[tilespmem:$0x1F000] =	vst v63  }
0x90: {  	s11 =	simm.s32 $0x780  }
0x91: {  	[spmem:s2] =	stream.indirect.scatter.add.f32 [tilespmem:s24], [sflag:$0x5], $0x80, s11, s12, $0xb8;
	[tilespmem:$0x1F000] =	vst v63  }
0x92: {  	_ =	swait.ge [sflag:s16], $0x2000  }
0x93: {  	[sflag:s16] =	ssyncset.done $0x0  }
0x94: {  	[sflag:s16] =	ssyncadd.s32 $0xFFFFE000  }
0x95: {  	_ =	swait.ge [sflag:s25], $0x2000  }
0x96: {  	[sflag:s25] =	ssyncset.done $0x0  }
0x97: {  	[sflag:s25] =	ssyncadd.s32 $0xFFFFE000  }
0x98: {  	_ =	swait.ge [sflag:s17], $0xA00  }
0x99: {  	[sflag:s17] =	ssyncset.done $0x0  }
0x9a: {  	[sflag:s17] =	ssyncadd.s32 $0xFFFFF600  }
0x9b: {  	[tilespmem:s13], [sflag:$0x1] =	stream.indirect.gather [hbm4b:s9+s12], $0x80, s20, s12, $0xb8;
	[tilespmem:$0x1F000] =	vst v63  }
0x9c: {  	s8 =	simm.s32 $0x880  }
0x9d: {  	[spmem:s2] =	stream.indirect.scatter.add.f32 [tilespmem:s18], [sflag:$0x6], $0x80, s8, s12, $0xb8;
	[tilespmem:$0x1F000] =	vst v63  }
0x9e: {  	_ =	swait.ge [sflag:s16], $0x2000  }
0x9f: {  	[sflag:s16] =	ssyncset.done $0x0  }
0xa0: {  	[sflag:s16] =	ssyncadd.s32 $0xFFFFE000  }
0xa1: {  	_ =	swait.ge [sflag:s29], $0x2000  }
0xa2: {  	[sflag:s29] =	ssyncset.done $0x0  }
0xa3: {  	s11 =	simm.s32 $0xB00;
	[sflag:s29] =	ssyncadd.s32 $0xFFFFE000  }
0xa4: {  	[tilespmem:s15], [sflag:$0x1] =	stream.indirect.gather [hbm4b:s9+s12], $0x80, s11, s12, $0xb8;
	[tilespmem:$0x1F000] =	vst v63  }
0xa5: {  	s8 =	simm.s32 $0x980  }
0xa6: {  	[spmem:s2] =	stream.indirect.scatter.add.f32 [tilespmem:s22], [sflag:$0x7], $0x80, s8, s12, $0xb8;
	[tilespmem:$0x1F000] =	vst v63  }
0xa7: {  	_ =	swait.ge [sflag:s16], $0x2000  }
0xa8: {  	[sflag:s16] =	ssyncset.done $0x0  }
0xa9: {  	[sflag:s16] =	ssyncadd.s32 $0xFFFFE000  }
0xaa: {  	_ =	swait.ge [sflag:s0], $0x2000  }
0xab: {  	[sflag:s0] =	ssyncset.done $0x0  }
0xac: {  	s11 =	simm.s32 $0xC00;
	[sflag:s0] =	ssyncadd.s32 $0xFFFFE000  }
0xad: {  	[tilespmem:s24], [sflag:$0x1] =	stream.indirect.gather [hbm4b:s9+s12], $0x80, s11, s12, $0xb8;
	[tilespmem:$0x1F000] =	vst v63  }
0xae: {  	s8 =	simm.s32 $0xA80  }
0xaf: {  	[spmem:s2] =	stream.indirect.scatter.add.f32 [tilespmem:s13], [sflag:$0x3], $0x80, s8, s12, $0xb8;
	[tilespmem:$0x1F000] =	vst v63  }
0xb0: {  	_ =	swait.ge [sflag:s16], $0x2000  }
0xb1: {  	[sflag:s16] =	ssyncset.done $0x0  }
0xb2: {  	[sflag:s16] =	ssyncadd.s32 $0xFFFFE000  }
0xb3: {  	_ =	swait.ge [sflag:s7], $0x2000  }
0xb4: {  	[sflag:s7] =	ssyncset.done $0x0  }
0xb5: {  	s11 =	simm.s32 $0xD00;
	[sflag:s7] =	ssyncadd.s32 $0xFFFFE000  }
0xb6: {  	[tilespmem:s18], [sflag:$0x1] =	stream.indirect.gather [hbm4b:s9+s12], $0x80, s11, s12, $0xb8;
	[tilespmem:$0x1F000] =	vst v63  }
0xb7: {  	s8 =	simm.s32 $0xB80  }
0xb8: {  	[spmem:s2] =	stream.indirect.scatter.add.f32 [tilespmem:s15], [sflag:$0x4], $0x80, s8, s12, $0xb8;
	[tilespmem:$0x1F000] =	vst v63  }
0xb9: {  	_ =	swait.ge [sflag:s16], $0x2000  }
0xba: {  	[sflag:s16] =	ssyncset.done $0x0  }
0xbb: {  	[sflag:s16] =	ssyncadd.s32 $0xFFFFE000  }
0xbc: {  	p0 =	seq.s32 s4, $0x0;
	_ =	swait.ge [sflag:s10], $0x2000  }
0xbd: {  	s5 =	sadd.s32 @!p0 s4, s6;
	[sflag:s10] =	ssyncset.done $0x0  }
0xbe: {  	s5 =	sadd.s32 @!p0 $0x2800, s5;
	s8 =	simm.s32 @!p0 $0x0;
	[sflag:s10] =	ssyncadd.s32 $0xFFFFE000  }
0xbf: {  	[tilespmem:s8], [sflag:$0x2] =	stream.linear.gather @!p0 [hbm4b:s5+s8], $0xA00, $0x38;
	[tilespmem:$0x1F000] =	vst v63  }
0xc0: {  	s11 =	simm.s32 $0xE00  }
0xc1: {  	[tilespmem:s22], [sflag:$0x1] =	stream.indirect.gather [hbm4b:s9+s12], $0x80, s11, s12, $0xb8;
	[tilespmem:$0x1F000] =	vst v63  }
0xc2: {  	s8 =	simm.s32 $0xC80  }
0xc3: {  	[spmem:s2] =	stream.indirect.scatter.add.f32 [tilespmem:s24], [sflag:$0x5], $0x80, s8, s12, $0xb8;
	[tilespmem:$0x1F000] =	vst v63  }
0xc4: {  	_ =	swait.ge [sflag:s16], $0x2000  }
0xc5: {  	[sflag:s16] =	ssyncset.done $0x0  }
0xc6: {  	[sflag:s16] =	ssyncadd.s32 $0xFFFFE000  }
0xc7: {  	_ =	swait.ge [sflag:s25], $0x2000  }
0xc8: {  	[sflag:s25] =	ssyncset.done $0x0  }
0xc9: {  	s11 =	simm.s32 $0xF00;
	[sflag:s25] =	ssyncadd.s32 $0xFFFFE000  }
0xca: {  	[tilespmem:s13], [sflag:$0x1] =	stream.indirect.gather [hbm4b:s9+s12], $0x80, s11, s12, $0xb8;
	[tilespmem:$0x1F000] =	vst v63  }
0xcb: {  	s8 =	simm.s32 $0xD80  }
0xcc: {  	[spmem:s2] =	stream.indirect.scatter.add.f32 [tilespmem:s18], [sflag:$0x6], $0x80, s8, s12, $0xb8;
	[tilespmem:$0x1F000] =	vst v63  }
0xcd: {  	_ =	swait.ge [sflag:s16], $0x2000  }
0xce: {  	[sflag:s16] =	ssyncset.done $0x0  }
0xcf: {  	[sflag:s16] =	ssyncadd.s32 $0xFFFFE000  }
0xd0: {  	_ =	swait.ge [sflag:s29], $0x2000  }
0xd1: {  	[sflag:s29] =	ssyncset.done $0x0  }
0xd2: {  	s11 =	simm.s32 $0x1000;
	[sflag:s29] =	ssyncadd.s32 $0xFFFFE000  }
0xd3: {  	[tilespmem:s15], [sflag:$0x1] =	stream.indirect.gather [hbm4b:s9+s12], $0x80, s11, s12, $0xb8;
	[tilespmem:$0x1F000] =	vst v63  }
0xd4: {  	_ = 	snop  }
0xd5: {  	[spmem:s2] =	stream.indirect.scatter.add.f32 [tilespmem:s22], [sflag:$0x7], $0x80, s14, s12, $0xb8;
	[tilespmem:$0x1F000] =	vst v63  }
0xd6: {  	_ =	swait.ge [sflag:s16], $0x2000  }
0xd7: {  	[sflag:s16] =	ssyncset.done $0x0  }
0xd8: {  	[sflag:s16] =	ssyncadd.s32 $0xFFFFE000  }
0xd9: {  	_ =	swait.ge [sflag:s0], $0x2000  }
0xda: {  	[sflag:s0] =	ssyncset.done $0x0  }
0xdb: {  	[sflag:s0] =	ssyncadd.s32 $0xFFFFE000  }
0xdc: {  	[tilespmem:s24], [sflag:$0x1] =	stream.indirect.gather [hbm4b:s9+s12], $0x80, s19, s12, $0xb8;
	[tilespmem:$0x1F000] =	vst v63  }
0xdd: {  	_ = 	snop  }
0xde: {  	[spmem:s2] =	stream.indirect.scatter.add.f32 [tilespmem:s13], [sflag:$0x3], $0x80, s21, s12, $0xb8;
	[tilespmem:$0x1F000] =	vst v63  }
0xdf: {  	_ =	swait.ge [sflag:s16], $0x2000  }
0xe0: {  	[sflag:s16] =	ssyncset.done $0x0  }
0xe1: {  	[sflag:s16] =	ssyncadd.s32 $0xFFFFE000  }
0xe2: {  	_ =	swait.ge [sflag:s7], $0x2000  }
0xe3: {  	[sflag:s7] =	ssyncset.done $0x0  }
0xe4: {  	[sflag:s7] =	ssyncadd.s32 $0xFFFFE000  }
0xe5: {  	[tilespmem:s18], [sflag:$0x1] =	stream.indirect.gather [hbm4b:s9+s12], $0x80, s23, s12, $0xb8;
	[tilespmem:$0x1F000] =	vst v63  }
0xe6: {  	_ = 	snop  }
0xe7: {  	[spmem:s2] =	stream.indirect.scatter.add.f32 [tilespmem:s15], [sflag:$0x4], $0x80, s26, s12, $0xb8;
	[tilespmem:$0x1F000] =	vst v63  }
0xe8: {  	_ =	swait.ge [sflag:s16], $0x2000  }
0xe9: {  	[sflag:s16] =	ssyncset.done $0x0  }
0xea: {  	[sflag:s16] =	ssyncadd.s32 $0xFFFFE000  }
0xeb: {  	_ =	swait.ge [sflag:s10], $0x2000  }
0xec: {  	[sflag:s10] =	ssyncset.done $0x0  }
0xed: {  	[sflag:s10] =	ssyncadd.s32 $0xFFFFE000  }
0xee: {  	[tilespmem:s22], [sflag:$0x1] =	stream.indirect.gather [hbm4b:s9+s12], $0x80, s28, s12, $0xb8;
	[tilespmem:$0x1F000] =	vst v63  }
0xef: {  	_ = 	snop  }
0xf0: {  	[spmem:s2] =	stream.indirect.scatter.add.f32 [tilespmem:s24], [sflag:$0x5], $0x80, s30, s12, $0xb8;
	[tilespmem:$0x1F000] =	vst v63  }
0xf1: {  	_ =	swait.ge [sflag:s16], $0x2000  }
.Ltmp2:
0xf2: {  	[sflag:s16] =	ssyncset.done $0x0;
	(pc) =	sbr.rel @p0 .LBB2_4-.Ltmp2, $4  }
0xf3: {  	[sflag:s16] =	ssyncadd.s32 $0xFFFFE000  }
0xf4: {  	_ =	swait.ge [sflag:s25], $0x2000  }
0xf5: {  	[sflag:s25] =	ssyncset.done $0x0  }
0xf6: {  	[sflag:s25] =	ssyncadd.s32 $0xFFFFE000  }
0xf7: {  	_ =	swait.ge [sflag:s17], $0xA00  }
0xf8: {  	[sflag:s17] =	ssyncset.done $0x0  }
0xf9: {  	[sflag:s17] =	ssyncadd.s32 $0xFFFFF600  }
0xfa: {  	[tilespmem:s13], [sflag:$0x1] =	stream.indirect.gather [hbm4b:s9+s12], $0x80, s3, s12, $0xb8;
	[tilespmem:$0x1F000] =	vst v63  }
0xfb: {  	_ = 	snop  }
0xfc: {  	[spmem:s2] =	stream.indirect.scatter.add.f32 [tilespmem:s18], [sflag:$0x6], $0x80, s31, s12, $0xb8;
	[tilespmem:$0x1F000] =	vst v63  }
0xfd: {  	_ =	swait.ge [sflag:s16], $0x2000  }
0xfe: {  	[sflag:s16] =	ssyncset.done $0x0  }
0xff: {  	[sflag:s16] =	ssyncadd.s32 $0xFFFFE000  }
0x100: {  	_ =	swait.ge [sflag:s29], $0x2000  }
.Ltmp3:
0x101: {  	[sflag:s29] =	ssyncset.done $0x0;
	(pc) =	sbr.rel .LBB2_2-.Ltmp3, $4  }
0x102: {  	s5 =	simm.s32 $0x100;
	[sflag:s29] =	ssyncadd.s32 $0xFFFFE000  }
0x103: {  	[tilespmem:s15], [sflag:$0x1] =	stream.indirect.gather [hbm4b:s9+s12], $0x80, s5, s12, $0xb8;
	[tilespmem:$0x1F000] =	vst v63  }
0x104: {  	s4 =	sadd.s32 $0x280, s4  }
0x105: {  	[spmem:s2] =	stream.indirect.scatter.add.f32 [tilespmem:s22], [sflag:$0x7], $0x80, s1, s12, $0xb8;
	[tilespmem:$0x1F000] =	vst v63  }
.LBB2_5:
0x106: {  	_ =	sfence.sel $0x180000  }
0x107: {  	[bflag:$0x0] =	sbarrier.arrive $0xFFFF  }
0x108: {  	_ =	strace $0x9000004A  }
0x109: {  	s0 =	stileid.u32;
	[bflag:$0x2] =	sbarrier.arrive $0xFFFF  }
0x10a: {  	p0 =	sne.s32 s0, $0x0;
	s0 =	rddreg [dreg:$0x2]  }
0x10b: {  	s0 =	sadd.s32 @!p0 $0x100000, s0  }
0x10c: {  	[sflag:s0] =	ssyncadd.tile.s32 @!p0 $0x1;
	_ =	shalt  }
.Lfunc_end2:
_tile_overlayer_lowered:
.L_overlay_start_2:
0x10d: {  	(tag) =	ssettag $0x2  }
0x10e: {  	s0 =	rddreg [dreg:$0x0];
	s2 =	stileid.u32  }
0x10f: {  	s1 =	rddreg [dreg:$0x1];
	p0 =	sne.s32 s2, $0x0  }
0x110: {  	s3 =	rddreg [dreg:$0x2];
	[bflag:$0x3] =	sbarrier.arrive $0xFFFF;
	s2 =	simm.s32 @!p0 $0x1C08  }
0x111: {  	[timem:s3], [sflag:s2] =	dma.local @!p0 [hbm:s0], s1  }
0x112: {  	s0 =	simm.s32 @!p0 $0x8  }
0x113: {  	_ =	swait.ge @!p0 [sflag:s0], s1  }
0x114: {  	s1 =	ssub.s32 @!p0 $0x0, s1;
	[sflag:s0] =	ssyncset.done @!p0 $0x0  }
0x115: {  	[sflag:s0] =	ssyncadd.s32 @!p0 s1  }
0x116: {  	[bflag:$0x3] =	sbarrier.arrive $0xFFFF  }
0x117: {  	_ =	shalt  }

</sc_bundles>
